<compile_context>
chip_gen: v7x
topology: tpu7x:2x2x1
jax: 0.10.2.dev20260603
libtpu: 0.0.44.dev20260713+nightly
codegen_flags: <defaults>
</compile_context>

<pallas_src>
import jax
import jax.numpy as jnp
from jax import lax
from jax.experimental import pallas as pl
from jax.experimental.pallas import tpu as pltpu
from jax.experimental.pallas import tpu_sc as plsc

N = 10000
E = 320000
D = 128

NC = 2
NS = 16
CHUNK = 32
N_PAD = 10240
HALF = N_PAD // 2
E_PAD = 327680
IDX_ROWS = E_PAD // CHUNK
OUTER = IDX_ROWS // NS // 8
ACC_ROWS = HALF + 1
DUMP = HALF


OUTERS = 40
NBLK = HALF // 128


def _agg_body(x_hbm, pk_hbm, out_hbm, xs, acc, cb, stag0, stag1, *rest):
    d1d = rest[:2]
    gs0, gs1, csem = rest[2:]
    c = lax.axis_index("c")
    s = lax.axis_index("s")
    last = s == NS - 1

    @pl.when(jnp.logical_not(last))
    def _():
        pltpu.sync_copy(x_hbm.at[pl.ds(s * 632, 632)],
                        xs.at[pl.ds(s * 632, 632)])

    @pl.when(last)
    def _():
        pltpu.sync_copy(x_hbm.at[pl.ds(9480, 520)], xs.at[pl.ds(9480, 520)])

    def init_block(k):
        pltpu.sync_copy(x_hbm.at[pl.ds((2 * k + c) * 128, 128)],
                        acc.at[pl.ds(k * 128, 128)])

    @pl.when(s < 8)
    def _():
        for t in range(3):
            init_block(s * 3 + t)

    @pl.when(s >= 8)
    def _():
        init_block(24 + (s - 8) * 2)

    @pl.when((s >= 8) & (s != 15))
    def _():
        init_block(24 + (s - 8) * 2 + 1)

    @pl.when((s == 15) & (c == 0))
    def _():
        pltpu.sync_copy(x_hbm.at[pl.ds(9984, 16)],
                        acc.at[pl.ds(39 * 128, 16)])

    plsc.subcore_barrier()

    bufs = (stag0, stag1)
    gsems = (gs0, gs1)
    iota16 = lax.iota(jnp.int32, 16)
    dump = (5008 - 16 * c) + (s << 2) + (iota16 & 3)

    def gidx(j):
        return cb.at[j // 4, pl.ds((j % 4) * 32, 32)]

    pltpu.async_copy(pk_hbm.at[pl.ds(s * OUTERS * 8, 8)], cb, csem)

    def outer(i, carry):
        pltpu.make_async_copy(pk_hbm.at[pl.ds(0, 8)], cb, csem).wait()

        def rewrite(j):
            jr, q = 4 + j // 4, j % 4
            for g in range(2):
                dv = cb[jr, pl.ds(q * 32 + g * 16, 16)]
                own = ((dv >> 7) & 1) == c
                loc = ((dv >> 8) << 7) | (dv & 127)
                d1d[j % 2][pl.ds(g * 16, 16)] = jnp.where(own, loc, dump)

        g = [pltpu.async_copy(xs.at[gidx(0)], stag0, gs0),
             pltpu.async_copy(xs.at[gidx(1)], stag1, gs1)]
        sd = [None] * 16
        for j in range(16):
            b = j % 2
            g[j].wait()
            rewrite(j)
            sd[j] = pltpu.async_copy(bufs[b], acc.at[d1d[b]], gsems[b],
                                     add=True)
            if 1 <= j < 15:
                sd[j - 1].wait()
                g.append(pltpu.async_copy(xs.at[gidx(j + 1)],
                                          bufs[(j + 1) % 2],
                                          gsems[(j + 1) % 2]))
        @pl.when(i < OUTERS - 1)
        def _():
            rb = (s * OUTERS + i + 1) * 8
            pltpu.async_copy(pk_hbm.at[pl.ds(rb, 8)], cb, csem)
        sd[14].wait()
        sd[15].wait()
        return carry

    lax.fori_loop(0, OUTERS, outer, 0)
    plsc.subcore_barrier()

    def out_block(k):
        pltpu.sync_copy(acc.at[pl.ds(k * 128, 128)],
                        out_hbm.at[pl.ds((2 * k + c) * 128, 128)])

    @pl.when(s < 8)
    def _():
        for t in range(3):
            out_block(s * 3 + t)

    @pl.when(s >= 8)
    def _():
        for t in range(2):
            out_block(24 + (s - 8) * 2 + t)


_agg = pl.kernel(
    _agg_body,
    out_type=jax.ShapeDtypeStruct((N_PAD, D), jnp.float32),
    mesh=plsc.VectorSubcoreMesh(core_axis_name="c", subcore_axis_name="s"),
    scratch_types=[
        pltpu.VMEM_SHARED((N, D), jnp.float32),
        pltpu.VMEM_SHARED((HALF, D), jnp.float32),
        pltpu.VMEM((8, 128), jnp.int32),
        pltpu.VMEM((CHUNK, D), jnp.float32),
        pltpu.VMEM((CHUNK, D), jnp.float32),
    ] + [pltpu.VMEM((CHUNK,), jnp.int32) for _ in range(2)] + [
        pltpu.SemaphoreType.DMA,
        pltpu.SemaphoreType.DMA,
        pltpu.SemaphoreType.DMA,
    ],
)


BLK = 1000
GRID = N // BLK


def _mlp_body(h_ref, W1_ref, b1_ref, W2_ref, b2_ref, out_ref):
    h = jnp.dot(h_ref[:], W1_ref[:], preferred_element_type=jnp.float32)
    h = jnp.maximum(h + b1_ref[:], 0.0)
    h = jnp.dot(h, W2_ref[:], preferred_element_type=jnp.float32) + b2_ref[:]
    out_ref[:] = jnp.maximum(h, 0.0)


def _tail_body(h_ref, W1_ref, b1_ref, W2_ref, b2_ref, gamma_ref, beta_ref,
               pW_ref, pb_ref, a_ref, zo_ref, p_ref,
               z2_scr, sum_scr, sumsq_scr):
    i = pl.program_id(0)

    @pl.when(i < GRID)
    def _():
        h = jnp.dot(h_ref[:], W1_ref[:], preferred_element_type=jnp.float32)
        h = jnp.maximum(h + b1_ref[:], 0.0)
        h = (jnp.dot(h, W2_ref[:], preferred_element_type=jnp.float32)
             + b2_ref[:])
        z = jnp.maximum(h, 0.0)
        z2_scr[pl.ds(i * BLK, BLK), :] = z
        ps = jnp.sum(z, axis=0, keepdims=True)
        pq = jnp.sum(z * z, axis=0, keepdims=True)

        @pl.when(i == 0)
        def _():
            sum_scr[:] = ps
            sumsq_scr[:] = pq

        @pl.when(i != 0)
        def _():
            sum_scr[:] = sum_scr[:] + ps
            sumsq_scr[:] = sumsq_scr[:] + pq

    @pl.when(i >= GRID)
    def _():
        j = i - GRID
        mean = sum_scr[:] / N
        var = sumsq_scr[:] / N - mean * mean
        inv = lax.rsqrt(var + 1e-5)
        z2 = z2_scr[pl.ds(j * BLK, BLK), :]
        zn = (z2 - mean) * (inv * gamma_ref[:]) + beta_ref[:]
        zo_ref[:] = zn
        p = (jnp.dot(zn, pW_ref[:], preferred_element_type=jnp.float32)
             + pb_ref[:])
        p_ref[:] = jnp.where(p >= 0.0, p, a_ref[0, 0] * p)


def _row_spec():
    return pl.BlockSpec((BLK, D), lambda i: (i, 0))


def _full_spec(shape):
    nd = len(shape)
    return pl.BlockSpec(shape, lambda i: (0,) * nd)


def _mlp(h, W1, b1, W2, b2):
    return pl.pallas_call(
        _mlp_body,
        grid=(GRID,),
        in_specs=[
            _row_spec(),
            _full_spec((D, D)),
            _full_spec((1, D)),
            _full_spec((D, D)),
            _full_spec((1, D)),
        ],
        out_specs=_row_spec(),
        out_shape=jax.ShapeDtypeStruct((N, D), jnp.float32),
    )(h, W1, b1.reshape(1, D), W2, b2.reshape(1, D))


def _tail(h, W1, b1, W2, b2, gamma, beta, proj_W, proj_b, prelu_a):
    blk = pl.BlockSpec((BLK, D), lambda i: (i % GRID, 0))
    return pl.pallas_call(
        _tail_body,
        grid=(2 * GRID,),
        in_specs=[
            blk,
            _full_spec((D, D)),
            _full_spec((1, D)),
            _full_spec((D, D)),
            _full_spec((1, D)),
            _full_spec((1, D)),
            _full_spec((1, D)),
            _full_spec((D, D)),
            _full_spec((1, D)),
            _full_spec((1, 1)),
        ],
        out_specs=[blk, blk],
        out_shape=[
            jax.ShapeDtypeStruct((N, D), jnp.float32),
            jax.ShapeDtypeStruct((N, D), jnp.float32),
        ],
        scratch_shapes=[
            pltpu.VMEM((N, D), jnp.float32),
            pltpu.VMEM((1, D), jnp.float32),
            pltpu.VMEM((1, D), jnp.float32),
        ],
    )(h, W1, b1.reshape(1, D), W2, b2.reshape(1, D),
      gamma.reshape(1, D), beta.reshape(1, D),
      proj_W, proj_b.reshape(1, D), prelu_a.reshape(1, 1))


def kernel(x, edge_index, W1_0, b1_0, W2_0, b2_0, W1_1, b1_1, W2_1, b2_1,
           bn_gamma, bn_beta, proj_W, proj_b, prelu_a):
    pad = E_PAD - E
    src = jnp.concatenate([edge_index[0], jnp.zeros((pad,), jnp.int32)])
    dst = jnp.concatenate([edge_index[1], jnp.full((pad,), N, jnp.int32)])
    srcr = src.reshape(NS, OUTERS, 4, 128)
    dstr = dst.reshape(NS, OUTERS, 4, 128)
    pk = jnp.concatenate([srcr, dstr], axis=2).reshape(NS * OUTERS * 8, 128)

    h1 = _agg(x, pk)
    z1 = _mlp(h1, W1_0, b1_0, W2_0, b2_0)
    h2 = _agg(z1, pk)
    z, p = _tail(h2, W1_1, b1_1, W2_1, b2_1, bn_gamma, bn_beta,
                 proj_W, proj_b, prelu_a)
    return (z, p)

# --- scband reference (transcript-rebuilt; emitter-appended) ---
"""Pipeline reference for scband-encoder-18726057410744 (READ-ONLY COPY).

The authoritative reference and input builder live on the scoring server;
editing this copy changes nothing except your own understanding.
"""

import jax, jax.numpy as jnp
import numpy as np

N = 10000
E = 320000
D = 128
H = 128

def _init_linear(key, fan_in, fan_out):
    kw, kb = jax.random.split(key)
    bound = 1.0 / np.sqrt(fan_in)
    W = jax.random.uniform(kw, (fan_in, fan_out), minval=-bound, maxval=bound, dtype=jnp.float32)
    b = jax.random.uniform(kb, (fan_out,), minval=-bound, maxval=bound, dtype=jnp.float32)
    return W, b

def setup_inputs(seed: int = 0):
    key = jax.random.key(seed)
    ks = jax.random.split(key, 8)
    inp = {}
    inp["x"] = jax.random.normal(ks[0], (N, D), dtype=jnp.float32)
    inp["edge_index"] = jax.random.randint(ks[1], (2, E), 0, N, dtype=jnp.int32)
    W, b = _init_linear(ks[2], D, H); inp["W1_0"], inp["b1_0"] = W, b
    W, b = _init_linear(ks[3], H, H); inp["W2_0"], inp["b2_0"] = W, b
    W, b = _init_linear(ks[4], H, H); inp["W1_1"], inp["b1_1"] = W, b
    W, b = _init_linear(ks[5], H, H); inp["W2_1"], inp["b2_1"] = W, b
    inp["bn_gamma"] = jnp.ones((H,), dtype=jnp.float32)
    inp["bn_beta"] = jnp.zeros((H,), dtype=jnp.float32)
    W, b = _init_linear(ks[6], H, H); inp["proj_W"], inp["proj_b"] = W, b
    inp["prelu_a"] = jnp.full((1,), 0.25, dtype=jnp.float32)
    return inp

def _gin_conv(x, edge_index, W1, b1, W2, b2):
    # GINConv with eps=0: mlp((1+eps)*x + sum_{j in N(i)} x_j)
    src = edge_index[0]
    dst = edge_index[1]
    msgs = jnp.take(x, src, axis=0)
    agg = jax.ops.segment_sum(msgs, dst, num_segments=N)
    h = agg + x
    h = jnp.dot(h, W1) + b1
    h = jax.nn.relu(h)
    h = jnp.dot(h, W2) + b2
    return h

def reference(x, edge_index, W1_0, b1_0, W2_0, b2_0, W1_1, b1_1, W2_1, b2_1, bn_gamma, bn_beta, proj_W, proj_b, prelu_a):
    z = _gin_conv(x, edge_index, W1_0, b1_0, W2_0, b2_0)
    z = jax.nn.relu(z)
    # dropout is identity in eval / deterministic reference
    z = _gin_conv(z, edge_index, W1_1, b1_1, W2_1, b2_1)
    z = jax.nn.relu(z)
    # BatchNorm1d (train-mode batch statistics, deterministic)
    mean = jnp.mean(z, axis=0)
    var = jnp.var(z, axis=0)
    z = (z - mean) / jnp.sqrt(var + 1e-5) * bn_gamma + bn_beta
    # projection head: Linear -> PReLU -> Dropout(identity)
    p = jnp.dot(z, proj_W) + proj_b
    p = jnp.where(p >= 0, p, prelu_a * p)
    return (z, p)

if __name__ == "__main__":
    import jax
    _d = setup_inputs()
    print(jax.jit(kernel)(*tuple(_d.values())))

</pallas_src>

<mosaic_0001>
#map = affine_map<(d0, d1) -> (0, 0)>
module attributes {stable_mosaic.version = 14 : i64} {
  func.func @_agg_body(%arg0: i32, %arg1: i32, %arg2: memref<10000x128xf32, #tpu.memory_space<hbm>>, %arg3: memref<5120x128xi32, #tpu.memory_space<hbm>>, %arg4: memref<10240x128xf32, #tpu.memory_space<hbm>>, %arg5: memref<10000x128xf32, #tpu.memory_space<vmem_shared>>, %arg6: memref<5120x128xf32, #tpu.memory_space<vmem_shared>>, %arg7: memref<8x128xi32, #tpu.memory_space<vmem>>, %arg8: memref<32x128xf32, #tpu.memory_space<vmem>>, %arg9: memref<32x128xf32, #tpu.memory_space<vmem>>, %arg10: memref<32xi32, #tpu.memory_space<vmem>>, %arg11: memref<32xi32, #tpu.memory_space<vmem>>, %arg12: memref<!tpu.dma_semaphore, #tpu.memory_space<semaphore_mem>>, %arg13: memref<!tpu.dma_semaphore, #tpu.memory_space<semaphore_mem>>, %arg14: memref<!tpu.dma_semaphore, #tpu.memory_space<semaphore_mem>>) attributes {dimension_semantics = [#tpu.dimension_semantics<core_parallel>, #tpu.dimension_semantics<subcore_parallel>], iteration_bounds = array<i64: 2, 16>, scalar_prefetch = 0 : i64, scratch_operands = 10 : i64, tpu.core_type = #tpu.core_type<sc_vector_subcore>, window_params = [{transform_indices = #map}, {transform_indices = #map}, {transform_indices = #map}]} {
    %eq3A = arith.constant 15 : i32
    %eq3A_0 = arith.cmpi eq, %arg1, %eq3A : i32
    %not3A = arith.constant true
    %not3A_1 = arith.xori %eq3A_0, %not3A : i1
    %convert_element_type3A = arith.extui %not3A_1 : i1 to i32
    %cond3A = arith.constant 0 : i32
    %cond3A_2 = arith.cmpi ne, %convert_element_type3A, %cond3A : i32
    scf.if %cond3A_2 {
      %mul3A_59 = arith.constant 632 : i32
      %mul3A_60 = arith.muli %arg1, %mul3A_59 : i32
      %mul3A_61 = arith.constant 632 : i32
      %mul3A_62 = arith.muli %arg1, %mul3A_61 : i32
      "tpu.region"() ({
        %run_scoped3A = tpu.sem_alloc : memref<!tpu.dma_semaphore, #tpu.memory_space<semaphore_mem>>
        %dma_start3A_63 = arith.constant 0 : i32
        %dma_start3A_64 = tpu.memref_slice %arg5[%mul3A_62, %dma_start3A_63] : memref<10000x128xf32, #tpu.memory_space<vmem_shared>> -> memref<632x128xf32, #tpu.memory_space<vmem_shared>>
        %dma_start3A_65 = arith.constant 0 : i32
        %dma_start3A_66 = tpu.memref_slice %arg2[%mul3A_60, %dma_start3A_65] : memref<10000x128xf32, #tpu.memory_space<hbm>> -> memref<632x128xf32, #tpu.memory_space<hbm>>
        tpu.enqueue_dma source(%dma_start3A_66 : memref<632x128xf32, #tpu.memory_space<hbm>>) target(%dma_start3A_64 : memref<632x128xf32, #tpu.memory_space<vmem_shared>>) target_semaphore(%run_scoped3A : memref<!tpu.dma_semaphore, #tpu.memory_space<semaphore_mem>>)
        %dma_wait3A = arith.constant 0 : i32
        %dma_wait3A_67 = tpu.memref_slice %arg5[%mul3A_62, %dma_wait3A] : memref<10000x128xf32, #tpu.memory_space<vmem_shared>> -> memref<632x128xf32, #tpu.memory_space<vmem_shared>>
        %dma_wait3A_68 = arith.constant 0 : i32
        %dma_wait3A_69 = tpu.memref_slice %arg2[%mul3A_60, %dma_wait3A_68] : memref<10000x128xf32, #tpu.memory_space<hbm>> -> memref<632x128xf32, #tpu.memory_space<hbm>>
        tpu.wait_dma2 semaphore(%run_scoped3A : memref<!tpu.dma_semaphore, #tpu.memory_space<semaphore_mem>>) src(%dma_wait3A_69 : memref<632x128xf32, #tpu.memory_space<hbm>>) dst(%dma_wait3A_67 : memref<632x128xf32, #tpu.memory_space<vmem_shared>>)
        tpu.yield
      }) : () -> ()
    } else {
    }
    %convert_element_type3A_3 = arith.extui %eq3A_0 : i1 to i32
    %cond3A_4 = arith.constant 0 : i32
    %cond3A_5 = arith.cmpi ne, %convert_element_type3A_3, %cond3A_4 : i32
    scf.if %cond3A_5 {
      "tpu.region"() ({
        %run_scoped3A = tpu.sem_alloc : memref<!tpu.dma_semaphore, #tpu.memory_space<semaphore_mem>>
        %dma_start3A_59 = arith.constant 9480 : i32
        %dma_start3A_60 = arith.constant 0 : i32
        %dma_start3A_61 = tpu.memref_slice %arg5[%dma_start3A_59, %dma_start3A_60] : memref<10000x128xf32, #tpu.memory_space<vmem_shared>> -> memref<520x128xf32, #tpu.memory_space<vmem_shared>>
        %dma_start3A_62 = arith.constant 9480 : i32
        %dma_start3A_63 = arith.constant 0 : i32
        %dma_start3A_64 = tpu.memref_slice %arg2[%dma_start3A_62, %dma_start3A_63] : memref<10000x128xf32, #tpu.memory_space<hbm>> -> memref<520x128xf32, #tpu.memory_space<hbm>>
        tpu.enqueue_dma source(%dma_start3A_64 : memref<520x128xf32, #tpu.memory_space<hbm>>) target(%dma_start3A_61 : memref<520x128xf32, #tpu.memory_space<vmem_shared>>) target_semaphore(%run_scoped3A : memref<!tpu.dma_semaphore, #tpu.memory_space<semaphore_mem>>)
        %dma_wait3A = arith.constant 9480 : i32
        %dma_wait3A_65 = arith.constant 0 : i32
        %dma_wait3A_66 = tpu.memref_slice %arg5[%dma_wait3A, %dma_wait3A_65] : memref<10000x128xf32, #tpu.memory_space<vmem_shared>> -> memref<520x128xf32, #tpu.memory_space<vmem_shared>>
        %dma_wait3A_67 = arith.constant 9480 : i32
        %dma_wait3A_68 = arith.constant 0 : i32
        %dma_wait3A_69 = tpu.memref_slice %arg2[%dma_wait3A_67, %dma_wait3A_68] : memref<10000x128xf32, #tpu.memory_space<hbm>> -> memref<520x128xf32, #tpu.memory_space<hbm>>
        tpu.wait_dma2 semaphore(%run_scoped3A : memref<!tpu.dma_semaphore, #tpu.memory_space<semaphore_mem>>) src(%dma_wait3A_69 : memref<520x128xf32, #tpu.memory_space<hbm>>) dst(%dma_wait3A_66 : memref<520x128xf32, #tpu.memory_space<vmem_shared>>)
        tpu.yield
      }) : () -> ()
    } else {
    }
    %lt3A = arith.constant 8 : i32
    %lt3A_6 = arith.cmpi slt, %arg1, %lt3A : i32
    %convert_element_type3A_7 = arith.extui %lt3A_6 : i1 to i32
    %cond3A_8 = arith.constant 0 : i32
    %cond3A_9 = arith.cmpi ne, %convert_element_type3A_7, %cond3A_8 : i32
    scf.if %cond3A_9 {
      %mul3A_59 = arith.constant 3 : i32
      %mul3A_60 = arith.muli %arg1, %mul3A_59 : i32
      %add3A_61 = arith.constant 0 : i32
      %add3A_62 = arith.addi %mul3A_60, %add3A_61 : i32
      %mul3A_63 = arith.constant 2 : i32
      %mul3A_64 = arith.muli %mul3A_63, %add3A_62 : i32
      %add3A_65 = arith.addi %mul3A_64, %arg0 : i32
      %mul3A_66 = arith.constant 128 : i32
      %mul3A_67 = arith.muli %add3A_65, %mul3A_66 : i32
      %mul3A_68 = arith.constant 128 : i32
      %mul3A_69 = arith.muli %add3A_62, %mul3A_68 : i32
      "tpu.region"() ({
        %run_scoped3A = tpu.sem_alloc : memref<!tpu.dma_semaphore, #tpu.memory_space<semaphore_mem>>
        %dma_start3A_92 = arith.constant 0 : i32
        %dma_start3A_93 = tpu.memref_slice %arg6[%mul3A_69, %dma_start3A_92] : memref<5120x128xf32, #tpu.memory_space<vmem_shared>> -> memref<128x128xf32, #tpu.memory_space<vmem_shared>>
        %dma_start3A_94 = arith.constant 0 : i32
        %dma_start3A_95 = tpu.memref_slice %arg2[%mul3A_67, %dma_start3A_94] : memref<10000x128xf32, #tpu.memory_space<hbm>> -> memref<128x128xf32, #tpu.memory_space<hbm>>
        tpu.enqueue_dma source(%dma_start3A_95 : memref<128x128xf32, #tpu.memory_space<hbm>>) target(%dma_start3A_93 : memref<128x128xf32, #tpu.memory_space<vmem_shared>>) target_semaphore(%run_scoped3A : memref<!tpu.dma_semaphore, #tpu.memory_space<semaphore_mem>>)
        %dma_wait3A = arith.constant 0 : i32
        %dma_wait3A_96 = tpu.memref_slice %arg6[%mul3A_69, %dma_wait3A] : memref<5120x128xf32, #tpu.memory_space<vmem_shared>> -> memref<128x128xf32, #tpu.memory_space<vmem_shared>>
        %dma_wait3A_97 = arith.constant 0 : i32
        %dma_wait3A_98 = tpu.memref_slice %arg2[%mul3A_67, %dma_wait3A_97] : memref<10000x128xf32, #tpu.memory_space<hbm>> -> memref<128x128xf32, #tpu.memory_space<hbm>>
        tpu.wait_dma2 semaphore(%run_scoped3A : memref<!tpu.dma_semaphore, #tpu.memory_space<semaphore_mem>>) src(%dma_wait3A_98 : memref<128x128xf32, #tpu.memory_space<hbm>>) dst(%dma_wait3A_96 : memref<128x128xf32, #tpu.memory_space<vmem_shared>>)
        tpu.yield
      }) : () -> ()
      %mul3A_70 = arith.constant 3 : i32
      %mul3A_71 = arith.muli %arg1, %mul3A_70 : i32
      %add3A_72 = arith.constant 1 : i32
      %add3A_73 = arith.addi %mul3A_71, %add3A_72 : i32
      %mul3A_74 = arith.constant 2 : i32
      %mul3A_75 = arith.muli %mul3A_74, %add3A_73 : i32
      %add3A_76 = arith.addi %mul3A_75, %arg0 : i32
      %mul3A_77 = arith.constant 128 : i32
      %mul3A_78 = arith.muli %add3A_76, %mul3A_77 : i32
      %mul3A_79 = arith.constant 128 : i32
      %mul3A_80 = arith.muli %add3A_73, %mul3A_79 : i32
      "tpu.region"() ({
        %run_scoped3A = tpu.sem_alloc : memref<!tpu.dma_semaphore, #tpu.memory_space<semaphore_mem>>
        %dma_start3A_92 = arith.constant 0 : i32
        %dma_start3A_93 = tpu.memref_slice %arg6[%mul3A_80, %dma_start3A_92] : memref<5120x128xf32, #tpu.memory_space<vmem_shared>> -> memref<128x128xf32, #tpu.memory_space<vmem_shared>>
        %dma_start3A_94 = arith.constant 0 : i32
        %dma_start3A_95 = tpu.memref_slice %arg2[%mul3A_78, %dma_start3A_94] : memref<10000x128xf32, #tpu.memory_space<hbm>> -> memref<128x128xf32, #tpu.memory_space<hbm>>
        tpu.enqueue_dma source(%dma_start3A_95 : memref<128x128xf32, #tpu.memory_space<hbm>>) target(%dma_start3A_93 : memref<128x128xf32, #tpu.memory_space<vmem_shared>>) target_semaphore(%run_scoped3A : memref<!tpu.dma_semaphore, #tpu.memory_space<semaphore_mem>>)
        %dma_wait3A = arith.constant 0 : i32
        %dma_wait3A_96 = tpu.memref_slice %arg6[%mul3A_80, %dma_wait3A] : memref<5120x128xf32, #tpu.memory_space<vmem_shared>> -> memref<128x128xf32, #tpu.memory_space<vmem_shared>>
        %dma_wait3A_97 = arith.constant 0 : i32
        %dma_wait3A_98 = tpu.memref_slice %arg2[%mul3A_78, %dma_wait3A_97] : memref<10000x128xf32, #tpu.memory_space<hbm>> -> memref<128x128xf32, #tpu.memory_space<hbm>>
        tpu.wait_dma2 semaphore(%run_scoped3A : memref<!tpu.dma_semaphore, #tpu.memory_space<semaphore_mem>>) src(%dma_wait3A_98 : memref<128x128xf32, #tpu.memory_space<hbm>>) dst(%dma_wait3A_96 : memref<128x128xf32, #tpu.memory_space<vmem_shared>>)
        tpu.yield
      }) : () -> ()
      %mul3A_81 = arith.constant 3 : i32
      %mul3A_82 = arith.muli %arg1, %mul3A_81 : i32
      %add3A_83 = arith.constant 2 : i32
      %add3A_84 = arith.addi %mul3A_82, %add3A_83 : i32
      %mul3A_85 = arith.constant 2 : i32
      %mul3A_86 = arith.muli %mul3A_85, %add3A_84 : i32
      %add3A_87 = arith.addi %mul3A_86, %arg0 : i32
      %mul3A_88 = arith.constant 128 : i32
      %mul3A_89 = arith.muli %add3A_87, %mul3A_88 : i32
      %mul3A_90 = arith.constant 128 : i32
      %mul3A_91 = arith.muli %add3A_84, %mul3A_90 : i32
      "tpu.region"() ({
        %run_scoped3A = tpu.sem_alloc : memref<!tpu.dma_semaphore, #tpu.memory_space<semaphore_mem>>
        %dma_start3A_92 = arith.constant 0 : i32
        %dma_start3A_93 = tpu.memref_slice %arg6[%mul3A_91, %dma_start3A_92] : memref<5120x128xf32, #tpu.memory_space<vmem_shared>> -> memref<128x128xf32, #tpu.memory_space<vmem_shared>>
        %dma_start3A_94 = arith.constant 0 : i32
        %dma_start3A_95 = tpu.memref_slice %arg2[%mul3A_89, %dma_start3A_94] : memref<10000x128xf32, #tpu.memory_space<hbm>> -> memref<128x128xf32, #tpu.memory_space<hbm>>
        tpu.enqueue_dma source(%dma_start3A_95 : memref<128x128xf32, #tpu.memory_space<hbm>>) target(%dma_start3A_93 : memref<128x128xf32, #tpu.memory_space<vmem_shared>>) target_semaphore(%run_scoped3A : memref<!tpu.dma_semaphore, #tpu.memory_space<semaphore_mem>>)
        %dma_wait3A = arith.constant 0 : i32
        %dma_wait3A_96 = tpu.memref_slice %arg6[%mul3A_91, %dma_wait3A] : memref<5120x128xf32, #tpu.memory_space<vmem_shared>> -> memref<128x128xf32, #tpu.memory_space<vmem_shared>>
        %dma_wait3A_97 = arith.constant 0 : i32
        %dma_wait3A_98 = tpu.memref_slice %arg2[%mul3A_89, %dma_wait3A_97] : memref<10000x128xf32, #tpu.memory_space<hbm>> -> memref<128x128xf32, #tpu.memory_space<hbm>>
        tpu.wait_dma2 semaphore(%run_scoped3A : memref<!tpu.dma_semaphore, #tpu.memory_space<semaphore_mem>>) src(%dma_wait3A_98 : memref<128x128xf32, #tpu.memory_space<hbm>>) dst(%dma_wait3A_96 : memref<128x128xf32, #tpu.memory_space<vmem_shared>>)
        tpu.yield
      }) : () -> ()
    } else {
    }
    %ge3A = arith.constant 8 : i32
    %ge3A_10 = arith.cmpi sge, %arg1, %ge3A : i32
    %convert_element_type3A_11 = arith.extui %ge3A_10 : i1 to i32
    %cond3A_12 = arith.constant 0 : i32
    %cond3A_13 = arith.cmpi ne, %convert_element_type3A_11, %cond3A_12 : i32
    scf.if %cond3A_13 {
      %sub3A_59 = arith.constant 8 : i32
      %sub3A_60 = arith.subi %arg1, %sub3A_59 : i32
      %mul3A_61 = arith.constant 2 : i32
      %mul3A_62 = arith.muli %sub3A_60, %mul3A_61 : i32
      %add3A_63 = arith.constant 24 : i32
      %add3A_64 = arith.addi %add3A_63, %mul3A_62 : i32
      %mul3A_65 = arith.constant 2 : i32
      %mul3A_66 = arith.muli %mul3A_65, %add3A_64 : i32
      %add3A_67 = arith.addi %mul3A_66, %arg0 : i32
      %mul3A_68 = arith.constant 128 : i32
      %mul3A_69 = arith.muli %add3A_67, %mul3A_68 : i32
      %mul3A_70 = arith.constant 128 : i32
      %mul3A_71 = arith.muli %add3A_64, %mul3A_70 : i32
      "tpu.region"() ({
        %run_scoped3A = tpu.sem_alloc : memref<!tpu.dma_semaphore, #tpu.memory_space<semaphore_mem>>
        %dma_start3A_72 = arith.constant 0 : i32
        %dma_start3A_73 = tpu.memref_slice %arg6[%mul3A_71, %dma_start3A_72] : memref<5120x128xf32, #tpu.memory_space<vmem_shared>> -> memref<128x128xf32, #tpu.memory_space<vmem_shared>>
        %dma_start3A_74 = arith.constant 0 : i32
        %dma_start3A_75 = tpu.memref_slice %arg2[%mul3A_69, %dma_start3A_74] : memref<10000x128xf32, #tpu.memory_space<hbm>> -> memref<128x128xf32, #tpu.memory_space<hbm>>
        tpu.enqueue_dma source(%dma_start3A_75 : memref<128x128xf32, #tpu.memory_space<hbm>>) target(%dma_start3A_73 : memref<128x128xf32, #tpu.memory_space<vmem_shared>>) target_semaphore(%run_scoped3A : memref<!tpu.dma_semaphore, #tpu.memory_space<semaphore_mem>>)
        %dma_wait3A = arith.constant 0 : i32
        %dma_wait3A_76 = tpu.memref_slice %arg6[%mul3A_71, %dma_wait3A] : memref<5120x128xf32, #tpu.memory_space<vmem_shared>> -> memref<128x128xf32, #tpu.memory_space<vmem_shared>>
        %dma_wait3A_77 = arith.constant 0 : i32
        %dma_wait3A_78 = tpu.memref_slice %arg2[%mul3A_69, %dma_wait3A_77] : memref<10000x128xf32, #tpu.memory_space<hbm>> -> memref<128x128xf32, #tpu.memory_space<hbm>>
        tpu.wait_dma2 semaphore(%run_scoped3A : memref<!tpu.dma_semaphore, #tpu.memory_space<semaphore_mem>>) src(%dma_wait3A_78 : memref<128x128xf32, #tpu.memory_space<hbm>>) dst(%dma_wait3A_76 : memref<128x128xf32, #tpu.memory_space<vmem_shared>>)
        tpu.yield
      }) : () -> ()
    } else {
    }
    %ge3A_14 = arith.constant 8 : i32
    %ge3A_15 = arith.cmpi sge, %arg1, %ge3A_14 : i32
    %ne3A = arith.constant 15 : i32
    %ne3A_16 = arith.cmpi ne, %arg1, %ne3A : i32
    %and3A = arith.andi %ge3A_15, %ne3A_16 : i1
    %convert_element_type3A_17 = arith.extui %and3A : i1 to i32
    %cond3A_18 = arith.constant 0 : i32
    %cond3A_19 = arith.cmpi ne, %convert_element_type3A_17, %cond3A_18 : i32
    scf.if %cond3A_19 {
      %sub3A_59 = arith.constant 8 : i32
      %sub3A_60 = arith.subi %arg1, %sub3A_59 : i32
      %mul3A_61 = arith.constant 2 : i32
      %mul3A_62 = arith.muli %sub3A_60, %mul3A_61 : i32
      %add3A_63 = arith.constant 24 : i32
      %add3A_64 = arith.addi %add3A_63, %mul3A_62 : i32
      %add3A_65 = arith.constant 1 : i32
      %add3A_66 = arith.addi %add3A_64, %add3A_65 : i32
      %mul3A_67 = arith.constant 2 : i32
      %mul3A_68 = arith.muli %mul3A_67, %add3A_66 : i32
      %add3A_69 = arith.addi %mul3A_68, %arg0 : i32
      %mul3A_70 = arith.constant 128 : i32
      %mul3A_71 = arith.muli %add3A_69, %mul3A_70 : i32
      %mul3A_72 = arith.constant 128 : i32
      %mul3A_73 = arith.muli %add3A_66, %mul3A_72 : i32
      "tpu.region"() ({
        %run_scoped3A = tpu.sem_alloc : memref<!tpu.dma_semaphore, #tpu.memory_space<semaphore_mem>>
        %dma_start3A_74 = arith.constant 0 : i32
        %dma_start3A_75 = tpu.memref_slice %arg6[%mul3A_73, %dma_start3A_74] : memref<5120x128xf32, #tpu.memory_space<vmem_shared>> -> memref<128x128xf32, #tpu.memory_space<vmem_shared>>
        %dma_start3A_76 = arith.constant 0 : i32
        %dma_start3A_77 = tpu.memref_slice %arg2[%mul3A_71, %dma_start3A_76] : memref<10000x128xf32, #tpu.memory_space<hbm>> -> memref<128x128xf32, #tpu.memory_space<hbm>>
        tpu.enqueue_dma source(%dma_start3A_77 : memref<128x128xf32, #tpu.memory_space<hbm>>) target(%dma_start3A_75 : memref<128x128xf32, #tpu.memory_space<vmem_shared>>) target_semaphore(%run_scoped3A : memref<!tpu.dma_semaphore, #tpu.memory_space<semaphore_mem>>)
        %dma_wait3A = arith.constant 0 : i32
        %dma_wait3A_78 = tpu.memref_slice %arg6[%mul3A_73, %dma_wait3A] : memref<5120x128xf32, #tpu.memory_space<vmem_shared>> -> memref<128x128xf32, #tpu.memory_space<vmem_shared>>
        %dma_wait3A_79 = arith.constant 0 : i32
        %dma_wait3A_80 = tpu.memref_slice %arg2[%mul3A_71, %dma_wait3A_79] : memref<10000x128xf32, #tpu.memory_space<hbm>> -> memref<128x128xf32, #tpu.memory_space<hbm>>
        tpu.wait_dma2 semaphore(%run_scoped3A : memref<!tpu.dma_semaphore, #tpu.memory_space<semaphore_mem>>) src(%dma_wait3A_80 : memref<128x128xf32, #tpu.memory_space<hbm>>) dst(%dma_wait3A_78 : memref<128x128xf32, #tpu.memory_space<vmem_shared>>)
        tpu.yield
      }) : () -> ()
    } else {
    }
    %eq3A_20 = arith.constant 15 : i32
    %eq3A_21 = arith.cmpi eq, %arg1, %eq3A_20 : i32
    %eq3A_22 = arith.constant 0 : i32
    %eq3A_23 = arith.cmpi eq, %arg0, %eq3A_22 : i32
    %and3A_24 = arith.andi %eq3A_21, %eq3A_23 : i1
    %convert_element_type3A_25 = arith.extui %and3A_24 : i1 to i32
    %cond3A_26 = arith.constant 0 : i32
    %cond3A_27 = arith.cmpi ne, %convert_element_type3A_25, %cond3A_26 : i32
    scf.if %cond3A_27 {
      "tpu.region"() ({
        %run_scoped3A = tpu.sem_alloc : memref<!tpu.dma_semaphore, #tpu.memory_space<semaphore_mem>>
        %dma_start3A_59 = arith.constant 4992 : i32
        %dma_start3A_60 = arith.constant 0 : i32
        %dma_start3A_61 = tpu.memref_slice %arg6[%dma_start3A_59, %dma_start3A_60] : memref<5120x128xf32, #tpu.memory_space<vmem_shared>> -> memref<16x128xf32, #tpu.memory_space<vmem_shared>>
        %dma_start3A_62 = arith.constant 9984 : i32
        %dma_start3A_63 = arith.constant 0 : i32
        %dma_start3A_64 = tpu.memref_slice %arg2[%dma_start3A_62, %dma_start3A_63] : memref<10000x128xf32, #tpu.memory_space<hbm>> -> memref<16x128xf32, #tpu.memory_space<hbm>>
        tpu.enqueue_dma source(%dma_start3A_64 : memref<16x128xf32, #tpu.memory_space<hbm>>) target(%dma_start3A_61 : memref<16x128xf32, #tpu.memory_space<vmem_shared>>) target_semaphore(%run_scoped3A : memref<!tpu.dma_semaphore, #tpu.memory_space<semaphore_mem>>)
        %dma_wait3A = arith.constant 4992 : i32
        %dma_wait3A_65 = arith.constant 0 : i32
        %dma_wait3A_66 = tpu.memref_slice %arg6[%dma_wait3A, %dma_wait3A_65] : memref<5120x128xf32, #tpu.memory_space<vmem_shared>> -> memref<16x128xf32, #tpu.memory_space<vmem_shared>>
        %dma_wait3A_67 = arith.constant 9984 : i32
        %dma_wait3A_68 = arith.constant 0 : i32
        %dma_wait3A_69 = tpu.memref_slice %arg2[%dma_wait3A_67, %dma_wait3A_68] : memref<10000x128xf32, #tpu.memory_space<hbm>> -> memref<16x128xf32, #tpu.memory_space<hbm>>
        tpu.wait_dma2 semaphore(%run_scoped3A : memref<!tpu.dma_semaphore, #tpu.memory_space<semaphore_mem>>) src(%dma_wait3A_69 : memref<16x128xf32, #tpu.memory_space<hbm>>) dst(%dma_wait3A_66 : memref<16x128xf32, #tpu.memory_space<vmem_shared>>)
        tpu.yield
      }) : () -> ()
    } else {
    }
    %barrier3A = arith.constant 0 : index
    tpu.barrier barrier_id(%barrier3A)
    %iota3A = tpu.iota {dimensions = array<i32: 0>} : vector<16xi32>
    %mul3A = arith.constant 16 : i32
    %mul3A_28 = arith.muli %mul3A, %arg0 : i32
    %sub3A = arith.constant 5008 : i32
    %sub3A_29 = arith.subi %sub3A, %mul3A_28 : i32
    %shift_left3A = arith.constant 2 : i32
    %shift_left3A_30 = arith.shli %arg1, %shift_left3A : i32
    %add3A = arith.addi %sub3A_29, %shift_left3A_30 : i32
    %and3A_31 = arith.constant 3 : i32
    %and3A_32 = vector.broadcast %and3A_31 : i32 to vector<16xi32>
    %and3A_33 = arith.andi %iota3A, %and3A_32 : vector<16xi32>
    %add3A_34 = vector.broadcast %add3A : i32 to vector<16xi32>
    %add3A_35 = arith.addi %add3A_34, %and3A_33 : vector<16xi32>
    %mul3A_36 = arith.constant 40 : i32
    %mul3A_37 = arith.muli %arg1, %mul3A_36 : i32
    %mul3A_38 = arith.constant 8 : i32
    %mul3A_39 = arith.muli %mul3A_37, %mul3A_38 : i32
    %dma_start3A = arith.constant 0 : i32
    %dma_start3A_40 = tpu.memref_slice %arg3[%mul3A_39, %dma_start3A] : memref<5120x128xi32, #tpu.memory_space<hbm>> -> memref<8x128xi32, #tpu.memory_space<hbm>>
    %dma_start3A_41 = arith.constant 0 : i32
    %dma_start3A_42 = tpu.memref_slice %arg3[%mul3A_39, %dma_start3A_41] : memref<5120x128xi32, #tpu.memory_space<hbm>> -> memref<8x128xi32, #tpu.memory_space<hbm>>
    tpu.enqueue_dma source(%dma_start3A_42 : memref<8x128xi32, #tpu.memory_space<hbm>>) target(%arg7 : memref<8x128xi32, #tpu.memory_space<vmem>>) target_semaphore(%arg14 : memref<!tpu.dma_semaphore, #tpu.memory_space<semaphore_mem>>)
    %scan3A = arith.constant 0 : i32
    %scan3A_43 = arith.constant 0 : i32
    %scan3A_44 = arith.constant 40 : i32
    %scan3A_45 = arith.addi %scan3A_43, %scan3A_44 : i32
    %scan3A_46 = arith.constant 1 : i32
    scf.for %scan3A_59 = %scan3A_43 to %scan3A_45 step %scan3A_46  : i32 {
      %dma_wait3A = arith.constant 0 : i32
      %dma_wait3A_60 = arith.constant 0 : i32
      %dma_wait3A_61 = tpu.memref_slice %arg3[%dma_wait3A, %dma_wait3A_60] : memref<5120x128xi32, #tpu.memory_space<hbm>> -> memref<8x128xi32, #tpu.memory_space<hbm>>
      %dma_wait3A_62 = arith.constant 0 : i32
      %dma_wait3A_63 = arith.constant 0 : i32
      %dma_wait3A_64 = tpu.memref_slice %arg3[%dma_wait3A_62, %dma_wait3A_63] : memref<5120x128xi32, #tpu.memory_space<hbm>> -> memref<8x128xi32, #tpu.memory_space<hbm>>
      tpu.wait_dma2 semaphore(%arg14 : memref<!tpu.dma_semaphore, #tpu.memory_space<semaphore_mem>>) src(%dma_wait3A_64 : memref<8x128xi32, #tpu.memory_space<hbm>>) dst(%arg7 : memref<8x128xi32, #tpu.memory_space<vmem>>)
      %dma_start3A_65 = arith.constant 0 : i32
      %dma_start3A_66 = arith.constant 0 : i32
      %dma_start3A_67 = tpu.memref_slice %arg7[%dma_start3A_65, %dma_start3A_66] : memref<8x128xi32, #tpu.memory_space<vmem>> -> memref<1x32xi32, #tpu.memory_space<vmem>>
      %dma_start3A_68 = tpu.memref_squeeze %dma_start3A_67 : memref<1x32xi32, #tpu.memory_space<vmem>> -> memref<32xi32, #tpu.memory_space<vmem>>
      %dma_start3A_69 = arith.constant 0 : i32
      %dma_start3A_70 = arith.constant 0 : i32
      %dma_start3A_71 = tpu.memref_slice %arg5[%dma_start3A_69, %dma_start3A_70] : memref<10000x128xf32, #tpu.memory_space<vmem_shared>> -> memref<10000x128xf32, #tpu.memory_space<vmem_shared>>
      tpu.enqueue_indirect_dma source(%dma_start3A_71 : memref<10000x128xf32, #tpu.memory_space<vmem_shared>>) target(%arg8 : memref<32x128xf32, #tpu.memory_space<vmem>>) offsets(%dma_start3A_68 : memref<32xi32, #tpu.memory_space<vmem>>) semaphore(%arg12 : memref<!tpu.dma_semaphore, #tpu.memory_space<semaphore_mem>>)
      %dma_start3A_72 = arith.constant 0 : i32
      %dma_start3A_73 = arith.constant 32 : i32
      %dma_start3A_74 = tpu.memref_slice %arg7[%dma_start3A_72, %dma_start3A_73] : memref<8x128xi32, #tpu.memory_space<vmem>> -> memref<1x32xi32, #tpu.memory_space<vmem>>
      %dma_start3A_75 = tpu.memref_squeeze %dma_start3A_74 : memref<1x32xi32, #tpu.memory_space<vmem>> -> memref<32xi32, #tpu.memory_space<vmem>>
      %dma_start3A_76 = arith.constant 0 : i32
      %dma_start3A_77 = arith.constant 0 : i32
      %dma_start3A_78 = tpu.memref_slice %arg5[%dma_start3A_76, %dma_start3A_77] : memref<10000x128xf32, #tpu.memory_space<vmem_shared>> -> memref<10000x128xf32, #tpu.memory_space<vmem_shared>>
      tpu.enqueue_indirect_dma source(%dma_start3A_78 : memref<10000x128xf32, #tpu.memory_space<vmem_shared>>) target(%arg9 : memref<32x128xf32, #tpu.memory_space<vmem>>) offsets(%dma_start3A_75 : memref<32xi32, #tpu.memory_space<vmem>>) semaphore(%arg13 : memref<!tpu.dma_semaphore, #tpu.memory_space<semaphore_mem>>)
      %dma_wait3A_79 = arith.constant 0 : i32
      %dma_wait3A_80 = arith.constant 0 : i32
      %dma_wait3A_81 = tpu.memref_slice %arg7[%dma_wait3A_79, %dma_wait3A_80] : memref<8x128xi32, #tpu.memory_space<vmem>> -> memref<1x32xi32, #tpu.memory_space<vmem>>
      %dma_wait3A_82 = tpu.memref_squeeze %dma_wait3A_81 : memref<1x32xi32, #tpu.memory_space<vmem>> -> memref<32xi32, #tpu.memory_space<vmem>>
      %dma_wait3A_83 = arith.constant 0 : i32
      %dma_wait3A_84 = arith.constant 0 : i32
      %dma_wait3A_85 = tpu.memref_slice %arg5[%dma_wait3A_83, %dma_wait3A_84] : memref<10000x128xf32, #tpu.memory_space<vmem_shared>> -> memref<10000x128xf32, #tpu.memory_space<vmem_shared>>
      tpu.wait_indirect_dma semaphore(%arg12 : memref<!tpu.dma_semaphore, #tpu.memory_space<semaphore_mem>>) src(%dma_wait3A_85 : memref<10000x128xf32, #tpu.memory_space<vmem_shared>>) dst(%arg8 : memref<32x128xf32, #tpu.memory_space<vmem>>)
      %get3A = arith.constant 4 : i32
      %get3A_86 = arith.index_cast %get3A : i32 to index
      %get3A_87 = arith.constant 0 : index
      %get3A_88 = tpu.vector_load %arg7[%get3A_86, %get3A_87] {strides = array<i32>} : memref<8x128xi32, #tpu.memory_space<vmem>>, vector<1x16xi32>,
      %get3A_89 = vector.shape_cast %get3A_88 : vector<1x16xi32> to vector<16xi32>
      %shift_right_arithmetic3A = arith.constant 7 : i32
      %shift_right_arithmetic3A_90 = vector.broadcast %shift_right_arithmetic3A : i32 to vector<16xi32>
      %shift_right_arithmetic3A_91 = arith.shrsi %get3A_89, %shift_right_arithmetic3A_90 : vector<16xi32>
      %and3A_92 = arith.constant 1 : i32
      %and3A_93 = vector.broadcast %and3A_92 : i32 to vector<16xi32>
      %and3A_94 = arith.andi %shift_right_arithmetic3A_91, %and3A_93 : vector<16xi32>
      %eq3A_95 = vector.broadcast %arg0 : i32 to vector<16xi32>
      %eq3A_96 = arith.cmpi eq, %and3A_94, %eq3A_95 : vector<16xi32>
      %shift_right_arithmetic3A_97 = arith.constant 8 : i32
      %shift_right_arithmetic3A_98 = vector.broadcast %shift_right_arithmetic3A_97 : i32 to vector<16xi32>
      %shift_right_arithmetic3A_99 = arith.shrsi %get3A_89, %shift_right_arithmetic3A_98 : vector<16xi32>
      %shift_left3A_100 = arith.constant 7 : i32
      %shift_left3A_101 = vector.broadcast %shift_left3A_100 : i32 to vector<16xi32>
      %shift_left3A_102 = arith.shli %shift_right_arithmetic3A_99, %shift_left3A_101 : vector<16xi32>
      %and3A_103 = arith.constant 127 : i32
      %and3A_104 = vector.broadcast %and3A_103 : i32 to vector<16xi32>
      %and3A_105 = arith.andi %get3A_89, %and3A_104 : vector<16xi32>
      %or3A = arith.ori %shift_left3A_102, %and3A_105 : vector<16xi32>
      %select_n3A = arith.select %eq3A_96, %or3A, %add3A_35 : vector<16xi1>, vector<16xi32>
      %swap3A = arith.constant 0 : index
      %swap3A_106 = tpu.vector_load %arg10[%swap3A] {strides = array<i32>} : memref<32xi32, #tpu.memory_space<vmem>>, vector<16xi32>,
      %swap3A_107 = vector.shape_cast %swap3A_106 : vector<16xi32> to vector<16xi32>
      %swap3A_108 = vector.shape_cast %select_n3A : vector<16xi32> to vector<16xi32>
      tpu.vector_store %arg10[%swap3A], %swap3A_108 {strides = array<i32>} : memref<32xi32, #tpu.memory_space<vmem>>, vector<16xi32>,
      %get3A_109 = arith.constant 4 : i32
      %get3A_110 = arith.index_cast %get3A_109 : i32 to index
      %get3A_111 = arith.constant 16 : index
      %get3A_112 = tpu.vector_load %arg7[%get3A_110, %get3A_111] {strides = array<i32>} : memref<8x128xi32, #tpu.memory_space<vmem>>, vector<1x16xi32>,
      %get3A_113 = vector.shape_cast %get3A_112 : vector<1x16xi32> to vector<16xi32>
      %shift_right_arithmetic3A_114 = arith.constant 7 : i32
      %shift_right_arithmetic3A_115 = vector.broadcast %shift_right_arithmetic3A_114 : i32 to vector<16xi32>
      %shift_right_arithmetic3A_116 = arith.shrsi %get3A_113, %shift_right_arithmetic3A_115 : vector<16xi32>
      %and3A_117 = arith.constant 1 : i32
      %and3A_118 = vector.broadcast %and3A_117 : i32 to vector<16xi32>
      %and3A_119 = arith.andi %shift_right_arithmetic3A_116, %and3A_118 : vector<16xi32>
      %eq3A_120 = vector.broadcast %arg0 : i32 to vector<16xi32>
      %eq3A_121 = arith.cmpi eq, %and3A_119, %eq3A_120 : vector<16xi32>
      %shift_right_arithmetic3A_122 = arith.constant 8 : i32
      %shift_right_arithmetic3A_123 = vector.broadcast %shift_right_arithmetic3A_122 : i32 to vector<16xi32>
      %shift_right_arithmetic3A_124 = arith.shrsi %get3A_113, %shift_right_arithmetic3A_123 : vector<16xi32>
      %shift_left3A_125 = arith.constant 7 : i32
      %shift_left3A_126 = vector.broadcast %shift_left3A_125 : i32 to vector<16xi32>
      %shift_left3A_127 = arith.shli %shift_right_arithmetic3A_124, %shift_left3A_126 : vector<16xi32>
      %and3A_128 = arith.constant 127 : i32
      %and3A_129 = vector.broadcast %and3A_128 : i32 to vector<16xi32>
      %and3A_130 = arith.andi %get3A_113, %and3A_129 : vector<16xi32>
      %or3A_131 = arith.ori %shift_left3A_127, %and3A_130 : vector<16xi32>
      %select_n3A_132 = arith.select %eq3A_121, %or3A_131, %add3A_35 : vector<16xi1>, vector<16xi32>
      %swap3A_133 = arith.constant 16 : index
      %swap3A_134 = tpu.vector_load %arg10[%swap3A_133] {strides = array<i32>} : memref<32xi32, #tpu.memory_space<vmem>>, vector<16xi32>,
      %swap3A_135 = vector.shape_cast %swap3A_134 : vector<16xi32> to vector<16xi32>
      %swap3A_136 = vector.shape_cast %select_n3A_132 : vector<16xi32> to vector<16xi32>
      tpu.vector_store %arg10[%swap3A_133], %swap3A_136 {strides = array<i32>} : memref<32xi32, #tpu.memory_space<vmem>>, vector<16xi32>,
      %dma_start3A_137 = arith.constant 0 : i32
      %dma_start3A_138 = arith.constant 0 : i32
      %dma_start3A_139 = tpu.memref_slice %arg6[%dma_start3A_137, %dma_start3A_138] : memref<5120x128xf32, #tpu.memory_space<vmem_shared>> -> memref<5120x128xf32, #tpu.memory_space<vmem_shared>>
      tpu.enqueue_indirect_dma source(%arg8 : memref<32x128xf32, #tpu.memory_space<vmem>>) target(%dma_start3A_139 : memref<5120x128xf32, #tpu.memory_space<vmem_shared>>) offsets(%arg10 : memref<32xi32, #tpu.memory_space<vmem>>) semaphore(%arg12 : memref<!tpu.dma_semaphore, #tpu.memory_space<semaphore_mem>>) {add = true}
      %dma_wait3A_140 = arith.constant 0 : i32
      %dma_wait3A_141 = arith.constant 32 : i32
      %dma_wait3A_142 = tpu.memref_slice %arg7[%dma_wait3A_140, %dma_wait3A_141] : memref<8x128xi32, #tpu.memory_space<vmem>> -> memref<1x32xi32, #tpu.memory_space<vmem>>
      %dma_wait3A_143 = tpu.memref_squeeze %dma_wait3A_142 : memref<1x32xi32, #tpu.memory_space<vmem>> -> memref<32xi32, #tpu.memory_space<vmem>>
      %dma_wait3A_144 = arith.constant 0 : i32
      %dma_wait3A_145 = arith.constant 0 : i32
      %dma_wait3A_146 = tpu.memref_slice %arg5[%dma_wait3A_144, %dma_wait3A_145] : memref<10000x128xf32, #tpu.memory_space<vmem_shared>> -> memref<10000x128xf32, #tpu.memory_space<vmem_shared>>
      tpu.wait_indirect_dma semaphore(%arg13 : memref<!tpu.dma_semaphore, #tpu.memory_space<semaphore_mem>>) src(%dma_wait3A_146 : memref<10000x128xf32, #tpu.memory_space<vmem_shared>>) dst(%arg9 : memref<32x128xf32, #tpu.memory_space<vmem>>)
      %get3A_147 = arith.constant 4 : i32
      %get3A_148 = arith.index_cast %get3A_147 : i32 to index
      %get3A_149 = arith.constant 32 : index
      %get3A_150 = tpu.vector_load %arg7[%get3A_148, %get3A_149] {strides = array<i32>} : memref<8x128xi32, #tpu.memory_space<vmem>>, vector<1x16xi32>,
      %get3A_151 = vector.shape_cast %get3A_150 : vector<1x16xi32> to vector<16xi32>
      %shift_right_arithmetic3A_152 = arith.constant 7 : i32
      %shift_right_arithmetic3A_153 = vector.broadcast %shift_right_arithmetic3A_152 : i32 to vector<16xi32>
      %shift_right_arithmetic3A_154 = arith.shrsi %get3A_151, %shift_right_arithmetic3A_153 : vector<16xi32>
      %and3A_155 = arith.constant 1 : i32
      %and3A_156 = vector.broadcast %and3A_155 : i32 to vector<16xi32>
      %and3A_157 = arith.andi %shift_right_arithmetic3A_154, %and3A_156 : vector<16xi32>
      %eq3A_158 = vector.broadcast %arg0 : i32 to vector<16xi32>
      %eq3A_159 = arith.cmpi eq, %and3A_157, %eq3A_158 : vector<16xi32>
      %shift_right_arithmetic3A_160 = arith.constant 8 : i32
      %shift_right_arithmetic3A_161 = vector.broadcast %shift_right_arithmetic3A_160 : i32 to vector<16xi32>
      %shift_right_arithmetic3A_162 = arith.shrsi %get3A_151, %shift_right_arithmetic3A_161 : vector<16xi32>
      %shift_left3A_163 = arith.constant 7 : i32
      %shift_left3A_164 = vector.broadcast %shift_left3A_163 : i32 to vector<16xi32>
      %shift_left3A_165 = arith.shli %shift_right_arithmetic3A_162, %shift_left3A_164 : vector<16xi32>
      %and3A_166 = arith.constant 127 : i32
      %and3A_167 = vector.broadcast %and3A_166 : i32 to vector<16xi32>
      %and3A_168 = arith.andi %get3A_151, %and3A_167 : vector<16xi32>
      %or3A_169 = arith.ori %shift_left3A_165, %and3A_168 : vector<16xi32>
      %select_n3A_170 = arith.select %eq3A_159, %or3A_169, %add3A_35 : vector<16xi1>, vector<16xi32>
      %swap3A_171 = arith.constant 0 : index
      %swap3A_172 = tpu.vector_load %arg11[%swap3A_171] {strides = array<i32>} : memref<32xi32, #tpu.memory_space<vmem>>, vector<16xi32>,
      %swap3A_173 = vector.shape_cast %swap3A_172 : vector<16xi32> to vector<16xi32>
      %swap3A_174 = vector.shape_cast %select_n3A_170 : vector<16xi32> to vector<16xi32>
      tpu.vector_store %arg11[%swap3A_171], %swap3A_174 {strides = array<i32>} : memref<32xi32, #tpu.memory_space<vmem>>, vector<16xi32>,
      %get3A_175 = arith.constant 4 : i32
      %get3A_176 = arith.index_cast %get3A_175 : i32 to index
      %get3A_177 = arith.constant 48 : index
      %get3A_178 = tpu.vector_load %arg7[%get3A_176, %get3A_177] {strides = array<i32>} : memref<8x128xi32, #tpu.memory_space<vmem>>, vector<1x16xi32>,
      %get3A_179 = vector.shape_cast %get3A_178 : vector<1x16xi32> to vector<16xi32>
      %shift_right_arithmetic3A_180 = arith.constant 7 : i32
      %shift_right_arithmetic3A_181 = vector.broadcast %shift_right_arithmetic3A_180 : i32 to vector<16xi32>
      %shift_right_arithmetic3A_182 = arith.shrsi %get3A_179, %shift_right_arithmetic3A_181 : vector<16xi32>
      %and3A_183 = arith.constant 1 : i32
      %and3A_184 = vector.broadcast %and3A_183 : i32 to vector<16xi32>
      %and3A_185 = arith.andi %shift_right_arithmetic3A_182, %and3A_184 : vector<16xi32>
      %eq3A_186 = vector.broadcast %arg0 : i32 to vector<16xi32>
      %eq3A_187 = arith.cmpi eq, %and3A_185, %eq3A_186 : vector<16xi32>
      %shift_right_arithmetic3A_188 = arith.constant 8 : i32
      %shift_right_arithmetic3A_189 = vector.broadcast %shift_right_arithmetic3A_188 : i32 to vector<16xi32>
      %shift_right_arithmetic3A_190 = arith.shrsi %get3A_179, %shift_right_arithmetic3A_189 : vector<16xi32>
      %shift_left3A_191 = arith.constant 7 : i32
      %shift_left3A_192 = vector.broadcast %shift_left3A_191 : i32 to vector<16xi32>
      %shift_left3A_193 = arith.shli %shift_right_arithmetic3A_190, %shift_left3A_192 : vector<16xi32>
      %and3A_194 = arith.constant 127 : i32
      %and3A_195 = vector.broadcast %and3A_194 : i32 to vector<16xi32>
      %and3A_196 = arith.andi %get3A_179, %and3A_195 : vector<16xi32>
      %or3A_197 = arith.ori %shift_left3A_193, %and3A_196 : vector<16xi32>
      %select_n3A_198 = arith.select %eq3A_187, %or3A_197, %add3A_35 : vector<16xi1>, vector<16xi32>
      %swap3A_199 = arith.constant 16 : index
      %swap3A_200 = tpu.vector_load %arg11[%swap3A_199] {strides = array<i32>} : memref<32xi32, #tpu.memory_space<vmem>>, vector<16xi32>,
      %swap3A_201 = vector.shape_cast %swap3A_200 : vector<16xi32> to vector<16xi32>
      %swap3A_202 = vector.shape_cast %select_n3A_198 : vector<16xi32> to vector<16xi32>
      tpu.vector_store %arg11[%swap3A_199], %swap3A_202 {strides = array<i32>} : memref<32xi32, #tpu.memory_space<vmem>>, vector<16xi32>,
      %dma_start3A_203 = arith.constant 0 : i32
      %dma_start3A_204 = arith.constant 0 : i32
      %dma_start3A_205 = tpu.memref_slice %arg6[%dma_start3A_203, %dma_start3A_204] : memref<5120x128xf32, #tpu.memory_space<vmem_shared>> -> memref<5120x128xf32, #tpu.memory_space<vmem_shared>>
      tpu.enqueue_indirect_dma source(%arg9 : memref<32x128xf32, #tpu.memory_space<vmem>>) target(%dma_start3A_205 : memref<5120x128xf32, #tpu.memory_space<vmem_shared>>) offsets(%arg11 : memref<32xi32, #tpu.memory_space<vmem>>) semaphore(%arg13 : memref<!tpu.dma_semaphore, #tpu.memory_space<semaphore_mem>>) {add = true}
      %dma_wait3A_206 = arith.constant 0 : i32
      %dma_wait3A_207 = arith.constant 0 : i32
      %dma_wait3A_208 = tpu.memref_slice %arg6[%dma_wait3A_206, %dma_wait3A_207] : memref<5120x128xf32, #tpu.memory_space<vmem_shared>> -> memref<5120x128xf32, #tpu.memory_space<vmem_shared>>
      tpu.wait_indirect_dma semaphore(%arg12 : memref<!tpu.dma_semaphore, #tpu.memory_space<semaphore_mem>>) src(%arg8 : memref<32x128xf32, #tpu.memory_space<vmem>>) dst(%dma_wait3A_208 : memref<5120x128xf32, #tpu.memory_space<vmem_shared>>)
      %dma_start3A_209 = arith.constant 0 : i32
      %dma_start3A_210 = arith.constant 64 : i32
      %dma_start3A_211 = tpu.memref_slice %arg7[%dma_start3A_209, %dma_start3A_210] : memref<8x128xi32, #tpu.memory_space<vmem>> -> memref<1x32xi32, #tpu.memory_space<vmem>>
      %dma_start3A_212 = tpu.memref_squeeze %dma_start3A_211 : memref<1x32xi32, #tpu.memory_space<vmem>> -> memref<32xi32, #tpu.memory_space<vmem>>
      %dma_start3A_213 = arith.constant 0 : i32
      %dma_start3A_214 = arith.constant 0 : i32
      %dma_start3A_215 = tpu.memref_slice %arg5[%dma_start3A_213, %dma_start3A_214] : memref<10000x128xf32, #tpu.memory_space<vmem_shared>> -> memref<10000x128xf32, #tpu.memory_space<vmem_shared>>
      tpu.enqueue_indirect_dma source(%dma_start3A_215 : memref<10000x128xf32, #tpu.memory_space<vmem_shared>>) target(%arg8 : memref<32x128xf32, #tpu.memory_space<vmem>>) offsets(%dma_start3A_212 : memref<32xi32, #tpu.memory_space<vmem>>) semaphore(%arg12 : memref<!tpu.dma_semaphore, #tpu.memory_space<semaphore_mem>>)
      %dma_wait3A_216 = arith.constant 0 : i32
      %dma_wait3A_217 = arith.constant 64 : i32
      %dma_wait3A_218 = tpu.memref_slice %arg7[%dma_wait3A_216, %dma_wait3A_217] : memref<8x128xi32, #tpu.memory_space<vmem>> -> memref<1x32xi32, #tpu.memory_space<vmem>>
      %dma_wait3A_219 = tpu.memref_squeeze %dma_wait3A_218 : memref<1x32xi32, #tpu.memory_space<vmem>> -> memref<32xi32, #tpu.memory_space<vmem>>
      %dma_wait3A_220 = arith.constant 0 : i32
      %dma_wait3A_221 = arith.constant 0 : i32
      %dma_wait3A_222 = tpu.memref_slice %arg5[%dma_wait3A_220, %dma_wait3A_221] : memref<10000x128xf32, #tpu.memory_space<vmem_shared>> -> memref<10000x128xf32, #tpu.memory_space<vmem_shared>>
      tpu.wait_indirect_dma semaphore(%arg12 : memref<!tpu.dma_semaphore, #tpu.memory_space<semaphore_mem>>) src(%dma_wait3A_222 : memref<10000x128xf32, #tpu.memory_space<vmem_shared>>) dst(%arg8 : memref<32x128xf32, #tpu.memory_space<vmem>>)
      %get3A_223 = arith.constant 4 : i32
      %get3A_224 = arith.index_cast %get3A_223 : i32 to index
      %get3A_225 = arith.constant 64 : index
      %get3A_226 = tpu.vector_load %arg7[%get3A_224, %get3A_225] {strides = array<i32>} : memref<8x128xi32, #tpu.memory_space<vmem>>, vector<1x16xi32>,
      %get3A_227 = vector.shape_cast %get3A_226 : vector<1x16xi32> to vector<16xi32>
      %shift_right_arithmetic3A_228 = arith.constant 7 : i32
      %shift_right_arithmetic3A_229 = vector.broadcast %shift_right_arithmetic3A_228 : i32 to vector<16xi32>
      %shift_right_arithmetic3A_230 = arith.shrsi %get3A_227, %shift_right_arithmetic3A_229 : vector<16xi32>
      %and3A_231 = arith.constant 1 : i32
      %and3A_232 = vector.broadcast %and3A_231 : i32 to vector<16xi32>
      %and3A_233 = arith.andi %shift_right_arithmetic3A_230, %and3A_232 : vector<16xi32>
      %eq3A_234 = vector.broadcast %arg0 : i32 to vector<16xi32>
      %eq3A_235 = arith.cmpi eq, %and3A_233, %eq3A_234 : vector<16xi32>
      %shift_right_arithmetic3A_236 = arith.constant 8 : i32
      %shift_right_arithmetic3A_237 = vector.broadcast %shift_right_arithmetic3A_236 : i32 to vector<16xi32>
      %shift_right_arithmetic3A_238 = arith.shrsi %get3A_227, %shift_right_arithmetic3A_237 : vector<16xi32>
      %shift_left3A_239 = arith.constant 7 : i32
      %shift_left3A_240 = vector.broadcast %shift_left3A_239 : i32 to vector<16xi32>
      %shift_left3A_241 = arith.shli %shift_right_arithmetic3A_238, %shift_left3A_240 : vector<16xi32>
      %and3A_242 = arith.constant 127 : i32
      %and3A_243 = vector.broadcast %and3A_242 : i32 to vector<16xi32>
      %and3A_244 = arith.andi %get3A_227, %and3A_243 : vector<16xi32>
      %or3A_245 = arith.ori %shift_left3A_241, %and3A_244 : vector<16xi32>
      %select_n3A_246 = arith.select %eq3A_235, %or3A_245, %add3A_35 : vector<16xi1>, vector<16xi32>
      %swap3A_247 = arith.constant 0 : index
      %swap3A_248 = tpu.vector_load %arg10[%swap3A_247] {strides = array<i32>} : memref<32xi32, #tpu.memory_space<vmem>>, vector<16xi32>,
      %swap3A_249 = vector.shape_cast %swap3A_248 : vector<16xi32> to vector<16xi32>
      %swap3A_250 = vector.shape_cast %select_n3A_246 : vector<16xi32> to vector<16xi32>
      tpu.vector_store %arg10[%swap3A_247], %swap3A_250 {strides = array<i32>} : memref<32xi32, #tpu.memory_space<vmem>>, vector<16xi32>,
      %get3A_251 = arith.constant 4 : i32
      %get3A_252 = arith.index_cast %get3A_251 : i32 to index
      %get3A_253 = arith.constant 80 : index
      %get3A_254 = tpu.vector_load %arg7[%get3A_252, %get3A_253] {strides = array<i32>} : memref<8x128xi32, #tpu.memory_space<vmem>>, vector<1x16xi32>,
      %get3A_255 = vector.shape_cast %get3A_254 : vector<1x16xi32> to vector<16xi32>
      %shift_right_arithmetic3A_256 = arith.constant 7 : i32
      %shift_right_arithmetic3A_257 = vector.broadcast %shift_right_arithmetic3A_256 : i32 to vector<16xi32>
      %shift_right_arithmetic3A_258 = arith.shrsi %get3A_255, %shift_right_arithmetic3A_257 : vector<16xi32>
      %and3A_259 = arith.constant 1 : i32
      %and3A_260 = vector.broadcast %and3A_259 : i32 to vector<16xi32>
      %and3A_261 = arith.andi %shift_right_arithmetic3A_258, %and3A_260 : vector<16xi32>
      %eq3A_262 = vector.broadcast %arg0 : i32 to vector<16xi32>
      %eq3A_263 = arith.cmpi eq, %and3A_261, %eq3A_262 : vector<16xi32>
      %shift_right_arithmetic3A_264 = arith.constant 8 : i32
      %shift_right_arithmetic3A_265 = vector.broadcast %shift_right_arithmetic3A_264 : i32 to vector<16xi32>
      %shift_right_arithmetic3A_266 = arith.shrsi %get3A_255, %shift_right_arithmetic3A_265 : vector<16xi32>
      %shift_left3A_267 = arith.constant 7 : i32
      %shift_left3A_268 = vector.broadcast %shift_left3A_267 : i32 to vector<16xi32>
      %shift_left3A_269 = arith.shli %shift_right_arithmetic3A_266, %shift_left3A_268 : vector<16xi32>
      %and3A_270 = arith.constant 127 : i32
      %and3A_271 = vector.broadcast %and3A_270 : i32 to vector<16xi32>
      %and3A_272 = arith.andi %get3A_255, %and3A_271 : vector<16xi32>
      %or3A_273 = arith.ori %shift_left3A_269, %and3A_272 : vector<16xi32>
      %select_n3A_274 = arith.select %eq3A_263, %or3A_273, %add3A_35 : vector<16xi1>, vector<16xi32>
      %swap3A_275 = arith.constant 16 : index
      %swap3A_276 = tpu.vector_load %arg10[%swap3A_275] {strides = array<i32>} : memref<32xi32, #tpu.memory_space<vmem>>, vector<16xi32>,
      %swap3A_277 = vector.shape_cast %swap3A_276 : vector<16xi32> to vector<16xi32>
      %swap3A_278 = vector.shape_cast %select_n3A_274 : vector<16xi32> to vector<16xi32>
      tpu.vector_store %arg10[%swap3A_275], %swap3A_278 {strides = array<i32>} : memref<32xi32, #tpu.memory_space<vmem>>, vector<16xi32>,
      %dma_start3A_279 = arith.constant 0 : i32
      %dma_start3A_280 = arith.constant 0 : i32
      %dma_start3A_281 = tpu.memref_slice %arg6[%dma_start3A_279, %dma_start3A_280] : memref<5120x128xf32, #tpu.memory_space<vmem_shared>> -> memref<5120x128xf32, #tpu.memory_space<vmem_shared>>
      tpu.enqueue_indirect_dma source(%arg8 : memref<32x128xf32, #tpu.memory_space<vmem>>) target(%dma_start3A_281 : memref<5120x128xf32, #tpu.memory_space<vmem_shared>>) offsets(%arg10 : memref<32xi32, #tpu.memory_space<vmem>>) semaphore(%arg12 : memref<!tpu.dma_semaphore, #tpu.memory_space<semaphore_mem>>) {add = true}
      %dma_wait3A_282 = arith.constant 0 : i32
      %dma_wait3A_283 = arith.constant 0 : i32
      %dma_wait3A_284 = tpu.memref_slice %arg6[%dma_wait3A_282, %dma_wait3A_283] : memref<5120x128xf32, #tpu.memory_space<vmem_shared>> -> memref<5120x128xf32, #tpu.memory_space<vmem_shared>>
      tpu.wait_indirect_dma semaphore(%arg13 : memref<!tpu.dma_semaphore, #tpu.memory_space<semaphore_mem>>) src(%arg9 : memref<32x128xf32, #tpu.memory_space<vmem>>) dst(%dma_wait3A_284 : memref<5120x128xf32, #tpu.memory_space<vmem_shared>>)
      %dma_start3A_285 = arith.constant 0 : i32
      %dma_start3A_286 = arith.constant 96 : i32
      %dma_start3A_287 = tpu.memref_slice %arg7[%dma_start3A_285, %dma_start3A_286] : memref<8x128xi32, #tpu.memory_space<vmem>> -> memref<1x32xi32, #tpu.memory_space<vmem>>
      %dma_start3A_288 = tpu.memref_squeeze %dma_start3A_287 : memref<1x32xi32, #tpu.memory_space<vmem>> -> memref<32xi32, #tpu.memory_space<vmem>>
      %dma_start3A_289 = arith.constant 0 : i32
      %dma_start3A_290 = arith.constant 0 : i32
      %dma_start3A_291 = tpu.memref_slice %arg5[%dma_start3A_289, %dma_start3A_290] : memref<10000x128xf32, #tpu.memory_space<vmem_shared>> -> memref<10000x128xf32, #tpu.memory_space<vmem_shared>>
      tpu.enqueue_indirect_dma source(%dma_start3A_291 : memref<10000x128xf32, #tpu.memory_space<vmem_shared>>) target(%arg9 : memref<32x128xf32, #tpu.memory_space<vmem>>) offsets(%dma_start3A_288 : memref<32xi32, #tpu.memory_space<vmem>>) semaphore(%arg13 : memref<!tpu.dma_semaphore, #tpu.memory_space<semaphore_mem>>)
      %dma_wait3A_292 = arith.constant 0 : i32
      %dma_wait3A_293 = arith.constant 96 : i32
      %dma_wait3A_294 = tpu.memref_slice %arg7[%dma_wait3A_292, %dma_wait3A_293] : memref<8x128xi32, #tpu.memory_space<vmem>> -> memref<1x32xi32, #tpu.memory_space<vmem>>
      %dma_wait3A_295 = tpu.memref_squeeze %dma_wait3A_294 : memref<1x32xi32, #tpu.memory_space<vmem>> -> memref<32xi32, #tpu.memory_space<vmem>>
      %dma_wait3A_296 = arith.constant 0 : i32
      %dma_wait3A_297 = arith.constant 0 : i32
      %dma_wait3A_298 = tpu.memref_slice %arg5[%dma_wait3A_296, %dma_wait3A_297] : memref<10000x128xf32, #tpu.memory_space<vmem_shared>> -> memref<10000x128xf32, #tpu.memory_space<vmem_shared>>
      tpu.wait_indirect_dma semaphore(%arg13 : memref<!tpu.dma_semaphore, #tpu.memory_space<semaphore_mem>>) src(%dma_wait3A_298 : memref<10000x128xf32, #tpu.memory_space<vmem_shared>>) dst(%arg9 : memref<32x128xf32, #tpu.memory_space<vmem>>)
      %get3A_299 = arith.constant 4 : i32
      %get3A_300 = arith.index_cast %get3A_299 : i32 to index
      %get3A_301 = arith.constant 96 : index
      %get3A_302 = tpu.vector_load %arg7[%get3A_300, %get3A_301] {strides = array<i32>} : memref<8x128xi32, #tpu.memory_space<vmem>>, vector<1x16xi32>,
      %get3A_303 = vector.shape_cast %get3A_302 : vector<1x16xi32> to vector<16xi32>
      %shift_right_arithmetic3A_304 = arith.constant 7 : i32
      %shift_right_arithmetic3A_305 = vector.broadcast %shift_right_arithmetic3A_304 : i32 to vector<16xi32>
      %shift_right_arithmetic3A_306 = arith.shrsi %get3A_303, %shift_right_arithmetic3A_305 : vector<16xi32>
      %and3A_307 = arith.constant 1 : i32
      %and3A_308 = vector.broadcast %and3A_307 : i32 to vector<16xi32>
      %and3A_309 = arith.andi %shift_right_arithmetic3A_306, %and3A_308 : vector<16xi32>
      %eq3A_310 = vector.broadcast %arg0 : i32 to vector<16xi32>
      %eq3A_311 = arith.cmpi eq, %and3A_309, %eq3A_310 : vector<16xi32>
      %shift_right_arithmetic3A_312 = arith.constant 8 : i32
      %shift_right_arithmetic3A_313 = vector.broadcast %shift_right_arithmetic3A_312 : i32 to vector<16xi32>
      %shift_right_arithmetic3A_314 = arith.shrsi %get3A_303, %shift_right_arithmetic3A_313 : vector<16xi32>
      %shift_left3A_315 = arith.constant 7 : i32
      %shift_left3A_316 = vector.broadcast %shift_left3A_315 : i32 to vector<16xi32>
      %shift_left3A_317 = arith.shli %shift_right_arithmetic3A_314, %shift_left3A_316 : vector<16xi32>
      %and3A_318 = arith.constant 127 : i32
      %and3A_319 = vector.broadcast %and3A_318 : i32 to vector<16xi32>
      %and3A_320 = arith.andi %get3A_303, %and3A_319 : vector<16xi32>
      %or3A_321 = arith.ori %shift_left3A_317, %and3A_320 : vector<16xi32>
      %select_n3A_322 = arith.select %eq3A_311, %or3A_321, %add3A_35 : vector<16xi1>, vector<16xi32>
      %swap3A_323 = arith.constant 0 : index
      %swap3A_324 = tpu.vector_load %arg11[%swap3A_323] {strides = array<i32>} : memref<32xi32, #tpu.memory_space<vmem>>, vector<16xi32>,
      %swap3A_325 = vector.shape_cast %swap3A_324 : vector<16xi32> to vector<16xi32>
      %swap3A_326 = vector.shape_cast %select_n3A_322 : vector<16xi32> to vector<16xi32>
      tpu.vector_store %arg11[%swap3A_323], %swap3A_326 {strides = array<i32>} : memref<32xi32, #tpu.memory_space<vmem>>, vector<16xi32>,
      %get3A_327 = arith.constant 4 : i32
      %get3A_328 = arith.index_cast %get3A_327 : i32 to index
      %get3A_329 = arith.constant 112 : index
      %get3A_330 = tpu.vector_load %arg7[%get3A_328, %get3A_329] {strides = array<i32>} : memref<8x128xi32, #tpu.memory_space<vmem>>, vector<1x16xi32>,
      %get3A_331 = vector.shape_cast %get3A_330 : vector<1x16xi32> to vector<16xi32>
      %shift_right_arithmetic3A_332 = arith.constant 7 : i32
      %shift_right_arithmetic3A_333 = vector.broadcast %shift_right_arithmetic3A_332 : i32 to vector<16xi32>
      %shift_right_arithmetic3A_334 = arith.shrsi %get3A_331, %shift_right_arithmetic3A_333 : vector<16xi32>
      %and3A_335 = arith.constant 1 : i32
      %and3A_336 = vector.broadcast %and3A_335 : i32 to vector<16xi32>
      %and3A_337 = arith.andi %shift_right_arithmetic3A_334, %and3A_336 : vector<16xi32>
      %eq3A_338 = vector.broadcast %arg0 : i32 to vector<16xi32>
      %eq3A_339 = arith.cmpi eq, %and3A_337, %eq3A_338 : vector<16xi32>
      %shift_right_arithmetic3A_340 = arith.constant 8 : i32
      %shift_right_arithmetic3A_341 = vector.broadcast %shift_right_arithmetic3A_340 : i32 to vector<16xi32>
      %shift_right_arithmetic3A_342 = arith.shrsi %get3A_331, %shift_right_arithmetic3A_341 : vector<16xi32>
      %shift_left3A_343 = arith.constant 7 : i32
      %shift_left3A_344 = vector.broadcast %shift_left3A_343 : i32 to vector<16xi32>
      %shift_left3A_345 = arith.shli %shift_right_arithmetic3A_342, %shift_left3A_344 : vector<16xi32>
      %and3A_346 = arith.constant 127 : i32
      %and3A_347 = vector.broadcast %and3A_346 : i32 to vector<16xi32>
      %and3A_348 = arith.andi %get3A_331, %and3A_347 : vector<16xi32>
      %or3A_349 = arith.ori %shift_left3A_345, %and3A_348 : vector<16xi32>
      %select_n3A_350 = arith.select %eq3A_339, %or3A_349, %add3A_35 : vector<16xi1>, vector<16xi32>
      %swap3A_351 = arith.constant 16 : index
      %swap3A_352 = tpu.vector_load %arg11[%swap3A_351] {strides = array<i32>} : memref<32xi32, #tpu.memory_space<vmem>>, vector<16xi32>,
      %swap3A_353 = vector.shape_cast %swap3A_352 : vector<16xi32> to vector<16xi32>
      %swap3A_354 = vector.shape_cast %select_n3A_350 : vector<16xi32> to vector<16xi32>
      tpu.vector_store %arg11[%swap3A_351], %swap3A_354 {strides = array<i32>} : memref<32xi32, #tpu.memory_space<vmem>>, vector<16xi32>,
      %dma_start3A_355 = arith.constant 0 : i32
      %dma_start3A_356 = arith.constant 0 : i32
      %dma_start3A_357 = tpu.memref_slice %arg6[%dma_start3A_355, %dma_start3A_356] : memref<5120x128xf32, #tpu.memory_space<vmem_shared>> -> memref<5120x128xf32, #tpu.memory_space<vmem_shared>>
      tpu.enqueue_indirect_dma source(%arg9 : memref<32x128xf32, #tpu.memory_space<vmem>>) target(%dma_start3A_357 : memref<5120x128xf32, #tpu.memory_space<vmem_shared>>) offsets(%arg11 : memref<32xi32, #tpu.memory_space<vmem>>) semaphore(%arg13 : memref<!tpu.dma_semaphore, #tpu.memory_space<semaphore_mem>>) {add = true}
      %dma_wait3A_358 = arith.constant 0 : i32
      %dma_wait3A_359 = arith.constant 0 : i32
      %dma_wait3A_360 = tpu.memref_slice %arg6[%dma_wait3A_358, %dma_wait3A_359] : memref<5120x128xf32, #tpu.memory_space<vmem_shared>> -> memref<5120x128xf32, #tpu.memory_space<vmem_shared>>
      tpu.wait_indirect_dma semaphore(%arg12 : memref<!tpu.dma_semaphore, #tpu.memory_space<semaphore_mem>>) src(%arg8 : memref<32x128xf32, #tpu.memory_space<vmem>>) dst(%dma_wait3A_360 : memref<5120x128xf32, #tpu.memory_space<vmem_shared>>)
      %dma_start3A_361 = arith.constant 1 : i32
      %dma_start3A_362 = arith.constant 0 : i32
      %dma_start3A_363 = tpu.memref_slice %arg7[%dma_start3A_361, %dma_start3A_362] : memref<8x128xi32, #tpu.memory_space<vmem>> -> memref<1x32xi32, #tpu.memory_space<vmem>>
      %dma_start3A_364 = tpu.memref_squeeze %dma_start3A_363 : memref<1x32xi32, #tpu.memory_space<vmem>> -> memref<32xi32, #tpu.memory_space<vmem>>
      %dma_start3A_365 = arith.constant 0 : i32
      %dma_start3A_366 = arith.constant 0 : i32
      %dma_start3A_367 = tpu.memref_slice %arg5[%dma_start3A_365, %dma_start3A_366] : memref<10000x128xf32, #tpu.memory_space<vmem_shared>> -> memref<10000x128xf32, #tpu.memory_space<vmem_shared>>
      tpu.enqueue_indirect_dma source(%dma_start3A_367 : memref<10000x128xf32, #tpu.memory_space<vmem_shared>>) target(%arg8 : memref<32x128xf32, #tpu.memory_space<vmem>>) offsets(%dma_start3A_364 : memref<32xi32, #tpu.memory_space<vmem>>) semaphore(%arg12 : memref<!tpu.dma_semaphore, #tpu.memory_space<semaphore_mem>>)
      %dma_wait3A_368 = arith.constant 1 : i32
      %dma_wait3A_369 = arith.constant 0 : i32
      %dma_wait3A_370 = tpu.memref_slice %arg7[%dma_wait3A_368, %dma_wait3A_369] : memref<8x128xi32, #tpu.memory_space<vmem>> -> memref<1x32xi32, #tpu.memory_space<vmem>>
      %dma_wait3A_371 = tpu.memref_squeeze %dma_wait3A_370 : memref<1x32xi32, #tpu.memory_space<vmem>> -> memref<32xi32, #tpu.memory_space<vmem>>
      %dma_wait3A_372 = arith.constant 0 : i32
      %dma_wait3A_373 = arith.constant 0 : i32
      %dma_wait3A_374 = tpu.memref_slice %arg5[%dma_wait3A_372, %dma_wait3A_373] : memref<10000x128xf32, #tpu.memory_space<vmem_shared>> -> memref<10000x128xf32, #tpu.memory_space<vmem_shared>>
      tpu.wait_indirect_dma semaphore(%arg12 : memref<!tpu.dma_semaphore, #tpu.memory_space<semaphore_mem>>) src(%dma_wait3A_374 : memref<10000x128xf32, #tpu.memory_space<vmem_shared>>) dst(%arg8 : memref<32x128xf32, #tpu.memory_space<vmem>>)
      %get3A_375 = arith.constant 5 : i32
      %get3A_376 = arith.index_cast %get3A_375 : i32 to index
      %get3A_377 = arith.constant 0 : index
      %get3A_378 = tpu.vector_load %arg7[%get3A_376, %get3A_377] {strides = array<i32>} : memref<8x128xi32, #tpu.memory_space<vmem>>, vector<1x16xi32>,
      %get3A_379 = vector.shape_cast %get3A_378 : vector<1x16xi32> to vector<16xi32>
      %shift_right_arithmetic3A_380 = arith.constant 7 : i32
      %shift_right_arithmetic3A_381 = vector.broadcast %shift_right_arithmetic3A_380 : i32 to vector<16xi32>
      %shift_right_arithmetic3A_382 = arith.shrsi %get3A_379, %shift_right_arithmetic3A_381 : vector<16xi32>
      %and3A_383 = arith.constant 1 : i32
      %and3A_384 = vector.broadcast %and3A_383 : i32 to vector<16xi32>
      %and3A_385 = arith.andi %shift_right_arithmetic3A_382, %and3A_384 : vector<16xi32>
      %eq3A_386 = vector.broadcast %arg0 : i32 to vector<16xi32>
      %eq3A_387 = arith.cmpi eq, %and3A_385, %eq3A_386 : vector<16xi32>
      %shift_right_arithmetic3A_388 = arith.constant 8 : i32
      %shift_right_arithmetic3A_389 = vector.broadcast %shift_right_arithmetic3A_388 : i32 to vector<16xi32>
      %shift_right_arithmetic3A_390 = arith.shrsi %get3A_379, %shift_right_arithmetic3A_389 : vector<16xi32>
      %shift_left3A_391 = arith.constant 7 : i32
      %shift_left3A_392 = vector.broadcast %shift_left3A_391 : i32 to vector<16xi32>
      %shift_left3A_393 = arith.shli %shift_right_arithmetic3A_390, %shift_left3A_392 : vector<16xi32>
      %and3A_394 = arith.constant 127 : i32
      %and3A_395 = vector.broadcast %and3A_394 : i32 to vector<16xi32>
      %and3A_396 = arith.andi %get3A_379, %and3A_395 : vector<16xi32>
      %or3A_397 = arith.ori %shift_left3A_393, %and3A_396 : vector<16xi32>
      %select_n3A_398 = arith.select %eq3A_387, %or3A_397, %add3A_35 : vector<16xi1>, vector<16xi32>
      %swap3A_399 = arith.constant 0 : index
      %swap3A_400 = tpu.vector_load %arg10[%swap3A_399] {strides = array<i32>} : memref<32xi32, #tpu.memory_space<vmem>>, vector<16xi32>,
      %swap3A_401 = vector.shape_cast %swap3A_400 : vector<16xi32> to vector<16xi32>
      %swap3A_402 = vector.shape_cast %select_n3A_398 : vector<16xi32> to vector<16xi32>
      tpu.vector_store %arg10[%swap3A_399], %swap3A_402 {strides = array<i32>} : memref<32xi32, #tpu.memory_space<vmem>>, vector<16xi32>,
      %get3A_403 = arith.constant 5 : i32
      %get3A_404 = arith.index_cast %get3A_403 : i32 to index
      %get3A_405 = arith.constant 16 : index
      %get3A_406 = tpu.vector_load %arg7[%get3A_404, %get3A_405] {strides = array<i32>} : memref<8x128xi32, #tpu.memory_space<vmem>>, vector<1x16xi32>,
      %get3A_407 = vector.shape_cast %get3A_406 : vector<1x16xi32> to vector<16xi32>
      %shift_right_arithmetic3A_408 = arith.constant 7 : i32
      %shift_right_arithmetic3A_409 = vector.broadcast %shift_right_arithmetic3A_408 : i32 to vector<16xi32>
      %shift_right_arithmetic3A_410 = arith.shrsi %get3A_407, %shift_right_arithmetic3A_409 : vector<16xi32>
      %and3A_411 = arith.constant 1 : i32
      %and3A_412 = vector.broadcast %and3A_411 : i32 to vector<16xi32>
      %and3A_413 = arith.andi %shift_right_arithmetic3A_410, %and3A_412 : vector<16xi32>
      %eq3A_414 = vector.broadcast %arg0 : i32 to vector<16xi32>
      %eq3A_415 = arith.cmpi eq, %and3A_413, %eq3A_414 : vector<16xi32>
      %shift_right_arithmetic3A_416 = arith.constant 8 : i32
      %shift_right_arithmetic3A_417 = vector.broadcast %shift_right_arithmetic3A_416 : i32 to vector<16xi32>
      %shift_right_arithmetic3A_418 = arith.shrsi %get3A_407, %shift_right_arithmetic3A_417 : vector<16xi32>
      %shift_left3A_419 = arith.constant 7 : i32
      %shift_left3A_420 = vector.broadcast %shift_left3A_419 : i32 to vector<16xi32>
      %shift_left3A_421 = arith.shli %shift_right_arithmetic3A_418, %shift_left3A_420 : vector<16xi32>
      %and3A_422 = arith.constant 127 : i32
      %and3A_423 = vector.broadcast %and3A_422 : i32 to vector<16xi32>
      %and3A_424 = arith.andi %get3A_407, %and3A_423 : vector<16xi32>
      %or3A_425 = arith.ori %shift_left3A_421, %and3A_424 : vector<16xi32>
      %select_n3A_426 = arith.select %eq3A_415, %or3A_425, %add3A_35 : vector<16xi1>, vector<16xi32>
      %swap3A_427 = arith.constant 16 : index
      %swap3A_428 = tpu.vector_load %arg10[%swap3A_427] {strides = array<i32>} : memref<32xi32, #tpu.memory_space<vmem>>, vector<16xi32>,
      %swap3A_429 = vector.shape_cast %swap3A_428 : vector<16xi32> to vector<16xi32>
      %swap3A_430 = vector.shape_cast %select_n3A_426 : vector<16xi32> to vector<16xi32>
      tpu.vector_store %arg10[%swap3A_427], %swap3A_430 {strides = array<i32>} : memref<32xi32, #tpu.memory_space<vmem>>, vector<16xi32>,
      %dma_start3A_431 = arith.constant 0 : i32
      %dma_start3A_432 = arith.constant 0 : i32
      %dma_start3A_433 = tpu.memref_slice %arg6[%dma_start3A_431, %dma_start3A_432] : memref<5120x128xf32, #tpu.memory_space<vmem_shared>> -> memref<5120x128xf32, #tpu.memory_space<vmem_shared>>
      tpu.enqueue_indirect_dma source(%arg8 : memref<32x128xf32, #tpu.memory_space<vmem>>) target(%dma_start3A_433 : memref<5120x128xf32, #tpu.memory_space<vmem_shared>>) offsets(%arg10 : memref<32xi32, #tpu.memory_space<vmem>>) semaphore(%arg12 : memref<!tpu.dma_semaphore, #tpu.memory_space<semaphore_mem>>) {add = true}
      %dma_wait3A_434 = arith.constant 0 : i32
      %dma_wait3A_435 = arith.constant 0 : i32
      %dma_wait3A_436 = tpu.memref_slice %arg6[%dma_wait3A_434, %dma_wait3A_435] : memref<5120x128xf32, #tpu.memory_space<vmem_shared>> -> memref<5120x128xf32, #tpu.memory_space<vmem_shared>>
      tpu.wait_indirect_dma semaphore(%arg13 : memref<!tpu.dma_semaphore, #tpu.memory_space<semaphore_mem>>) src(%arg9 : memref<32x128xf32, #tpu.memory_space<vmem>>) dst(%dma_wait3A_436 : memref<5120x128xf32, #tpu.memory_space<vmem_shared>>)
      %dma_start3A_437 = arith.constant 1 : i32
      %dma_start3A_438 = arith.constant 32 : i32
      %dma_start3A_439 = tpu.memref_slice %arg7[%dma_start3A_437, %dma_start3A_438] : memref<8x128xi32, #tpu.memory_space<vmem>> -> memref<1x32xi32, #tpu.memory_space<vmem>>
      %dma_start3A_440 = tpu.memref_squeeze %dma_start3A_439 : memref<1x32xi32, #tpu.memory_space<vmem>> -> memref<32xi32, #tpu.memory_space<vmem>>
      %dma_start3A_441 = arith.constant 0 : i32
      %dma_start3A_442 = arith.constant 0 : i32
      %dma_start3A_443 = tpu.memref_slice %arg5[%dma_start3A_441, %dma_start3A_442] : memref<10000x128xf32, #tpu.memory_space<vmem_shared>> -> memref<10000x128xf32, #tpu.memory_space<vmem_shared>>
      tpu.enqueue_indirect_dma source(%dma_start3A_443 : memref<10000x128xf32, #tpu.memory_space<vmem_shared>>) target(%arg9 : memref<32x128xf32, #tpu.memory_space<vmem>>) offsets(%dma_start3A_440 : memref<32xi32, #tpu.memory_space<vmem>>) semaphore(%arg13 : memref<!tpu.dma_semaphore, #tpu.memory_space<semaphore_mem>>)
      %dma_wait3A_444 = arith.constant 1 : i32
      %dma_wait3A_445 = arith.constant 32 : i32
      %dma_wait3A_446 = tpu.memref_slice %arg7[%dma_wait3A_444, %dma_wait3A_445] : memref<8x128xi32, #tpu.memory_space<vmem>> -> memref<1x32xi32, #tpu.memory_space<vmem>>
      %dma_wait3A_447 = tpu.memref_squeeze %dma_wait3A_446 : memref<1x32xi32, #tpu.memory_space<vmem>> -> memref<32xi32, #tpu.memory_space<vmem>>
      %dma_wait3A_448 = arith.constant 0 : i32
      %dma_wait3A_449 = arith.constant 0 : i32
      %dma_wait3A_450 = tpu.memref_slice %arg5[%dma_wait3A_448, %dma_wait3A_449] : memref<10000x128xf32, #tpu.memory_space<vmem_shared>> -> memref<10000x128xf32, #tpu.memory_space<vmem_shared>>
      tpu.wait_indirect_dma semaphore(%arg13 : memref<!tpu.dma_semaphore, #tpu.memory_space<semaphore_mem>>) src(%dma_wait3A_450 : memref<10000x128xf32, #tpu.memory_space<vmem_shared>>) dst(%arg9 : memref<32x128xf32, #tpu.memory_space<vmem>>)
      %get3A_451 = arith.constant 5 : i32
      %get3A_452 = arith.index_cast %get3A_451 : i32 to index
      %get3A_453 = arith.constant 32 : index
      %get3A_454 = tpu.vector_load %arg7[%get3A_452, %get3A_453] {strides = array<i32>} : memref<8x128xi32, #tpu.memory_space<vmem>>, vector<1x16xi32>,
      %get3A_455 = vector.shape_cast %get3A_454 : vector<1x16xi32> to vector<16xi32>
      %shift_right_arithmetic3A_456 = arith.constant 7 : i32
      %shift_right_arithmetic3A_457 = vector.broadcast %shift_right_arithmetic3A_456 : i32 to vector<16xi32>
      %shift_right_arithmetic3A_458 = arith.shrsi %get3A_455, %shift_right_arithmetic3A_457 : vector<16xi32>
      %and3A_459 = arith.constant 1 : i32
      %and3A_460 = vector.broadcast %and3A_459 : i32 to vector<16xi32>
      %and3A_461 = arith.andi %shift_right_arithmetic3A_458, %and3A_460 : vector<16xi32>
      %eq3A_462 = vector.broadcast %arg0 : i32 to vector<16xi32>
      %eq3A_463 = arith.cmpi eq, %and3A_461, %eq3A_462 : vector<16xi32>
      %shift_right_arithmetic3A_464 = arith.constant 8 : i32
      %shift_right_arithmetic3A_465 = vector.broadcast %shift_right_arithmetic3A_464 : i32 to vector<16xi32>
      %shift_right_arithmetic3A_466 = arith.shrsi %get3A_455, %shift_right_arithmetic3A_465 : vector<16xi32>
      %shift_left3A_467 = arith.constant 7 : i32
      %shift_left3A_468 = vector.broadcast %shift_left3A_467 : i32 to vector<16xi32>
      %shift_left3A_469 = arith.shli %shift_right_arithmetic3A_466, %shift_left3A_468 : vector<16xi32>
      %and3A_470 = arith.constant 127 : i32
      %and3A_471 = vector.broadcast %and3A_470 : i32 to vector<16xi32>
      %and3A_472 = arith.andi %get3A_455, %and3A_471 : vector<16xi32>
      %or3A_473 = arith.ori %shift_left3A_469, %and3A_472 : vector<16xi32>
      %select_n3A_474 = arith.select %eq3A_463, %or3A_473, %add3A_35 : vector<16xi1>, vector<16xi32>
      %swap3A_475 = arith.constant 0 : index
      %swap3A_476 = tpu.vector_load %arg11[%swap3A_475] {strides = array<i32>} : memref<32xi32, #tpu.memory_space<vmem>>, vector<16xi32>,
      %swap3A_477 = vector.shape_cast %swap3A_476 : vector<16xi32> to vector<16xi32>
      %swap3A_478 = vector.shape_cast %select_n3A_474 : vector<16xi32> to vector<16xi32>
      tpu.vector_store %arg11[%swap3A_475], %swap3A_478 {strides = array<i32>} : memref<32xi32, #tpu.memory_space<vmem>>, vector<16xi32>,
      %get3A_479 = arith.constant 5 : i32
      %get3A_480 = arith.index_cast %get3A_479 : i32 to index
      %get3A_481 = arith.constant 48 : index
      %get3A_482 = tpu.vector_load %arg7[%get3A_480, %get3A_481] {strides = array<i32>} : memref<8x128xi32, #tpu.memory_space<vmem>>, vector<1x16xi32>,
      %get3A_483 = vector.shape_cast %get3A_482 : vector<1x16xi32> to vector<16xi32>
      %shift_right_arithmetic3A_484 = arith.constant 7 : i32
      %shift_right_arithmetic3A_485 = vector.broadcast %shift_right_arithmetic3A_484 : i32 to vector<16xi32>
      %shift_right_arithmetic3A_486 = arith.shrsi %get3A_483, %shift_right_arithmetic3A_485 : vector<16xi32>
      %and3A_487 = arith.constant 1 : i32
      %and3A_488 = vector.broadcast %and3A_487 : i32 to vector<16xi32>
      %and3A_489 = arith.andi %shift_right_arithmetic3A_486, %and3A_488 : vector<16xi32>
      %eq3A_490 = vector.broadcast %arg0 : i32 to vector<16xi32>
      %eq3A_491 = arith.cmpi eq, %and3A_489, %eq3A_490 : vector<16xi32>
      %shift_right_arithmetic3A_492 = arith.constant 8 : i32
      %shift_right_arithmetic3A_493 = vector.broadcast %shift_right_arithmetic3A_492 : i32 to vector<16xi32>
      %shift_right_arithmetic3A_494 = arith.shrsi %get3A_483, %shift_right_arithmetic3A_493 : vector<16xi32>
      %shift_left3A_495 = arith.constant 7 : i32
      %shift_left3A_496 = vector.broadcast %shift_left3A_495 : i32 to vector<16xi32>
      %shift_left3A_497 = arith.shli %shift_right_arithmetic3A_494, %shift_left3A_496 : vector<16xi32>
      %and3A_498 = arith.constant 127 : i32
      %and3A_499 = vector.broadcast %and3A_498 : i32 to vector<16xi32>
      %and3A_500 = arith.andi %get3A_483, %and3A_499 : vector<16xi32>
      %or3A_501 = arith.ori %shift_left3A_497, %and3A_500 : vector<16xi32>
      %select_n3A_502 = arith.select %eq3A_491, %or3A_501, %add3A_35 : vector<16xi1>, vector<16xi32>
      %swap3A_503 = arith.constant 16 : index
      %swap3A_504 = tpu.vector_load %arg11[%swap3A_503] {strides = array<i32>} : memref<32xi32, #tpu.memory_space<vmem>>, vector<16xi32>,
      %swap3A_505 = vector.shape_cast %swap3A_504 : vector<16xi32> to vector<16xi32>
      %swap3A_506 = vector.shape_cast %select_n3A_502 : vector<16xi32> to vector<16xi32>
      tpu.vector_store %arg11[%swap3A_503], %swap3A_506 {strides = array<i32>} : memref<32xi32, #tpu.memory_space<vmem>>, vector<16xi32>,
      %dma_start3A_507 = arith.constant 0 : i32
      %dma_start3A_508 = arith.constant 0 : i32
      %dma_start3A_509 = tpu.memref_slice %arg6[%dma_start3A_507, %dma_start3A_508] : memref<5120x128xf32, #tpu.memory_space<vmem_shared>> -> memref<5120x128xf32, #tpu.memory_space<vmem_shared>>
      tpu.enqueue_indirect_dma source(%arg9 : memref<32x128xf32, #tpu.memory_space<vmem>>) target(%dma_start3A_509 : memref<5120x128xf32, #tpu.memory_space<vmem_shared>>) offsets(%arg11 : memref<32xi32, #tpu.memory_space<vmem>>) semaphore(%arg13 : memref<!tpu.dma_semaphore, #tpu.memory_space<semaphore_mem>>) {add = true}
      %dma_wait3A_510 = arith.constant 0 : i32
      %dma_wait3A_511 = arith.constant 0 : i32
      %dma_wait3A_512 = tpu.memref_slice %arg6[%dma_wait3A_510, %dma_wait3A_511] : memref<5120x128xf32, #tpu.memory_space<vmem_shared>> -> memref<5120x128xf32, #tpu.memory_space<vmem_shared>>
      tpu.wait_indirect_dma semaphore(%arg12 : memref<!tpu.dma_semaphore, #tpu.memory_space<semaphore_mem>>) src(%arg8 : memref<32x128xf32, #tpu.memory_space<vmem>>) dst(%dma_wait3A_512 : memref<5120x128xf32, #tpu.memory_space<vmem_shared>>)
      %dma_start3A_513 = arith.constant 1 : i32
      %dma_start3A_514 = arith.constant 64 : i32
      %dma_start3A_515 = tpu.memref_slice %arg7[%dma_start3A_513, %dma_start3A_514] : memref<8x128xi32, #tpu.memory_space<vmem>> -> memref<1x32xi32, #tpu.memory_space<vmem>>
      %dma_start3A_516 = tpu.memref_squeeze %dma_start3A_515 : memref<1x32xi32, #tpu.memory_space<vmem>> -> memref<32xi32, #tpu.memory_space<vmem>>
      %dma_start3A_517 = arith.constant 0 : i32
      %dma_start3A_518 = arith.constant 0 : i32
      %dma_start3A_519 = tpu.memref_slice %arg5[%dma_start3A_517, %dma_start3A_518] : memref<10000x128xf32, #tpu.memory_space<vmem_shared>> -> memref<10000x128xf32, #tpu.memory_space<vmem_shared>>
      tpu.enqueue_indirect_dma source(%dma_start3A_519 : memref<10000x128xf32, #tpu.memory_space<vmem_shared>>) target(%arg8 : memref<32x128xf32, #tpu.memory_space<vmem>>) offsets(%dma_start3A_516 : memref<32xi32, #tpu.memory_space<vmem>>) semaphore(%arg12 : memref<!tpu.dma_semaphore, #tpu.memory_space<semaphore_mem>>)
      %dma_wait3A_520 = arith.constant 1 : i32
      %dma_wait3A_521 = arith.constant 64 : i32
      %dma_wait3A_522 = tpu.memref_slice %arg7[%dma_wait3A_520, %dma_wait3A_521] : memref<8x128xi32, #tpu.memory_space<vmem>> -> memref<1x32xi32, #tpu.memory_space<vmem>>
      %dma_wait3A_523 = tpu.memref_squeeze %dma_wait3A_522 : memref<1x32xi32, #tpu.memory_space<vmem>> -> memref<32xi32, #tpu.memory_space<vmem>>
      %dma_wait3A_524 = arith.constant 0 : i32
      %dma_wait3A_525 = arith.constant 0 : i32
      %dma_wait3A_526 = tpu.memref_slice %arg5[%dma_wait3A_524, %dma_wait3A_525] : memref<10000x128xf32, #tpu.memory_space<vmem_shared>> -> memref<10000x128xf32, #tpu.memory_space<vmem_shared>>
      tpu.wait_indirect_dma semaphore(%arg12 : memref<!tpu.dma_semaphore, #tpu.memory_space<semaphore_mem>>) src(%dma_wait3A_526 : memref<10000x128xf32, #tpu.memory_space<vmem_shared>>) dst(%arg8 : memref<32x128xf32, #tpu.memory_space<vmem>>)
      %get3A_527 = arith.constant 5 : i32
      %get3A_528 = arith.index_cast %get3A_527 : i32 to index
      %get3A_529 = arith.constant 64 : index
      %get3A_530 = tpu.vector_load %arg7[%get3A_528, %get3A_529] {strides = array<i32>} : memref<8x128xi32, #tpu.memory_space<vmem>>, vector<1x16xi32>,
      %get3A_531 = vector.shape_cast %get3A_530 : vector<1x16xi32> to vector<16xi32>
      %shift_right_arithmetic3A_532 = arith.constant 7 : i32
      %shift_right_arithmetic3A_533 = vector.broadcast %shift_right_arithmetic3A_532 : i32 to vector<16xi32>
      %shift_right_arithmetic3A_534 = arith.shrsi %get3A_531, %shift_right_arithmetic3A_533 : vector<16xi32>
      %and3A_535 = arith.constant 1 : i32
      %and3A_536 = vector.broadcast %and3A_535 : i32 to vector<16xi32>
      %and3A_537 = arith.andi %shift_right_arithmetic3A_534, %and3A_536 : vector<16xi32>
      %eq3A_538 = vector.broadcast %arg0 : i32 to vector<16xi32>
      %eq3A_539 = arith.cmpi eq, %and3A_537, %eq3A_538 : vector<16xi32>
      %shift_right_arithmetic3A_540 = arith.constant 8 : i32
      %shift_right_arithmetic3A_541 = vector.broadcast %shift_right_arithmetic3A_540 : i32 to vector<16xi32>
      %shift_right_arithmetic3A_542 = arith.shrsi %get3A_531, %shift_right_arithmetic3A_541 : vector<16xi32>
      %shift_left3A_543 = arith.constant 7 : i32
      %shift_left3A_544 = vector.broadcast %shift_left3A_543 : i32 to vector<16xi32>
      %shift_left3A_545 = arith.shli %shift_right_arithmetic3A_542, %shift_left3A_544 : vector<16xi32>
      %and3A_546 = arith.constant 127 : i32
      %and3A_547 = vector.broadcast %and3A_546 : i32 to vector<16xi32>
      %and3A_548 = arith.andi %get3A_531, %and3A_547 : vector<16xi32>
      %or3A_549 = arith.ori %shift_left3A_545, %and3A_548 : vector<16xi32>
      %select_n3A_550 = arith.select %eq3A_539, %or3A_549, %add3A_35 : vector<16xi1>, vector<16xi32>
      %swap3A_551 = arith.constant 0 : index
      %swap3A_552 = tpu.vector_load %arg10[%swap3A_551] {strides = array<i32>} : memref<32xi32, #tpu.memory_space<vmem>>, vector<16xi32>,
      %swap3A_553 = vector.shape_cast %swap3A_552 : vector<16xi32> to vector<16xi32>
      %swap3A_554 = vector.shape_cast %select_n3A_550 : vector<16xi32> to vector<16xi32>
      tpu.vector_store %arg10[%swap3A_551], %swap3A_554 {strides = array<i32>} : memref<32xi32, #tpu.memory_space<vmem>>, vector<16xi32>,
      %get3A_555 = arith.constant 5 : i32
      %get3A_556 = arith.index_cast %get3A_555 : i32 to index
      %get3A_557 = arith.constant 80 : index
      %get3A_558 = tpu.vector_load %arg7[%get3A_556, %get3A_557] {strides = array<i32>} : memref<8x128xi32, #tpu.memory_space<vmem>>, vector<1x16xi32>,
      %get3A_559 = vector.shape_cast %get3A_558 : vector<1x16xi32> to vector<16xi32>
      %shift_right_arithmetic3A_560 = arith.constant 7 : i32
      %shift_right_arithmetic3A_561 = vector.broadcast %shift_right_arithmetic3A_560 : i32 to vector<16xi32>
      %shift_right_arithmetic3A_562 = arith.shrsi %get3A_559, %shift_right_arithmetic3A_561 : vector<16xi32>
      %and3A_563 = arith.constant 1 : i32
      %and3A_564 = vector.broadcast %and3A_563 : i32 to vector<16xi32>
      %and3A_565 = arith.andi %shift_right_arithmetic3A_562, %and3A_564 : vector<16xi32>
      %eq3A_566 = vector.broadcast %arg0 : i32 to vector<16xi32>
      %eq3A_567 = arith.cmpi eq, %and3A_565, %eq3A_566 : vector<16xi32>
      %shift_right_arithmetic3A_568 = arith.constant 8 : i32
      %shift_right_arithmetic3A_569 = vector.broadcast %shift_right_arithmetic3A_568 : i32 to vector<16xi32>
      %shift_right_arithmetic3A_570 = arith.shrsi %get3A_559, %shift_right_arithmetic3A_569 : vector<16xi32>
      %shift_left3A_571 = arith.constant 7 : i32
      %shift_left3A_572 = vector.broadcast %shift_left3A_571 : i32 to vector<16xi32>
      %shift_left3A_573 = arith.shli %shift_right_arithmetic3A_570, %shift_left3A_572 : vector<16xi32>
      %and3A_574 = arith.constant 127 : i32
      %and3A_575 = vector.broadcast %and3A_574 : i32 to vector<16xi32>
      %and3A_576 = arith.andi %get3A_559, %and3A_575 : vector<16xi32>
      %or3A_577 = arith.ori %shift_left3A_573, %and3A_576 : vector<16xi32>
      %select_n3A_578 = arith.select %eq3A_567, %or3A_577, %add3A_35 : vector<16xi1>, vector<16xi32>
      %swap3A_579 = arith.constant 16 : index
      %swap3A_580 = tpu.vector_load %arg10[%swap3A_579] {strides = array<i32>} : memref<32xi32, #tpu.memory_space<vmem>>, vector<16xi32>,
      %swap3A_581 = vector.shape_cast %swap3A_580 : vector<16xi32> to vector<16xi32>
      %swap3A_582 = vector.shape_cast %select_n3A_578 : vector<16xi32> to vector<16xi32>
      tpu.vector_store %arg10[%swap3A_579], %swap3A_582 {strides = array<i32>} : memref<32xi32, #tpu.memory_space<vmem>>, vector<16xi32>,
      %dma_start3A_583 = arith.constant 0 : i32
      %dma_start3A_584 = arith.constant 0 : i32
      %dma_start3A_585 = tpu.memref_slice %arg6[%dma_start3A_583, %dma_start3A_584] : memref<5120x128xf32, #tpu.memory_space<vmem_shared>> -> memref<5120x128xf32, #tpu.memory_space<vmem_shared>>
      tpu.enqueue_indirect_dma source(%arg8 : memref<32x128xf32, #tpu.memory_space<vmem>>) target(%dma_start3A_585 : memref<5120x128xf32, #tpu.memory_space<vmem_shared>>) offsets(%arg10 : memref<32xi32, #tpu.memory_space<vmem>>) semaphore(%arg12 : memref<!tpu.dma_semaphore, #tpu.memory_space<semaphore_mem>>) {add = true}
      %dma_wait3A_586 = arith.constant 0 : i32
      %dma_wait3A_587 = arith.constant 0 : i32
      %dma_wait3A_588 = tpu.memref_slice %arg6[%dma_wait3A_586, %dma_wait3A_587] : memref<5120x128xf32, #tpu.memory_space<vmem_shared>> -> memref<5120x128xf32, #tpu.memory_space<vmem_shared>>
      tpu.wait_indirect_dma semaphore(%arg13 : memref<!tpu.dma_semaphore, #tpu.memory_space<semaphore_mem>>) src(%arg9 : memref<32x128xf32, #tpu.memory_space<vmem>>) dst(%dma_wait3A_588 : memref<5120x128xf32, #tpu.memory_space<vmem_shared>>)
      %dma_start3A_589 = arith.constant 1 : i32
      %dma_start3A_590 = arith.constant 96 : i32
      %dma_start3A_591 = tpu.memref_slice %arg7[%dma_start3A_589, %dma_start3A_590] : memref<8x128xi32, #tpu.memory_space<vmem>> -> memref<1x32xi32, #tpu.memory_space<vmem>>
      %dma_start3A_592 = tpu.memref_squeeze %dma_start3A_591 : memref<1x32xi32, #tpu.memory_space<vmem>> -> memref<32xi32, #tpu.memory_space<vmem>>
      %dma_start3A_593 = arith.constant 0 : i32
      %dma_start3A_594 = arith.constant 0 : i32
      %dma_start3A_595 = tpu.memref_slice %arg5[%dma_start3A_593, %dma_start3A_594] : memref<10000x128xf32, #tpu.memory_space<vmem_shared>> -> memref<10000x128xf32, #tpu.memory_space<vmem_shared>>
      tpu.enqueue_indirect_dma source(%dma_start3A_595 : memref<10000x128xf32, #tpu.memory_space<vmem_shared>>) target(%arg9 : memref<32x128xf32, #tpu.memory_space<vmem>>) offsets(%dma_start3A_592 : memref<32xi32, #tpu.memory_space<vmem>>) semaphore(%arg13 : memref<!tpu.dma_semaphore, #tpu.memory_space<semaphore_mem>>)
      %dma_wait3A_596 = arith.constant 1 : i32
      %dma_wait3A_597 = arith.constant 96 : i32
      %dma_wait3A_598 = tpu.memref_slice %arg7[%dma_wait3A_596, %dma_wait3A_597] : memref<8x128xi32, #tpu.memory_space<vmem>> -> memref<1x32xi32, #tpu.memory_space<vmem>>
      %dma_wait3A_599 = tpu.memref_squeeze %dma_wait3A_598 : memref<1x32xi32, #tpu.memory_space<vmem>> -> memref<32xi32, #tpu.memory_space<vmem>>
      %dma_wait3A_600 = arith.constant 0 : i32
      %dma_wait3A_601 = arith.constant 0 : i32
      %dma_wait3A_602 = tpu.memref_slice %arg5[%dma_wait3A_600, %dma_wait3A_601] : memref<10000x128xf32, #tpu.memory_space<vmem_shared>> -> memref<10000x128xf32, #tpu.memory_space<vmem_shared>>
      tpu.wait_indirect_dma semaphore(%arg13 : memref<!tpu.dma_semaphore, #tpu.memory_space<semaphore_mem>>) src(%dma_wait3A_602 : memref<10000x128xf32, #tpu.memory_space<vmem_shared>>) dst(%arg9 : memref<32x128xf32, #tpu.memory_space<vmem>>)
      %get3A_603 = arith.constant 5 : i32
      %get3A_604 = arith.index_cast %get3A_603 : i32 to index
      %get3A_605 = arith.constant 96 : index
      %get3A_606 = tpu.vector_load %arg7[%get3A_604, %get3A_605] {strides = array<i32>} : memref<8x128xi32, #tpu.memory_space<vmem>>, vector<1x16xi32>,
      %get3A_607 = vector.shape_cast %get3A_606 : vector<1x16xi32> to vector<16xi32>
      %shift_right_arithmetic3A_608 = arith.constant 7 : i32
      %shift_right_arithmetic3A_609 = vector.broadcast %shift_right_arithmetic3A_608 : i32 to vector<16xi32>
      %shift_right_arithmetic3A_610 = arith.shrsi %get3A_607, %shift_right_arithmetic3A_609 : vector<16xi32>
      %and3A_611 = arith.constant 1 : i32
      %and3A_612 = vector.broadcast %and3A_611 : i32 to vector<16xi32>
      %and3A_613 = arith.andi %shift_right_arithmetic3A_610, %and3A_612 : vector<16xi32>
      %eq3A_614 = vector.broadcast %arg0 : i32 to vector<16xi32>
      %eq3A_615 = arith.cmpi eq, %and3A_613, %eq3A_614 : vector<16xi32>
      %shift_right_arithmetic3A_616 = arith.constant 8 : i32
      %shift_right_arithmetic3A_617 = vector.broadcast %shift_right_arithmetic3A_616 : i32 to vector<16xi32>
      %shift_right_arithmetic3A_618 = arith.shrsi %get3A_607, %shift_right_arithmetic3A_617 : vector<16xi32>
      %shift_left3A_619 = arith.constant 7 : i32
      %shift_left3A_620 = vector.broadcast %shift_left3A_619 : i32 to vector<16xi32>
      %shift_left3A_621 = arith.shli %shift_right_arithmetic3A_618, %shift_left3A_620 : vector<16xi32>
      %and3A_622 = arith.constant 127 : i32
      %and3A_623 = vector.broadcast %and3A_622 : i32 to vector<16xi32>
      %and3A_624 = arith.andi %get3A_607, %and3A_623 : vector<16xi32>
      %or3A_625 = arith.ori %shift_left3A_621, %and3A_624 : vector<16xi32>
      %select_n3A_626 = arith.select %eq3A_615, %or3A_625, %add3A_35 : vector<16xi1>, vector<16xi32>
      %swap3A_627 = arith.constant 0 : index
      %swap3A_628 = tpu.vector_load %arg11[%swap3A_627] {strides = array<i32>} : memref<32xi32, #tpu.memory_space<vmem>>, vector<16xi32>,
      %swap3A_629 = vector.shape_cast %swap3A_628 : vector<16xi32> to vector<16xi32>
      %swap3A_630 = vector.shape_cast %select_n3A_626 : vector<16xi32> to vector<16xi32>
      tpu.vector_store %arg11[%swap3A_627], %swap3A_630 {strides = array<i32>} : memref<32xi32, #tpu.memory_space<vmem>>, vector<16xi32>,
      %get3A_631 = arith.constant 5 : i32
      %get3A_632 = arith.index_cast %get3A_631 : i32 to index
      %get3A_633 = arith.constant 112 : index
      %get3A_634 = tpu.vector_load %arg7[%get3A_632, %get3A_633] {strides = array<i32>} : memref<8x128xi32, #tpu.memory_space<vmem>>, vector<1x16xi32>,
      %get3A_635 = vector.shape_cast %get3A_634 : vector<1x16xi32> to vector<16xi32>
      %shift_right_arithmetic3A_636 = arith.constant 7 : i32
      %shift_right_arithmetic3A_637 = vector.broadcast %shift_right_arithmetic3A_636 : i32 to vector<16xi32>
      %shift_right_arithmetic3A_638 = arith.shrsi %get3A_635, %shift_right_arithmetic3A_637 : vector<16xi32>
      %and3A_639 = arith.constant 1 : i32
      %and3A_640 = vector.broadcast %and3A_639 : i32 to vector<16xi32>
      %and3A_641 = arith.andi %shift_right_arithmetic3A_638, %and3A_640 : vector<16xi32>
      %eq3A_642 = vector.broadcast %arg0 : i32 to vector<16xi32>
      %eq3A_643 = arith.cmpi eq, %and3A_641, %eq3A_642 : vector<16xi32>
      %shift_right_arithmetic3A_644 = arith.constant 8 : i32
      %shift_right_arithmetic3A_645 = vector.broadcast %shift_right_arithmetic3A_644 : i32 to vector<16xi32>
      %shift_right_arithmetic3A_646 = arith.shrsi %get3A_635, %shift_right_arithmetic3A_645 : vector<16xi32>
      %shift_left3A_647 = arith.constant 7 : i32
      %shift_left3A_648 = vector.broadcast %shift_left3A_647 : i32 to vector<16xi32>
      %shift_left3A_649 = arith.shli %shift_right_arithmetic3A_646, %shift_left3A_648 : vector<16xi32>
      %and3A_650 = arith.constant 127 : i32
      %and3A_651 = vector.broadcast %and3A_650 : i32 to vector<16xi32>
      %and3A_652 = arith.andi %get3A_635, %and3A_651 : vector<16xi32>
      %or3A_653 = arith.ori %shift_left3A_649, %and3A_652 : vector<16xi32>
      %select_n3A_654 = arith.select %eq3A_643, %or3A_653, %add3A_35 : vector<16xi1>, vector<16xi32>
      %swap3A_655 = arith.constant 16 : index
      %swap3A_656 = tpu.vector_load %arg11[%swap3A_655] {strides = array<i32>} : memref<32xi32, #tpu.memory_space<vmem>>, vector<16xi32>,
      %swap3A_657 = vector.shape_cast %swap3A_656 : vector<16xi32> to vector<16xi32>
      %swap3A_658 = vector.shape_cast %select_n3A_654 : vector<16xi32> to vector<16xi32>
      tpu.vector_store %arg11[%swap3A_655], %swap3A_658 {strides = array<i32>} : memref<32xi32, #tpu.memory_space<vmem>>, vector<16xi32>,
      %dma_start3A_659 = arith.constant 0 : i32
      %dma_start3A_660 = arith.constant 0 : i32
      %dma_start3A_661 = tpu.memref_slice %arg6[%dma_start3A_659, %dma_start3A_660] : memref<5120x128xf32, #tpu.memory_space<vmem_shared>> -> memref<5120x128xf32, #tpu.memory_space<vmem_shared>>
      tpu.enqueue_indirect_dma source(%arg9 : memref<32x128xf32, #tpu.memory_space<vmem>>) target(%dma_start3A_661 : memref<5120x128xf32, #tpu.memory_space<vmem_shared>>) offsets(%arg11 : memref<32xi32, #tpu.memory_space<vmem>>) semaphore(%arg13 : memref<!tpu.dma_semaphore, #tpu.memory_space<semaphore_mem>>) {add = true}
      %dma_wait3A_662 = arith.constant 0 : i32
      %dma_wait3A_663 = arith.constant 0 : i32
      %dma_wait3A_664 = tpu.memref_slice %arg6[%dma_wait3A_662, %dma_wait3A_663] : memref<5120x128xf32, #tpu.memory_space<vmem_shared>> -> memref<5120x128xf32, #tpu.memory_space<vmem_shared>>
      tpu.wait_indirect_dma semaphore(%arg12 : memref<!tpu.dma_semaphore, #tpu.memory_space<semaphore_mem>>) src(%arg8 : memref<32x128xf32, #tpu.memory_space<vmem>>) dst(%dma_wait3A_664 : memref<5120x128xf32, #tpu.memory_space<vmem_shared>>)
      %dma_start3A_665 = arith.constant 2 : i32
      %dma_start3A_666 = arith.constant 0 : i32
      %dma_start3A_667 = tpu.memref_slice %arg7[%dma_start3A_665, %dma_start3A_666] : memref<8x128xi32, #tpu.memory_space<vmem>> -> memref<1x32xi32, #tpu.memory_space<vmem>>
      %dma_start3A_668 = tpu.memref_squeeze %dma_start3A_667 : memref<1x32xi32, #tpu.memory_space<vmem>> -> memref<32xi32, #tpu.memory_space<vmem>>
      %dma_start3A_669 = arith.constant 0 : i32
      %dma_start3A_670 = arith.constant 0 : i32
      %dma_start3A_671 = tpu.memref_slice %arg5[%dma_start3A_669, %dma_start3A_670] : memref<10000x128xf32, #tpu.memory_space<vmem_shared>> -> memref<10000x128xf32, #tpu.memory_space<vmem_shared>>
      tpu.enqueue_indirect_dma source(%dma_start3A_671 : memref<10000x128xf32, #tpu.memory_space<vmem_shared>>) target(%arg8 : memref<32x128xf32, #tpu.memory_space<vmem>>) offsets(%dma_start3A_668 : memref<32xi32, #tpu.memory_space<vmem>>) semaphore(%arg12 : memref<!tpu.dma_semaphore, #tpu.memory_space<semaphore_mem>>)
      %dma_wait3A_672 = arith.constant 2 : i32
      %dma_wait3A_673 = arith.constant 0 : i32
      %dma_wait3A_674 = tpu.memref_slice %arg7[%dma_wait3A_672, %dma_wait3A_673] : memref<8x128xi32, #tpu.memory_space<vmem>> -> memref<1x32xi32, #tpu.memory_space<vmem>>
      %dma_wait3A_675 = tpu.memref_squeeze %dma_wait3A_674 : memref<1x32xi32, #tpu.memory_space<vmem>> -> memref<32xi32, #tpu.memory_space<vmem>>
      %dma_wait3A_676 = arith.constant 0 : i32
      %dma_wait3A_677 = arith.constant 0 : i32
      %dma_wait3A_678 = tpu.memref_slice %arg5[%dma_wait3A_676, %dma_wait3A_677] : memref<10000x128xf32, #tpu.memory_space<vmem_shared>> -> memref<10000x128xf32, #tpu.memory_space<vmem_shared>>
      tpu.wait_indirect_dma semaphore(%arg12 : memref<!tpu.dma_semaphore, #tpu.memory_space<semaphore_mem>>) src(%dma_wait3A_678 : memref<10000x128xf32, #tpu.memory_space<vmem_shared>>) dst(%arg8 : memref<32x128xf32, #tpu.memory_space<vmem>>)
      %get3A_679 = arith.constant 6 : i32
      %get3A_680 = arith.index_cast %get3A_679 : i32 to index
      %get3A_681 = arith.constant 0 : index
      %get3A_682 = tpu.vector_load %arg7[%get3A_680, %get3A_681] {strides = array<i32>} : memref<8x128xi32, #tpu.memory_space<vmem>>, vector<1x16xi32>,
      %get3A_683 = vector.shape_cast %get3A_682 : vector<1x16xi32> to vector<16xi32>
      %shift_right_arithmetic3A_684 = arith.constant 7 : i32
      %shift_right_arithmetic3A_685 = vector.broadcast %shift_right_arithmetic3A_684 : i32 to vector<16xi32>
      %shift_right_arithmetic3A_686 = arith.shrsi %get3A_683, %shift_right_arithmetic3A_685 : vector<16xi32>
      %and3A_687 = arith.constant 1 : i32
      %and3A_688 = vector.broadcast %and3A_687 : i32 to vector<16xi32>
      %and3A_689 = arith.andi %shift_right_arithmetic3A_686, %and3A_688 : vector<16xi32>
      %eq3A_690 = vector.broadcast %arg0 : i32 to vector<16xi32>
      %eq3A_691 = arith.cmpi eq, %and3A_689, %eq3A_690 : vector<16xi32>
      %shift_right_arithmetic3A_692 = arith.constant 8 : i32
      %shift_right_arithmetic3A_693 = vector.broadcast %shift_right_arithmetic3A_692 : i32 to vector<16xi32>
      %shift_right_arithmetic3A_694 = arith.shrsi %get3A_683, %shift_right_arithmetic3A_693 : vector<16xi32>
      %shift_left3A_695 = arith.constant 7 : i32
      %shift_left3A_696 = vector.broadcast %shift_left3A_695 : i32 to vector<16xi32>
      %shift_left3A_697 = arith.shli %shift_right_arithmetic3A_694, %shift_left3A_696 : vector<16xi32>
      %and3A_698 = arith.constant 127 : i32
      %and3A_699 = vector.broadcast %and3A_698 : i32 to vector<16xi32>
      %and3A_700 = arith.andi %get3A_683, %and3A_699 : vector<16xi32>
      %or3A_701 = arith.ori %shift_left3A_697, %and3A_700 : vector<16xi32>
      %select_n3A_702 = arith.select %eq3A_691, %or3A_701, %add3A_35 : vector<16xi1>, vector<16xi32>
      %swap3A_703 = arith.constant 0 : index
      %swap3A_704 = tpu.vector_load %arg10[%swap3A_703] {strides = array<i32>} : memref<32xi32, #tpu.memory_space<vmem>>, vector<16xi32>,
      %swap3A_705 = vector.shape_cast %swap3A_704 : vector<16xi32> to vector<16xi32>
      %swap3A_706 = vector.shape_cast %select_n3A_702 : vector<16xi32> to vector<16xi32>
      tpu.vector_store %arg10[%swap3A_703], %swap3A_706 {strides = array<i32>} : memref<32xi32, #tpu.memory_space<vmem>>, vector<16xi32>,
      %get3A_707 = arith.constant 6 : i32
      %get3A_708 = arith.index_cast %get3A_707 : i32 to index
      %get3A_709 = arith.constant 16 : index
      %get3A_710 = tpu.vector_load %arg7[%get3A_708, %get3A_709] {strides = array<i32>} : memref<8x128xi32, #tpu.memory_space<vmem>>, vector<1x16xi32>,
      %get3A_711 = vector.shape_cast %get3A_710 : vector<1x16xi32> to vector<16xi32>
      %shift_right_arithmetic3A_712 = arith.constant 7 : i32
      %shift_right_arithmetic3A_713 = vector.broadcast %shift_right_arithmetic3A_712 : i32 to vector<16xi32>
      %shift_right_arithmetic3A_714 = arith.shrsi %get3A_711, %shift_right_arithmetic3A_713 : vector<16xi32>
      %and3A_715 = arith.constant 1 : i32
      %and3A_716 = vector.broadcast %and3A_715 : i32 to vector<16xi32>
      %and3A_717 = arith.andi %shift_right_arithmetic3A_714, %and3A_716 : vector<16xi32>
      %eq3A_718 = vector.broadcast %arg0 : i32 to vector<16xi32>
      %eq3A_719 = arith.cmpi eq, %and3A_717, %eq3A_718 : vector<16xi32>
      %shift_right_arithmetic3A_720 = arith.constant 8 : i32
      %shift_right_arithmetic3A_721 = vector.broadcast %shift_right_arithmetic3A_720 : i32 to vector<16xi32>
      %shift_right_arithmetic3A_722 = arith.shrsi %get3A_711, %shift_right_arithmetic3A_721 : vector<16xi32>
      %shift_left3A_723 = arith.constant 7 : i32
      %shift_left3A_724 = vector.broadcast %shift_left3A_723 : i32 to vector<16xi32>
      %shift_left3A_725 = arith.shli %shift_right_arithmetic3A_722, %shift_left3A_724 : vector<16xi32>
      %and3A_726 = arith.constant 127 : i32
      %and3A_727 = vector.broadcast %and3A_726 : i32 to vector<16xi32>
      %and3A_728 = arith.andi %get3A_711, %and3A_727 : vector<16xi32>
      %or3A_729 = arith.ori %shift_left3A_725, %and3A_728 : vector<16xi32>
      %select_n3A_730 = arith.select %eq3A_719, %or3A_729, %add3A_35 : vector<16xi1>, vector<16xi32>
      %swap3A_731 = arith.constant 16 : index
      %swap3A_732 = tpu.vector_load %arg10[%swap3A_731] {strides = array<i32>} : memref<32xi32, #tpu.memory_space<vmem>>, vector<16xi32>,
      %swap3A_733 = vector.shape_cast %swap3A_732 : vector<16xi32> to vector<16xi32>
      %swap3A_734 = vector.shape_cast %select_n3A_730 : vector<16xi32> to vector<16xi32>
      tpu.vector_store %arg10[%swap3A_731], %swap3A_734 {strides = array<i32>} : memref<32xi32, #tpu.memory_space<vmem>>, vector<16xi32>,
      %dma_start3A_735 = arith.constant 0 : i32
      %dma_start3A_736 = arith.constant 0 : i32
      %dma_start3A_737 = tpu.memref_slice %arg6[%dma_start3A_735, %dma_start3A_736] : memref<5120x128xf32, #tpu.memory_space<vmem_shared>> -> memref<5120x128xf32, #tpu.memory_space<vmem_shared>>
      tpu.enqueue_indirect_dma source(%arg8 : memref<32x128xf32, #tpu.memory_space<vmem>>) target(%dma_start3A_737 : memref<5120x128xf32, #tpu.memory_space<vmem_shared>>) offsets(%arg10 : memref<32xi32, #tpu.memory_space<vmem>>) semaphore(%arg12 : memref<!tpu.dma_semaphore, #tpu.memory_space<semaphore_mem>>) {add = true}
      %dma_wait3A_738 = arith.constant 0 : i32
      %dma_wait3A_739 = arith.constant 0 : i32
      %dma_wait3A_740 = tpu.memref_slice %arg6[%dma_wait3A_738, %dma_wait3A_739] : memref<5120x128xf32, #tpu.memory_space<vmem_shared>> -> memref<5120x128xf32, #tpu.memory_space<vmem_shared>>
      tpu.wait_indirect_dma semaphore(%arg13 : memref<!tpu.dma_semaphore, #tpu.memory_space<semaphore_mem>>) src(%arg9 : memref<32x128xf32, #tpu.memory_space<vmem>>) dst(%dma_wait3A_740 : memref<5120x128xf32, #tpu.memory_space<vmem_shared>>)
      %dma_start3A_741 = arith.constant 2 : i32
      %dma_start3A_742 = arith.constant 32 : i32
      %dma_start3A_743 = tpu.memref_slice %arg7[%dma_start3A_741, %dma_start3A_742] : memref<8x128xi32, #tpu.memory_space<vmem>> -> memref<1x32xi32, #tpu.memory_space<vmem>>
      %dma_start3A_744 = tpu.memref_squeeze %dma_start3A_743 : memref<1x32xi32, #tpu.memory_space<vmem>> -> memref<32xi32, #tpu.memory_space<vmem>>
      %dma_start3A_745 = arith.constant 0 : i32
      %dma_start3A_746 = arith.constant 0 : i32
      %dma_start3A_747 = tpu.memref_slice %arg5[%dma_start3A_745, %dma_start3A_746] : memref<10000x128xf32, #tpu.memory_space<vmem_shared>> -> memref<10000x128xf32, #tpu.memory_space<vmem_shared>>
      tpu.enqueue_indirect_dma source(%dma_start3A_747 : memref<10000x128xf32, #tpu.memory_space<vmem_shared>>) target(%arg9 : memref<32x128xf32, #tpu.memory_space<vmem>>) offsets(%dma_start3A_744 : memref<32xi32, #tpu.memory_space<vmem>>) semaphore(%arg13 : memref<!tpu.dma_semaphore, #tpu.memory_space<semaphore_mem>>)
      %dma_wait3A_748 = arith.constant 2 : i32
      %dma_wait3A_749 = arith.constant 32 : i32
      %dma_wait3A_750 = tpu.memref_slice %arg7[%dma_wait3A_748, %dma_wait3A_749] : memref<8x128xi32, #tpu.memory_space<vmem>> -> memref<1x32xi32, #tpu.memory_space<vmem>>
      %dma_wait3A_751 = tpu.memref_squeeze %dma_wait3A_750 : memref<1x32xi32, #tpu.memory_space<vmem>> -> memref<32xi32, #tpu.memory_space<vmem>>
      %dma_wait3A_752 = arith.constant 0 : i32
      %dma_wait3A_753 = arith.constant 0 : i32
      %dma_wait3A_754 = tpu.memref_slice %arg5[%dma_wait3A_752, %dma_wait3A_753] : memref<10000x128xf32, #tpu.memory_space<vmem_shared>> -> memref<10000x128xf32, #tpu.memory_space<vmem_shared>>
      tpu.wait_indirect_dma semaphore(%arg13 : memref<!tpu.dma_semaphore, #tpu.memory_space<semaphore_mem>>) src(%dma_wait3A_754 : memref<10000x128xf32, #tpu.memory_space<vmem_shared>>) dst(%arg9 : memref<32x128xf32, #tpu.memory_space<vmem>>)
      %get3A_755 = arith.constant 6 : i32
      %get3A_756 = arith.index_cast %get3A_755 : i32 to index
      %get3A_757 = arith.constant 32 : index
      %get3A_758 = tpu.vector_load %arg7[%get3A_756, %get3A_757] {strides = array<i32>} : memref<8x128xi32, #tpu.memory_space<vmem>>, vector<1x16xi32>,
      %get3A_759 = vector.shape_cast %get3A_758 : vector<1x16xi32> to vector<16xi32>
      %shift_right_arithmetic3A_760 = arith.constant 7 : i32
      %shift_right_arithmetic3A_761 = vector.broadcast %shift_right_arithmetic3A_760 : i32 to vector<16xi32>
      %shift_right_arithmetic3A_762 = arith.shrsi %get3A_759, %shift_right_arithmetic3A_761 : vector<16xi32>
      %and3A_763 = arith.constant 1 : i32
      %and3A_764 = vector.broadcast %and3A_763 : i32 to vector<16xi32>
      %and3A_765 = arith.andi %shift_right_arithmetic3A_762, %and3A_764 : vector<16xi32>
      %eq3A_766 = vector.broadcast %arg0 : i32 to vector<16xi32>
      %eq3A_767 = arith.cmpi eq, %and3A_765, %eq3A_766 : vector<16xi32>
      %shift_right_arithmetic3A_768 = arith.constant 8 : i32
      %shift_right_arithmetic3A_769 = vector.broadcast %shift_right_arithmetic3A_768 : i32 to vector<16xi32>
      %shift_right_arithmetic3A_770 = arith.shrsi %get3A_759, %shift_right_arithmetic3A_769 : vector<16xi32>
      %shift_left3A_771 = arith.constant 7 : i32
      %shift_left3A_772 = vector.broadcast %shift_left3A_771 : i32 to vector<16xi32>
      %shift_left3A_773 = arith.shli %shift_right_arithmetic3A_770, %shift_left3A_772 : vector<16xi32>
      %and3A_774 = arith.constant 127 : i32
      %and3A_775 = vector.broadcast %and3A_774 : i32 to vector<16xi32>
      %and3A_776 = arith.andi %get3A_759, %and3A_775 : vector<16xi32>
      %or3A_777 = arith.ori %shift_left3A_773, %and3A_776 : vector<16xi32>
      %select_n3A_778 = arith.select %eq3A_767, %or3A_777, %add3A_35 : vector<16xi1>, vector<16xi32>
      %swap3A_779 = arith.constant 0 : index
      %swap3A_780 = tpu.vector_load %arg11[%swap3A_779] {strides = array<i32>} : memref<32xi32, #tpu.memory_space<vmem>>, vector<16xi32>,
      %swap3A_781 = vector.shape_cast %swap3A_780 : vector<16xi32> to vector<16xi32>
      %swap3A_782 = vector.shape_cast %select_n3A_778 : vector<16xi32> to vector<16xi32>
      tpu.vector_store %arg11[%swap3A_779], %swap3A_782 {strides = array<i32>} : memref<32xi32, #tpu.memory_space<vmem>>, vector<16xi32>,
      %get3A_783 = arith.constant 6 : i32
      %get3A_784 = arith.index_cast %get3A_783 : i32 to index
      %get3A_785 = arith.constant 48 : index
      %get3A_786 = tpu.vector_load %arg7[%get3A_784, %get3A_785] {strides = array<i32>} : memref<8x128xi32, #tpu.memory_space<vmem>>, vector<1x16xi32>,
      %get3A_787 = vector.shape_cast %get3A_786 : vector<1x16xi32> to vector<16xi32>
      %shift_right_arithmetic3A_788 = arith.constant 7 : i32
      %shift_right_arithmetic3A_789 = vector.broadcast %shift_right_arithmetic3A_788 : i32 to vector<16xi32>
      %shift_right_arithmetic3A_790 = arith.shrsi %get3A_787, %shift_right_arithmetic3A_789 : vector<16xi32>
      %and3A_791 = arith.constant 1 : i32
      %and3A_792 = vector.broadcast %and3A_791 : i32 to vector<16xi32>
      %and3A_793 = arith.andi %shift_right_arithmetic3A_790, %and3A_792 : vector<16xi32>
      %eq3A_794 = vector.broadcast %arg0 : i32 to vector<16xi32>
      %eq3A_795 = arith.cmpi eq, %and3A_793, %eq3A_794 : vector<16xi32>
      %shift_right_arithmetic3A_796 = arith.constant 8 : i32
      %shift_right_arithmetic3A_797 = vector.broadcast %shift_right_arithmetic3A_796 : i32 to vector<16xi32>
      %shift_right_arithmetic3A_798 = arith.shrsi %get3A_787, %shift_right_arithmetic3A_797 : vector<16xi32>
      %shift_left3A_799 = arith.constant 7 : i32
      %shift_left3A_800 = vector.broadcast %shift_left3A_799 : i32 to vector<16xi32>
      %shift_left3A_801 = arith.shli %shift_right_arithmetic3A_798, %shift_left3A_800 : vector<16xi32>
      %and3A_802 = arith.constant 127 : i32
      %and3A_803 = vector.broadcast %and3A_802 : i32 to vector<16xi32>
      %and3A_804 = arith.andi %get3A_787, %and3A_803 : vector<16xi32>
      %or3A_805 = arith.ori %shift_left3A_801, %and3A_804 : vector<16xi32>
      %select_n3A_806 = arith.select %eq3A_795, %or3A_805, %add3A_35 : vector<16xi1>, vector<16xi32>
      %swap3A_807 = arith.constant 16 : index
      %swap3A_808 = tpu.vector_load %arg11[%swap3A_807] {strides = array<i32>} : memref<32xi32, #tpu.memory_space<vmem>>, vector<16xi32>,
      %swap3A_809 = vector.shape_cast %swap3A_808 : vector<16xi32> to vector<16xi32>
      %swap3A_810 = vector.shape_cast %select_n3A_806 : vector<16xi32> to vector<16xi32>
      tpu.vector_store %arg11[%swap3A_807], %swap3A_810 {strides = array<i32>} : memref<32xi32, #tpu.memory_space<vmem>>, vector<16xi32>,
      %dma_start3A_811 = arith.constant 0 : i32
      %dma_start3A_812 = arith.constant 0 : i32
      %dma_start3A_813 = tpu.memref_slice %arg6[%dma_start3A_811, %dma_start3A_812] : memref<5120x128xf32, #tpu.memory_space<vmem_shared>> -> memref<5120x128xf32, #tpu.memory_space<vmem_shared>>
      tpu.enqueue_indirect_dma source(%arg9 : memref<32x128xf32, #tpu.memory_space<vmem>>) target(%dma_start3A_813 : memref<5120x128xf32, #tpu.memory_space<vmem_shared>>) offsets(%arg11 : memref<32xi32, #tpu.memory_space<vmem>>) semaphore(%arg13 : memref<!tpu.dma_semaphore, #tpu.memory_space<semaphore_mem>>) {add = true}
      %dma_wait3A_814 = arith.constant 0 : i32
      %dma_wait3A_815 = arith.constant 0 : i32
      %dma_wait3A_816 = tpu.memref_slice %arg6[%dma_wait3A_814, %dma_wait3A_815] : memref<5120x128xf32, #tpu.memory_space<vmem_shared>> -> memref<5120x128xf32, #tpu.memory_space<vmem_shared>>
      tpu.wait_indirect_dma semaphore(%arg12 : memref<!tpu.dma_semaphore, #tpu.memory_space<semaphore_mem>>) src(%arg8 : memref<32x128xf32, #tpu.memory_space<vmem>>) dst(%dma_wait3A_816 : memref<5120x128xf32, #tpu.memory_space<vmem_shared>>)
      %dma_start3A_817 = arith.constant 2 : i32
      %dma_start3A_818 = arith.constant 64 : i32
      %dma_start3A_819 = tpu.memref_slice %arg7[%dma_start3A_817, %dma_start3A_818] : memref<8x128xi32, #tpu.memory_space<vmem>> -> memref<1x32xi32, #tpu.memory_space<vmem>>
      %dma_start3A_820 = tpu.memref_squeeze %dma_start3A_819 : memref<1x32xi32, #tpu.memory_space<vmem>> -> memref<32xi32, #tpu.memory_space<vmem>>
      %dma_start3A_821 = arith.constant 0 : i32
      %dma_start3A_822 = arith.constant 0 : i32
      %dma_start3A_823 = tpu.memref_slice %arg5[%dma_start3A_821, %dma_start3A_822] : memref<10000x128xf32, #tpu.memory_space<vmem_shared>> -> memref<10000x128xf32, #tpu.memory_space<vmem_shared>>
      tpu.enqueue_indirect_dma source(%dma_start3A_823 : memref<10000x128xf32, #tpu.memory_space<vmem_shared>>) target(%arg8 : memref<32x128xf32, #tpu.memory_space<vmem>>) offsets(%dma_start3A_820 : memref<32xi32, #tpu.memory_space<vmem>>) semaphore(%arg12 : memref<!tpu.dma_semaphore, #tpu.memory_space<semaphore_mem>>)
      %dma_wait3A_824 = arith.constant 2 : i32
      %dma_wait3A_825 = arith.constant 64 : i32
      %dma_wait3A_826 = tpu.memref_slice %arg7[%dma_wait3A_824, %dma_wait3A_825] : memref<8x128xi32, #tpu.memory_space<vmem>> -> memref<1x32xi32, #tpu.memory_space<vmem>>
      %dma_wait3A_827 = tpu.memref_squeeze %dma_wait3A_826 : memref<1x32xi32, #tpu.memory_space<vmem>> -> memref<32xi32, #tpu.memory_space<vmem>>
      %dma_wait3A_828 = arith.constant 0 : i32
      %dma_wait3A_829 = arith.constant 0 : i32
      %dma_wait3A_830 = tpu.memref_slice %arg5[%dma_wait3A_828, %dma_wait3A_829] : memref<10000x128xf32, #tpu.memory_space<vmem_shared>> -> memref<10000x128xf32, #tpu.memory_space<vmem_shared>>
      tpu.wait_indirect_dma semaphore(%arg12 : memref<!tpu.dma_semaphore, #tpu.memory_space<semaphore_mem>>) src(%dma_wait3A_830 : memref<10000x128xf32, #tpu.memory_space<vmem_shared>>) dst(%arg8 : memref<32x128xf32, #tpu.memory_space<vmem>>)
      %get3A_831 = arith.constant 6 : i32
      %get3A_832 = arith.index_cast %get3A_831 : i32 to index
      %get3A_833 = arith.constant 64 : index
      %get3A_834 = tpu.vector_load %arg7[%get3A_832, %get3A_833] {strides = array<i32>} : memref<8x128xi32, #tpu.memory_space<vmem>>, vector<1x16xi32>,
      %get3A_835 = vector.shape_cast %get3A_834 : vector<1x16xi32> to vector<16xi32>
      %shift_right_arithmetic3A_836 = arith.constant 7 : i32
      %shift_right_arithmetic3A_837 = vector.broadcast %shift_right_arithmetic3A_836 : i32 to vector<16xi32>
      %shift_right_arithmetic3A_838 = arith.shrsi %get3A_835, %shift_right_arithmetic3A_837 : vector<16xi32>
      %and3A_839 = arith.constant 1 : i32
      %and3A_840 = vector.broadcast %and3A_839 : i32 to vector<16xi32>
      %and3A_841 = arith.andi %shift_right_arithmetic3A_838, %and3A_840 : vector<16xi32>
      %eq3A_842 = vector.broadcast %arg0 : i32 to vector<16xi32>
      %eq3A_843 = arith.cmpi eq, %and3A_841, %eq3A_842 : vector<16xi32>
      %shift_right_arithmetic3A_844 = arith.constant 8 : i32
      %shift_right_arithmetic3A_845 = vector.broadcast %shift_right_arithmetic3A_844 : i32 to vector<16xi32>
      %shift_right_arithmetic3A_846 = arith.shrsi %get3A_835, %shift_right_arithmetic3A_845 : vector<16xi32>
      %shift_left3A_847 = arith.constant 7 : i32
      %shift_left3A_848 = vector.broadcast %shift_left3A_847 : i32 to vector<16xi32>
      %shift_left3A_849 = arith.shli %shift_right_arithmetic3A_846, %shift_left3A_848 : vector<16xi32>
      %and3A_850 = arith.constant 127 : i32
      %and3A_851 = vector.broadcast %and3A_850 : i32 to vector<16xi32>
      %and3A_852 = arith.andi %get3A_835, %and3A_851 : vector<16xi32>
      %or3A_853 = arith.ori %shift_left3A_849, %and3A_852 : vector<16xi32>
      %select_n3A_854 = arith.select %eq3A_843, %or3A_853, %add3A_35 : vector<16xi1>, vector<16xi32>
      %swap3A_855 = arith.constant 0 : index
      %swap3A_856 = tpu.vector_load %arg10[%swap3A_855] {strides = array<i32>} : memref<32xi32, #tpu.memory_space<vmem>>, vector<16xi32>,
      %swap3A_857 = vector.shape_cast %swap3A_856 : vector<16xi32> to vector<16xi32>
      %swap3A_858 = vector.shape_cast %select_n3A_854 : vector<16xi32> to vector<16xi32>
      tpu.vector_store %arg10[%swap3A_855], %swap3A_858 {strides = array<i32>} : memref<32xi32, #tpu.memory_space<vmem>>, vector<16xi32>,
      %get3A_859 = arith.constant 6 : i32
      %get3A_860 = arith.index_cast %get3A_859 : i32 to index
      %get3A_861 = arith.constant 80 : index
      %get3A_862 = tpu.vector_load %arg7[%get3A_860, %get3A_861] {strides = array<i32>} : memref<8x128xi32, #tpu.memory_space<vmem>>, vector<1x16xi32>,
      %get3A_863 = vector.shape_cast %get3A_862 : vector<1x16xi32> to vector<16xi32>
      %shift_right_arithmetic3A_864 = arith.constant 7 : i32
      %shift_right_arithmetic3A_865 = vector.broadcast %shift_right_arithmetic3A_864 : i32 to vector<16xi32>
      %shift_right_arithmetic3A_866 = arith.shrsi %get3A_863, %shift_right_arithmetic3A_865 : vector<16xi32>
      %and3A_867 = arith.constant 1 : i32
      %and3A_868 = vector.broadcast %and3A_867 : i32 to vector<16xi32>
      %and3A_869 = arith.andi %shift_right_arithmetic3A_866, %and3A_868 : vector<16xi32>
      %eq3A_870 = vector.broadcast %arg0 : i32 to vector<16xi32>
      %eq3A_871 = arith.cmpi eq, %and3A_869, %eq3A_870 : vector<16xi32>
      %shift_right_arithmetic3A_872 = arith.constant 8 : i32
      %shift_right_arithmetic3A_873 = vector.broadcast %shift_right_arithmetic3A_872 : i32 to vector<16xi32>
      %shift_right_arithmetic3A_874 = arith.shrsi %get3A_863, %shift_right_arithmetic3A_873 : vector<16xi32>
      %shift_left3A_875 = arith.constant 7 : i32
      %shift_left3A_876 = vector.broadcast %shift_left3A_875 : i32 to vector<16xi32>
      %shift_left3A_877 = arith.shli %shift_right_arithmetic3A_874, %shift_left3A_876 : vector<16xi32>
      %and3A_878 = arith.constant 127 : i32
      %and3A_879 = vector.broadcast %and3A_878 : i32 to vector<16xi32>
      %and3A_880 = arith.andi %get3A_863, %and3A_879 : vector<16xi32>
      %or3A_881 = arith.ori %shift_left3A_877, %and3A_880 : vector<16xi32>
      %select_n3A_882 = arith.select %eq3A_871, %or3A_881, %add3A_35 : vector<16xi1>, vector<16xi32>
      %swap3A_883 = arith.constant 16 : index
      %swap3A_884 = tpu.vector_load %arg10[%swap3A_883] {strides = array<i32>} : memref<32xi32, #tpu.memory_space<vmem>>, vector<16xi32>,
      %swap3A_885 = vector.shape_cast %swap3A_884 : vector<16xi32> to vector<16xi32>
      %swap3A_886 = vector.shape_cast %select_n3A_882 : vector<16xi32> to vector<16xi32>
      tpu.vector_store %arg10[%swap3A_883], %swap3A_886 {strides = array<i32>} : memref<32xi32, #tpu.memory_space<vmem>>, vector<16xi32>,
      %dma_start3A_887 = arith.constant 0 : i32
      %dma_start3A_888 = arith.constant 0 : i32
      %dma_start3A_889 = tpu.memref_slice %arg6[%dma_start3A_887, %dma_start3A_888] : memref<5120x128xf32, #tpu.memory_space<vmem_shared>> -> memref<5120x128xf32, #tpu.memory_space<vmem_shared>>
      tpu.enqueue_indirect_dma source(%arg8 : memref<32x128xf32, #tpu.memory_space<vmem>>) target(%dma_start3A_889 : memref<5120x128xf32, #tpu.memory_space<vmem_shared>>) offsets(%arg10 : memref<32xi32, #tpu.memory_space<vmem>>) semaphore(%arg12 : memref<!tpu.dma_semaphore, #tpu.memory_space<semaphore_mem>>) {add = true}
      %dma_wait3A_890 = arith.constant 0 : i32
      %dma_wait3A_891 = arith.constant 0 : i32
      %dma_wait3A_892 = tpu.memref_slice %arg6[%dma_wait3A_890, %dma_wait3A_891] : memref<5120x128xf32, #tpu.memory_space<vmem_shared>> -> memref<5120x128xf32, #tpu.memory_space<vmem_shared>>
      tpu.wait_indirect_dma semaphore(%arg13 : memref<!tpu.dma_semaphore, #tpu.memory_space<semaphore_mem>>) src(%arg9 : memref<32x128xf32, #tpu.memory_space<vmem>>) dst(%dma_wait3A_892 : memref<5120x128xf32, #tpu.memory_space<vmem_shared>>)
      %dma_start3A_893 = arith.constant 2 : i32
      %dma_start3A_894 = arith.constant 96 : i32
      %dma_start3A_895 = tpu.memref_slice %arg7[%dma_start3A_893, %dma_start3A_894] : memref<8x128xi32, #tpu.memory_space<vmem>> -> memref<1x32xi32, #tpu.memory_space<vmem>>
      %dma_start3A_896 = tpu.memref_squeeze %dma_start3A_895 : memref<1x32xi32, #tpu.memory_space<vmem>> -> memref<32xi32, #tpu.memory_space<vmem>>
      %dma_start3A_897 = arith.constant 0 : i32
      %dma_start3A_898 = arith.constant 0 : i32
      %dma_start3A_899 = tpu.memref_slice %arg5[%dma_start3A_897, %dma_start3A_898] : memref<10000x128xf32, #tpu.memory_space<vmem_shared>> -> memref<10000x128xf32, #tpu.memory_space<vmem_shared>>
      tpu.enqueue_indirect_dma source(%dma_start3A_899 : memref<10000x128xf32, #tpu.memory_space<vmem_shared>>) target(%arg9 : memref<32x128xf32, #tpu.memory_space<vmem>>) offsets(%dma_start3A_896 : memref<32xi32, #tpu.memory_space<vmem>>) semaphore(%arg13 : memref<!tpu.dma_semaphore, #tpu.memory_space<semaphore_mem>>)
      %dma_wait3A_900 = arith.constant 2 : i32
      %dma_wait3A_901 = arith.constant 96 : i32
      %dma_wait3A_902 = tpu.memref_slice %arg7[%dma_wait3A_900, %dma_wait3A_901] : memref<8x128xi32, #tpu.memory_space<vmem>> -> memref<1x32xi32, #tpu.memory_space<vmem>>
      %dma_wait3A_903 = tpu.memref_squeeze %dma_wait3A_902 : memref<1x32xi32, #tpu.memory_space<vmem>> -> memref<32xi32, #tpu.memory_space<vmem>>
      %dma_wait3A_904 = arith.constant 0 : i32
      %dma_wait3A_905 = arith.constant 0 : i32
      %dma_wait3A_906 = tpu.memref_slice %arg5[%dma_wait3A_904, %dma_wait3A_905] : memref<10000x128xf32, #tpu.memory_space<vmem_shared>> -> memref<10000x128xf32, #tpu.memory_space<vmem_shared>>
      tpu.wait_indirect_dma semaphore(%arg13 : memref<!tpu.dma_semaphore, #tpu.memory_space<semaphore_mem>>) src(%dma_wait3A_906 : memref<10000x128xf32, #tpu.memory_space<vmem_shared>>) dst(%arg9 : memref<32x128xf32, #tpu.memory_space<vmem>>)
      %get3A_907 = arith.constant 6 : i32
      %get3A_908 = arith.index_cast %get3A_907 : i32 to index
      %get3A_909 = arith.constant 96 : index
      %get3A_910 = tpu.vector_load %arg7[%get3A_908, %get3A_909] {strides = array<i32>} : memref<8x128xi32, #tpu.memory_space<vmem>>, vector<1x16xi32>,
      %get3A_911 = vector.shape_cast %get3A_910 : vector<1x16xi32> to vector<16xi32>
      %shift_right_arithmetic3A_912 = arith.constant 7 : i32
      %shift_right_arithmetic3A_913 = vector.broadcast %shift_right_arithmetic3A_912 : i32 to vector<16xi32>
      %shift_right_arithmetic3A_914 = arith.shrsi %get3A_911, %shift_right_arithmetic3A_913 : vector<16xi32>
      %and3A_915 = arith.constant 1 : i32
      %and3A_916 = vector.broadcast %and3A_915 : i32 to vector<16xi32>
      %and3A_917 = arith.andi %shift_right_arithmetic3A_914, %and3A_916 : vector<16xi32>
      %eq3A_918 = vector.broadcast %arg0 : i32 to vector<16xi32>
      %eq3A_919 = arith.cmpi eq, %and3A_917, %eq3A_918 : vector<16xi32>
      %shift_right_arithmetic3A_920 = arith.constant 8 : i32
      %shift_right_arithmetic3A_921 = vector.broadcast %shift_right_arithmetic3A_920 : i32 to vector<16xi32>
      %shift_right_arithmetic3A_922 = arith.shrsi %get3A_911, %shift_right_arithmetic3A_921 : vector<16xi32>
      %shift_left3A_923 = arith.constant 7 : i32
      %shift_left3A_924 = vector.broadcast %shift_left3A_923 : i32 to vector<16xi32>
      %shift_left3A_925 = arith.shli %shift_right_arithmetic3A_922, %shift_left3A_924 : vector<16xi32>
      %and3A_926 = arith.constant 127 : i32
      %and3A_927 = vector.broadcast %and3A_926 : i32 to vector<16xi32>
      %and3A_928 = arith.andi %get3A_911, %and3A_927 : vector<16xi32>
      %or3A_929 = arith.ori %shift_left3A_925, %and3A_928 : vector<16xi32>
      %select_n3A_930 = arith.select %eq3A_919, %or3A_929, %add3A_35 : vector<16xi1>, vector<16xi32>
      %swap3A_931 = arith.constant 0 : index
      %swap3A_932 = tpu.vector_load %arg11[%swap3A_931] {strides = array<i32>} : memref<32xi32, #tpu.memory_space<vmem>>, vector<16xi32>,
      %swap3A_933 = vector.shape_cast %swap3A_932 : vector<16xi32> to vector<16xi32>
      %swap3A_934 = vector.shape_cast %select_n3A_930 : vector<16xi32> to vector<16xi32>
      tpu.vector_store %arg11[%swap3A_931], %swap3A_934 {strides = array<i32>} : memref<32xi32, #tpu.memory_space<vmem>>, vector<16xi32>,
      %get3A_935 = arith.constant 6 : i32
      %get3A_936 = arith.index_cast %get3A_935 : i32 to index
      %get3A_937 = arith.constant 112 : index
      %get3A_938 = tpu.vector_load %arg7[%get3A_936, %get3A_937] {strides = array<i32>} : memref<8x128xi32, #tpu.memory_space<vmem>>, vector<1x16xi32>,
      %get3A_939 = vector.shape_cast %get3A_938 : vector<1x16xi32> to vector<16xi32>
      %shift_right_arithmetic3A_940 = arith.constant 7 : i32
      %shift_right_arithmetic3A_941 = vector.broadcast %shift_right_arithmetic3A_940 : i32 to vector<16xi32>
      %shift_right_arithmetic3A_942 = arith.shrsi %get3A_939, %shift_right_arithmetic3A_941 : vector<16xi32>
      %and3A_943 = arith.constant 1 : i32
      %and3A_944 = vector.broadcast %and3A_943 : i32 to vector<16xi32>
      %and3A_945 = arith.andi %shift_right_arithmetic3A_942, %and3A_944 : vector<16xi32>
      %eq3A_946 = vector.broadcast %arg0 : i32 to vector<16xi32>
      %eq3A_947 = arith.cmpi eq, %and3A_945, %eq3A_946 : vector<16xi32>
      %shift_right_arithmetic3A_948 = arith.constant 8 : i32
      %shift_right_arithmetic3A_949 = vector.broadcast %shift_right_arithmetic3A_948 : i32 to vector<16xi32>
      %shift_right_arithmetic3A_950 = arith.shrsi %get3A_939, %shift_right_arithmetic3A_949 : vector<16xi32>
      %shift_left3A_951 = arith.constant 7 : i32
      %shift_left3A_952 = vector.broadcast %shift_left3A_951 : i32 to vector<16xi32>
      %shift_left3A_953 = arith.shli %shift_right_arithmetic3A_950, %shift_left3A_952 : vector<16xi32>
      %and3A_954 = arith.constant 127 : i32
      %and3A_955 = vector.broadcast %and3A_954 : i32 to vector<16xi32>
      %and3A_956 = arith.andi %get3A_939, %and3A_955 : vector<16xi32>
      %or3A_957 = arith.ori %shift_left3A_953, %and3A_956 : vector<16xi32>
      %select_n3A_958 = arith.select %eq3A_947, %or3A_957, %add3A_35 : vector<16xi1>, vector<16xi32>
      %swap3A_959 = arith.constant 16 : index
      %swap3A_960 = tpu.vector_load %arg11[%swap3A_959] {strides = array<i32>} : memref<32xi32, #tpu.memory_space<vmem>>, vector<16xi32>,
      %swap3A_961 = vector.shape_cast %swap3A_960 : vector<16xi32> to vector<16xi32>
      %swap3A_962 = vector.shape_cast %select_n3A_958 : vector<16xi32> to vector<16xi32>
      tpu.vector_store %arg11[%swap3A_959], %swap3A_962 {strides = array<i32>} : memref<32xi32, #tpu.memory_space<vmem>>, vector<16xi32>,
      %dma_start3A_963 = arith.constant 0 : i32
      %dma_start3A_964 = arith.constant 0 : i32
      %dma_start3A_965 = tpu.memref_slice %arg6[%dma_start3A_963, %dma_start3A_964] : memref<5120x128xf32, #tpu.memory_space<vmem_shared>> -> memref<5120x128xf32, #tpu.memory_space<vmem_shared>>
      tpu.enqueue_indirect_dma source(%arg9 : memref<32x128xf32, #tpu.memory_space<vmem>>) target(%dma_start3A_965 : memref<5120x128xf32, #tpu.memory_space<vmem_shared>>) offsets(%arg11 : memref<32xi32, #tpu.memory_space<vmem>>) semaphore(%arg13 : memref<!tpu.dma_semaphore, #tpu.memory_space<semaphore_mem>>) {add = true}
      %dma_wait3A_966 = arith.constant 0 : i32
      %dma_wait3A_967 = arith.constant 0 : i32
      %dma_wait3A_968 = tpu.memref_slice %arg6[%dma_wait3A_966, %dma_wait3A_967] : memref<5120x128xf32, #tpu.memory_space<vmem_shared>> -> memref<5120x128xf32, #tpu.memory_space<vmem_shared>>
      tpu.wait_indirect_dma semaphore(%arg12 : memref<!tpu.dma_semaphore, #tpu.memory_space<semaphore_mem>>) src(%arg8 : memref<32x128xf32, #tpu.memory_space<vmem>>) dst(%dma_wait3A_968 : memref<5120x128xf32, #tpu.memory_space<vmem_shared>>)
      %dma_start3A_969 = arith.constant 3 : i32
      %dma_start3A_970 = arith.constant 0 : i32
      %dma_start3A_971 = tpu.memref_slice %arg7[%dma_start3A_969, %dma_start3A_970] : memref<8x128xi32, #tpu.memory_space<vmem>> -> memref<1x32xi32, #tpu.memory_space<vmem>>
      %dma_start3A_972 = tpu.memref_squeeze %dma_start3A_971 : memref<1x32xi32, #tpu.memory_space<vmem>> -> memref<32xi32, #tpu.memory_space<vmem>>
      %dma_start3A_973 = arith.constant 0 : i32
      %dma_start3A_974 = arith.constant 0 : i32
      %dma_start3A_975 = tpu.memref_slice %arg5[%dma_start3A_973, %dma_start3A_974] : memref<10000x128xf32, #tpu.memory_space<vmem_shared>> -> memref<10000x128xf32, #tpu.memory_space<vmem_shared>>
      tpu.enqueue_indirect_dma source(%dma_start3A_975 : memref<10000x128xf32, #tpu.memory_space<vmem_shared>>) target(%arg8 : memref<32x128xf32, #tpu.memory_space<vmem>>) offsets(%dma_start3A_972 : memref<32xi32, #tpu.memory_space<vmem>>) semaphore(%arg12 : memref<!tpu.dma_semaphore, #tpu.memory_space<semaphore_mem>>)
      %dma_wait3A_976 = arith.constant 3 : i32
      %dma_wait3A_977 = arith.constant 0 : i32
      %dma_wait3A_978 = tpu.memref_slice %arg7[%dma_wait3A_976, %dma_wait3A_977] : memref<8x128xi32, #tpu.memory_space<vmem>> -> memref<1x32xi32, #tpu.memory_space<vmem>>
      %dma_wait3A_979 = tpu.memref_squeeze %dma_wait3A_978 : memref<1x32xi32, #tpu.memory_space<vmem>> -> memref<32xi32, #tpu.memory_space<vmem>>
      %dma_wait3A_980 = arith.constant 0 : i32
      %dma_wait3A_981 = arith.constant 0 : i32
      %dma_wait3A_982 = tpu.memref_slice %arg5[%dma_wait3A_980, %dma_wait3A_981] : memref<10000x128xf32, #tpu.memory_space<vmem_shared>> -> memref<10000x128xf32, #tpu.memory_space<vmem_shared>>
      tpu.wait_indirect_dma semaphore(%arg12 : memref<!tpu.dma_semaphore, #tpu.memory_space<semaphore_mem>>) src(%dma_wait3A_982 : memref<10000x128xf32, #tpu.memory_space<vmem_shared>>) dst(%arg8 : memref<32x128xf32, #tpu.memory_space<vmem>>)
      %get3A_983 = arith.constant 7 : i32
      %get3A_984 = arith.index_cast %get3A_983 : i32 to index
      %get3A_985 = arith.constant 0 : index
      %get3A_986 = tpu.vector_load %arg7[%get3A_984, %get3A_985] {strides = array<i32>} : memref<8x128xi32, #tpu.memory_space<vmem>>, vector<1x16xi32>,
      %get3A_987 = vector.shape_cast %get3A_986 : vector<1x16xi32> to vector<16xi32>
      %shift_right_arithmetic3A_988 = arith.constant 7 : i32
      %shift_right_arithmetic3A_989 = vector.broadcast %shift_right_arithmetic3A_988 : i32 to vector<16xi32>
      %shift_right_arithmetic3A_990 = arith.shrsi %get3A_987, %shift_right_arithmetic3A_989 : vector<16xi32>
      %and3A_991 = arith.constant 1 : i32
      %and3A_992 = vector.broadcast %and3A_991 : i32 to vector<16xi32>
      %and3A_993 = arith.andi %shift_right_arithmetic3A_990, %and3A_992 : vector<16xi32>
      %eq3A_994 = vector.broadcast %arg0 : i32 to vector<16xi32>
      %eq3A_995 = arith.cmpi eq, %and3A_993, %eq3A_994 : vector<16xi32>
      %shift_right_arithmetic3A_996 = arith.constant 8 : i32
      %shift_right_arithmetic3A_997 = vector.broadcast %shift_right_arithmetic3A_996 : i32 to vector<16xi32>
      %shift_right_arithmetic3A_998 = arith.shrsi %get3A_987, %shift_right_arithmetic3A_997 : vector<16xi32>
      %shift_left3A_999 = arith.constant 7 : i32
      %shift_left3A_1000 = vector.broadcast %shift_left3A_999 : i32 to vector<16xi32>
      %shift_left3A_1001 = arith.shli %shift_right_arithmetic3A_998, %shift_left3A_1000 : vector<16xi32>
      %and3A_1002 = arith.constant 127 : i32
      %and3A_1003 = vector.broadcast %and3A_1002 : i32 to vector<16xi32>
      %and3A_1004 = arith.andi %get3A_987, %and3A_1003 : vector<16xi32>
      %or3A_1005 = arith.ori %shift_left3A_1001, %and3A_1004 : vector<16xi32>
      %select_n3A_1006 = arith.select %eq3A_995, %or3A_1005, %add3A_35 : vector<16xi1>, vector<16xi32>
      %swap3A_1007 = arith.constant 0 : index
      %swap3A_1008 = tpu.vector_load %arg10[%swap3A_1007] {strides = array<i32>} : memref<32xi32, #tpu.memory_space<vmem>>, vector<16xi32>,
      %swap3A_1009 = vector.shape_cast %swap3A_1008 : vector<16xi32> to vector<16xi32>
      %swap3A_1010 = vector.shape_cast %select_n3A_1006 : vector<16xi32> to vector<16xi32>
      tpu.vector_store %arg10[%swap3A_1007], %swap3A_1010 {strides = array<i32>} : memref<32xi32, #tpu.memory_space<vmem>>, vector<16xi32>,
      %get3A_1011 = arith.constant 7 : i32
      %get3A_1012 = arith.index_cast %get3A_1011 : i32 to index
      %get3A_1013 = arith.constant 16 : index
      %get3A_1014 = tpu.vector_load %arg7[%get3A_1012, %get3A_1013] {strides = array<i32>} : memref<8x128xi32, #tpu.memory_space<vmem>>, vector<1x16xi32>,
      %get3A_1015 = vector.shape_cast %get3A_1014 : vector<1x16xi32> to vector<16xi32>
      %shift_right_arithmetic3A_1016 = arith.constant 7 : i32
      %shift_right_arithmetic3A_1017 = vector.broadcast %shift_right_arithmetic3A_1016 : i32 to vector<16xi32>
      %shift_right_arithmetic3A_1018 = arith.shrsi %get3A_1015, %shift_right_arithmetic3A_1017 : vector<16xi32>
      %and3A_1019 = arith.constant 1 : i32
      %and3A_1020 = vector.broadcast %and3A_1019 : i32 to vector<16xi32>
      %and3A_1021 = arith.andi %shift_right_arithmetic3A_1018, %and3A_1020 : vector<16xi32>
      %eq3A_1022 = vector.broadcast %arg0 : i32 to vector<16xi32>
      %eq3A_1023 = arith.cmpi eq, %and3A_1021, %eq3A_1022 : vector<16xi32>
      %shift_right_arithmetic3A_1024 = arith.constant 8 : i32
      %shift_right_arithmetic3A_1025 = vector.broadcast %shift_right_arithmetic3A_1024 : i32 to vector<16xi32>
      %shift_right_arithmetic3A_1026 = arith.shrsi %get3A_1015, %shift_right_arithmetic3A_1025 : vector<16xi32>
      %shift_left3A_1027 = arith.constant 7 : i32
      %shift_left3A_1028 = vector.broadcast %shift_left3A_1027 : i32 to vector<16xi32>
      %shift_left3A_1029 = arith.shli %shift_right_arithmetic3A_1026, %shift_left3A_1028 : vector<16xi32>
      %and3A_1030 = arith.constant 127 : i32
      %and3A_1031 = vector.broadcast %and3A_1030 : i32 to vector<16xi32>
      %and3A_1032 = arith.andi %get3A_1015, %and3A_1031 : vector<16xi32>
      %or3A_1033 = arith.ori %shift_left3A_1029, %and3A_1032 : vector<16xi32>
      %select_n3A_1034 = arith.select %eq3A_1023, %or3A_1033, %add3A_35 : vector<16xi1>, vector<16xi32>
      %swap3A_1035 = arith.constant 16 : index
      %swap3A_1036 = tpu.vector_load %arg10[%swap3A_1035] {strides = array<i32>} : memref<32xi32, #tpu.memory_space<vmem>>, vector<16xi32>,
      %swap3A_1037 = vector.shape_cast %swap3A_1036 : vector<16xi32> to vector<16xi32>
      %swap3A_1038 = vector.shape_cast %select_n3A_1034 : vector<16xi32> to vector<16xi32>
      tpu.vector_store %arg10[%swap3A_1035], %swap3A_1038 {strides = array<i32>} : memref<32xi32, #tpu.memory_space<vmem>>, vector<16xi32>,
      %dma_start3A_1039 = arith.constant 0 : i32
      %dma_start3A_1040 = arith.constant 0 : i32
      %dma_start3A_1041 = tpu.memref_slice %arg6[%dma_start3A_1039, %dma_start3A_1040] : memref<5120x128xf32, #tpu.memory_space<vmem_shared>> -> memref<5120x128xf32, #tpu.memory_space<vmem_shared>>
      tpu.enqueue_indirect_dma source(%arg8 : memref<32x128xf32, #tpu.memory_space<vmem>>) target(%dma_start3A_1041 : memref<5120x128xf32, #tpu.memory_space<vmem_shared>>) offsets(%arg10 : memref<32xi32, #tpu.memory_space<vmem>>) semaphore(%arg12 : memref<!tpu.dma_semaphore, #tpu.memory_space<semaphore_mem>>) {add = true}
      %dma_wait3A_1042 = arith.constant 0 : i32
      %dma_wait3A_1043 = arith.constant 0 : i32
      %dma_wait3A_1044 = tpu.memref_slice %arg6[%dma_wait3A_1042, %dma_wait3A_1043] : memref<5120x128xf32, #tpu.memory_space<vmem_shared>> -> memref<5120x128xf32, #tpu.memory_space<vmem_shared>>
      tpu.wait_indirect_dma semaphore(%arg13 : memref<!tpu.dma_semaphore, #tpu.memory_space<semaphore_mem>>) src(%arg9 : memref<32x128xf32, #tpu.memory_space<vmem>>) dst(%dma_wait3A_1044 : memref<5120x128xf32, #tpu.memory_space<vmem_shared>>)
      %dma_start3A_1045 = arith.constant 3 : i32
      %dma_start3A_1046 = arith.constant 32 : i32
      %dma_start3A_1047 = tpu.memref_slice %arg7[%dma_start3A_1045, %dma_start3A_1046] : memref<8x128xi32, #tpu.memory_space<vmem>> -> memref<1x32xi32, #tpu.memory_space<vmem>>
      %dma_start3A_1048 = tpu.memref_squeeze %dma_start3A_1047 : memref<1x32xi32, #tpu.memory_space<vmem>> -> memref<32xi32, #tpu.memory_space<vmem>>
      %dma_start3A_1049 = arith.constant 0 : i32
      %dma_start3A_1050 = arith.constant 0 : i32
      %dma_start3A_1051 = tpu.memref_slice %arg5[%dma_start3A_1049, %dma_start3A_1050] : memref<10000x128xf32, #tpu.memory_space<vmem_shared>> -> memref<10000x128xf32, #tpu.memory_space<vmem_shared>>
      tpu.enqueue_indirect_dma source(%dma_start3A_1051 : memref<10000x128xf32, #tpu.memory_space<vmem_shared>>) target(%arg9 : memref<32x128xf32, #tpu.memory_space<vmem>>) offsets(%dma_start3A_1048 : memref<32xi32, #tpu.memory_space<vmem>>) semaphore(%arg13 : memref<!tpu.dma_semaphore, #tpu.memory_space<semaphore_mem>>)
      %dma_wait3A_1052 = arith.constant 3 : i32
      %dma_wait3A_1053 = arith.constant 32 : i32
      %dma_wait3A_1054 = tpu.memref_slice %arg7[%dma_wait3A_1052, %dma_wait3A_1053] : memref<8x128xi32, #tpu.memory_space<vmem>> -> memref<1x32xi32, #tpu.memory_space<vmem>>
      %dma_wait3A_1055 = tpu.memref_squeeze %dma_wait3A_1054 : memref<1x32xi32, #tpu.memory_space<vmem>> -> memref<32xi32, #tpu.memory_space<vmem>>
      %dma_wait3A_1056 = arith.constant 0 : i32
      %dma_wait3A_1057 = arith.constant 0 : i32
      %dma_wait3A_1058 = tpu.memref_slice %arg5[%dma_wait3A_1056, %dma_wait3A_1057] : memref<10000x128xf32, #tpu.memory_space<vmem_shared>> -> memref<10000x128xf32, #tpu.memory_space<vmem_shared>>
      tpu.wait_indirect_dma semaphore(%arg13 : memref<!tpu.dma_semaphore, #tpu.memory_space<semaphore_mem>>) src(%dma_wait3A_1058 : memref<10000x128xf32, #tpu.memory_space<vmem_shared>>) dst(%arg9 : memref<32x128xf32, #tpu.memory_space<vmem>>)
      %get3A_1059 = arith.constant 7 : i32
      %get3A_1060 = arith.index_cast %get3A_1059 : i32 to index
      %get3A_1061 = arith.constant 32 : index
      %get3A_1062 = tpu.vector_load %arg7[%get3A_1060, %get3A_1061] {strides = array<i32>} : memref<8x128xi32, #tpu.memory_space<vmem>>, vector<1x16xi32>,
      %get3A_1063 = vector.shape_cast %get3A_1062 : vector<1x16xi32> to vector<16xi32>
      %shift_right_arithmetic3A_1064 = arith.constant 7 : i32
      %shift_right_arithmetic3A_1065 = vector.broadcast %shift_right_arithmetic3A_1064 : i32 to vector<16xi32>
      %shift_right_arithmetic3A_1066 = arith.shrsi %get3A_1063, %shift_right_arithmetic3A_1065 : vector<16xi32>
      %and3A_1067 = arith.constant 1 : i32
      %and3A_1068 = vector.broadcast %and3A_1067 : i32 to vector<16xi32>
      %and3A_1069 = arith.andi %shift_right_arithmetic3A_1066, %and3A_1068 : vector<16xi32>
      %eq3A_1070 = vector.broadcast %arg0 : i32 to vector<16xi32>
      %eq3A_1071 = arith.cmpi eq, %and3A_1069, %eq3A_1070 : vector<16xi32>
      %shift_right_arithmetic3A_1072 = arith.constant 8 : i32
      %shift_right_arithmetic3A_1073 = vector.broadcast %shift_right_arithmetic3A_1072 : i32 to vector<16xi32>
      %shift_right_arithmetic3A_1074 = arith.shrsi %get3A_1063, %shift_right_arithmetic3A_1073 : vector<16xi32>
      %shift_left3A_1075 = arith.constant 7 : i32
      %shift_left3A_1076 = vector.broadcast %shift_left3A_1075 : i32 to vector<16xi32>
      %shift_left3A_1077 = arith.shli %shift_right_arithmetic3A_1074, %shift_left3A_1076 : vector<16xi32>
      %and3A_1078 = arith.constant 127 : i32
      %and3A_1079 = vector.broadcast %and3A_1078 : i32 to vector<16xi32>
      %and3A_1080 = arith.andi %get3A_1063, %and3A_1079 : vector<16xi32>
      %or3A_1081 = arith.ori %shift_left3A_1077, %and3A_1080 : vector<16xi32>
      %select_n3A_1082 = arith.select %eq3A_1071, %or3A_1081, %add3A_35 : vector<16xi1>, vector<16xi32>
      %swap3A_1083 = arith.constant 0 : index
      %swap3A_1084 = tpu.vector_load %arg11[%swap3A_1083] {strides = array<i32>} : memref<32xi32, #tpu.memory_space<vmem>>, vector<16xi32>,
      %swap3A_1085 = vector.shape_cast %swap3A_1084 : vector<16xi32> to vector<16xi32>
      %swap3A_1086 = vector.shape_cast %select_n3A_1082 : vector<16xi32> to vector<16xi32>
      tpu.vector_store %arg11[%swap3A_1083], %swap3A_1086 {strides = array<i32>} : memref<32xi32, #tpu.memory_space<vmem>>, vector<16xi32>,
      %get3A_1087 = arith.constant 7 : i32
      %get3A_1088 = arith.index_cast %get3A_1087 : i32 to index
      %get3A_1089 = arith.constant 48 : index
      %get3A_1090 = tpu.vector_load %arg7[%get3A_1088, %get3A_1089] {strides = array<i32>} : memref<8x128xi32, #tpu.memory_space<vmem>>, vector<1x16xi32>,
      %get3A_1091 = vector.shape_cast %get3A_1090 : vector<1x16xi32> to vector<16xi32>
      %shift_right_arithmetic3A_1092 = arith.constant 7 : i32
      %shift_right_arithmetic3A_1093 = vector.broadcast %shift_right_arithmetic3A_1092 : i32 to vector<16xi32>
      %shift_right_arithmetic3A_1094 = arith.shrsi %get3A_1091, %shift_right_arithmetic3A_1093 : vector<16xi32>
      %and3A_1095 = arith.constant 1 : i32
      %and3A_1096 = vector.broadcast %and3A_1095 : i32 to vector<16xi32>
      %and3A_1097 = arith.andi %shift_right_arithmetic3A_1094, %and3A_1096 : vector<16xi32>
      %eq3A_1098 = vector.broadcast %arg0 : i32 to vector<16xi32>
      %eq3A_1099 = arith.cmpi eq, %and3A_1097, %eq3A_1098 : vector<16xi32>
      %shift_right_arithmetic3A_1100 = arith.constant 8 : i32
      %shift_right_arithmetic3A_1101 = vector.broadcast %shift_right_arithmetic3A_1100 : i32 to vector<16xi32>
      %shift_right_arithmetic3A_1102 = arith.shrsi %get3A_1091, %shift_right_arithmetic3A_1101 : vector<16xi32>
      %shift_left3A_1103 = arith.constant 7 : i32
      %shift_left3A_1104 = vector.broadcast %shift_left3A_1103 : i32 to vector<16xi32>
      %shift_left3A_1105 = arith.shli %shift_right_arithmetic3A_1102, %shift_left3A_1104 : vector<16xi32>
      %and3A_1106 = arith.constant 127 : i32
      %and3A_1107 = vector.broadcast %and3A_1106 : i32 to vector<16xi32>
      %and3A_1108 = arith.andi %get3A_1091, %and3A_1107 : vector<16xi32>
      %or3A_1109 = arith.ori %shift_left3A_1105, %and3A_1108 : vector<16xi32>
      %select_n3A_1110 = arith.select %eq3A_1099, %or3A_1109, %add3A_35 : vector<16xi1>, vector<16xi32>
      %swap3A_1111 = arith.constant 16 : index
      %swap3A_1112 = tpu.vector_load %arg11[%swap3A_1111] {strides = array<i32>} : memref<32xi32, #tpu.memory_space<vmem>>, vector<16xi32>,
      %swap3A_1113 = vector.shape_cast %swap3A_1112 : vector<16xi32> to vector<16xi32>
      %swap3A_1114 = vector.shape_cast %select_n3A_1110 : vector<16xi32> to vector<16xi32>
      tpu.vector_store %arg11[%swap3A_1111], %swap3A_1114 {strides = array<i32>} : memref<32xi32, #tpu.memory_space<vmem>>, vector<16xi32>,
      %dma_start3A_1115 = arith.constant 0 : i32
      %dma_start3A_1116 = arith.constant 0 : i32
      %dma_start3A_1117 = tpu.memref_slice %arg6[%dma_start3A_1115, %dma_start3A_1116] : memref<5120x128xf32, #tpu.memory_space<vmem_shared>> -> memref<5120x128xf32, #tpu.memory_space<vmem_shared>>
      tpu.enqueue_indirect_dma source(%arg9 : memref<32x128xf32, #tpu.memory_space<vmem>>) target(%dma_start3A_1117 : memref<5120x128xf32, #tpu.memory_space<vmem_shared>>) offsets(%arg11 : memref<32xi32, #tpu.memory_space<vmem>>) semaphore(%arg13 : memref<!tpu.dma_semaphore, #tpu.memory_space<semaphore_mem>>) {add = true}
      %dma_wait3A_1118 = arith.constant 0 : i32
      %dma_wait3A_1119 = arith.constant 0 : i32
      %dma_wait3A_1120 = tpu.memref_slice %arg6[%dma_wait3A_1118, %dma_wait3A_1119] : memref<5120x128xf32, #tpu.memory_space<vmem_shared>> -> memref<5120x128xf32, #tpu.memory_space<vmem_shared>>
      tpu.wait_indirect_dma semaphore(%arg12 : memref<!tpu.dma_semaphore, #tpu.memory_space<semaphore_mem>>) src(%arg8 : memref<32x128xf32, #tpu.memory_space<vmem>>) dst(%dma_wait3A_1120 : memref<5120x128xf32, #tpu.memory_space<vmem_shared>>)
      %dma_start3A_1121 = arith.constant 3 : i32
      %dma_start3A_1122 = arith.constant 64 : i32
      %dma_start3A_1123 = tpu.memref_slice %arg7[%dma_start3A_1121, %dma_start3A_1122] : memref<8x128xi32, #tpu.memory_space<vmem>> -> memref<1x32xi32, #tpu.memory_space<vmem>>
      %dma_start3A_1124 = tpu.memref_squeeze %dma_start3A_1123 : memref<1x32xi32, #tpu.memory_space<vmem>> -> memref<32xi32, #tpu.memory_space<vmem>>
      %dma_start3A_1125 = arith.constant 0 : i32
      %dma_start3A_1126 = arith.constant 0 : i32
      %dma_start3A_1127 = tpu.memref_slice %arg5[%dma_start3A_1125, %dma_start3A_1126] : memref<10000x128xf32, #tpu.memory_space<vmem_shared>> -> memref<10000x128xf32, #tpu.memory_space<vmem_shared>>
      tpu.enqueue_indirect_dma source(%dma_start3A_1127 : memref<10000x128xf32, #tpu.memory_space<vmem_shared>>) target(%arg8 : memref<32x128xf32, #tpu.memory_space<vmem>>) offsets(%dma_start3A_1124 : memref<32xi32, #tpu.memory_space<vmem>>) semaphore(%arg12 : memref<!tpu.dma_semaphore, #tpu.memory_space<semaphore_mem>>)
      %dma_wait3A_1128 = arith.constant 3 : i32
      %dma_wait3A_1129 = arith.constant 64 : i32
      %dma_wait3A_1130 = tpu.memref_slice %arg7[%dma_wait3A_1128, %dma_wait3A_1129] : memref<8x128xi32, #tpu.memory_space<vmem>> -> memref<1x32xi32, #tpu.memory_space<vmem>>
      %dma_wait3A_1131 = tpu.memref_squeeze %dma_wait3A_1130 : memref<1x32xi32, #tpu.memory_space<vmem>> -> memref<32xi32, #tpu.memory_space<vmem>>
      %dma_wait3A_1132 = arith.constant 0 : i32
      %dma_wait3A_1133 = arith.constant 0 : i32
      %dma_wait3A_1134 = tpu.memref_slice %arg5[%dma_wait3A_1132, %dma_wait3A_1133] : memref<10000x128xf32, #tpu.memory_space<vmem_shared>> -> memref<10000x128xf32, #tpu.memory_space<vmem_shared>>
      tpu.wait_indirect_dma semaphore(%arg12 : memref<!tpu.dma_semaphore, #tpu.memory_space<semaphore_mem>>) src(%dma_wait3A_1134 : memref<10000x128xf32, #tpu.memory_space<vmem_shared>>) dst(%arg8 : memref<32x128xf32, #tpu.memory_space<vmem>>)
      %get3A_1135 = arith.constant 7 : i32
      %get3A_1136 = arith.index_cast %get3A_1135 : i32 to index
      %get3A_1137 = arith.constant 64 : index
      %get3A_1138 = tpu.vector_load %arg7[%get3A_1136, %get3A_1137] {strides = array<i32>} : memref<8x128xi32, #tpu.memory_space<vmem>>, vector<1x16xi32>,
      %get3A_1139 = vector.shape_cast %get3A_1138 : vector<1x16xi32> to vector<16xi32>
      %shift_right_arithmetic3A_1140 = arith.constant 7 : i32
      %shift_right_arithmetic3A_1141 = vector.broadcast %shift_right_arithmetic3A_1140 : i32 to vector<16xi32>
      %shift_right_arithmetic3A_1142 = arith.shrsi %get3A_1139, %shift_right_arithmetic3A_1141 : vector<16xi32>
      %and3A_1143 = arith.constant 1 : i32
      %and3A_1144 = vector.broadcast %and3A_1143 : i32 to vector<16xi32>
      %and3A_1145 = arith.andi %shift_right_arithmetic3A_1142, %and3A_1144 : vector<16xi32>
      %eq3A_1146 = vector.broadcast %arg0 : i32 to vector<16xi32>
      %eq3A_1147 = arith.cmpi eq, %and3A_1145, %eq3A_1146 : vector<16xi32>
      %shift_right_arithmetic3A_1148 = arith.constant 8 : i32
      %shift_right_arithmetic3A_1149 = vector.broadcast %shift_right_arithmetic3A_1148 : i32 to vector<16xi32>
      %shift_right_arithmetic3A_1150 = arith.shrsi %get3A_1139, %shift_right_arithmetic3A_1149 : vector<16xi32>
      %shift_left3A_1151 = arith.constant 7 : i32
      %shift_left3A_1152 = vector.broadcast %shift_left3A_1151 : i32 to vector<16xi32>
      %shift_left3A_1153 = arith.shli %shift_right_arithmetic3A_1150, %shift_left3A_1152 : vector<16xi32>
      %and3A_1154 = arith.constant 127 : i32
      %and3A_1155 = vector.broadcast %and3A_1154 : i32 to vector<16xi32>
      %and3A_1156 = arith.andi %get3A_1139, %and3A_1155 : vector<16xi32>
      %or3A_1157 = arith.ori %shift_left3A_1153, %and3A_1156 : vector<16xi32>
      %select_n3A_1158 = arith.select %eq3A_1147, %or3A_1157, %add3A_35 : vector<16xi1>, vector<16xi32>
      %swap3A_1159 = arith.constant 0 : index
      %swap3A_1160 = tpu.vector_load %arg10[%swap3A_1159] {strides = array<i32>} : memref<32xi32, #tpu.memory_space<vmem>>, vector<16xi32>,
      %swap3A_1161 = vector.shape_cast %swap3A_1160 : vector<16xi32> to vector<16xi32>
      %swap3A_1162 = vector.shape_cast %select_n3A_1158 : vector<16xi32> to vector<16xi32>
      tpu.vector_store %arg10[%swap3A_1159], %swap3A_1162 {strides = array<i32>} : memref<32xi32, #tpu.memory_space<vmem>>, vector<16xi32>,
      %get3A_1163 = arith.constant 7 : i32
      %get3A_1164 = arith.index_cast %get3A_1163 : i32 to index
      %get3A_1165 = arith.constant 80 : index
      %get3A_1166 = tpu.vector_load %arg7[%get3A_1164, %get3A_1165] {strides = array<i32>} : memref<8x128xi32, #tpu.memory_space<vmem>>, vector<1x16xi32>,
      %get3A_1167 = vector.shape_cast %get3A_1166 : vector<1x16xi32> to vector<16xi32>
      %shift_right_arithmetic3A_1168 = arith.constant 7 : i32
      %shift_right_arithmetic3A_1169 = vector.broadcast %shift_right_arithmetic3A_1168 : i32 to vector<16xi32>
      %shift_right_arithmetic3A_1170 = arith.shrsi %get3A_1167, %shift_right_arithmetic3A_1169 : vector<16xi32>
      %and3A_1171 = arith.constant 1 : i32
      %and3A_1172 = vector.broadcast %and3A_1171 : i32 to vector<16xi32>
      %and3A_1173 = arith.andi %shift_right_arithmetic3A_1170, %and3A_1172 : vector<16xi32>
      %eq3A_1174 = vector.broadcast %arg0 : i32 to vector<16xi32>
      %eq3A_1175 = arith.cmpi eq, %and3A_1173, %eq3A_1174 : vector<16xi32>
      %shift_right_arithmetic3A_1176 = arith.constant 8 : i32
      %shift_right_arithmetic3A_1177 = vector.broadcast %shift_right_arithmetic3A_1176 : i32 to vector<16xi32>
      %shift_right_arithmetic3A_1178 = arith.shrsi %get3A_1167, %shift_right_arithmetic3A_1177 : vector<16xi32>
      %shift_left3A_1179 = arith.constant 7 : i32
      %shift_left3A_1180 = vector.broadcast %shift_left3A_1179 : i32 to vector<16xi32>
      %shift_left3A_1181 = arith.shli %shift_right_arithmetic3A_1178, %shift_left3A_1180 : vector<16xi32>
      %and3A_1182 = arith.constant 127 : i32
      %and3A_1183 = vector.broadcast %and3A_1182 : i32 to vector<16xi32>
      %and3A_1184 = arith.andi %get3A_1167, %and3A_1183 : vector<16xi32>
      %or3A_1185 = arith.ori %shift_left3A_1181, %and3A_1184 : vector<16xi32>
      %select_n3A_1186 = arith.select %eq3A_1175, %or3A_1185, %add3A_35 : vector<16xi1>, vector<16xi32>
      %swap3A_1187 = arith.constant 16 : index
      %swap3A_1188 = tpu.vector_load %arg10[%swap3A_1187] {strides = array<i32>} : memref<32xi32, #tpu.memory_space<vmem>>, vector<16xi32>,
      %swap3A_1189 = vector.shape_cast %swap3A_1188 : vector<16xi32> to vector<16xi32>
      %swap3A_1190 = vector.shape_cast %select_n3A_1186 : vector<16xi32> to vector<16xi32>
      tpu.vector_store %arg10[%swap3A_1187], %swap3A_1190 {strides = array<i32>} : memref<32xi32, #tpu.memory_space<vmem>>, vector<16xi32>,
      %dma_start3A_1191 = arith.constant 0 : i32
      %dma_start3A_1192 = arith.constant 0 : i32
      %dma_start3A_1193 = tpu.memref_slice %arg6[%dma_start3A_1191, %dma_start3A_1192] : memref<5120x128xf32, #tpu.memory_space<vmem_shared>> -> memref<5120x128xf32, #tpu.memory_space<vmem_shared>>
      tpu.enqueue_indirect_dma source(%arg8 : memref<32x128xf32, #tpu.memory_space<vmem>>) target(%dma_start3A_1193 : memref<5120x128xf32, #tpu.memory_space<vmem_shared>>) offsets(%arg10 : memref<32xi32, #tpu.memory_space<vmem>>) semaphore(%arg12 : memref<!tpu.dma_semaphore, #tpu.memory_space<semaphore_mem>>) {add = true}
      %dma_wait3A_1194 = arith.constant 0 : i32
      %dma_wait3A_1195 = arith.constant 0 : i32
      %dma_wait3A_1196 = tpu.memref_slice %arg6[%dma_wait3A_1194, %dma_wait3A_1195] : memref<5120x128xf32, #tpu.memory_space<vmem_shared>> -> memref<5120x128xf32, #tpu.memory_space<vmem_shared>>
      tpu.wait_indirect_dma semaphore(%arg13 : memref<!tpu.dma_semaphore, #tpu.memory_space<semaphore_mem>>) src(%arg9 : memref<32x128xf32, #tpu.memory_space<vmem>>) dst(%dma_wait3A_1196 : memref<5120x128xf32, #tpu.memory_space<vmem_shared>>)
      %dma_start3A_1197 = arith.constant 3 : i32
      %dma_start3A_1198 = arith.constant 96 : i32
      %dma_start3A_1199 = tpu.memref_slice %arg7[%dma_start3A_1197, %dma_start3A_1198] : memref<8x128xi32, #tpu.memory_space<vmem>> -> memref<1x32xi32, #tpu.memory_space<vmem>>
      %dma_start3A_1200 = tpu.memref_squeeze %dma_start3A_1199 : memref<1x32xi32, #tpu.memory_space<vmem>> -> memref<32xi32, #tpu.memory_space<vmem>>
      %dma_start3A_1201 = arith.constant 0 : i32
      %dma_start3A_1202 = arith.constant 0 : i32
      %dma_start3A_1203 = tpu.memref_slice %arg5[%dma_start3A_1201, %dma_start3A_1202] : memref<10000x128xf32, #tpu.memory_space<vmem_shared>> -> memref<10000x128xf32, #tpu.memory_space<vmem_shared>>
      tpu.enqueue_indirect_dma source(%dma_start3A_1203 : memref<10000x128xf32, #tpu.memory_space<vmem_shared>>) target(%arg9 : memref<32x128xf32, #tpu.memory_space<vmem>>) offsets(%dma_start3A_1200 : memref<32xi32, #tpu.memory_space<vmem>>) semaphore(%arg13 : memref<!tpu.dma_semaphore, #tpu.memory_space<semaphore_mem>>)
      %dma_wait3A_1204 = arith.constant 3 : i32
      %dma_wait3A_1205 = arith.constant 96 : i32
      %dma_wait3A_1206 = tpu.memref_slice %arg7[%dma_wait3A_1204, %dma_wait3A_1205] : memref<8x128xi32, #tpu.memory_space<vmem>> -> memref<1x32xi32, #tpu.memory_space<vmem>>
      %dma_wait3A_1207 = tpu.memref_squeeze %dma_wait3A_1206 : memref<1x32xi32, #tpu.memory_space<vmem>> -> memref<32xi32, #tpu.memory_space<vmem>>
      %dma_wait3A_1208 = arith.constant 0 : i32
      %dma_wait3A_1209 = arith.constant 0 : i32
      %dma_wait3A_1210 = tpu.memref_slice %arg5[%dma_wait3A_1208, %dma_wait3A_1209] : memref<10000x128xf32, #tpu.memory_space<vmem_shared>> -> memref<10000x128xf32, #tpu.memory_space<vmem_shared>>
      tpu.wait_indirect_dma semaphore(%arg13 : memref<!tpu.dma_semaphore, #tpu.memory_space<semaphore_mem>>) src(%dma_wait3A_1210 : memref<10000x128xf32, #tpu.memory_space<vmem_shared>>) dst(%arg9 : memref<32x128xf32, #tpu.memory_space<vmem>>)
      %get3A_1211 = arith.constant 7 : i32
      %get3A_1212 = arith.index_cast %get3A_1211 : i32 to index
      %get3A_1213 = arith.constant 96 : index
      %get3A_1214 = tpu.vector_load %arg7[%get3A_1212, %get3A_1213] {strides = array<i32>} : memref<8x128xi32, #tpu.memory_space<vmem>>, vector<1x16xi32>,
      %get3A_1215 = vector.shape_cast %get3A_1214 : vector<1x16xi32> to vector<16xi32>
      %shift_right_arithmetic3A_1216 = arith.constant 7 : i32
      %shift_right_arithmetic3A_1217 = vector.broadcast %shift_right_arithmetic3A_1216 : i32 to vector<16xi32>
      %shift_right_arithmetic3A_1218 = arith.shrsi %get3A_1215, %shift_right_arithmetic3A_1217 : vector<16xi32>
      %and3A_1219 = arith.constant 1 : i32
      %and3A_1220 = vector.broadcast %and3A_1219 : i32 to vector<16xi32>
      %and3A_1221 = arith.andi %shift_right_arithmetic3A_1218, %and3A_1220 : vector<16xi32>
      %eq3A_1222 = vector.broadcast %arg0 : i32 to vector<16xi32>
      %eq3A_1223 = arith.cmpi eq, %and3A_1221, %eq3A_1222 : vector<16xi32>
      %shift_right_arithmetic3A_1224 = arith.constant 8 : i32
      %shift_right_arithmetic3A_1225 = vector.broadcast %shift_right_arithmetic3A_1224 : i32 to vector<16xi32>
      %shift_right_arithmetic3A_1226 = arith.shrsi %get3A_1215, %shift_right_arithmetic3A_1225 : vector<16xi32>
      %shift_left3A_1227 = arith.constant 7 : i32
      %shift_left3A_1228 = vector.broadcast %shift_left3A_1227 : i32 to vector<16xi32>
      %shift_left3A_1229 = arith.shli %shift_right_arithmetic3A_1226, %shift_left3A_1228 : vector<16xi32>
      %and3A_1230 = arith.constant 127 : i32
      %and3A_1231 = vector.broadcast %and3A_1230 : i32 to vector<16xi32>
      %and3A_1232 = arith.andi %get3A_1215, %and3A_1231 : vector<16xi32>
      %or3A_1233 = arith.ori %shift_left3A_1229, %and3A_1232 : vector<16xi32>
      %select_n3A_1234 = arith.select %eq3A_1223, %or3A_1233, %add3A_35 : vector<16xi1>, vector<16xi32>
      %swap3A_1235 = arith.constant 0 : index
      %swap3A_1236 = tpu.vector_load %arg11[%swap3A_1235] {strides = array<i32>} : memref<32xi32, #tpu.memory_space<vmem>>, vector<16xi32>,
      %swap3A_1237 = vector.shape_cast %swap3A_1236 : vector<16xi32> to vector<16xi32>
      %swap3A_1238 = vector.shape_cast %select_n3A_1234 : vector<16xi32> to vector<16xi32>
      tpu.vector_store %arg11[%swap3A_1235], %swap3A_1238 {strides = array<i32>} : memref<32xi32, #tpu.memory_space<vmem>>, vector<16xi32>,
      %get3A_1239 = arith.constant 7 : i32
      %get3A_1240 = arith.index_cast %get3A_1239 : i32 to index
      %get3A_1241 = arith.constant 112 : index
      %get3A_1242 = tpu.vector_load %arg7[%get3A_1240, %get3A_1241] {strides = array<i32>} : memref<8x128xi32, #tpu.memory_space<vmem>>, vector<1x16xi32>,
      %get3A_1243 = vector.shape_cast %get3A_1242 : vector<1x16xi32> to vector<16xi32>
      %shift_right_arithmetic3A_1244 = arith.constant 7 : i32
      %shift_right_arithmetic3A_1245 = vector.broadcast %shift_right_arithmetic3A_1244 : i32 to vector<16xi32>
      %shift_right_arithmetic3A_1246 = arith.shrsi %get3A_1243, %shift_right_arithmetic3A_1245 : vector<16xi32>
      %and3A_1247 = arith.constant 1 : i32
      %and3A_1248 = vector.broadcast %and3A_1247 : i32 to vector<16xi32>
      %and3A_1249 = arith.andi %shift_right_arithmetic3A_1246, %and3A_1248 : vector<16xi32>
      %eq3A_1250 = vector.broadcast %arg0 : i32 to vector<16xi32>
      %eq3A_1251 = arith.cmpi eq, %and3A_1249, %eq3A_1250 : vector<16xi32>
      %shift_right_arithmetic3A_1252 = arith.constant 8 : i32
      %shift_right_arithmetic3A_1253 = vector.broadcast %shift_right_arithmetic3A_1252 : i32 to vector<16xi32>
      %shift_right_arithmetic3A_1254 = arith.shrsi %get3A_1243, %shift_right_arithmetic3A_1253 : vector<16xi32>
      %shift_left3A_1255 = arith.constant 7 : i32
      %shift_left3A_1256 = vector.broadcast %shift_left3A_1255 : i32 to vector<16xi32>
      %shift_left3A_1257 = arith.shli %shift_right_arithmetic3A_1254, %shift_left3A_1256 : vector<16xi32>
      %and3A_1258 = arith.constant 127 : i32
      %and3A_1259 = vector.broadcast %and3A_1258 : i32 to vector<16xi32>
      %and3A_1260 = arith.andi %get3A_1243, %and3A_1259 : vector<16xi32>
      %or3A_1261 = arith.ori %shift_left3A_1257, %and3A_1260 : vector<16xi32>
      %select_n3A_1262 = arith.select %eq3A_1251, %or3A_1261, %add3A_35 : vector<16xi1>, vector<16xi32>
      %swap3A_1263 = arith.constant 16 : index
      %swap3A_1264 = tpu.vector_load %arg11[%swap3A_1263] {strides = array<i32>} : memref<32xi32, #tpu.memory_space<vmem>>, vector<16xi32>,
      %swap3A_1265 = vector.shape_cast %swap3A_1264 : vector<16xi32> to vector<16xi32>
      %swap3A_1266 = vector.shape_cast %select_n3A_1262 : vector<16xi32> to vector<16xi32>
      tpu.vector_store %arg11[%swap3A_1263], %swap3A_1266 {strides = array<i32>} : memref<32xi32, #tpu.memory_space<vmem>>, vector<16xi32>,
      %dma_start3A_1267 = arith.constant 0 : i32
      %dma_start3A_1268 = arith.constant 0 : i32
      %dma_start3A_1269 = tpu.memref_slice %arg6[%dma_start3A_1267, %dma_start3A_1268] : memref<5120x128xf32, #tpu.memory_space<vmem_shared>> -> memref<5120x128xf32, #tpu.memory_space<vmem_shared>>
      tpu.enqueue_indirect_dma source(%arg9 : memref<32x128xf32, #tpu.memory_space<vmem>>) target(%dma_start3A_1269 : memref<5120x128xf32, #tpu.memory_space<vmem_shared>>) offsets(%arg11 : memref<32xi32, #tpu.memory_space<vmem>>) semaphore(%arg13 : memref<!tpu.dma_semaphore, #tpu.memory_space<semaphore_mem>>) {add = true}
      %lt3A_1270 = arith.constant 39 : i32
      %lt3A_1271 = arith.cmpi slt, %scan3A_59, %lt3A_1270 : i32
      %convert_element_type3A_1272 = arith.extui %lt3A_1271 : i1 to i32
      %cond3A_1273 = arith.constant 0 : i32
      %cond3A_1274 = arith.cmpi ne, %convert_element_type3A_1272, %cond3A_1273 : i32
      scf.if %cond3A_1274 {
        %mul3A_1281 = arith.constant 40 : i32
        %mul3A_1282 = arith.muli %arg1, %mul3A_1281 : i32
        %add3A_1283 = arith.addi %mul3A_1282, %scan3A_59 : i32
        %add3A_1284 = arith.constant 1 : i32
        %add3A_1285 = arith.addi %add3A_1283, %add3A_1284 : i32
        %mul3A_1286 = arith.constant 8 : i32
        %mul3A_1287 = arith.muli %add3A_1285, %mul3A_1286 : i32
        %dma_start3A_1288 = arith.constant 0 : i32
        %dma_start3A_1289 = tpu.memref_slice %arg3[%mul3A_1287, %dma_start3A_1288] : memref<5120x128xi32, #tpu.memory_space<hbm>> -> memref<8x128xi32, #tpu.memory_space<hbm>>
        %dma_start3A_1290 = arith.constant 0 : i32
        %dma_start3A_1291 = tpu.memref_slice %arg3[%mul3A_1287, %dma_start3A_1290] : memref<5120x128xi32, #tpu.memory_space<hbm>> -> memref<8x128xi32, #tpu.memory_space<hbm>>
        tpu.enqueue_dma source(%dma_start3A_1291 : memref<8x128xi32, #tpu.memory_space<hbm>>) target(%arg7 : memref<8x128xi32, #tpu.memory_space<vmem>>) target_semaphore(%arg14 : memref<!tpu.dma_semaphore, #tpu.memory_space<semaphore_mem>>)
      } else {
      }
      %dma_wait3A_1275 = arith.constant 0 : i32
      %dma_wait3A_1276 = arith.constant 0 : i32
      %dma_wait3A_1277 = tpu.memref_slice %arg6[%dma_wait3A_1275, %dma_wait3A_1276] : memref<5120x128xf32, #tpu.memory_space<vmem_shared>> -> memref<5120x128xf32, #tpu.memory_space<vmem_shared>>
      tpu.wait_indirect_dma semaphore(%arg12 : memref<!tpu.dma_semaphore, #tpu.memory_space<semaphore_mem>>) src(%arg8 : memref<32x128xf32, #tpu.memory_space<vmem>>) dst(%dma_wait3A_1277 : memref<5120x128xf32, #tpu.memory_space<vmem_shared>>)
      %dma_wait3A_1278 = arith.constant 0 : i32
      %dma_wait3A_1279 = arith.constant 0 : i32
      %dma_wait3A_1280 = tpu.memref_slice %arg6[%dma_wait3A_1278, %dma_wait3A_1279] : memref<5120x128xf32, #tpu.memory_space<vmem_shared>> -> memref<5120x128xf32, #tpu.memory_space<vmem_shared>>
      tpu.wait_indirect_dma semaphore(%arg13 : memref<!tpu.dma_semaphore, #tpu.memory_space<semaphore_mem>>) src(%arg9 : memref<32x128xf32, #tpu.memory_space<vmem>>) dst(%dma_wait3A_1280 : memref<5120x128xf32, #tpu.memory_space<vmem_shared>>)
    }
    %scan3A_47 = arith.constant 40 : i32
    %barrier3A_48 = arith.constant 0 : index
    tpu.barrier barrier_id(%barrier3A_48)
    %lt3A_49 = arith.constant 8 : i32
    %lt3A_50 = arith.cmpi slt, %arg1, %lt3A_49 : i32
    %convert_element_type3A_51 = arith.extui %lt3A_50 : i1 to i32
    %cond3A_52 = arith.constant 0 : i32
    %cond3A_53 = arith.cmpi ne, %convert_element_type3A_51, %cond3A_52 : i32
    scf.if %cond3A_53 {
      %mul3A_59 = arith.constant 3 : i32
      %mul3A_60 = arith.muli %arg1, %mul3A_59 : i32
      %add3A_61 = arith.constant 0 : i32
      %add3A_62 = arith.addi %mul3A_60, %add3A_61 : i32
      %mul3A_63 = arith.constant 128 : i32
      %mul3A_64 = arith.muli %add3A_62, %mul3A_63 : i32
      %mul3A_65 = arith.constant 2 : i32
      %mul3A_66 = arith.muli %mul3A_65, %add3A_62 : i32
      %add3A_67 = arith.addi %mul3A_66, %arg0 : i32
      %mul3A_68 = arith.constant 128 : i32
      %mul3A_69 = arith.muli %add3A_67, %mul3A_68 : i32
      "tpu.region"() ({
        %run_scoped3A = tpu.sem_alloc : memref<!tpu.dma_semaphore, #tpu.memory_space<semaphore_mem>>
        %dma_start3A_92 = arith.constant 0 : i32
        %dma_start3A_93 = tpu.memref_slice %arg4[%mul3A_69, %dma_start3A_92] : memref<10240x128xf32, #tpu.memory_space<hbm>> -> memref<128x128xf32, #tpu.memory_space<hbm>>
        %dma_start3A_94 = arith.constant 0 : i32
        %dma_start3A_95 = tpu.memref_slice %arg6[%mul3A_64, %dma_start3A_94] : memref<5120x128xf32, #tpu.memory_space<vmem_shared>> -> memref<128x128xf32, #tpu.memory_space<vmem_shared>>
        tpu.enqueue_dma source(%dma_start3A_95 : memref<128x128xf32, #tpu.memory_space<vmem_shared>>) target(%dma_start3A_93 : memref<128x128xf32, #tpu.memory_space<hbm>>) target_semaphore(%run_scoped3A : memref<!tpu.dma_semaphore, #tpu.memory_space<semaphore_mem>>)
        %dma_wait3A = arith.constant 0 : i32
        %dma_wait3A_96 = tpu.memref_slice %arg4[%mul3A_69, %dma_wait3A] : memref<10240x128xf32, #tpu.memory_space<hbm>> -> memref<128x128xf32, #tpu.memory_space<hbm>>
        %dma_wait3A_97 = arith.constant 0 : i32
        %dma_wait3A_98 = tpu.memref_slice %arg6[%mul3A_64, %dma_wait3A_97] : memref<5120x128xf32, #tpu.memory_space<vmem_shared>> -> memref<128x128xf32, #tpu.memory_space<vmem_shared>>
        tpu.wait_dma2 semaphore(%run_scoped3A : memref<!tpu.dma_semaphore, #tpu.memory_space<semaphore_mem>>) src(%dma_wait3A_98 : memref<128x128xf32, #tpu.memory_space<vmem_shared>>) dst(%dma_wait3A_96 : memref<128x128xf32, #tpu.memory_space<hbm>>)
        tpu.yield
      }) : () -> ()
      %mul3A_70 = arith.constant 3 : i32
      %mul3A_71 = arith.muli %arg1, %mul3A_70 : i32
      %add3A_72 = arith.constant 1 : i32
      %add3A_73 = arith.addi %mul3A_71, %add3A_72 : i32
      %mul3A_74 = arith.constant 128 : i32
      %mul3A_75 = arith.muli %add3A_73, %mul3A_74 : i32
      %mul3A_76 = arith.constant 2 : i32
      %mul3A_77 = arith.muli %mul3A_76, %add3A_73 : i32
      %add3A_78 = arith.addi %mul3A_77, %arg0 : i32
      %mul3A_79 = arith.constant 128 : i32
      %mul3A_80 = arith.muli %add3A_78, %mul3A_79 : i32
      "tpu.region"() ({
        %run_scoped3A = tpu.sem_alloc : memref<!tpu.dma_semaphore, #tpu.memory_space<semaphore_mem>>
        %dma_start3A_92 = arith.constant 0 : i32
        %dma_start3A_93 = tpu.memref_slice %arg4[%mul3A_80, %dma_start3A_92] : memref<10240x128xf32, #tpu.memory_space<hbm>> -> memref<128x128xf32, #tpu.memory_space<hbm>>
        %dma_start3A_94 = arith.constant 0 : i32
        %dma_start3A_95 = tpu.memref_slice %arg6[%mul3A_75, %dma_start3A_94] : memref<5120x128xf32, #tpu.memory_space<vmem_shared>> -> memref<128x128xf32, #tpu.memory_space<vmem_shared>>
        tpu.enqueue_dma source(%dma_start3A_95 : memref<128x128xf32, #tpu.memory_space<vmem_shared>>) target(%dma_start3A_93 : memref<128x128xf32, #tpu.memory_space<hbm>>) target_semaphore(%run_scoped3A : memref<!tpu.dma_semaphore, #tpu.memory_space<semaphore_mem>>)
        %dma_wait3A = arith.constant 0 : i32
        %dma_wait3A_96 = tpu.memref_slice %arg4[%mul3A_80, %dma_wait3A] : memref<10240x128xf32, #tpu.memory_space<hbm>> -> memref<128x128xf32, #tpu.memory_space<hbm>>
        %dma_wait3A_97 = arith.constant 0 : i32
        %dma_wait3A_98 = tpu.memref_slice %arg6[%mul3A_75, %dma_wait3A_97] : memref<5120x128xf32, #tpu.memory_space<vmem_shared>> -> memref<128x128xf32, #tpu.memory_space<vmem_shared>>
        tpu.wait_dma2 semaphore(%run_scoped3A : memref<!tpu.dma_semaphore, #tpu.memory_space<semaphore_mem>>) src(%dma_wait3A_98 : memref<128x128xf32, #tpu.memory_space<vmem_shared>>) dst(%dma_wait3A_96 : memref<128x128xf32, #tpu.memory_space<hbm>>)
        tpu.yield
      }) : () -> ()
      %mul3A_81 = arith.constant 3 : i32
      %mul3A_82 = arith.muli %arg1, %mul3A_81 : i32
      %add3A_83 = arith.constant 2 : i32
      %add3A_84 = arith.addi %mul3A_82, %add3A_83 : i32
      %mul3A_85 = arith.constant 128 : i32
      %mul3A_86 = arith.muli %add3A_84, %mul3A_85 : i32
      %mul3A_87 = arith.constant 2 : i32
      %mul3A_88 = arith.muli %mul3A_87, %add3A_84 : i32
      %add3A_89 = arith.addi %mul3A_88, %arg0 : i32
      %mul3A_90 = arith.constant 128 : i32
      %mul3A_91 = arith.muli %add3A_89, %mul3A_90 : i32
      "tpu.region"() ({
        %run_scoped3A = tpu.sem_alloc : memref<!tpu.dma_semaphore, #tpu.memory_space<semaphore_mem>>
        %dma_start3A_92 = arith.constant 0 : i32
        %dma_start3A_93 = tpu.memref_slice %arg4[%mul3A_91, %dma_start3A_92] : memref<10240x128xf32, #tpu.memory_space<hbm>> -> memref<128x128xf32, #tpu.memory_space<hbm>>
        %dma_start3A_94 = arith.constant 0 : i32
        %dma_start3A_95 = tpu.memref_slice %arg6[%mul3A_86, %dma_start3A_94] : memref<5120x128xf32, #tpu.memory_space<vmem_shared>> -> memref<128x128xf32, #tpu.memory_space<vmem_shared>>
        tpu.enqueue_dma source(%dma_start3A_95 : memref<128x128xf32, #tpu.memory_space<vmem_shared>>) target(%dma_start3A_93 : memref<128x128xf32, #tpu.memory_space<hbm>>) target_semaphore(%run_scoped3A : memref<!tpu.dma_semaphore, #tpu.memory_space<semaphore_mem>>)
        %dma_wait3A = arith.constant 0 : i32
        %dma_wait3A_96 = tpu.memref_slice %arg4[%mul3A_91, %dma_wait3A] : memref<10240x128xf32, #tpu.memory_space<hbm>> -> memref<128x128xf32, #tpu.memory_space<hbm>>
        %dma_wait3A_97 = arith.constant 0 : i32
        %dma_wait3A_98 = tpu.memref_slice %arg6[%mul3A_86, %dma_wait3A_97] : memref<5120x128xf32, #tpu.memory_space<vmem_shared>> -> memref<128x128xf32, #tpu.memory_space<vmem_shared>>
        tpu.wait_dma2 semaphore(%run_scoped3A : memref<!tpu.dma_semaphore, #tpu.memory_space<semaphore_mem>>) src(%dma_wait3A_98 : memref<128x128xf32, #tpu.memory_space<vmem_shared>>) dst(%dma_wait3A_96 : memref<128x128xf32, #tpu.memory_space<hbm>>)
        tpu.yield
      }) : () -> ()
    } else {
    }
    %ge3A_54 = arith.constant 8 : i32
    %ge3A_55 = arith.cmpi sge, %arg1, %ge3A_54 : i32
    %convert_element_type3A_56 = arith.extui %ge3A_55 : i1 to i32
    %cond3A_57 = arith.constant 0 : i32
    %cond3A_58 = arith.cmpi ne, %convert_element_type3A_56, %cond3A_57 : i32
    scf.if %cond3A_58 {
      %sub3A_59 = arith.constant 8 : i32
      %sub3A_60 = arith.subi %arg1, %sub3A_59 : i32
      %mul3A_61 = arith.constant 2 : i32
      %mul3A_62 = arith.muli %sub3A_60, %mul3A_61 : i32
      %add3A_63 = arith.constant 24 : i32
      %add3A_64 = arith.addi %add3A_63, %mul3A_62 : i32
      %add3A_65 = arith.constant 0 : i32
      %add3A_66 = arith.addi %add3A_64, %add3A_65 : i32
      %mul3A_67 = arith.constant 128 : i32
      %mul3A_68 = arith.muli %add3A_66, %mul3A_67 : i32
      %mul3A_69 = arith.constant 2 : i32
      %mul3A_70 = arith.muli %mul3A_69, %add3A_66 : i32
      %add3A_71 = arith.addi %mul3A_70, %arg0 : i32
      %mul3A_72 = arith.constant 128 : i32
      %mul3A_73 = arith.muli %add3A_71, %mul3A_72 : i32
      "tpu.region"() ({
        %run_scoped3A = tpu.sem_alloc : memref<!tpu.dma_semaphore, #tpu.memory_space<semaphore_mem>>
        %dma_start3A_89 = arith.constant 0 : i32
        %dma_start3A_90 = tpu.memref_slice %arg4[%mul3A_73, %dma_start3A_89] : memref<10240x128xf32, #tpu.memory_space<hbm>> -> memref<128x128xf32, #tpu.memory_space<hbm>>
        %dma_start3A_91 = arith.constant 0 : i32
        %dma_start3A_92 = tpu.memref_slice %arg6[%mul3A_68, %dma_start3A_91] : memref<5120x128xf32, #tpu.memory_space<vmem_shared>> -> memref<128x128xf32, #tpu.memory_space<vmem_shared>>
        tpu.enqueue_dma source(%dma_start3A_92 : memref<128x128xf32, #tpu.memory_space<vmem_shared>>) target(%dma_start3A_90 : memref<128x128xf32, #tpu.memory_space<hbm>>) target_semaphore(%run_scoped3A : memref<!tpu.dma_semaphore, #tpu.memory_space<semaphore_mem>>)
        %dma_wait3A = arith.constant 0 : i32
        %dma_wait3A_93 = tpu.memref_slice %arg4[%mul3A_73, %dma_wait3A] : memref<10240x128xf32, #tpu.memory_space<hbm>> -> memref<128x128xf32, #tpu.memory_space<hbm>>
        %dma_wait3A_94 = arith.constant 0 : i32
        %dma_wait3A_95 = tpu.memref_slice %arg6[%mul3A_68, %dma_wait3A_94] : memref<5120x128xf32, #tpu.memory_space<vmem_shared>> -> memref<128x128xf32, #tpu.memory_space<vmem_shared>>
        tpu.wait_dma2 semaphore(%run_scoped3A : memref<!tpu.dma_semaphore, #tpu.memory_space<semaphore_mem>>) src(%dma_wait3A_95 : memref<128x128xf32, #tpu.memory_space<vmem_shared>>) dst(%dma_wait3A_93 : memref<128x128xf32, #tpu.memory_space<hbm>>)
        tpu.yield
      }) : () -> ()
      %sub3A_74 = arith.constant 8 : i32
      %sub3A_75 = arith.subi %arg1, %sub3A_74 : i32
      %mul3A_76 = arith.constant 2 : i32
      %mul3A_77 = arith.muli %sub3A_75, %mul3A_76 : i32
      %add3A_78 = arith.constant 24 : i32
      %add3A_79 = arith.addi %add3A_78, %mul3A_77 : i32
      %add3A_80 = arith.constant 1 : i32
      %add3A_81 = arith.addi %add3A_79, %add3A_80 : i32
      %mul3A_82 = arith.constant 128 : i32
      %mul3A_83 = arith.muli %add3A_81, %mul3A_82 : i32
      %mul3A_84 = arith.constant 2 : i32
      %mul3A_85 = arith.muli %mul3A_84, %add3A_81 : i32
      %add3A_86 = arith.addi %mul3A_85, %arg0 : i32
      %mul3A_87 = arith.constant 128 : i32
      %mul3A_88 = arith.muli %add3A_86, %mul3A_87 : i32
      "tpu.region"() ({
        %run_scoped3A = tpu.sem_alloc : memref<!tpu.dma_semaphore, #tpu.memory_space<semaphore_mem>>
        %dma_start3A_89 = arith.constant 0 : i32
        %dma_start3A_90 = tpu.memref_slice %arg4[%mul3A_88, %dma_start3A_89] : memref<10240x128xf32, #tpu.memory_space<hbm>> -> memref<128x128xf32, #tpu.memory_space<hbm>>
        %dma_start3A_91 = arith.constant 0 : i32
        %dma_start3A_92 = tpu.memref_slice %arg6[%mul3A_83, %dma_start3A_91] : memref<5120x128xf32, #tpu.memory_space<vmem_shared>> -> memref<128x128xf32, #tpu.memory_space<vmem_shared>>
        tpu.enqueue_dma source(%dma_start3A_92 : memref<128x128xf32, #tpu.memory_space<vmem_shared>>) target(%dma_start3A_90 : memref<128x128xf32, #tpu.memory_space<hbm>>) target_semaphore(%run_scoped3A : memref<!tpu.dma_semaphore, #tpu.memory_space<semaphore_mem>>)
        %dma_wait3A = arith.constant 0 : i32
        %dma_wait3A_93 = tpu.memref_slice %arg4[%mul3A_88, %dma_wait3A] : memref<10240x128xf32, #tpu.memory_space<hbm>> -> memref<128x128xf32, #tpu.memory_space<hbm>>
        %dma_wait3A_94 = arith.constant 0 : i32
        %dma_wait3A_95 = tpu.memref_slice %arg6[%mul3A_83, %dma_wait3A_94] : memref<5120x128xf32, #tpu.memory_space<vmem_shared>> -> memref<128x128xf32, #tpu.memory_space<vmem_shared>>
        tpu.wait_dma2 semaphore(%run_scoped3A : memref<!tpu.dma_semaphore, #tpu.memory_space<semaphore_mem>>) src(%dma_wait3A_95 : memref<128x128xf32, #tpu.memory_space<vmem_shared>>) dst(%dma_wait3A_93 : memref<128x128xf32, #tpu.memory_space<hbm>>)
        tpu.yield
      }) : () -> ()
    } else {
    }
    return
  }
}

#map = affine_map<(d0, d1) -> (0, 0)>
module attributes {stable_mosaic.version = 14 : i64} {
  func.func @_agg_body(%arg0: i32, %arg1: i32, %arg2: memref<10000x128xf32, #tpu.memory_space<hbm>>, %arg3: memref<5120x128xi32, #tpu.memory_space<hbm>>, %arg4: memref<10240x128xf32, #tpu.memory_space<hbm>>, %arg5: memref<10000x128xf32, #tpu.memory_space<vmem_shared>>, %arg6: memref<5120x128xf32, #tpu.memory_space<vmem_shared>>, %arg7: memref<8x128xi32, #tpu.memory_space<vmem>>, %arg8: memref<32x128xf32, #tpu.memory_space<vmem>>, %arg9: memref<32x128xf32, #tpu.memory_space<vmem>>, %arg10: memref<32xi32, #tpu.memory_space<vmem>>, %arg11: memref<32xi32, #tpu.memory_space<vmem>>, %arg12: memref<!tpu.dma_semaphore, #tpu.memory_space<semaphore_mem>>, %arg13: memref<!tpu.dma_semaphore, #tpu.memory_space<semaphore_mem>>, %arg14: memref<!tpu.dma_semaphore, #tpu.memory_space<semaphore_mem>>) attributes {dimension_semantics = [#tpu.dimension_semantics<core_parallel>, #tpu.dimension_semantics<subcore_parallel>], iteration_bounds = array<i64: 2, 16>, scalar_prefetch = 0 : i64, scratch_operands = 10 : i64, tpu.core_type = #tpu.core_type<sc_vector_subcore>, window_params = [{transform_indices = #map}, {transform_indices = #map}, {transform_indices = #map}]} {
    %eq3A = arith.constant 15 : i32
    %eq3A_0 = arith.cmpi eq, %arg1, %eq3A : i32
    %not3A = arith.constant true
    %not3A_1 = arith.xori %eq3A_0, %not3A : i1
    %convert_element_type3A = arith.extui %not3A_1 : i1 to i32
    %cond3A = arith.constant 0 : i32
    %cond3A_2 = arith.cmpi ne, %convert_element_type3A, %cond3A : i32
    scf.if %cond3A_2 {
      %mul3A_59 = arith.constant 632 : i32
      %mul3A_60 = arith.muli %arg1, %mul3A_59 : i32
      %mul3A_61 = arith.constant 632 : i32
      %mul3A_62 = arith.muli %arg1, %mul3A_61 : i32
      "tpu.region"() ({
        %run_scoped3A = tpu.sem_alloc : memref<!tpu.dma_semaphore, #tpu.memory_space<semaphore_mem>>
        %dma_start3A_63 = arith.constant 0 : i32
        %dma_start3A_64 = tpu.memref_slice %arg5[%mul3A_62, %dma_start3A_63] : memref<10000x128xf32, #tpu.memory_space<vmem_shared>> -> memref<632x128xf32, #tpu.memory_space<vmem_shared>>
        %dma_start3A_65 = arith.constant 0 : i32
        %dma_start3A_66 = tpu.memref_slice %arg2[%mul3A_60, %dma_start3A_65] : memref<10000x128xf32, #tpu.memory_space<hbm>> -> memref<632x128xf32, #tpu.memory_space<hbm>>
        tpu.enqueue_dma source(%dma_start3A_66 : memref<632x128xf32, #tpu.memory_space<hbm>>) target(%dma_start3A_64 : memref<632x128xf32, #tpu.memory_space<vmem_shared>>) target_semaphore(%run_scoped3A : memref<!tpu.dma_semaphore, #tpu.memory_space<semaphore_mem>>)
        %dma_wait3A = arith.constant 0 : i32
        %dma_wait3A_67 = tpu.memref_slice %arg5[%mul3A_62, %dma_wait3A] : memref<10000x128xf32, #tpu.memory_space<vmem_shared>> -> memref<632x128xf32, #tpu.memory_space<vmem_shared>>
        %dma_wait3A_68 = arith.constant 0 : i32
        %dma_wait3A_69 = tpu.memref_slice %arg2[%mul3A_60, %dma_wait3A_68] : memref<10000x128xf32, #tpu.memory_space<hbm>> -> memref<632x128xf32, #tpu.memory_space<hbm>>
        tpu.wait_dma2 semaphore(%run_scoped3A : memref<!tpu.dma_semaphore, #tpu.memory_space<semaphore_mem>>) src(%dma_wait3A_69 : memref<632x128xf32, #tpu.memory_space<hbm>>) dst(%dma_wait3A_67 : memref<632x128xf32, #tpu.memory_space<vmem_shared>>)
        tpu.yield
      }) : () -> ()
    } else {
    }
    %convert_element_type3A_3 = arith.extui %eq3A_0 : i1 to i32
    %cond3A_4 = arith.constant 0 : i32
    %cond3A_5 = arith.cmpi ne, %convert_element_type3A_3, %cond3A_4 : i32
    scf.if %cond3A_5 {
      "tpu.region"() ({
        %run_scoped3A = tpu.sem_alloc : memref<!tpu.dma_semaphore, #tpu.memory_space<semaphore_mem>>
        %dma_start3A_59 = arith.constant 9480 : i32
        %dma_start3A_60 = arith.constant 0 : i32
        %dma_start3A_61 = tpu.memref_slice %arg5[%dma_start3A_59, %dma_start3A_60] : memref<10000x128xf32, #tpu.memory_space<vmem_shared>> -> memref<520x128xf32, #tpu.memory_space<vmem_shared>>
        %dma_start3A_62 = arith.constant 9480 : i32
        %dma_start3A_63 = arith.constant 0 : i32
        %dma_start3A_64 = tpu.memref_slice %arg2[%dma_start3A_62, %dma_start3A_63] : memref<10000x128xf32, #tpu.memory_space<hbm>> -> memref<520x128xf32, #tpu.memory_space<hbm>>
        tpu.enqueue_dma source(%dma_start3A_64 : memref<520x128xf32, #tpu.memory_space<hbm>>) target(%dma_start3A_61 : memref<520x128xf32, #tpu.memory_space<vmem_shared>>) target_semaphore(%run_scoped3A : memref<!tpu.dma_semaphore, #tpu.memory_space<semaphore_mem>>)
        %dma_wait3A = arith.constant 9480 : i32
        %dma_wait3A_65 = arith.constant 0 : i32
        %dma_wait3A_66 = tpu.memref_slice %arg5[%dma_wait3A, %dma_wait3A_65] : memref<10000x128xf32, #tpu.memory_space<vmem_shared>> -> memref<520x128xf32, #tpu.memory_space<vmem_shared>>
        %dma_wait3A_67 = arith.constant 9480 : i32
        %dma_wait3A_68 = arith.constant 0 : i32
        %dma_wait3A_69 = tpu.memref_slice %arg2[%dma_wait3A_67, %dma_wait3A_68] : memref<10000x128xf32, #tpu.memory_space<hbm>> -> memref<520x128xf32, #tpu.memory_space<hbm>>
        tpu.wait_dma2 semaphore(%run_scoped3A : memref<!tpu.dma_semaphore, #tpu.memory_space<semaphore_mem>>) src(%dma_wait3A_69 : memref<520x128xf32, #tpu.memory_space<hbm>>) dst(%dma_wait3A_66 : memref<520x128xf32, #tpu.memory_space<vmem_shared>>)
        tpu.yield
      }) : () -> ()
    } else {
    }
    %lt3A = arith.constant 8 : i32
    %lt3A_6 = arith.cmpi slt, %arg1, %lt3A : i32
    %convert_element_type3A_7 = arith.extui %lt3A_6 : i1 to i32
    %cond3A_8 = arith.constant 0 : i32
    %cond3A_9 = arith.cmpi ne, %convert_element_type3A_7, %cond3A_8 : i32
    scf.if %cond3A_9 {
      %mul3A_59 = arith.constant 3 : i32
      %mul3A_60 = arith.muli %arg1, %mul3A_59 : i32
      %add3A_61 = arith.constant 0 : i32
      %add3A_62 = arith.addi %mul3A_60, %add3A_61 : i32
      %mul3A_63 = arith.constant 2 : i32
      %mul3A_64 = arith.muli %mul3A_63, %add3A_62 : i32
      %add3A_65 = arith.addi %mul3A_64, %arg0 : i32
      %mul3A_66 = arith.constant 128 : i32
      %mul3A_67 = arith.muli %add3A_65, %mul3A_66 : i32
      %mul3A_68 = arith.constant 128 : i32
      %mul3A_69 = arith.muli %add3A_62, %mul3A_68 : i32
      "tpu.region"() ({
        %run_scoped3A = tpu.sem_alloc : memref<!tpu.dma_semaphore, #tpu.memory_space<semaphore_mem>>
        %dma_start3A_92 = arith.constant 0 : i32
        %dma_start3A_93 = tpu.memref_slice %arg6[%mul3A_69, %dma_start3A_92] : memref<5120x128xf32, #tpu.memory_space<vmem_shared>> -> memref<128x128xf32, #tpu.memory_space<vmem_shared>>
        %dma_start3A_94 = arith.constant 0 : i32
        %dma_start3A_95 = tpu.memref_slice %arg2[%mul3A_67, %dma_start3A_94] : memref<10000x128xf32, #tpu.memory_space<hbm>> -> memref<128x128xf32, #tpu.memory_space<hbm>>
        tpu.enqueue_dma source(%dma_start3A_95 : memref<128x128xf32, #tpu.memory_space<hbm>>) target(%dma_start3A_93 : memref<128x128xf32, #tpu.memory_space<vmem_shared>>) target_semaphore(%run_scoped3A : memref<!tpu.dma_semaphore, #tpu.memory_space<semaphore_mem>>)
        %dma_wait3A = arith.constant 0 : i32
        %dma_wait3A_96 = tpu.memref_slice %arg6[%mul3A_69, %dma_wait3A] : memref<5120x128xf32, #tpu.memory_space<vmem_shared>> -> memref<128x128xf32, #tpu.memory_space<vmem_shared>>
        %dma_wait3A_97 = arith.constant 0 : i32
        %dma_wait3A_98 = tpu.memref_slice %arg2[%mul3A_67, %dma_wait3A_97] : memref<10000x128xf32, #tpu.memory_space<hbm>> -> memref<128x128xf32, #tpu.memory_space<hbm>>
        tpu.wait_dma2 semaphore(%run_scoped3A : memref<!tpu.dma_semaphore, #tpu.memory_space<semaphore_mem>>) src(%dma_wait3A_98 : memref<128x128xf32, #tpu.memory_space<hbm>>) dst(%dma_wait3A_96 : memref<128x128xf32, #tpu.memory_space<vmem_shared>>)
        tpu.yield
      }) : () -> ()
      %mul3A_70 = arith.constant 3 : i32
      %mul3A_71 = arith.muli %arg1, %mul3A_70 : i32
      %add3A_72 = arith.constant 1 : i32
      %add3A_73 = arith.addi %mul3A_71, %add3A_72 : i32
      %mul3A_74 = arith.constant 2 : i32
      %mul3A_75 = arith.muli %mul3A_74, %add3A_73 : i32
      %add3A_76 = arith.addi %mul3A_75, %arg0 : i32
      %mul3A_77 = arith.constant 128 : i32
      %mul3A_78 = arith.muli %add3A_76, %mul3A_77 : i32
      %mul3A_79 = arith.constant 128 : i32
      %mul3A_80 = arith.muli %add3A_73, %mul3A_79 : i32
      "tpu.region"() ({
        %run_scoped3A = tpu.sem_alloc : memref<!tpu.dma_semaphore, #tpu.memory_space<semaphore_mem>>
        %dma_start3A_92 = arith.constant 0 : i32
        %dma_start3A_93 = tpu.memref_slice %arg6[%mul3A_80, %dma_start3A_92] : memref<5120x128xf32, #tpu.memory_space<vmem_shared>> -> memref<128x128xf32, #tpu.memory_space<vmem_shared>>
        %dma_start3A_94 = arith.constant 0 : i32
        %dma_start3A_95 = tpu.memref_slice %arg2[%mul3A_78, %dma_start3A_94] : memref<10000x128xf32, #tpu.memory_space<hbm>> -> memref<128x128xf32, #tpu.memory_space<hbm>>
        tpu.enqueue_dma source(%dma_start3A_95 : memref<128x128xf32, #tpu.memory_space<hbm>>) target(%dma_start3A_93 : memref<128x128xf32, #tpu.memory_space<vmem_shared>>) target_semaphore(%run_scoped3A : memref<!tpu.dma_semaphore, #tpu.memory_space<semaphore_mem>>)
        %dma_wait3A = arith.constant 0 : i32
        %dma_wait3A_96 = tpu.memref_slice %arg6[%mul3A_80, %dma_wait3A] : memref<5120x128xf32, #tpu.memory_space<vmem_shared>> -> memref<128x128xf32, #tpu.memory_space<vmem_shared>>
        %dma_wait3A_97 = arith.constant 0 : i32
        %dma_wait3A_98 = tpu.memref_slice %arg2[%mul3A_78, %dma_wait3A_97] : memref<10000x128xf32, #tpu.memory_space<hbm>> -> memref<128x128xf32, #tpu.memory_space<hbm>>
        tpu.wait_dma2 semaphore(%run_scoped3A : memref<!tpu.dma_semaphore, #tpu.memory_space<semaphore_mem>>) src(%dma_wait3A_98 : memref<128x128xf32, #tpu.memory_space<hbm>>) dst(%dma_wait3A_96 : memref<128x128xf32, #tpu.memory_space<vmem_shared>>)
        tpu.yield
      }) : () -> ()
      %mul3A_81 = arith.constant 3 : i32
      %mul3A_82 = arith.muli %arg1, %mul3A_81 : i32
      %add3A_83 = arith.constant 2 : i32
      %add3A_84 = arith.addi %mul3A_82, %add3A_83 : i32
      %mul3A_85 = arith.constant 2 : i32
      %mul3A_86 = arith.muli %mul3A_85, %add3A_84 : i32
      %add3A_87 = arith.addi %mul3A_86, %arg0 : i32
      %mul3A_88 = arith.constant 128 : i32
      %mul3A_89 = arith.muli %add3A_87, %mul3A_88 : i32
      %mul3A_90 = arith.constant 128 : i32
      %mul3A_91 = arith.muli %add3A_84, %mul3A_90 : i32
      "tpu.region"() ({
        %run_scoped3A = tpu.sem_alloc : memref<!tpu.dma_semaphore, #tpu.memory_space<semaphore_mem>>
        %dma_start3A_92 = arith.constant 0 : i32
        %dma_start3A_93 = tpu.memref_slice %arg6[%mul3A_91, %dma_start3A_92] : memref<5120x128xf32, #tpu.memory_space<vmem_shared>> -> memref<128x128xf32, #tpu.memory_space<vmem_shared>>
        %dma_start3A_94 = arith.constant 0 : i32
        %dma_start3A_95 = tpu.memref_slice %arg2[%mul3A_89, %dma_start3A_94] : memref<10000x128xf32, #tpu.memory_space<hbm>> -> memref<128x128xf32, #tpu.memory_space<hbm>>
        tpu.enqueue_dma source(%dma_start3A_95 : memref<128x128xf32, #tpu.memory_space<hbm>>) target(%dma_start3A_93 : memref<128x128xf32, #tpu.memory_space<vmem_shared>>) target_semaphore(%run_scoped3A : memref<!tpu.dma_semaphore, #tpu.memory_space<semaphore_mem>>)
        %dma_wait3A = arith.constant 0 : i32
        %dma_wait3A_96 = tpu.memref_slice %arg6[%mul3A_91, %dma_wait3A] : memref<5120x128xf32, #tpu.memory_space<vmem_shared>> -> memref<128x128xf32, #tpu.memory_space<vmem_shared>>
        %dma_wait3A_97 = arith.constant 0 : i32
        %dma_wait3A_98 = tpu.memref_slice %arg2[%mul3A_89, %dma_wait3A_97] : memref<10000x128xf32, #tpu.memory_space<hbm>> -> memref<128x128xf32, #tpu.memory_space<hbm>>
        tpu.wait_dma2 semaphore(%run_scoped3A : memref<!tpu.dma_semaphore, #tpu.memory_space<semaphore_mem>>) src(%dma_wait3A_98 : memref<128x128xf32, #tpu.memory_space<hbm>>) dst(%dma_wait3A_96 : memref<128x128xf32, #tpu.memory_space<vmem_shared>>)
        tpu.yield
      }) : () -> ()
    } else {
    }
    %ge3A = arith.constant 8 : i32
    %ge3A_10 = arith.cmpi sge, %arg1, %ge3A : i32
    %convert_element_type3A_11 = arith.extui %ge3A_10 : i1 to i32
    %cond3A_12 = arith.constant 0 : i32
    %cond3A_13 = arith.cmpi ne, %convert_element_type3A_11, %cond3A_12 : i32
    scf.if %cond3A_13 {
      %sub3A_59 = arith.constant 8 : i32
      %sub3A_60 = arith.subi %arg1, %sub3A_59 : i32
      %mul3A_61 = arith.constant 2 : i32
      %mul3A_62 = arith.muli %sub3A_60, %mul3A_61 : i32
      %add3A_63 = arith.constant 24 : i32
      %add3A_64 = arith.addi %add3A_63, %mul3A_62 : i32
      %mul3A_65 = arith.constant 2 : i32
      %mul3A_66 = arith.muli %mul3A_65, %add3A_64 : i32
      %add3A_67 = arith.addi %mul3A_66, %arg0 : i32
      %mul3A_68 = arith.constant 128 : i32
      %mul3A_69 = arith.muli %add3A_67, %mul3A_68 : i32
      %mul3A_70 = arith.constant 128 : i32
      %mul3A_71 = arith.muli %add3A_64, %mul3A_70 : i32
      "tpu.region"() ({
        %run_scoped3A = tpu.sem_alloc : memref<!tpu.dma_semaphore, #tpu.memory_space<semaphore_mem>>
        %dma_start3A_72 = arith.constant 0 : i32
        %dma_start3A_73 = tpu.memref_slice %arg6[%mul3A_71, %dma_start3A_72] : memref<5120x128xf32, #tpu.memory_space<vmem_shared>> -> memref<128x128xf32, #tpu.memory_space<vmem_shared>>
        %dma_start3A_74 = arith.constant 0 : i32
        %dma_start3A_75 = tpu.memref_slice %arg2[%mul3A_69, %dma_start3A_74] : memref<10000x128xf32, #tpu.memory_space<hbm>> -> memref<128x128xf32, #tpu.memory_space<hbm>>
        tpu.enqueue_dma source(%dma_start3A_75 : memref<128x128xf32, #tpu.memory_space<hbm>>) target(%dma_start3A_73 : memref<128x128xf32, #tpu.memory_space<vmem_shared>>) target_semaphore(%run_scoped3A : memref<!tpu.dma_semaphore, #tpu.memory_space<semaphore_mem>>)
        %dma_wait3A = arith.constant 0 : i32
        %dma_wait3A_76 = tpu.memref_slice %arg6[%mul3A_71, %dma_wait3A] : memref<5120x128xf32, #tpu.memory_space<vmem_shared>> -> memref<128x128xf32, #tpu.memory_space<vmem_shared>>
        %dma_wait3A_77 = arith.constant 0 : i32
        %dma_wait3A_78 = tpu.memref_slice %arg2[%mul3A_69, %dma_wait3A_77] : memref<10000x128xf32, #tpu.memory_space<hbm>> -> memref<128x128xf32, #tpu.memory_space<hbm>>
        tpu.wait_dma2 semaphore(%run_scoped3A : memref<!tpu.dma_semaphore, #tpu.memory_space<semaphore_mem>>) src(%dma_wait3A_78 : memref<128x128xf32, #tpu.memory_space<hbm>>) dst(%dma_wait3A_76 : memref<128x128xf32, #tpu.memory_space<vmem_shared>>)
        tpu.yield
      }) : () -> ()
    } else {
    }
    %ge3A_14 = arith.constant 8 : i32
    %ge3A_15 = arith.cmpi sge, %arg1, %ge3A_14 : i32
    %ne3A = arith.constant 15 : i32
    %ne3A_16 = arith.cmpi ne, %arg1, %ne3A : i32
    %and3A = arith.andi %ge3A_15, %ne3A_16 : i1
    %convert_element_type3A_17 = arith.extui %and3A : i1 to i32
    %cond3A_18 = arith.constant 0 : i32
    %cond3A_19 = arith.cmpi ne, %convert_element_type3A_17, %cond3A_18 : i32
    scf.if %cond3A_19 {
      %sub3A_59 = arith.constant 8 : i32
      %sub3A_60 = arith.subi %arg1, %sub3A_59 : i32
      %mul3A_61 = arith.constant 2 : i32
      %mul3A_62 = arith.muli %sub3A_60, %mul3A_61 : i32
      %add3A_63 = arith.constant 24 : i32
      %add3A_64 = arith.addi %add3A_63, %mul3A_62 : i32
      %add3A_65 = arith.constant 1 : i32
      %add3A_66 = arith.addi %add3A_64, %add3A_65 : i32
      %mul3A_67 = arith.constant 2 : i32
      %mul3A_68 = arith.muli %mul3A_67, %add3A_66 : i32
      %add3A_69 = arith.addi %mul3A_68, %arg0 : i32
      %mul3A_70 = arith.constant 128 : i32
      %mul3A_71 = arith.muli %add3A_69, %mul3A_70 : i32
      %mul3A_72 = arith.constant 128 : i32
      %mul3A_73 = arith.muli %add3A_66, %mul3A_72 : i32
      "tpu.region"() ({
        %run_scoped3A = tpu.sem_alloc : memref<!tpu.dma_semaphore, #tpu.memory_space<semaphore_mem>>
        %dma_start3A_74 = arith.constant 0 : i32
        %dma_start3A_75 = tpu.memref_slice %arg6[%mul3A_73, %dma_start3A_74] : memref<5120x128xf32, #tpu.memory_space<vmem_shared>> -> memref<128x128xf32, #tpu.memory_space<vmem_shared>>
        %dma_start3A_76 = arith.constant 0 : i32
        %dma_start3A_77 = tpu.memref_slice %arg2[%mul3A_71, %dma_start3A_76] : memref<10000x128xf32, #tpu.memory_space<hbm>> -> memref<128x128xf32, #tpu.memory_space<hbm>>
        tpu.enqueue_dma source(%dma_start3A_77 : memref<128x128xf32, #tpu.memory_space<hbm>>) target(%dma_start3A_75 : memref<128x128xf32, #tpu.memory_space<vmem_shared>>) target_semaphore(%run_scoped3A : memref<!tpu.dma_semaphore, #tpu.memory_space<semaphore_mem>>)
        %dma_wait3A = arith.constant 0 : i32
        %dma_wait3A_78 = tpu.memref_slice %arg6[%mul3A_73, %dma_wait3A] : memref<5120x128xf32, #tpu.memory_space<vmem_shared>> -> memref<128x128xf32, #tpu.memory_space<vmem_shared>>
        %dma_wait3A_79 = arith.constant 0 : i32
        %dma_wait3A_80 = tpu.memref_slice %arg2[%mul3A_71, %dma_wait3A_79] : memref<10000x128xf32, #tpu.memory_space<hbm>> -> memref<128x128xf32, #tpu.memory_space<hbm>>
        tpu.wait_dma2 semaphore(%run_scoped3A : memref<!tpu.dma_semaphore, #tpu.memory_space<semaphore_mem>>) src(%dma_wait3A_80 : memref<128x128xf32, #tpu.memory_space<hbm>>) dst(%dma_wait3A_78 : memref<128x128xf32, #tpu.memory_space<vmem_shared>>)
        tpu.yield
      }) : () -> ()
    } else {
    }
    %eq3A_20 = arith.constant 15 : i32
    %eq3A_21 = arith.cmpi eq, %arg1, %eq3A_20 : i32
    %eq3A_22 = arith.constant 0 : i32
    %eq3A_23 = arith.cmpi eq, %arg0, %eq3A_22 : i32
    %and3A_24 = arith.andi %eq3A_21, %eq3A_23 : i1
    %convert_element_type3A_25 = arith.extui %and3A_24 : i1 to i32
    %cond3A_26 = arith.constant 0 : i32
    %cond3A_27 = arith.cmpi ne, %convert_element_type3A_25, %cond3A_26 : i32
    scf.if %cond3A_27 {
      "tpu.region"() ({
        %run_scoped3A = tpu.sem_alloc : memref<!tpu.dma_semaphore, #tpu.memory_space<semaphore_mem>>
        %dma_start3A_59 = arith.constant 4992 : i32
        %dma_start3A_60 = arith.constant 0 : i32
        %dma_start3A_61 = tpu.memref_slice %arg6[%dma_start3A_59, %dma_start3A_60] : memref<5120x128xf32, #tpu.memory_space<vmem_shared>> -> memref<16x128xf32, #tpu.memory_space<vmem_shared>>
        %dma_start3A_62 = arith.constant 9984 : i32
        %dma_start3A_63 = arith.constant 0 : i32
        %dma_start3A_64 = tpu.memref_slice %arg2[%dma_start3A_62, %dma_start3A_63] : memref<10000x128xf32, #tpu.memory_space<hbm>> -> memref<16x128xf32, #tpu.memory_space<hbm>>
        tpu.enqueue_dma source(%dma_start3A_64 : memref<16x128xf32, #tpu.memory_space<hbm>>) target(%dma_start3A_61 : memref<16x128xf32, #tpu.memory_space<vmem_shared>>) target_semaphore(%run_scoped3A : memref<!tpu.dma_semaphore, #tpu.memory_space<semaphore_mem>>)
        %dma_wait3A = arith.constant 4992 : i32
        %dma_wait3A_65 = arith.constant 0 : i32
        %dma_wait3A_66 = tpu.memref_slice %arg6[%dma_wait3A, %dma_wait3A_65] : memref<5120x128xf32, #tpu.memory_space<vmem_shared>> -> memref<16x128xf32, #tpu.memory_space<vmem_shared>>
        %dma_wait3A_67 = arith.constant 9984 : i32
        %dma_wait3A_68 = arith.constant 0 : i32
        %dma_wait3A_69 = tpu.memref_slice %arg2[%dma_wait3A_67, %dma_wait3A_68] : memref<10000x128xf32, #tpu.memory_space<hbm>> -> memref<16x128xf32, #tpu.memory_space<hbm>>
        tpu.wait_dma2 semaphore(%run_scoped3A : memref<!tpu.dma_semaphore, #tpu.memory_space<semaphore_mem>>) src(%dma_wait3A_69 : memref<16x128xf32, #tpu.memory_space<hbm>>) dst(%dma_wait3A_66 : memref<16x128xf32, #tpu.memory_space<vmem_shared>>)
        tpu.yield
      }) : () -> ()
    } else {
    }
    %barrier3A = arith.constant 0 : index
    tpu.barrier barrier_id(%barrier3A)
    %iota3A = tpu.iota {dimensions = array<i32: 0>} : vector<16xi32>
    %mul3A = arith.constant 16 : i32
    %mul3A_28 = arith.muli %mul3A, %arg0 : i32
    %sub3A = arith.constant 5008 : i32
    %sub3A_29 = arith.subi %sub3A, %mul3A_28 : i32
    %shift_left3A = arith.constant 2 : i32
    %shift_left3A_30 = arith.shli %arg1, %shift_left3A : i32
    %add3A = arith.addi %sub3A_29, %shift_left3A_30 : i32
    %and3A_31 = arith.constant 3 : i32
    %and3A_32 = vector.broadcast %and3A_31 : i32 to vector<16xi32>
    %and3A_33 = arith.andi %iota3A, %and3A_32 : vector<16xi32>
    %add3A_34 = vector.broadcast %add3A : i32 to vector<16xi32>
    %add3A_35 = arith.addi %add3A_34, %and3A_33 : vector<16xi32>
    %mul3A_36 = arith.constant 40 : i32
    %mul3A_37 = arith.muli %arg1, %mul3A_36 : i32
    %mul3A_38 = arith.constant 8 : i32
    %mul3A_39 = arith.muli %mul3A_37, %mul3A_38 : i32
    %dma_start3A = arith.constant 0 : i32
    %dma_start3A_40 = tpu.memref_slice %arg3[%mul3A_39, %dma_start3A] : memref<5120x128xi32, #tpu.memory_space<hbm>> -> memref<8x128xi32, #tpu.memory_space<hbm>>
    %dma_start3A_41 = arith.constant 0 : i32
    %dma_start3A_42 = tpu.memref_slice %arg3[%mul3A_39, %dma_start3A_41] : memref<5120x128xi32, #tpu.memory_space<hbm>> -> memref<8x128xi32, #tpu.memory_space<hbm>>
    tpu.enqueue_dma source(%dma_start3A_42 : memref<8x128xi32, #tpu.memory_space<hbm>>) target(%arg7 : memref<8x128xi32, #tpu.memory_space<vmem>>) target_semaphore(%arg14 : memref<!tpu.dma_semaphore, #tpu.memory_space<semaphore_mem>>)
    %scan3A = arith.constant 0 : i32
    %scan3A_43 = arith.constant 0 : i32
    %scan3A_44 = arith.constant 40 : i32
    %scan3A_45 = arith.addi %scan3A_43, %scan3A_44 : i32
    %scan3A_46 = arith.constant 1 : i32
    scf.for %scan3A_59 = %scan3A_43 to %scan3A_45 step %scan3A_46  : i32 {
      %dma_wait3A = arith.constant 0 : i32
      %dma_wait3A_60 = arith.constant 0 : i32
      %dma_wait3A_61 = tpu.memref_slice %arg3[%dma_wait3A, %dma_wait3A_60] : memref<5120x128xi32, #tpu.memory_space<hbm>> -> memref<8x128xi32, #tpu.memory_space<hbm>>
      %dma_wait3A_62 = arith.constant 0 : i32
      %dma_wait3A_63 = arith.constant 0 : i32
      %dma_wait3A_64 = tpu.memref_slice %arg3[%dma_wait3A_62, %dma_wait3A_63] : memref<5120x128xi32, #tpu.memory_space<hbm>> -> memref<8x128xi32, #tpu.memory_space<hbm>>
      tpu.wait_dma2 semaphore(%arg14 : memref<!tpu.dma_semaphore, #tpu.memory_space<semaphore_mem>>) src(%dma_wait3A_64 : memref<8x128xi32, #tpu.memory_space<hbm>>) dst(%arg7 : memref<8x128xi32, #tpu.memory_space<vmem>>)
      %dma_start3A_65 = arith.constant 0 : i32
      %dma_start3A_66 = arith.constant 0 : i32
      %dma_start3A_67 = tpu.memref_slice %arg7[%dma_start3A_65, %dma_start3A_66] : memref<8x128xi32, #tpu.memory_space<vmem>> -> memref<1x32xi32, #tpu.memory_space<vmem>>
      %dma_start3A_68 = tpu.memref_squeeze %dma_start3A_67 : memref<1x32xi32, #tpu.memory_space<vmem>> -> memref<32xi32, #tpu.memory_space<vmem>>
      %dma_start3A_69 = arith.constant 0 : i32
      %dma_start3A_70 = arith.constant 0 : i32
      %dma_start3A_71 = tpu.memref_slice %arg5[%dma_start3A_69, %dma_start3A_70] : memref<10000x128xf32, #tpu.memory_space<vmem_shared>> -> memref<10000x128xf32, #tpu.memory_space<vmem_shared>>
      tpu.enqueue_indirect_dma source(%dma_start3A_71 : memref<10000x128xf32, #tpu.memory_space<vmem_shared>>) target(%arg8 : memref<32x128xf32, #tpu.memory_space<vmem>>) offsets(%dma_start3A_68 : memref<32xi32, #tpu.memory_space<vmem>>) semaphore(%arg12 : memref<!tpu.dma_semaphore, #tpu.memory_space<semaphore_mem>>)
      %dma_start3A_72 = arith.constant 0 : i32
      %dma_start3A_73 = arith.constant 32 : i32
      %dma_start3A_74 = tpu.memref_slice %arg7[%dma_start3A_72, %dma_start3A_73] : memref<8x128xi32, #tpu.memory_space<vmem>> -> memref<1x32xi32, #tpu.memory_space<vmem>>
      %dma_start3A_75 = tpu.memref_squeeze %dma_start3A_74 : memref<1x32xi32, #tpu.memory_space<vmem>> -> memref<32xi32, #tpu.memory_space<vmem>>
      %dma_start3A_76 = arith.constant 0 : i32
      %dma_start3A_77 = arith.constant 0 : i32
      %dma_start3A_78 = tpu.memref_slice %arg5[%dma_start3A_76, %dma_start3A_77] : memref<10000x128xf32, #tpu.memory_space<vmem_shared>> -> memref<10000x128xf32, #tpu.memory_space<vmem_shared>>
      tpu.enqueue_indirect_dma source(%dma_start3A_78 : memref<10000x128xf32, #tpu.memory_space<vmem_shared>>) target(%arg9 : memref<32x128xf32, #tpu.memory_space<vmem>>) offsets(%dma_start3A_75 : memref<32xi32, #tpu.memory_space<vmem>>) semaphore(%arg13 : memref<!tpu.dma_semaphore, #tpu.memory_space<semaphore_mem>>)
      %dma_wait3A_79 = arith.constant 0 : i32
      %dma_wait3A_80 = arith.constant 0 : i32
      %dma_wait3A_81 = tpu.memref_slice %arg7[%dma_wait3A_79, %dma_wait3A_80] : memref<8x128xi32, #tpu.memory_space<vmem>> -> memref<1x32xi32, #tpu.memory_space<vmem>>
      %dma_wait3A_82 = tpu.memref_squeeze %dma_wait3A_81 : memref<1x32xi32, #tpu.memory_space<vmem>> -> memref<32xi32, #tpu.memory_space<vmem>>
      %dma_wait3A_83 = arith.constant 0 : i32
      %dma_wait3A_84 = arith.constant 0 : i32
      %dma_wait3A_85 = tpu.memref_slice %arg5[%dma_wait3A_83, %dma_wait3A_84] : memref<10000x128xf32, #tpu.memory_space<vmem_shared>> -> memref<10000x128xf32, #tpu.memory_space<vmem_shared>>
      tpu.wait_indirect_dma semaphore(%arg12 : memref<!tpu.dma_semaphore, #tpu.memory_space<semaphore_mem>>) src(%dma_wait3A_85 : memref<10000x128xf32, #tpu.memory_space<vmem_shared>>) dst(%arg8 : memref<32x128xf32, #tpu.memory_space<vmem>>)
      %get3A = arith.constant 4 : i32
      %get3A_86 = arith.index_cast %get3A : i32 to index
      %get3A_87 = arith.constant 0 : index
      %get3A_88 = tpu.vector_load %arg7[%get3A_86, %get3A_87] {strides = array<i32>} : memref<8x128xi32, #tpu.memory_space<vmem>>, vector<1x16xi32>,
      %get3A_89 = vector.shape_cast %get3A_88 : vector<1x16xi32> to vector<16xi32>
      %shift_right_arithmetic3A = arith.constant 7 : i32
      %shift_right_arithmetic3A_90 = vector.broadcast %shift_right_arithmetic3A : i32 to vector<16xi32>
      %shift_right_arithmetic3A_91 = arith.shrsi %get3A_89, %shift_right_arithmetic3A_90 : vector<16xi32>
      %and3A_92 = arith.constant 1 : i32
      %and3A_93 = vector.broadcast %and3A_92 : i32 to vector<16xi32>
      %and3A_94 = arith.andi %shift_right_arithmetic3A_91, %and3A_93 : vector<16xi32>
      %eq3A_95 = vector.broadcast %arg0 : i32 to vector<16xi32>
      %eq3A_96 = arith.cmpi eq, %and3A_94, %eq3A_95 : vector<16xi32>
      %shift_right_arithmetic3A_97 = arith.constant 8 : i32
      %shift_right_arithmetic3A_98 = vector.broadcast %shift_right_arithmetic3A_97 : i32 to vector<16xi32>
      %shift_right_arithmetic3A_99 = arith.shrsi %get3A_89, %shift_right_arithmetic3A_98 : vector<16xi32>
      %shift_left3A_100 = arith.constant 7 : i32
      %shift_left3A_101 = vector.broadcast %shift_left3A_100 : i32 to vector<16xi32>
      %shift_left3A_102 = arith.shli %shift_right_arithmetic3A_99, %shift_left3A_101 : vector<16xi32>
      %and3A_103 = arith.constant 127 : i32
      %and3A_104 = vector.broadcast %and3A_103 : i32 to vector<16xi32>
      %and3A_105 = arith.andi %get3A_89, %and3A_104 : vector<16xi32>
      %or3A = arith.ori %shift_left3A_102, %and3A_105 : vector<16xi32>
      %select_n3A = arith.select %eq3A_96, %or3A, %add3A_35 : vector<16xi1>, vector<16xi32>
      %swap3A = arith.constant 0 : index
      %swap3A_106 = tpu.vector_load %arg10[%swap3A] {strides = array<i32>} : memref<32xi32, #tpu.memory_space<vmem>>, vector<16xi32>,
      %swap3A_107 = vector.shape_cast %swap3A_106 : vector<16xi32> to vector<16xi32>
      %swap3A_108 = vector.shape_cast %select_n3A : vector<16xi32> to vector<16xi32>
      tpu.vector_store %arg10[%swap3A], %swap3A_108 {strides = array<i32>} : memref<32xi32, #tpu.memory_space<vmem>>, vector<16xi32>,
      %get3A_109 = arith.constant 4 : i32
      %get3A_110 = arith.index_cast %get3A_109 : i32 to index
      %get3A_111 = arith.constant 16 : index
      %get3A_112 = tpu.vector_load %arg7[%get3A_110, %get3A_111] {strides = array<i32>} : memref<8x128xi32, #tpu.memory_space<vmem>>, vector<1x16xi32>,
      %get3A_113 = vector.shape_cast %get3A_112 : vector<1x16xi32> to vector<16xi32>
      %shift_right_arithmetic3A_114 = arith.constant 7 : i32
      %shift_right_arithmetic3A_115 = vector.broadcast %shift_right_arithmetic3A_114 : i32 to vector<16xi32>
      %shift_right_arithmetic3A_116 = arith.shrsi %get3A_113, %shift_right_arithmetic3A_115 : vector<16xi32>
      %and3A_117 = arith.constant 1 : i32
      %and3A_118 = vector.broadcast %and3A_117 : i32 to vector<16xi32>
      %and3A_119 = arith.andi %shift_right_arithmetic3A_116, %and3A_118 : vector<16xi32>
      %eq3A_120 = vector.broadcast %arg0 : i32 to vector<16xi32>
      %eq3A_121 = arith.cmpi eq, %and3A_119, %eq3A_120 : vector<16xi32>
      %shift_right_arithmetic3A_122 = arith.constant 8 : i32
      %shift_right_arithmetic3A_123 = vector.broadcast %shift_right_arithmetic3A_122 : i32 to vector<16xi32>
      %shift_right_arithmetic3A_124 = arith.shrsi %get3A_113, %shift_right_arithmetic3A_123 : vector<16xi32>
      %shift_left3A_125 = arith.constant 7 : i32
      %shift_left3A_126 = vector.broadcast %shift_left3A_125 : i32 to vector<16xi32>
      %shift_left3A_127 = arith.shli %shift_right_arithmetic3A_124, %shift_left3A_126 : vector<16xi32>
      %and3A_128 = arith.constant 127 : i32
      %and3A_129 = vector.broadcast %and3A_128 : i32 to vector<16xi32>
      %and3A_130 = arith.andi %get3A_113, %and3A_129 : vector<16xi32>
      %or3A_131 = arith.ori %shift_left3A_127, %and3A_130 : vector<16xi32>
      %select_n3A_132 = arith.select %eq3A_121, %or3A_131, %add3A_35 : vector<16xi1>, vector<16xi32>
      %swap3A_133 = arith.constant 16 : index
      %swap3A_134 = tpu.vector_load %arg10[%swap3A_133] {strides = array<i32>} : memref<32xi32, #tpu.memory_space<vmem>>, vector<16xi32>,
      %swap3A_135 = vector.shape_cast %swap3A_134 : vector<16xi32> to vector<16xi32>
      %swap3A_136 = vector.shape_cast %select_n3A_132 : vector<16xi32> to vector<16xi32>
      tpu.vector_store %arg10[%swap3A_133], %swap3A_136 {strides = array<i32>} : memref<32xi32, #tpu.memory_space<vmem>>, vector<16xi32>,
      %dma_start3A_137 = arith.constant 0 : i32
      %dma_start3A_138 = arith.constant 0 : i32
      %dma_start3A_139 = tpu.memref_slice %arg6[%dma_start3A_137, %dma_start3A_138] : memref<5120x128xf32, #tpu.memory_space<vmem_shared>> -> memref<5120x128xf32, #tpu.memory_space<vmem_shared>>
      tpu.enqueue_indirect_dma source(%arg8 : memref<32x128xf32, #tpu.memory_space<vmem>>) target(%dma_start3A_139 : memref<5120x128xf32, #tpu.memory_space<vmem_shared>>) offsets(%arg10 : memref<32xi32, #tpu.memory_space<vmem>>) semaphore(%arg12 : memref<!tpu.dma_semaphore, #tpu.memory_space<semaphore_mem>>) {add = true}
      %dma_wait3A_140 = arith.constant 0 : i32
      %dma_wait3A_141 = arith.constant 32 : i32
      %dma_wait3A_142 = tpu.memref_slice %arg7[%dma_wait3A_140, %dma_wait3A_141] : memref<8x128xi32, #tpu.memory_space<vmem>> -> memref<1x32xi32, #tpu.memory_space<vmem>>
      %dma_wait3A_143 = tpu.memref_squeeze %dma_wait3A_142 : memref<1x32xi32, #tpu.memory_space<vmem>> -> memref<32xi32, #tpu.memory_space<vmem>>
      %dma_wait3A_144 = arith.constant 0 : i32
      %dma_wait3A_145 = arith.constant 0 : i32
      %dma_wait3A_146 = tpu.memref_slice %arg5[%dma_wait3A_144, %dma_wait3A_145] : memref<10000x128xf32, #tpu.memory_space<vmem_shared>> -> memref<10000x128xf32, #tpu.memory_space<vmem_shared>>
      tpu.wait_indirect_dma semaphore(%arg13 : memref<!tpu.dma_semaphore, #tpu.memory_space<semaphore_mem>>) src(%dma_wait3A_146 : memref<10000x128xf32, #tpu.memory_space<vmem_shared>>) dst(%arg9 : memref<32x128xf32, #tpu.memory_space<vmem>>)
      %get3A_147 = arith.constant 4 : i32
      %get3A_148 = arith.index_cast %get3A_147 : i32 to index
      %get3A_149 = arith.constant 32 : index
      %get3A_150 = tpu.vector_load %arg7[%get3A_148, %get3A_149] {strides = array<i32>} : memref<8x128xi32, #tpu.memory_space<vmem>>, vector<1x16xi32>,
      %get3A_151 = vector.shape_cast %get3A_150 : vector<1x16xi32> to vector<16xi32>
      %shift_right_arithmetic3A_152 = arith.constant 7 : i32
      %shift_right_arithmetic3A_153 = vector.broadcast %shift_right_arithmetic3A_152 : i32 to vector<16xi32>
      %shift_right_arithmetic3A_154 = arith.shrsi %get3A_151, %shift_right_arithmetic3A_153 : vector<16xi32>
      %and3A_155 = arith.constant 1 : i32
      %and3A_156 = vector.broadcast %and3A_155 : i32 to vector<16xi32>
      %and3A_157 = arith.andi %shift_right_arithmetic3A_154, %and3A_156 : vector<16xi32>
      %eq3A_158 = vector.broadcast %arg0 : i32 to vector<16xi32>
      %eq3A_159 = arith.cmpi eq, %and3A_157, %eq3A_158 : vector<16xi32>
      %shift_right_arithmetic3A_160 = arith.constant 8 : i32
      %shift_right_arithmetic3A_161 = vector.broadcast %shift_right_arithmetic3A_160 : i32 to vector<16xi32>
      %shift_right_arithmetic3A_162 = arith.shrsi %get3A_151, %shift_right_arithmetic3A_161 : vector<16xi32>
      %shift_left3A_163 = arith.constant 7 : i32
      %shift_left3A_164 = vector.broadcast %shift_left3A_163 : i32 to vector<16xi32>
      %shift_left3A_165 = arith.shli %shift_right_arithmetic3A_162, %shift_left3A_164 : vector<16xi32>
      %and3A_166 = arith.constant 127 : i32
      %and3A_167 = vector.broadcast %and3A_166 : i32 to vector<16xi32>
      %and3A_168 = arith.andi %get3A_151, %and3A_167 : vector<16xi32>
      %or3A_169 = arith.ori %shift_left3A_165, %and3A_168 : vector<16xi32>
      %select_n3A_170 = arith.select %eq3A_159, %or3A_169, %add3A_35 : vector<16xi1>, vector<16xi32>
      %swap3A_171 = arith.constant 0 : index
      %swap3A_172 = tpu.vector_load %arg11[%swap3A_171] {strides = array<i32>} : memref<32xi32, #tpu.memory_space<vmem>>, vector<16xi32>,
      %swap3A_173 = vector.shape_cast %swap3A_172 : vector<16xi32> to vector<16xi32>
      %swap3A_174 = vector.shape_cast %select_n3A_170 : vector<16xi32> to vector<16xi32>
      tpu.vector_store %arg11[%swap3A_171], %swap3A_174 {strides = array<i32>} : memref<32xi32, #tpu.memory_space<vmem>>, vector<16xi32>,
      %get3A_175 = arith.constant 4 : i32
      %get3A_176 = arith.index_cast %get3A_175 : i32 to index
      %get3A_177 = arith.constant 48 : index
      %get3A_178 = tpu.vector_load %arg7[%get3A_176, %get3A_177] {strides = array<i32>} : memref<8x128xi32, #tpu.memory_space<vmem>>, vector<1x16xi32>,
      %get3A_179 = vector.shape_cast %get3A_178 : vector<1x16xi32> to vector<16xi32>
      %shift_right_arithmetic3A_180 = arith.constant 7 : i32
      %shift_right_arithmetic3A_181 = vector.broadcast %shift_right_arithmetic3A_180 : i32 to vector<16xi32>
      %shift_right_arithmetic3A_182 = arith.shrsi %get3A_179, %shift_right_arithmetic3A_181 : vector<16xi32>
      %and3A_183 = arith.constant 1 : i32
      %and3A_184 = vector.broadcast %and3A_183 : i32 to vector<16xi32>
      %and3A_185 = arith.andi %shift_right_arithmetic3A_182, %and3A_184 : vector<16xi32>
      %eq3A_186 = vector.broadcast %arg0 : i32 to vector<16xi32>
      %eq3A_187 = arith.cmpi eq, %and3A_185, %eq3A_186 : vector<16xi32>
      %shift_right_arithmetic3A_188 = arith.constant 8 : i32
      %shift_right_arithmetic3A_189 = vector.broadcast %shift_right_arithmetic3A_188 : i32 to vector<16xi32>
      %shift_right_arithmetic3A_190 = arith.shrsi %get3A_179, %shift_right_arithmetic3A_189 : vector<16xi32>
      %shift_left3A_191 = arith.constant 7 : i32
      %shift_left3A_192 = vector.broadcast %shift_left3A_191 : i32 to vector<16xi32>
      %shift_left3A_193 = arith.shli %shift_right_arithmetic3A_190, %shift_left3A_192 : vector<16xi32>
      %and3A_194 = arith.constant 127 : i32
      %and3A_195 = vector.broadcast %and3A_194 : i32 to vector<16xi32>
      %and3A_196 = arith.andi %get3A_179, %and3A_195 : vector<16xi32>
      %or3A_197 = arith.ori %shift_left3A_193, %and3A_196 : vector<16xi32>
      %select_n3A_198 = arith.select %eq3A_187, %or3A_197, %add3A_35 : vector<16xi1>, vector<16xi32>
      %swap3A_199 = arith.constant 16 : index
      %swap3A_200 = tpu.vector_load %arg11[%swap3A_199] {strides = array<i32>} : memref<32xi32, #tpu.memory_space<vmem>>, vector<16xi32>,
      %swap3A_201 = vector.shape_cast %swap3A_200 : vector<16xi32> to vector<16xi32>
      %swap3A_202 = vector.shape_cast %select_n3A_198 : vector<16xi32> to vector<16xi32>
      tpu.vector_store %arg11[%swap3A_199], %swap3A_202 {strides = array<i32>} : memref<32xi32, #tpu.memory_space<vmem>>, vector<16xi32>,
      %dma_start3A_203 = arith.constant 0 : i32
      %dma_start3A_204 = arith.constant 0 : i32
      %dma_start3A_205 = tpu.memref_slice %arg6[%dma_start3A_203, %dma_start3A_204] : memref<5120x128xf32, #tpu.memory_space<vmem_shared>> -> memref<5120x128xf32, #tpu.memory_space<vmem_shared>>
      tpu.enqueue_indirect_dma source(%arg9 : memref<32x128xf32, #tpu.memory_space<vmem>>) target(%dma_start3A_205 : memref<5120x128xf32, #tpu.memory_space<vmem_shared>>) offsets(%arg11 : memref<32xi32, #tpu.memory_space<vmem>>) semaphore(%arg13 : memref<!tpu.dma_semaphore, #tpu.memory_space<semaphore_mem>>) {add = true}
      %dma_wait3A_206 = arith.constant 0 : i32
      %dma_wait3A_207 = arith.constant 0 : i32
      %dma_wait3A_208 = tpu.memref_slice %arg6[%dma_wait3A_206, %dma_wait3A_207] : memref<5120x128xf32, #tpu.memory_space<vmem_shared>> -> memref<5120x128xf32, #tpu.memory_space<vmem_shared>>
      tpu.wait_indirect_dma semaphore(%arg12 : memref<!tpu.dma_semaphore, #tpu.memory_space<semaphore_mem>>) src(%arg8 : memref<32x128xf32, #tpu.memory_space<vmem>>) dst(%dma_wait3A_208 : memref<5120x128xf32, #tpu.memory_space<vmem_shared>>)
      %dma_start3A_209 = arith.constant 0 : i32
      %dma_start3A_210 = arith.constant 64 : i32
      %dma_start3A_211 = tpu.memref_slice %arg7[%dma_start3A_209, %dma_start3A_210] : memref<8x128xi32, #tpu.memory_space<vmem>> -> memref<1x32xi32, #tpu.memory_space<vmem>>
      %dma_start3A_212 = tpu.memref_squeeze %dma_start3A_211 : memref<1x32xi32, #tpu.memory_space<vmem>> -> memref<32xi32, #tpu.memory_space<vmem>>
      %dma_start3A_213 = arith.constant 0 : i32
      %dma_start3A_214 = arith.constant 0 : i32
      %dma_start3A_215 = tpu.memref_slice %arg5[%dma_start3A_213, %dma_start3A_214] : memref<10000x128xf32, #tpu.memory_space<vmem_shared>> -> memref<10000x128xf32, #tpu.memory_space<vmem_shared>>
      tpu.enqueue_indirect_dma source(%dma_start3A_215 : memref<10000x128xf32, #tpu.memory_space<vmem_shared>>) target(%arg8 : memref<32x128xf32, #tpu.memory_space<vmem>>) offsets(%dma_start3A_212 : memref<32xi32, #tpu.memory_space<vmem>>) semaphore(%arg12 : memref<!tpu.dma_semaphore, #tpu.memory_space<semaphore_mem>>)
      %dma_wait3A_216 = arith.constant 0 : i32
      %dma_wait3A_217 = arith.constant 64 : i32
      %dma_wait3A_218 = tpu.memref_slice %arg7[%dma_wait3A_216, %dma_wait3A_217] : memref<8x128xi32, #tpu.memory_space<vmem>> -> memref<1x32xi32, #tpu.memory_space<vmem>>
      %dma_wait3A_219 = tpu.memref_squeeze %dma_wait3A_218 : memref<1x32xi32, #tpu.memory_space<vmem>> -> memref<32xi32, #tpu.memory_space<vmem>>
      %dma_wait3A_220 = arith.constant 0 : i32
      %dma_wait3A_221 = arith.constant 0 : i32
      %dma_wait3A_222 = tpu.memref_slice %arg5[%dma_wait3A_220, %dma_wait3A_221] : memref<10000x128xf32, #tpu.memory_space<vmem_shared>> -> memref<10000x128xf32, #tpu.memory_space<vmem_shared>>
      tpu.wait_indirect_dma semaphore(%arg12 : memref<!tpu.dma_semaphore, #tpu.memory_space<semaphore_mem>>) src(%dma_wait3A_222 : memref<10000x128xf32, #tpu.memory_space<vmem_shared>>) dst(%arg8 : memref<32x128xf32, #tpu.memory_space<vmem>>)
      %get3A_223 = arith.constant 4 : i32
      %get3A_224 = arith.index_cast %get3A_223 : i32 to index
      %get3A_225 = arith.constant 64 : index
      %get3A_226 = tpu.vector_load %arg7[%get3A_224, %get3A_225] {strides = array<i32>} : memref<8x128xi32, #tpu.memory_space<vmem>>, vector<1x16xi32>,
      %get3A_227 = vector.shape_cast %get3A_226 : vector<1x16xi32> to vector<16xi32>
      %shift_right_arithmetic3A_228 = arith.constant 7 : i32
      %shift_right_arithmetic3A_229 = vector.broadcast %shift_right_arithmetic3A_228 : i32 to vector<16xi32>
      %shift_right_arithmetic3A_230 = arith.shrsi %get3A_227, %shift_right_arithmetic3A_229 : vector<16xi32>
      %and3A_231 = arith.constant 1 : i32
      %and3A_232 = vector.broadcast %and3A_231 : i32 to vector<16xi32>
      %and3A_233 = arith.andi %shift_right_arithmetic3A_230, %and3A_232 : vector<16xi32>
      %eq3A_234 = vector.broadcast %arg0 : i32 to vector<16xi32>
      %eq3A_235 = arith.cmpi eq, %and3A_233, %eq3A_234 : vector<16xi32>
      %shift_right_arithmetic3A_236 = arith.constant 8 : i32
      %shift_right_arithmetic3A_237 = vector.broadcast %shift_right_arithmetic3A_236 : i32 to vector<16xi32>
      %shift_right_arithmetic3A_238 = arith.shrsi %get3A_227, %shift_right_arithmetic3A_237 : vector<16xi32>
      %shift_left3A_239 = arith.constant 7 : i32
      %shift_left3A_240 = vector.broadcast %shift_left3A_239 : i32 to vector<16xi32>
      %shift_left3A_241 = arith.shli %shift_right_arithmetic3A_238, %shift_left3A_240 : vector<16xi32>
      %and3A_242 = arith.constant 127 : i32
      %and3A_243 = vector.broadcast %and3A_242 : i32 to vector<16xi32>
      %and3A_244 = arith.andi %get3A_227, %and3A_243 : vector<16xi32>
      %or3A_245 = arith.ori %shift_left3A_241, %and3A_244 : vector<16xi32>
      %select_n3A_246 = arith.select %eq3A_235, %or3A_245, %add3A_35 : vector<16xi1>, vector<16xi32>
      %swap3A_247 = arith.constant 0 : index
      %swap3A_248 = tpu.vector_load %arg10[%swap3A_247] {strides = array<i32>} : memref<32xi32, #tpu.memory_space<vmem>>, vector<16xi32>,
      %swap3A_249 = vector.shape_cast %swap3A_248 : vector<16xi32> to vector<16xi32>
      %swap3A_250 = vector.shape_cast %select_n3A_246 : vector<16xi32> to vector<16xi32>
      tpu.vector_store %arg10[%swap3A_247], %swap3A_250 {strides = array<i32>} : memref<32xi32, #tpu.memory_space<vmem>>, vector<16xi32>,
      %get3A_251 = arith.constant 4 : i32
      %get3A_252 = arith.index_cast %get3A_251 : i32 to index
      %get3A_253 = arith.constant 80 : index
      %get3A_254 = tpu.vector_load %arg7[%get3A_252, %get3A_253] {strides = array<i32>} : memref<8x128xi32, #tpu.memory_space<vmem>>, vector<1x16xi32>,
      %get3A_255 = vector.shape_cast %get3A_254 : vector<1x16xi32> to vector<16xi32>
      %shift_right_arithmetic3A_256 = arith.constant 7 : i32
      %shift_right_arithmetic3A_257 = vector.broadcast %shift_right_arithmetic3A_256 : i32 to vector<16xi32>
      %shift_right_arithmetic3A_258 = arith.shrsi %get3A_255, %shift_right_arithmetic3A_257 : vector<16xi32>
      %and3A_259 = arith.constant 1 : i32
      %and3A_260 = vector.broadcast %and3A_259 : i32 to vector<16xi32>
      %and3A_261 = arith.andi %shift_right_arithmetic3A_258, %and3A_260 : vector<16xi32>
      %eq3A_262 = vector.broadcast %arg0 : i32 to vector<16xi32>
      %eq3A_263 = arith.cmpi eq, %and3A_261, %eq3A_262 : vector<16xi32>
      %shift_right_arithmetic3A_264 = arith.constant 8 : i32
      %shift_right_arithmetic3A_265 = vector.broadcast %shift_right_arithmetic3A_264 : i32 to vector<16xi32>
      %shift_right_arithmetic3A_266 = arith.shrsi %get3A_255, %shift_right_arithmetic3A_265 : vector<16xi32>
      %shift_left3A_267 = arith.constant 7 : i32
      %shift_left3A_268 = vector.broadcast %shift_left3A_267 : i32 to vector<16xi32>
      %shift_left3A_269 = arith.shli %shift_right_arithmetic3A_266, %shift_left3A_268 : vector<16xi32>
      %and3A_270 = arith.constant 127 : i32
      %and3A_271 = vector.broadcast %and3A_270 : i32 to vector<16xi32>
      %and3A_272 = arith.andi %get3A_255, %and3A_271 : vector<16xi32>
      %or3A_273 = arith.ori %shift_left3A_269, %and3A_272 : vector<16xi32>
      %select_n3A_274 = arith.select %eq3A_263, %or3A_273, %add3A_35 : vector<16xi1>, vector<16xi32>
      %swap3A_275 = arith.constant 16 : index
      %swap3A_276 = tpu.vector_load %arg10[%swap3A_275] {strides = array<i32>} : memref<32xi32, #tpu.memory_space<vmem>>, vector<16xi32>,
      %swap3A_277 = vector.shape_cast %swap3A_276 : vector<16xi32> to vector<16xi32>
      %swap3A_278 = vector.shape_cast %select_n3A_274 : vector<16xi32> to vector<16xi32>
      tpu.vector_store %arg10[%swap3A_275], %swap3A_278 {strides = array<i32>} : memref<32xi32, #tpu.memory_space<vmem>>, vector<16xi32>,
      %dma_start3A_279 = arith.constant 0 : i32
      %dma_start3A_280 = arith.constant 0 : i32
      %dma_start3A_281 = tpu.memref_slice %arg6[%dma_start3A_279, %dma_start3A_280] : memref<5120x128xf32, #tpu.memory_space<vmem_shared>> -> memref<5120x128xf32, #tpu.memory_space<vmem_shared>>
      tpu.enqueue_indirect_dma source(%arg8 : memref<32x128xf32, #tpu.memory_space<vmem>>) target(%dma_start3A_281 : memref<5120x128xf32, #tpu.memory_space<vmem_shared>>) offsets(%arg10 : memref<32xi32, #tpu.memory_space<vmem>>) semaphore(%arg12 : memref<!tpu.dma_semaphore, #tpu.memory_space<semaphore_mem>>) {add = true}
      %dma_wait3A_282 = arith.constant 0 : i32
      %dma_wait3A_283 = arith.constant 0 : i32
      %dma_wait3A_284 = tpu.memref_slice %arg6[%dma_wait3A_282, %dma_wait3A_283] : memref<5120x128xf32, #tpu.memory_space<vmem_shared>> -> memref<5120x128xf32, #tpu.memory_space<vmem_shared>>
      tpu.wait_indirect_dma semaphore(%arg13 : memref<!tpu.dma_semaphore, #tpu.memory_space<semaphore_mem>>) src(%arg9 : memref<32x128xf32, #tpu.memory_space<vmem>>) dst(%dma_wait3A_284 : memref<5120x128xf32, #tpu.memory_space<vmem_shared>>)
      %dma_start3A_285 = arith.constant 0 : i32
      %dma_start3A_286 = arith.constant 96 : i32
      %dma_start3A_287 = tpu.memref_slice %arg7[%dma_start3A_285, %dma_start3A_286] : memref<8x128xi32, #tpu.memory_space<vmem>> -> memref<1x32xi32, #tpu.memory_space<vmem>>
      %dma_start3A_288 = tpu.memref_squeeze %dma_start3A_287 : memref<1x32xi32, #tpu.memory_space<vmem>> -> memref<32xi32, #tpu.memory_space<vmem>>
      %dma_start3A_289 = arith.constant 0 : i32
      %dma_start3A_290 = arith.constant 0 : i32
      %dma_start3A_291 = tpu.memref_slice %arg5[%dma_start3A_289, %dma_start3A_290] : memref<10000x128xf32, #tpu.memory_space<vmem_shared>> -> memref<10000x128xf32, #tpu.memory_space<vmem_shared>>
      tpu.enqueue_indirect_dma source(%dma_start3A_291 : memref<10000x128xf32, #tpu.memory_space<vmem_shared>>) target(%arg9 : memref<32x128xf32, #tpu.memory_space<vmem>>) offsets(%dma_start3A_288 : memref<32xi32, #tpu.memory_space<vmem>>) semaphore(%arg13 : memref<!tpu.dma_semaphore, #tpu.memory_space<semaphore_mem>>)
      %dma_wait3A_292 = arith.constant 0 : i32
      %dma_wait3A_293 = arith.constant 96 : i32
      %dma_wait3A_294 = tpu.memref_slice %arg7[%dma_wait3A_292, %dma_wait3A_293] : memref<8x128xi32, #tpu.memory_space<vmem>> -> memref<1x32xi32, #tpu.memory_space<vmem>>
      %dma_wait3A_295 = tpu.memref_squeeze %dma_wait3A_294 : memref<1x32xi32, #tpu.memory_space<vmem>> -> memref<32xi32, #tpu.memory_space<vmem>>
      %dma_wait3A_296 = arith.constant 0 : i32
      %dma_wait3A_297 = arith.constant 0 : i32
      %dma_wait3A_298 = tpu.memref_slice %arg5[%dma_wait3A_296, %dma_wait3A_297] : memref<10000x128xf32, #tpu.memory_space<vmem_shared>> -> memref<10000x128xf32, #tpu.memory_space<vmem_shared>>
      tpu.wait_indirect_dma semaphore(%arg13 : memref<!tpu.dma_semaphore, #tpu.memory_space<semaphore_mem>>) src(%dma_wait3A_298 : memref<10000x128xf32, #tpu.memory_space<vmem_shared>>) dst(%arg9 : memref<32x128xf32, #tpu.memory_space<vmem>>)
      %get3A_299 = arith.constant 4 : i32
      %get3A_300 = arith.index_cast %get3A_299 : i32 to index
      %get3A_301 = arith.constant 96 : index
      %get3A_302 = tpu.vector_load %arg7[%get3A_300, %get3A_301] {strides = array<i32>} : memref<8x128xi32, #tpu.memory_space<vmem>>, vector<1x16xi32>,
      %get3A_303 = vector.shape_cast %get3A_302 : vector<1x16xi32> to vector<16xi32>
      %shift_right_arithmetic3A_304 = arith.constant 7 : i32
      %shift_right_arithmetic3A_305 = vector.broadcast %shift_right_arithmetic3A_304 : i32 to vector<16xi32>
      %shift_right_arithmetic3A_306 = arith.shrsi %get3A_303, %shift_right_arithmetic3A_305 : vector<16xi32>
      %and3A_307 = arith.constant 1 : i32
      %and3A_308 = vector.broadcast %and3A_307 : i32 to vector<16xi32>
      %and3A_309 = arith.andi %shift_right_arithmetic3A_306, %and3A_308 : vector<16xi32>
      %eq3A_310 = vector.broadcast %arg0 : i32 to vector<16xi32>
      %eq3A_311 = arith.cmpi eq, %and3A_309, %eq3A_310 : vector<16xi32>
      %shift_right_arithmetic3A_312 = arith.constant 8 : i32
      %shift_right_arithmetic3A_313 = vector.broadcast %shift_right_arithmetic3A_312 : i32 to vector<16xi32>
      %shift_right_arithmetic3A_314 = arith.shrsi %get3A_303, %shift_right_arithmetic3A_313 : vector<16xi32>
      %shift_left3A_315 = arith.constant 7 : i32
      %shift_left3A_316 = vector.broadcast %shift_left3A_315 : i32 to vector<16xi32>
      %shift_left3A_317 = arith.shli %shift_right_arithmetic3A_314, %shift_left3A_316 : vector<16xi32>
      %and3A_318 = arith.constant 127 : i32
      %and3A_319 = vector.broadcast %and3A_318 : i32 to vector<16xi32>
      %and3A_320 = arith.andi %get3A_303, %and3A_319 : vector<16xi32>
      %or3A_321 = arith.ori %shift_left3A_317, %and3A_320 : vector<16xi32>
      %select_n3A_322 = arith.select %eq3A_311, %or3A_321, %add3A_35 : vector<16xi1>, vector<16xi32>
      %swap3A_323 = arith.constant 0 : index
      %swap3A_324 = tpu.vector_load %arg11[%swap3A_323] {strides = array<i32>} : memref<32xi32, #tpu.memory_space<vmem>>, vector<16xi32>,
      %swap3A_325 = vector.shape_cast %swap3A_324 : vector<16xi32> to vector<16xi32>
      %swap3A_326 = vector.shape_cast %select_n3A_322 : vector<16xi32> to vector<16xi32>
      tpu.vector_store %arg11[%swap3A_323], %swap3A_326 {strides = array<i32>} : memref<32xi32, #tpu.memory_space<vmem>>, vector<16xi32>,
      %get3A_327 = arith.constant 4 : i32
      %get3A_328 = arith.index_cast %get3A_327 : i32 to index
      %get3A_329 = arith.constant 112 : index
      %get3A_330 = tpu.vector_load %arg7[%get3A_328, %get3A_329] {strides = array<i32>} : memref<8x128xi32, #tpu.memory_space<vmem>>, vector<1x16xi32>,
      %get3A_331 = vector.shape_cast %get3A_330 : vector<1x16xi32> to vector<16xi32>
      %shift_right_arithmetic3A_332 = arith.constant 7 : i32
      %shift_right_arithmetic3A_333 = vector.broadcast %shift_right_arithmetic3A_332 : i32 to vector<16xi32>
      %shift_right_arithmetic3A_334 = arith.shrsi %get3A_331, %shift_right_arithmetic3A_333 : vector<16xi32>
      %and3A_335 = arith.constant 1 : i32
      %and3A_336 = vector.broadcast %and3A_335 : i32 to vector<16xi32>
      %and3A_337 = arith.andi %shift_right_arithmetic3A_334, %and3A_336 : vector<16xi32>
      %eq3A_338 = vector.broadcast %arg0 : i32 to vector<16xi32>
      %eq3A_339 = arith.cmpi eq, %and3A_337, %eq3A_338 : vector<16xi32>
      %shift_right_arithmetic3A_340 = arith.constant 8 : i32
      %shift_right_arithmetic3A_341 = vector.broadcast %shift_right_arithmetic3A_340 : i32 to vector<16xi32>
      %shift_right_arithmetic3A_342 = arith.shrsi %get3A_331, %shift_right_arithmetic3A_341 : vector<16xi32>
      %shift_left3A_343 = arith.constant 7 : i32
      %shift_left3A_344 = vector.broadcast %shift_left3A_343 : i32 to vector<16xi32>
      %shift_left3A_345 = arith.shli %shift_right_arithmetic3A_342, %shift_left3A_344 : vector<16xi32>
      %and3A_346 = arith.constant 127 : i32
      %and3A_347 = vector.broadcast %and3A_346 : i32 to vector<16xi32>
      %and3A_348 = arith.andi %get3A_331, %and3A_347 : vector<16xi32>
      %or3A_349 = arith.ori %shift_left3A_345, %and3A_348 : vector<16xi32>
      %select_n3A_350 = arith.select %eq3A_339, %or3A_349, %add3A_35 : vector<16xi1>, vector<16xi32>
      %swap3A_351 = arith.constant 16 : index
      %swap3A_352 = tpu.vector_load %arg11[%swap3A_351] {strides = array<i32>} : memref<32xi32, #tpu.memory_space<vmem>>, vector<16xi32>,
      %swap3A_353 = vector.shape_cast %swap3A_352 : vector<16xi32> to vector<16xi32>
      %swap3A_354 = vector.shape_cast %select_n3A_350 : vector<16xi32> to vector<16xi32>
      tpu.vector_store %arg11[%swap3A_351], %swap3A_354 {strides = array<i32>} : memref<32xi32, #tpu.memory_space<vmem>>, vector<16xi32>,
      %dma_start3A_355 = arith.constant 0 : i32
      %dma_start3A_356 = arith.constant 0 : i32
      %dma_start3A_357 = tpu.memref_slice %arg6[%dma_start3A_355, %dma_start3A_356] : memref<5120x128xf32, #tpu.memory_space<vmem_shared>> -> memref<5120x128xf32, #tpu.memory_space<vmem_shared>>
      tpu.enqueue_indirect_dma source(%arg9 : memref<32x128xf32, #tpu.memory_space<vmem>>) target(%dma_start3A_357 : memref<5120x128xf32, #tpu.memory_space<vmem_shared>>) offsets(%arg11 : memref<32xi32, #tpu.memory_space<vmem>>) semaphore(%arg13 : memref<!tpu.dma_semaphore, #tpu.memory_space<semaphore_mem>>) {add = true}
      %dma_wait3A_358 = arith.constant 0 : i32
      %dma_wait3A_359 = arith.constant 0 : i32
      %dma_wait3A_360 = tpu.memref_slice %arg6[%dma_wait3A_358, %dma_wait3A_359] : memref<5120x128xf32, #tpu.memory_space<vmem_shared>> -> memref<5120x128xf32, #tpu.memory_space<vmem_shared>>
      tpu.wait_indirect_dma semaphore(%arg12 : memref<!tpu.dma_semaphore, #tpu.memory_space<semaphore_mem>>) src(%arg8 : memref<32x128xf32, #tpu.memory_space<vmem>>) dst(%dma_wait3A_360 : memref<5120x128xf32, #tpu.memory_space<vmem_shared>>)
      %dma_start3A_361 = arith.constant 1 : i32
      %dma_start3A_362 = arith.constant 0 : i32
      %dma_start3A_363 = tpu.memref_slice %arg7[%dma_start3A_361, %dma_start3A_362] : memref<8x128xi32, #tpu.memory_space<vmem>> -> memref<1x32xi32, #tpu.memory_space<vmem>>
      %dma_start3A_364 = tpu.memref_squeeze %dma_start3A_363 : memref<1x32xi32, #tpu.memory_space<vmem>> -> memref<32xi32, #tpu.memory_space<vmem>>
      %dma_start3A_365 = arith.constant 0 : i32
      %dma_start3A_366 = arith.constant 0 : i32
      %dma_start3A_367 = tpu.memref_slice %arg5[%dma_start3A_365, %dma_start3A_366] : memref<10000x128xf32, #tpu.memory_space<vmem_shared>> -> memref<10000x128xf32, #tpu.memory_space<vmem_shared>>
      tpu.enqueue_indirect_dma source(%dma_start3A_367 : memref<10000x128xf32, #tpu.memory_space<vmem_shared>>) target(%arg8 : memref<32x128xf32, #tpu.memory_space<vmem>>) offsets(%dma_start3A_364 : memref<32xi32, #tpu.memory_space<vmem>>) semaphore(%arg12 : memref<!tpu.dma_semaphore, #tpu.memory_space<semaphore_mem>>)
      %dma_wait3A_368 = arith.constant 1 : i32
      %dma_wait3A_369 = arith.constant 0 : i32
      %dma_wait3A_370 = tpu.memref_slice %arg7[%dma_wait3A_368, %dma_wait3A_369] : memref<8x128xi32, #tpu.memory_space<vmem>> -> memref<1x32xi32, #tpu.memory_space<vmem>>
      %dma_wait3A_371 = tpu.memref_squeeze %dma_wait3A_370 : memref<1x32xi32, #tpu.memory_space<vmem>> -> memref<32xi32, #tpu.memory_space<vmem>>
      %dma_wait3A_372 = arith.constant 0 : i32
      %dma_wait3A_373 = arith.constant 0 : i32
      %dma_wait3A_374 = tpu.memref_slice %arg5[%dma_wait3A_372, %dma_wait3A_373] : memref<10000x128xf32, #tpu.memory_space<vmem_shared>> -> memref<10000x128xf32, #tpu.memory_space<vmem_shared>>
      tpu.wait_indirect_dma semaphore(%arg12 : memref<!tpu.dma_semaphore, #tpu.memory_space<semaphore_mem>>) src(%dma_wait3A_374 : memref<10000x128xf32, #tpu.memory_space<vmem_shared>>) dst(%arg8 : memref<32x128xf32, #tpu.memory_space<vmem>>)
      %get3A_375 = arith.constant 5 : i32
      %get3A_376 = arith.index_cast %get3A_375 : i32 to index
      %get3A_377 = arith.constant 0 : index
      %get3A_378 = tpu.vector_load %arg7[%get3A_376, %get3A_377] {strides = array<i32>} : memref<8x128xi32, #tpu.memory_space<vmem>>, vector<1x16xi32>,
      %get3A_379 = vector.shape_cast %get3A_378 : vector<1x16xi32> to vector<16xi32>
      %shift_right_arithmetic3A_380 = arith.constant 7 : i32
      %shift_right_arithmetic3A_381 = vector.broadcast %shift_right_arithmetic3A_380 : i32 to vector<16xi32>
      %shift_right_arithmetic3A_382 = arith.shrsi %get3A_379, %shift_right_arithmetic3A_381 : vector<16xi32>
      %and3A_383 = arith.constant 1 : i32
      %and3A_384 = vector.broadcast %and3A_383 : i32 to vector<16xi32>
      %and3A_385 = arith.andi %shift_right_arithmetic3A_382, %and3A_384 : vector<16xi32>
      %eq3A_386 = vector.broadcast %arg0 : i32 to vector<16xi32>
      %eq3A_387 = arith.cmpi eq, %and3A_385, %eq3A_386 : vector<16xi32>
      %shift_right_arithmetic3A_388 = arith.constant 8 : i32
      %shift_right_arithmetic3A_389 = vector.broadcast %shift_right_arithmetic3A_388 : i32 to vector<16xi32>
      %shift_right_arithmetic3A_390 = arith.shrsi %get3A_379, %shift_right_arithmetic3A_389 : vector<16xi32>
      %shift_left3A_391 = arith.constant 7 : i32
      %shift_left3A_392 = vector.broadcast %shift_left3A_391 : i32 to vector<16xi32>
      %shift_left3A_393 = arith.shli %shift_right_arithmetic3A_390, %shift_left3A_392 : vector<16xi32>
      %and3A_394 = arith.constant 127 : i32
      %and3A_395 = vector.broadcast %and3A_394 : i32 to vector<16xi32>
      %and3A_396 = arith.andi %get3A_379, %and3A_395 : vector<16xi32>
      %or3A_397 = arith.ori %shift_left3A_393, %and3A_396 : vector<16xi32>
      %select_n3A_398 = arith.select %eq3A_387, %or3A_397, %add3A_35 : vector<16xi1>, vector<16xi32>
      %swap3A_399 = arith.constant 0 : index
      %swap3A_400 = tpu.vector_load %arg10[%swap3A_399] {strides = array<i32>} : memref<32xi32, #tpu.memory_space<vmem>>, vector<16xi32>,
      %swap3A_401 = vector.shape_cast %swap3A_400 : vector<16xi32> to vector<16xi32>
      %swap3A_402 = vector.shape_cast %select_n3A_398 : vector<16xi32> to vector<16xi32>
      tpu.vector_store %arg10[%swap3A_399], %swap3A_402 {strides = array<i32>} : memref<32xi32, #tpu.memory_space<vmem>>, vector<16xi32>,
      %get3A_403 = arith.constant 5 : i32
      %get3A_404 = arith.index_cast %get3A_403 : i32 to index
      %get3A_405 = arith.constant 16 : index
      %get3A_406 = tpu.vector_load %arg7[%get3A_404, %get3A_405] {strides = array<i32>} : memref<8x128xi32, #tpu.memory_space<vmem>>, vector<1x16xi32>,
      %get3A_407 = vector.shape_cast %get3A_406 : vector<1x16xi32> to vector<16xi32>
      %shift_right_arithmetic3A_408 = arith.constant 7 : i32
      %shift_right_arithmetic3A_409 = vector.broadcast %shift_right_arithmetic3A_408 : i32 to vector<16xi32>
      %shift_right_arithmetic3A_410 = arith.shrsi %get3A_407, %shift_right_arithmetic3A_409 : vector<16xi32>
      %and3A_411 = arith.constant 1 : i32
      %and3A_412 = vector.broadcast %and3A_411 : i32 to vector<16xi32>
      %and3A_413 = arith.andi %shift_right_arithmetic3A_410, %and3A_412 : vector<16xi32>
      %eq3A_414 = vector.broadcast %arg0 : i32 to vector<16xi32>
      %eq3A_415 = arith.cmpi eq, %and3A_413, %eq3A_414 : vector<16xi32>
      %shift_right_arithmetic3A_416 = arith.constant 8 : i32
      %shift_right_arithmetic3A_417 = vector.broadcast %shift_right_arithmetic3A_416 : i32 to vector<16xi32>
      %shift_right_arithmetic3A_418 = arith.shrsi %get3A_407, %shift_right_arithmetic3A_417 : vector<16xi32>
      %shift_left3A_419 = arith.constant 7 : i32
      %shift_left3A_420 = vector.broadcast %shift_left3A_419 : i32 to vector<16xi32>
      %shift_left3A_421 = arith.shli %shift_right_arithmetic3A_418, %shift_left3A_420 : vector<16xi32>
      %and3A_422 = arith.constant 127 : i32
      %and3A_423 = vector.broadcast %and3A_422 : i32 to vector<16xi32>
      %and3A_424 = arith.andi %get3A_407, %and3A_423 : vector<16xi32>
      %or3A_425 = arith.ori %shift_left3A_421, %and3A_424 : vector<16xi32>
      %select_n3A_426 = arith.select %eq3A_415, %or3A_425, %add3A_35 : vector<16xi1>, vector<16xi32>
      %swap3A_427 = arith.constant 16 : index
      %swap3A_428 = tpu.vector_load %arg10[%swap3A_427] {strides = array<i32>} : memref<32xi32, #tpu.memory_space<vmem>>, vector<16xi32>,
      %swap3A_429 = vector.shape_cast %swap3A_428 : vector<16xi32> to vector<16xi32>
      %swap3A_430 = vector.shape_cast %select_n3A_426 : vector<16xi32> to vector<16xi32>
      tpu.vector_store %arg10[%swap3A_427], %swap3A_430 {strides = array<i32>} : memref<32xi32, #tpu.memory_space<vmem>>, vector<16xi32>,
      %dma_start3A_431 = arith.constant 0 : i32
      %dma_start3A_432 = arith.constant 0 : i32
      %dma_start3A_433 = tpu.memref_slice %arg6[%dma_start3A_431, %dma_start3A_432] : memref<5120x128xf32, #tpu.memory_space<vmem_shared>> -> memref<5120x128xf32, #tpu.memory_space<vmem_shared>>
      tpu.enqueue_indirect_dma source(%arg8 : memref<32x128xf32, #tpu.memory_space<vmem>>) target(%dma_start3A_433 : memref<5120x128xf32, #tpu.memory_space<vmem_shared>>) offsets(%arg10 : memref<32xi32, #tpu.memory_space<vmem>>) semaphore(%arg12 : memref<!tpu.dma_semaphore, #tpu.memory_space<semaphore_mem>>) {add = true}
      %dma_wait3A_434 = arith.constant 0 : i32
      %dma_wait3A_435 = arith.constant 0 : i32
      %dma_wait3A_436 = tpu.memref_slice %arg6[%dma_wait3A_434, %dma_wait3A_435] : memref<5120x128xf32, #tpu.memory_space<vmem_shared>> -> memref<5120x128xf32, #tpu.memory_space<vmem_shared>>
      tpu.wait_indirect_dma semaphore(%arg13 : memref<!tpu.dma_semaphore, #tpu.memory_space<semaphore_mem>>) src(%arg9 : memref<32x128xf32, #tpu.memory_space<vmem>>) dst(%dma_wait3A_436 : memref<5120x128xf32, #tpu.memory_space<vmem_shared>>)
      %dma_start3A_437 = arith.constant 1 : i32
      %dma_start3A_438 = arith.constant 32 : i32
      %dma_start3A_439 = tpu.memref_slice %arg7[%dma_start3A_437, %dma_start3A_438] : memref<8x128xi32, #tpu.memory_space<vmem>> -> memref<1x32xi32, #tpu.memory_space<vmem>>
      %dma_start3A_440 = tpu.memref_squeeze %dma_start3A_439 : memref<1x32xi32, #tpu.memory_space<vmem>> -> memref<32xi32, #tpu.memory_space<vmem>>
      %dma_start3A_441 = arith.constant 0 : i32
      %dma_start3A_442 = arith.constant 0 : i32
      %dma_start3A_443 = tpu.memref_slice %arg5[%dma_start3A_441, %dma_start3A_442] : memref<10000x128xf32, #tpu.memory_space<vmem_shared>> -> memref<10000x128xf32, #tpu.memory_space<vmem_shared>>
      tpu.enqueue_indirect_dma source(%dma_start3A_443 : memref<10000x128xf32, #tpu.memory_space<vmem_shared>>) target(%arg9 : memref<32x128xf32, #tpu.memory_space<vmem>>) offsets(%dma_start3A_440 : memref<32xi32, #tpu.memory_space<vmem>>) semaphore(%arg13 : memref<!tpu.dma_semaphore, #tpu.memory_space<semaphore_mem>>)
      %dma_wait3A_444 = arith.constant 1 : i32
      %dma_wait3A_445 = arith.constant 32 : i32
      %dma_wait3A_446 = tpu.memref_slice %arg7[%dma_wait3A_444, %dma_wait3A_445] : memref<8x128xi32, #tpu.memory_space<vmem>> -> memref<1x32xi32, #tpu.memory_space<vmem>>
      %dma_wait3A_447 = tpu.memref_squeeze %dma_wait3A_446 : memref<1x32xi32, #tpu.memory_space<vmem>> -> memref<32xi32, #tpu.memory_space<vmem>>
      %dma_wait3A_448 = arith.constant 0 : i32
      %dma_wait3A_449 = arith.constant 0 : i32
      %dma_wait3A_450 = tpu.memref_slice %arg5[%dma_wait3A_448, %dma_wait3A_449] : memref<10000x128xf32, #tpu.memory_space<vmem_shared>> -> memref<10000x128xf32, #tpu.memory_space<vmem_shared>>
      tpu.wait_indirect_dma semaphore(%arg13 : memref<!tpu.dma_semaphore, #tpu.memory_space<semaphore_mem>>) src(%dma_wait3A_450 : memref<10000x128xf32, #tpu.memory_space<vmem_shared>>) dst(%arg9 : memref<32x128xf32, #tpu.memory_space<vmem>>)
      %get3A_451 = arith.constant 5 : i32
      %get3A_452 = arith.index_cast %get3A_451 : i32 to index
      %get3A_453 = arith.constant 32 : index
      %get3A_454 = tpu.vector_load %arg7[%get3A_452, %get3A_453] {strides = array<i32>} : memref<8x128xi32, #tpu.memory_space<vmem>>, vector<1x16xi32>,
      %get3A_455 = vector.shape_cast %get3A_454 : vector<1x16xi32> to vector<16xi32>
      %shift_right_arithmetic3A_456 = arith.constant 7 : i32
      %shift_right_arithmetic3A_457 = vector.broadcast %shift_right_arithmetic3A_456 : i32 to vector<16xi32>
      %shift_right_arithmetic3A_458 = arith.shrsi %get3A_455, %shift_right_arithmetic3A_457 : vector<16xi32>
      %and3A_459 = arith.constant 1 : i32
      %and3A_460 = vector.broadcast %and3A_459 : i32 to vector<16xi32>
      %and3A_461 = arith.andi %shift_right_arithmetic3A_458, %and3A_460 : vector<16xi32>
      %eq3A_462 = vector.broadcast %arg0 : i32 to vector<16xi32>
      %eq3A_463 = arith.cmpi eq, %and3A_461, %eq3A_462 : vector<16xi32>
      %shift_right_arithmetic3A_464 = arith.constant 8 : i32
      %shift_right_arithmetic3A_465 = vector.broadcast %shift_right_arithmetic3A_464 : i32 to vector<16xi32>
      %shift_right_arithmetic3A_466 = arith.shrsi %get3A_455, %shift_right_arithmetic3A_465 : vector<16xi32>
      %shift_left3A_467 = arith.constant 7 : i32
      %shift_left3A_468 = vector.broadcast %shift_left3A_467 : i32 to vector<16xi32>
      %shift_left3A_469 = arith.shli %shift_right_arithmetic3A_466, %shift_left3A_468 : vector<16xi32>
      %and3A_470 = arith.constant 127 : i32
      %and3A_471 = vector.broadcast %and3A_470 : i32 to vector<16xi32>
      %and3A_472 = arith.andi %get3A_455, %and3A_471 : vector<16xi32>
      %or3A_473 = arith.ori %shift_left3A_469, %and3A_472 : vector<16xi32>
      %select_n3A_474 = arith.select %eq3A_463, %or3A_473, %add3A_35 : vector<16xi1>, vector<16xi32>
      %swap3A_475 = arith.constant 0 : index
      %swap3A_476 = tpu.vector_load %arg11[%swap3A_475] {strides = array<i32>} : memref<32xi32, #tpu.memory_space<vmem>>, vector<16xi32>,
      %swap3A_477 = vector.shape_cast %swap3A_476 : vector<16xi32> to vector<16xi32>
      %swap3A_478 = vector.shape_cast %select_n3A_474 : vector<16xi32> to vector<16xi32>
      tpu.vector_store %arg11[%swap3A_475], %swap3A_478 {strides = array<i32>} : memref<32xi32, #tpu.memory_space<vmem>>, vector<16xi32>,
      %get3A_479 = arith.constant 5 : i32
      %get3A_480 = arith.index_cast %get3A_479 : i32 to index
      %get3A_481 = arith.constant 48 : index
      %get3A_482 = tpu.vector_load %arg7[%get3A_480, %get3A_481] {strides = array<i32>} : memref<8x128xi32, #tpu.memory_space<vmem>>, vector<1x16xi32>,
      %get3A_483 = vector.shape_cast %get3A_482 : vector<1x16xi32> to vector<16xi32>
      %shift_right_arithmetic3A_484 = arith.constant 7 : i32
      %shift_right_arithmetic3A_485 = vector.broadcast %shift_right_arithmetic3A_484 : i32 to vector<16xi32>
      %shift_right_arithmetic3A_486 = arith.shrsi %get3A_483, %shift_right_arithmetic3A_485 : vector<16xi32>
      %and3A_487 = arith.constant 1 : i32
      %and3A_488 = vector.broadcast %and3A_487 : i32 to vector<16xi32>
      %and3A_489 = arith.andi %shift_right_arithmetic3A_486, %and3A_488 : vector<16xi32>
      %eq3A_490 = vector.broadcast %arg0 : i32 to vector<16xi32>
      %eq3A_491 = arith.cmpi eq, %and3A_489, %eq3A_490 : vector<16xi32>
      %shift_right_arithmetic3A_492 = arith.constant 8 : i32
      %shift_right_arithmetic3A_493 = vector.broadcast %shift_right_arithmetic3A_492 : i32 to vector<16xi32>
      %shift_right_arithmetic3A_494 = arith.shrsi %get3A_483, %shift_right_arithmetic3A_493 : vector<16xi32>
      %shift_left3A_495 = arith.constant 7 : i32
      %shift_left3A_496 = vector.broadcast %shift_left3A_495 : i32 to vector<16xi32>
      %shift_left3A_497 = arith.shli %shift_right_arithmetic3A_494, %shift_left3A_496 : vector<16xi32>
      %and3A_498 = arith.constant 127 : i32
      %and3A_499 = vector.broadcast %and3A_498 : i32 to vector<16xi32>
      %and3A_500 = arith.andi %get3A_483, %and3A_499 : vector<16xi32>
      %or3A_501 = arith.ori %shift_left3A_497, %and3A_500 : vector<16xi32>
      %select_n3A_502 = arith.select %eq3A_491, %or3A_501, %add3A_35 : vector<16xi1>, vector<16xi32>
      %swap3A_503 = arith.constant 16 : index
      %swap3A_504 = tpu.vector_load %arg11[%swap3A_503] {strides = array<i32>} : memref<32xi32, #tpu.memory_space<vmem>>, vector<16xi32>,
      %swap3A_505 = vector.shape_cast %swap3A_504 : vector<16xi32> to vector<16xi32>
      %swap3A_506 = vector.shape_cast %select_n3A_502 : vector<16xi32> to vector<16xi32>
      tpu.vector_store %arg11[%swap3A_503], %swap3A_506 {strides = array<i32>} : memref<32xi32, #tpu.memory_space<vmem>>, vector<16xi32>,
      %dma_start3A_507 = arith.constant 0 : i32
      %dma_start3A_508 = arith.constant 0 : i32
      %dma_start3A_509 = tpu.memref_slice %arg6[%dma_start3A_507, %dma_start3A_508] : memref<5120x128xf32, #tpu.memory_space<vmem_shared>> -> memref<5120x128xf32, #tpu.memory_space<vmem_shared>>
      tpu.enqueue_indirect_dma source(%arg9 : memref<32x128xf32, #tpu.memory_space<vmem>>) target(%dma_start3A_509 : memref<5120x128xf32, #tpu.memory_space<vmem_shared>>) offsets(%arg11 : memref<32xi32, #tpu.memory_space<vmem>>) semaphore(%arg13 : memref<!tpu.dma_semaphore, #tpu.memory_space<semaphore_mem>>) {add = true}
      %dma_wait3A_510 = arith.constant 0 : i32
      %dma_wait3A_511 = arith.constant 0 : i32
      %dma_wait3A_512 = tpu.memref_slice %arg6[%dma_wait3A_510, %dma_wait3A_511] : memref<5120x128xf32, #tpu.memory_space<vmem_shared>> -> memref<5120x128xf32, #tpu.memory_space<vmem_shared>>
      tpu.wait_indirect_dma semaphore(%arg12 : memref<!tpu.dma_semaphore, #tpu.memory_space<semaphore_mem>>) src(%arg8 : memref<32x128xf32, #tpu.memory_space<vmem>>) dst(%dma_wait3A_512 : memref<5120x128xf32, #tpu.memory_space<vmem_shared>>)
      %dma_start3A_513 = arith.constant 1 : i32
      %dma_start3A_514 = arith.constant 64 : i32
      %dma_start3A_515 = tpu.memref_slice %arg7[%dma_start3A_513, %dma_start3A_514] : memref<8x128xi32, #tpu.memory_space<vmem>> -> memref<1x32xi32, #tpu.memory_space<vmem>>
      %dma_start3A_516 = tpu.memref_squeeze %dma_start3A_515 : memref<1x32xi32, #tpu.memory_space<vmem>> -> memref<32xi32, #tpu.memory_space<vmem>>
      %dma_start3A_517 = arith.constant 0 : i32
      %dma_start3A_518 = arith.constant 0 : i32
      %dma_start3A_519 = tpu.memref_slice %arg5[%dma_start3A_517, %dma_start3A_518] : memref<10000x128xf32, #tpu.memory_space<vmem_shared>> -> memref<10000x128xf32, #tpu.memory_space<vmem_shared>>
      tpu.enqueue_indirect_dma source(%dma_start3A_519 : memref<10000x128xf32, #tpu.memory_space<vmem_shared>>) target(%arg8 : memref<32x128xf32, #tpu.memory_space<vmem>>) offsets(%dma_start3A_516 : memref<32xi32, #tpu.memory_space<vmem>>) semaphore(%arg12 : memref<!tpu.dma_semaphore, #tpu.memory_space<semaphore_mem>>)
      %dma_wait3A_520 = arith.constant 1 : i32
      %dma_wait3A_521 = arith.constant 64 : i32
      %dma_wait3A_522 = tpu.memref_slice %arg7[%dma_wait3A_520, %dma_wait3A_521] : memref<8x128xi32, #tpu.memory_space<vmem>> -> memref<1x32xi32, #tpu.memory_space<vmem>>
      %dma_wait3A_523 = tpu.memref_squeeze %dma_wait3A_522 : memref<1x32xi32, #tpu.memory_space<vmem>> -> memref<32xi32, #tpu.memory_space<vmem>>
      %dma_wait3A_524 = arith.constant 0 : i32
      %dma_wait3A_525 = arith.constant 0 : i32
      %dma_wait3A_526 = tpu.memref_slice %arg5[%dma_wait3A_524, %dma_wait3A_525] : memref<10000x128xf32, #tpu.memory_space<vmem_shared>> -> memref<10000x128xf32, #tpu.memory_space<vmem_shared>>
      tpu.wait_indirect_dma semaphore(%arg12 : memref<!tpu.dma_semaphore, #tpu.memory_space<semaphore_mem>>) src(%dma_wait3A_526 : memref<10000x128xf32, #tpu.memory_space<vmem_shared>>) dst(%arg8 : memref<32x128xf32, #tpu.memory_space<vmem>>)
      %get3A_527 = arith.constant 5 : i32
      %get3A_528 = arith.index_cast %get3A_527 : i32 to index
      %get3A_529 = arith.constant 64 : index
      %get3A_530 = tpu.vector_load %arg7[%get3A_528, %get3A_529] {strides = array<i32>} : memref<8x128xi32, #tpu.memory_space<vmem>>, vector<1x16xi32>,
      %get3A_531 = vector.shape_cast %get3A_530 : vector<1x16xi32> to vector<16xi32>
      %shift_right_arithmetic3A_532 = arith.constant 7 : i32
      %shift_right_arithmetic3A_533 = vector.broadcast %shift_right_arithmetic3A_532 : i32 to vector<16xi32>
      %shift_right_arithmetic3A_534 = arith.shrsi %get3A_531, %shift_right_arithmetic3A_533 : vector<16xi32>
      %and3A_535 = arith.constant 1 : i32
      %and3A_536 = vector.broadcast %and3A_535 : i32 to vector<16xi32>
      %and3A_537 = arith.andi %shift_right_arithmetic3A_534, %and3A_536 : vector<16xi32>
      %eq3A_538 = vector.broadcast %arg0 : i32 to vector<16xi32>
      %eq3A_539 = arith.cmpi eq, %and3A_537, %eq3A_538 : vector<16xi32>
      %shift_right_arithmetic3A_540 = arith.constant 8 : i32
      %shift_right_arithmetic3A_541 = vector.broadcast %shift_right_arithmetic3A_540 : i32 to vector<16xi32>
      %shift_right_arithmetic3A_542 = arith.shrsi %get3A_531, %shift_right_arithmetic3A_541 : vector<16xi32>
      %shift_left3A_543 = arith.constant 7 : i32
      %shift_left3A_544 = vector.broadcast %shift_left3A_543 : i32 to vector<16xi32>
      %shift_left3A_545 = arith.shli %shift_right_arithmetic3A_542, %shift_left3A_544 : vector<16xi32>
      %and3A_546 = arith.constant 127 : i32
      %and3A_547 = vector.broadcast %and3A_546 : i32 to vector<16xi32>
      %and3A_548 = arith.andi %get3A_531, %and3A_547 : vector<16xi32>
      %or3A_549 = arith.ori %shift_left3A_545, %and3A_548 : vector<16xi32>
      %select_n3A_550 = arith.select %eq3A_539, %or3A_549, %add3A_35 : vector<16xi1>, vector<16xi32>
      %swap3A_551 = arith.constant 0 : index
      %swap3A_552 = tpu.vector_load %arg10[%swap3A_551] {strides = array<i32>} : memref<32xi32, #tpu.memory_space<vmem>>, vector<16xi32>,
      %swap3A_553 = vector.shape_cast %swap3A_552 : vector<16xi32> to vector<16xi32>
      %swap3A_554 = vector.shape_cast %select_n3A_550 : vector<16xi32> to vector<16xi32>
      tpu.vector_store %arg10[%swap3A_551], %swap3A_554 {strides = array<i32>} : memref<32xi32, #tpu.memory_space<vmem>>, vector<16xi32>,
      %get3A_555 = arith.constant 5 : i32
      %get3A_556 = arith.index_cast %get3A_555 : i32 to index
      %get3A_557 = arith.constant 80 : index
      %get3A_558 = tpu.vector_load %arg7[%get3A_556, %get3A_557] {strides = array<i32>} : memref<8x128xi32, #tpu.memory_space<vmem>>, vector<1x16xi32>,
      %get3A_559 = vector.shape_cast %get3A_558 : vector<1x16xi32> to vector<16xi32>
      %shift_right_arithmetic3A_560 = arith.constant 7 : i32
      %shift_right_arithmetic3A_561 = vector.broadcast %shift_right_arithmetic3A_560 : i32 to vector<16xi32>
      %shift_right_arithmetic3A_562 = arith.shrsi %get3A_559, %shift_right_arithmetic3A_561 : vector<16xi32>
      %and3A_563 = arith.constant 1 : i32
      %and3A_564 = vector.broadcast %and3A_563 : i32 to vector<16xi32>
      %and3A_565 = arith.andi %shift_right_arithmetic3A_562, %and3A_564 : vector<16xi32>
      %eq3A_566 = vector.broadcast %arg0 : i32 to vector<16xi32>
      %eq3A_567 = arith.cmpi eq, %and3A_565, %eq3A_566 : vector<16xi32>
      %shift_right_arithmetic3A_568 = arith.constant 8 : i32
      %shift_right_arithmetic3A_569 = vector.broadcast %shift_right_arithmetic3A_568 : i32 to vector<16xi32>
      %shift_right_arithmetic3A_570 = arith.shrsi %get3A_559, %shift_right_arithmetic3A_569 : vector<16xi32>
      %shift_left3A_571 = arith.constant 7 : i32
      %shift_left3A_572 = vector.broadcast %shift_left3A_571 : i32 to vector<16xi32>
      %shift_left3A_573 = arith.shli %shift_right_arithmetic3A_570, %shift_left3A_572 : vector<16xi32>
      %and3A_574 = arith.constant 127 : i32
      %and3A_575 = vector.broadcast %and3A_574 : i32 to vector<16xi32>
      %and3A_576 = arith.andi %get3A_559, %and3A_575 : vector<16xi32>
      %or3A_577 = arith.ori %shift_left3A_573, %and3A_576 : vector<16xi32>
      %select_n3A_578 = arith.select %eq3A_567, %or3A_577, %add3A_35 : vector<16xi1>, vector<16xi32>
      %swap3A_579 = arith.constant 16 : index
      %swap3A_580 = tpu.vector_load %arg10[%swap3A_579] {strides = array<i32>} : memref<32xi32, #tpu.memory_space<vmem>>, vector<16xi32>,
      %swap3A_581 = vector.shape_cast %swap3A_580 : vector<16xi32> to vector<16xi32>
      %swap3A_582 = vector.shape_cast %select_n3A_578 : vector<16xi32> to vector<16xi32>
      tpu.vector_store %arg10[%swap3A_579], %swap3A_582 {strides = array<i32>} : memref<32xi32, #tpu.memory_space<vmem>>, vector<16xi32>,
      %dma_start3A_583 = arith.constant 0 : i32
      %dma_start3A_584 = arith.constant 0 : i32
      %dma_start3A_585 = tpu.memref_slice %arg6[%dma_start3A_583, %dma_start3A_584] : memref<5120x128xf32, #tpu.memory_space<vmem_shared>> -> memref<5120x128xf32, #tpu.memory_space<vmem_shared>>
      tpu.enqueue_indirect_dma source(%arg8 : memref<32x128xf32, #tpu.memory_space<vmem>>) target(%dma_start3A_585 : memref<5120x128xf32, #tpu.memory_space<vmem_shared>>) offsets(%arg10 : memref<32xi32, #tpu.memory_space<vmem>>) semaphore(%arg12 : memref<!tpu.dma_semaphore, #tpu.memory_space<semaphore_mem>>) {add = true}
      %dma_wait3A_586 = arith.constant 0 : i32
      %dma_wait3A_587 = arith.constant 0 : i32
      %dma_wait3A_588 = tpu.memref_slice %arg6[%dma_wait3A_586, %dma_wait3A_587] : memref<5120x128xf32, #tpu.memory_space<vmem_shared>> -> memref<5120x128xf32, #tpu.memory_space<vmem_shared>>
      tpu.wait_indirect_dma semaphore(%arg13 : memref<!tpu.dma_semaphore, #tpu.memory_space<semaphore_mem>>) src(%arg9 : memref<32x128xf32, #tpu.memory_space<vmem>>) dst(%dma_wait3A_588 : memref<5120x128xf32, #tpu.memory_space<vmem_shared>>)
      %dma_start3A_589 = arith.constant 1 : i32
      %dma_start3A_590 = arith.constant 96 : i32
      %dma_start3A_591 = tpu.memref_slice %arg7[%dma_start3A_589, %dma_start3A_590] : memref<8x128xi32, #tpu.memory_space<vmem>> -> memref<1x32xi32, #tpu.memory_space<vmem>>
      %dma_start3A_592 = tpu.memref_squeeze %dma_start3A_591 : memref<1x32xi32, #tpu.memory_space<vmem>> -> memref<32xi32, #tpu.memory_space<vmem>>
      %dma_start3A_593 = arith.constant 0 : i32
      %dma_start3A_594 = arith.constant 0 : i32
      %dma_start3A_595 = tpu.memref_slice %arg5[%dma_start3A_593, %dma_start3A_594] : memref<10000x128xf32, #tpu.memory_space<vmem_shared>> -> memref<10000x128xf32, #tpu.memory_space<vmem_shared>>
      tpu.enqueue_indirect_dma source(%dma_start3A_595 : memref<10000x128xf32, #tpu.memory_space<vmem_shared>>) target(%arg9 : memref<32x128xf32, #tpu.memory_space<vmem>>) offsets(%dma_start3A_592 : memref<32xi32, #tpu.memory_space<vmem>>) semaphore(%arg13 : memref<!tpu.dma_semaphore, #tpu.memory_space<semaphore_mem>>)
      %dma_wait3A_596 = arith.constant 1 : i32
      %dma_wait3A_597 = arith.constant 96 : i32
      %dma_wait3A_598 = tpu.memref_slice %arg7[%dma_wait3A_596, %dma_wait3A_597] : memref<8x128xi32, #tpu.memory_space<vmem>> -> memref<1x32xi32, #tpu.memory_space<vmem>>
      %dma_wait3A_599 = tpu.memref_squeeze %dma_wait3A_598 : memref<1x32xi32, #tpu.memory_space<vmem>> -> memref<32xi32, #tpu.memory_space<vmem>>
      %dma_wait3A_600 = arith.constant 0 : i32
      %dma_wait3A_601 = arith.constant 0 : i32
      %dma_wait3A_602 = tpu.memref_slice %arg5[%dma_wait3A_600, %dma_wait3A_601] : memref<10000x128xf32, #tpu.memory_space<vmem_shared>> -> memref<10000x128xf32, #tpu.memory_space<vmem_shared>>
      tpu.wait_indirect_dma semaphore(%arg13 : memref<!tpu.dma_semaphore, #tpu.memory_space<semaphore_mem>>) src(%dma_wait3A_602 : memref<10000x128xf32, #tpu.memory_space<vmem_shared>>) dst(%arg9 : memref<32x128xf32, #tpu.memory_space<vmem>>)
      %get3A_603 = arith.constant 5 : i32
      %get3A_604 = arith.index_cast %get3A_603 : i32 to index
      %get3A_605 = arith.constant 96 : index
      %get3A_606 = tpu.vector_load %arg7[%get3A_604, %get3A_605] {strides = array<i32>} : memref<8x128xi32, #tpu.memory_space<vmem>>, vector<1x16xi32>,
      %get3A_607 = vector.shape_cast %get3A_606 : vector<1x16xi32> to vector<16xi32>
      %shift_right_arithmetic3A_608 = arith.constant 7 : i32
      %shift_right_arithmetic3A_609 = vector.broadcast %shift_right_arithmetic3A_608 : i32 to vector<16xi32>
      %shift_right_arithmetic3A_610 = arith.shrsi %get3A_607, %shift_right_arithmetic3A_609 : vector<16xi32>
      %and3A_611 = arith.constant 1 : i32
      %and3A_612 = vector.broadcast %and3A_611 : i32 to vector<16xi32>
      %and3A_613 = arith.andi %shift_right_arithmetic3A_610, %and3A_612 : vector<16xi32>
      %eq3A_614 = vector.broadcast %arg0 : i32 to vector<16xi32>
      %eq3A_615 = arith.cmpi eq, %and3A_613, %eq3A_614 : vector<16xi32>
      %shift_right_arithmetic3A_616 = arith.constant 8 : i32
      %shift_right_arithmetic3A_617 = vector.broadcast %shift_right_arithmetic3A_616 : i32 to vector<16xi32>
      %shift_right_arithmetic3A_618 = arith.shrsi %get3A_607, %shift_right_arithmetic3A_617 : vector<16xi32>
      %shift_left3A_619 = arith.constant 7 : i32
      %shift_left3A_620 = vector.broadcast %shift_left3A_619 : i32 to vector<16xi32>
      %shift_left3A_621 = arith.shli %shift_right_arithmetic3A_618, %shift_left3A_620 : vector<16xi32>
      %and3A_622 = arith.constant 127 : i32
      %and3A_623 = vector.broadcast %and3A_622 : i32 to vector<16xi32>
      %and3A_624 = arith.andi %get3A_607, %and3A_623 : vector<16xi32>
      %or3A_625 = arith.ori %shift_left3A_621, %and3A_624 : vector<16xi32>
      %select_n3A_626 = arith.select %eq3A_615, %or3A_625, %add3A_35 : vector<16xi1>, vector<16xi32>
      %swap3A_627 = arith.constant 0 : index
      %swap3A_628 = tpu.vector_load %arg11[%swap3A_627] {strides = array<i32>} : memref<32xi32, #tpu.memory_space<vmem>>, vector<16xi32>,
      %swap3A_629 = vector.shape_cast %swap3A_628 : vector<16xi32> to vector<16xi32>
      %swap3A_630 = vector.shape_cast %select_n3A_626 : vector<16xi32> to vector<16xi32>
      tpu.vector_store %arg11[%swap3A_627], %swap3A_630 {strides = array<i32>} : memref<32xi32, #tpu.memory_space<vmem>>, vector<16xi32>,
      %get3A_631 = arith.constant 5 : i32
      %get3A_632 = arith.index_cast %get3A_631 : i32 to index
      %get3A_633 = arith.constant 112 : index
      %get3A_634 = tpu.vector_load %arg7[%get3A_632, %get3A_633] {strides = array<i32>} : memref<8x128xi32, #tpu.memory_space<vmem>>, vector<1x16xi32>,
      %get3A_635 = vector.shape_cast %get3A_634 : vector<1x16xi32> to vector<16xi32>
      %shift_right_arithmetic3A_636 = arith.constant 7 : i32
      %shift_right_arithmetic3A_637 = vector.broadcast %shift_right_arithmetic3A_636 : i32 to vector<16xi32>
      %shift_right_arithmetic3A_638 = arith.shrsi %get3A_635, %shift_right_arithmetic3A_637 : vector<16xi32>
      %and3A_639 = arith.constant 1 : i32
      %and3A_640 = vector.broadcast %and3A_639 : i32 to vector<16xi32>
      %and3A_641 = arith.andi %shift_right_arithmetic3A_638, %and3A_640 : vector<16xi32>
      %eq3A_642 = vector.broadcast %arg0 : i32 to vector<16xi32>
      %eq3A_643 = arith.cmpi eq, %and3A_641, %eq3A_642 : vector<16xi32>
      %shift_right_arithmetic3A_644 = arith.constant 8 : i32
      %shift_right_arithmetic3A_645 = vector.broadcast %shift_right_arithmetic3A_644 : i32 to vector<16xi32>
      %shift_right_arithmetic3A_646 = arith.shrsi %get3A_635, %shift_right_arithmetic3A_645 : vector<16xi32>
      %shift_left3A_647 = arith.constant 7 : i32
      %shift_left3A_648 = vector.broadcast %shift_left3A_647 : i32 to vector<16xi32>
      %shift_left3A_649 = arith.shli %shift_right_arithmetic3A_646, %shift_left3A_648 : vector<16xi32>
      %and3A_650 = arith.constant 127 : i32
      %and3A_651 = vector.broadcast %and3A_650 : i32 to vector<16xi32>
      %and3A_652 = arith.andi %get3A_635, %and3A_651 : vector<16xi32>
      %or3A_653 = arith.ori %shift_left3A_649, %and3A_652 : vector<16xi32>
      %select_n3A_654 = arith.select %eq3A_643, %or3A_653, %add3A_35 : vector<16xi1>, vector<16xi32>
      %swap3A_655 = arith.constant 16 : index
      %swap3A_656 = tpu.vector_load %arg11[%swap3A_655] {strides = array<i32>} : memref<32xi32, #tpu.memory_space<vmem>>, vector<16xi32>,
      %swap3A_657 = vector.shape_cast %swap3A_656 : vector<16xi32> to vector<16xi32>
      %swap3A_658 = vector.shape_cast %select_n3A_654 : vector<16xi32> to vector<16xi32>
      tpu.vector_store %arg11[%swap3A_655], %swap3A_658 {strides = array<i32>} : memref<32xi32, #tpu.memory_space<vmem>>, vector<16xi32>,
      %dma_start3A_659 = arith.constant 0 : i32
      %dma_start3A_660 = arith.constant 0 : i32
      %dma_start3A_661 = tpu.memref_slice %arg6[%dma_start3A_659, %dma_start3A_660] : memref<5120x128xf32, #tpu.memory_space<vmem_shared>> -> memref<5120x128xf32, #tpu.memory_space<vmem_shared>>
      tpu.enqueue_indirect_dma source(%arg9 : memref<32x128xf32, #tpu.memory_space<vmem>>) target(%dma_start3A_661 : memref<5120x128xf32, #tpu.memory_space<vmem_shared>>) offsets(%arg11 : memref<32xi32, #tpu.memory_space<vmem>>) semaphore(%arg13 : memref<!tpu.dma_semaphore, #tpu.memory_space<semaphore_mem>>) {add = true}
      %dma_wait3A_662 = arith.constant 0 : i32
      %dma_wait3A_663 = arith.constant 0 : i32
      %dma_wait3A_664 = tpu.memref_slice %arg6[%dma_wait3A_662, %dma_wait3A_663] : memref<5120x128xf32, #tpu.memory_space<vmem_shared>> -> memref<5120x128xf32, #tpu.memory_space<vmem_shared>>
      tpu.wait_indirect_dma semaphore(%arg12 : memref<!tpu.dma_semaphore, #tpu.memory_space<semaphore_mem>>) src(%arg8 : memref<32x128xf32, #tpu.memory_space<vmem>>) dst(%dma_wait3A_664 : memref<5120x128xf32, #tpu.memory_space<vmem_shared>>)
      %dma_start3A_665 = arith.constant 2 : i32
      %dma_start3A_666 = arith.constant 0 : i32
      %dma_start3A_667 = tpu.memref_slice %arg7[%dma_start3A_665, %dma_start3A_666] : memref<8x128xi32, #tpu.memory_space<vmem>> -> memref<1x32xi32, #tpu.memory_space<vmem>>
      %dma_start3A_668 = tpu.memref_squeeze %dma_start3A_667 : memref<1x32xi32, #tpu.memory_space<vmem>> -> memref<32xi32, #tpu.memory_space<vmem>>
      %dma_start3A_669 = arith.constant 0 : i32
      %dma_start3A_670 = arith.constant 0 : i32
      %dma_start3A_671 = tpu.memref_slice %arg5[%dma_start3A_669, %dma_start3A_670] : memref<10000x128xf32, #tpu.memory_space<vmem_shared>> -> memref<10000x128xf32, #tpu.memory_space<vmem_shared>>
      tpu.enqueue_indirect_dma source(%dma_start3A_671 : memref<10000x128xf32, #tpu.memory_space<vmem_shared>>) target(%arg8 : memref<32x128xf32, #tpu.memory_space<vmem>>) offsets(%dma_start3A_668 : memref<32xi32, #tpu.memory_space<vmem>>) semaphore(%arg12 : memref<!tpu.dma_semaphore, #tpu.memory_space<semaphore_mem>>)
      %dma_wait3A_672 = arith.constant 2 : i32
      %dma_wait3A_673 = arith.constant 0 : i32
      %dma_wait3A_674 = tpu.memref_slice %arg7[%dma_wait3A_672, %dma_wait3A_673] : memref<8x128xi32, #tpu.memory_space<vmem>> -> memref<1x32xi32, #tpu.memory_space<vmem>>
      %dma_wait3A_675 = tpu.memref_squeeze %dma_wait3A_674 : memref<1x32xi32, #tpu.memory_space<vmem>> -> memref<32xi32, #tpu.memory_space<vmem>>
      %dma_wait3A_676 = arith.constant 0 : i32
      %dma_wait3A_677 = arith.constant 0 : i32
      %dma_wait3A_678 = tpu.memref_slice %arg5[%dma_wait3A_676, %dma_wait3A_677] : memref<10000x128xf32, #tpu.memory_space<vmem_shared>> -> memref<10000x128xf32, #tpu.memory_space<vmem_shared>>
      tpu.wait_indirect_dma semaphore(%arg12 : memref<!tpu.dma_semaphore, #tpu.memory_space<semaphore_mem>>) src(%dma_wait3A_678 : memref<10000x128xf32, #tpu.memory_space<vmem_shared>>) dst(%arg8 : memref<32x128xf32, #tpu.memory_space<vmem>>)
      %get3A_679 = arith.constant 6 : i32
      %get3A_680 = arith.index_cast %get3A_679 : i32 to index
      %get3A_681 = arith.constant 0 : index
      %get3A_682 = tpu.vector_load %arg7[%get3A_680, %get3A_681] {strides = array<i32>} : memref<8x128xi32, #tpu.memory_space<vmem>>, vector<1x16xi32>,
      %get3A_683 = vector.shape_cast %get3A_682 : vector<1x16xi32> to vector<16xi32>
      %shift_right_arithmetic3A_684 = arith.constant 7 : i32
      %shift_right_arithmetic3A_685 = vector.broadcast %shift_right_arithmetic3A_684 : i32 to vector<16xi32>
      %shift_right_arithmetic3A_686 = arith.shrsi %get3A_683, %shift_right_arithmetic3A_685 : vector<16xi32>
      %and3A_687 = arith.constant 1 : i32
      %and3A_688 = vector.broadcast %and3A_687 : i32 to vector<16xi32>
      %and3A_689 = arith.andi %shift_right_arithmetic3A_686, %and3A_688 : vector<16xi32>
      %eq3A_690 = vector.broadcast %arg0 : i32 to vector<16xi32>
      %eq3A_691 = arith.cmpi eq, %and3A_689, %eq3A_690 : vector<16xi32>
      %shift_right_arithmetic3A_692 = arith.constant 8 : i32
      %shift_right_arithmetic3A_693 = vector.broadcast %shift_right_arithmetic3A_692 : i32 to vector<16xi32>
      %shift_right_arithmetic3A_694 = arith.shrsi %get3A_683, %shift_right_arithmetic3A_693 : vector<16xi32>
      %shift_left3A_695 = arith.constant 7 : i32
      %shift_left3A_696 = vector.broadcast %shift_left3A_695 : i32 to vector<16xi32>
      %shift_left3A_697 = arith.shli %shift_right_arithmetic3A_694, %shift_left3A_696 : vector<16xi32>
      %and3A_698 = arith.constant 127 : i32
      %and3A_699 = vector.broadcast %and3A_698 : i32 to vector<16xi32>
      %and3A_700 = arith.andi %get3A_683, %and3A_699 : vector<16xi32>
      %or3A_701 = arith.ori %shift_left3A_697, %and3A_700 : vector<16xi32>
      %select_n3A_702 = arith.select %eq3A_691, %or3A_701, %add3A_35 : vector<16xi1>, vector<16xi32>
      %swap3A_703 = arith.constant 0 : index
      %swap3A_704 = tpu.vector_load %arg10[%swap3A_703] {strides = array<i32>} : memref<32xi32, #tpu.memory_space<vmem>>, vector<16xi32>,
      %swap3A_705 = vector.shape_cast %swap3A_704 : vector<16xi32> to vector<16xi32>
      %swap3A_706 = vector.shape_cast %select_n3A_702 : vector<16xi32> to vector<16xi32>
      tpu.vector_store %arg10[%swap3A_703], %swap3A_706 {strides = array<i32>} : memref<32xi32, #tpu.memory_space<vmem>>, vector<16xi32>,
      %get3A_707 = arith.constant 6 : i32
      %get3A_708 = arith.index_cast %get3A_707 : i32 to index
      %get3A_709 = arith.constant 16 : index
      %get3A_710 = tpu.vector_load %arg7[%get3A_708, %get3A_709] {strides = array<i32>} : memref<8x128xi32, #tpu.memory_space<vmem>>, vector<1x16xi32>,
      %get3A_711 = vector.shape_cast %get3A_710 : vector<1x16xi32> to vector<16xi32>
      %shift_right_arithmetic3A_712 = arith.constant 7 : i32
      %shift_right_arithmetic3A_713 = vector.broadcast %shift_right_arithmetic3A_712 : i32 to vector<16xi32>
      %shift_right_arithmetic3A_714 = arith.shrsi %get3A_711, %shift_right_arithmetic3A_713 : vector<16xi32>
      %and3A_715 = arith.constant 1 : i32
      %and3A_716 = vector.broadcast %and3A_715 : i32 to vector<16xi32>
      %and3A_717 = arith.andi %shift_right_arithmetic3A_714, %and3A_716 : vector<16xi32>
      %eq3A_718 = vector.broadcast %arg0 : i32 to vector<16xi32>
      %eq3A_719 = arith.cmpi eq, %and3A_717, %eq3A_718 : vector<16xi32>
      %shift_right_arithmetic3A_720 = arith.constant 8 : i32
      %shift_right_arithmetic3A_721 = vector.broadcast %shift_right_arithmetic3A_720 : i32 to vector<16xi32>
      %shift_right_arithmetic3A_722 = arith.shrsi %get3A_711, %shift_right_arithmetic3A_721 : vector<16xi32>
      %shift_left3A_723 = arith.constant 7 : i32
      %shift_left3A_724 = vector.broadcast %shift_left3A_723 : i32 to vector<16xi32>
      %shift_left3A_725 = arith.shli %shift_right_arithmetic3A_722, %shift_left3A_724 : vector<16xi32>
      %and3A_726 = arith.constant 127 : i32
      %and3A_727 = vector.broadcast %and3A_726 : i32 to vector<16xi32>
      %and3A_728 = arith.andi %get3A_711, %and3A_727 : vector<16xi32>
      %or3A_729 = arith.ori %shift_left3A_725, %and3A_728 : vector<16xi32>
      %select_n3A_730 = arith.select %eq3A_719, %or3A_729, %add3A_35 : vector<16xi1>, vector<16xi32>
      %swap3A_731 = arith.constant 16 : index
      %swap3A_732 = tpu.vector_load %arg10[%swap3A_731] {strides = array<i32>} : memref<32xi32, #tpu.memory_space<vmem>>, vector<16xi32>,
      %swap3A_733 = vector.shape_cast %swap3A_732 : vector<16xi32> to vector<16xi32>
      %swap3A_734 = vector.shape_cast %select_n3A_730 : vector<16xi32> to vector<16xi32>
      tpu.vector_store %arg10[%swap3A_731], %swap3A_734 {strides = array<i32>} : memref<32xi32, #tpu.memory_space<vmem>>, vector<16xi32>,
      %dma_start3A_735 = arith.constant 0 : i32
      %dma_start3A_736 = arith.constant 0 : i32
      %dma_start3A_737 = tpu.memref_slice %arg6[%dma_start3A_735, %dma_start3A_736] : memref<5120x128xf32, #tpu.memory_space<vmem_shared>> -> memref<5120x128xf32, #tpu.memory_space<vmem_shared>>
      tpu.enqueue_indirect_dma source(%arg8 : memref<32x128xf32, #tpu.memory_space<vmem>>) target(%dma_start3A_737 : memref<5120x128xf32, #tpu.memory_space<vmem_shared>>) offsets(%arg10 : memref<32xi32, #tpu.memory_space<vmem>>) semaphore(%arg12 : memref<!tpu.dma_semaphore, #tpu.memory_space<semaphore_mem>>) {add = true}
      %dma_wait3A_738 = arith.constant 0 : i32
      %dma_wait3A_739 = arith.constant 0 : i32
      %dma_wait3A_740 = tpu.memref_slice %arg6[%dma_wait3A_738, %dma_wait3A_739] : memref<5120x128xf32, #tpu.memory_space<vmem_shared>> -> memref<5120x128xf32, #tpu.memory_space<vmem_shared>>
      tpu.wait_indirect_dma semaphore(%arg13 : memref<!tpu.dma_semaphore, #tpu.memory_space<semaphore_mem>>) src(%arg9 : memref<32x128xf32, #tpu.memory_space<vmem>>) dst(%dma_wait3A_740 : memref<5120x128xf32, #tpu.memory_space<vmem_shared>>)
      %dma_start3A_741 = arith.constant 2 : i32
      %dma_start3A_742 = arith.constant 32 : i32
      %dma_start3A_743 = tpu.memref_slice %arg7[%dma_start3A_741, %dma_start3A_742] : memref<8x128xi32, #tpu.memory_space<vmem>> -> memref<1x32xi32, #tpu.memory_space<vmem>>
      %dma_start3A_744 = tpu.memref_squeeze %dma_start3A_743 : memref<1x32xi32, #tpu.memory_space<vmem>> -> memref<32xi32, #tpu.memory_space<vmem>>
      %dma_start3A_745 = arith.constant 0 : i32
      %dma_start3A_746 = arith.constant 0 : i32
      %dma_start3A_747 = tpu.memref_slice %arg5[%dma_start3A_745, %dma_start3A_746] : memref<10000x128xf32, #tpu.memory_space<vmem_shared>> -> memref<10000x128xf32, #tpu.memory_space<vmem_shared>>
      tpu.enqueue_indirect_dma source(%dma_start3A_747 : memref<10000x128xf32, #tpu.memory_space<vmem_shared>>) target(%arg9 : memref<32x128xf32, #tpu.memory_space<vmem>>) offsets(%dma_start3A_744 : memref<32xi32, #tpu.memory_space<vmem>>) semaphore(%arg13 : memref<!tpu.dma_semaphore, #tpu.memory_space<semaphore_mem>>)
      %dma_wait3A_748 = arith.constant 2 : i32
      %dma_wait3A_749 = arith.constant 32 : i32
      %dma_wait3A_750 = tpu.memref_slice %arg7[%dma_wait3A_748, %dma_wait3A_749] : memref<8x128xi32, #tpu.memory_space<vmem>> -> memref<1x32xi32, #tpu.memory_space<vmem>>
      %dma_wait3A_751 = tpu.memref_squeeze %dma_wait3A_750 : memref<1x32xi32, #tpu.memory_space<vmem>> -> memref<32xi32, #tpu.memory_space<vmem>>
      %dma_wait3A_752 = arith.constant 0 : i32
      %dma_wait3A_753 = arith.constant 0 : i32
      %dma_wait3A_754 = tpu.memref_slice %arg5[%dma_wait3A_752, %dma_wait3A_753] : memref<10000x128xf32, #tpu.memory_space<vmem_shared>> -> memref<10000x128xf32, #tpu.memory_space<vmem_shared>>
      tpu.wait_indirect_dma semaphore(%arg13 : memref<!tpu.dma_semaphore, #tpu.memory_space<semaphore_mem>>) src(%dma_wait3A_754 : memref<10000x128xf32, #tpu.memory_space<vmem_shared>>) dst(%arg9 : memref<32x128xf32, #tpu.memory_space<vmem>>)
      %get3A_755 = arith.constant 6 : i32
      %get3A_756 = arith.index_cast %get3A_755 : i32 to index
      %get3A_757 = arith.constant 32 : index
      %get3A_758 = tpu.vector_load %arg7[%get3A_756, %get3A_757] {strides = array<i32>} : memref<8x128xi32, #tpu.memory_space<vmem>>, vector<1x16xi32>,
      %get3A_759 = vector.shape_cast %get3A_758 : vector<1x16xi32> to vector<16xi32>
      %shift_right_arithmetic3A_760 = arith.constant 7 : i32
      %shift_right_arithmetic3A_761 = vector.broadcast %shift_right_arithmetic3A_760 : i32 to vector<16xi32>
      %shift_right_arithmetic3A_762 = arith.shrsi %get3A_759, %shift_right_arithmetic3A_761 : vector<16xi32>
      %and3A_763 = arith.constant 1 : i32
      %and3A_764 = vector.broadcast %and3A_763 : i32 to vector<16xi32>
      %and3A_765 = arith.andi %shift_right_arithmetic3A_762, %and3A_764 : vector<16xi32>
      %eq3A_766 = vector.broadcast %arg0 : i32 to vector<16xi32>
      %eq3A_767 = arith.cmpi eq, %and3A_765, %eq3A_766 : vector<16xi32>
      %shift_right_arithmetic3A_768 = arith.constant 8 : i32
      %shift_right_arithmetic3A_769 = vector.broadcast %shift_right_arithmetic3A_768 : i32 to vector<16xi32>
      %shift_right_arithmetic3A_770 = arith.shrsi %get3A_759, %shift_right_arithmetic3A_769 : vector<16xi32>
      %shift_left3A_771 = arith.constant 7 : i32
      %shift_left3A_772 = vector.broadcast %shift_left3A_771 : i32 to vector<16xi32>
      %shift_left3A_773 = arith.shli %shift_right_arithmetic3A_770, %shift_left3A_772 : vector<16xi32>
      %and3A_774 = arith.constant 127 : i32
      %and3A_775 = vector.broadcast %and3A_774 : i32 to vector<16xi32>
      %and3A_776 = arith.andi %get3A_759, %and3A_775 : vector<16xi32>
      %or3A_777 = arith.ori %shift_left3A_773, %and3A_776 : vector<16xi32>
      %select_n3A_778 = arith.select %eq3A_767, %or3A_777, %add3A_35 : vector<16xi1>, vector<16xi32>
      %swap3A_779 = arith.constant 0 : index
      %swap3A_780 = tpu.vector_load %arg11[%swap3A_779] {strides = array<i32>} : memref<32xi32, #tpu.memory_space<vmem>>, vector<16xi32>,
      %swap3A_781 = vector.shape_cast %swap3A_780 : vector<16xi32> to vector<16xi32>
      %swap3A_782 = vector.shape_cast %select_n3A_778 : vector<16xi32> to vector<16xi32>
      tpu.vector_store %arg11[%swap3A_779], %swap3A_782 {strides = array<i32>} : memref<32xi32, #tpu.memory_space<vmem>>, vector<16xi32>,
      %get3A_783 = arith.constant 6 : i32
      %get3A_784 = arith.index_cast %get3A_783 : i32 to index
      %get3A_785 = arith.constant 48 : index
      %get3A_786 = tpu.vector_load %arg7[%get3A_784, %get3A_785] {strides = array<i32>} : memref<8x128xi32, #tpu.memory_space<vmem>>, vector<1x16xi32>,
      %get3A_787 = vector.shape_cast %get3A_786 : vector<1x16xi32> to vector<16xi32>
      %shift_right_arithmetic3A_788 = arith.constant 7 : i32
      %shift_right_arithmetic3A_789 = vector.broadcast %shift_right_arithmetic3A_788 : i32 to vector<16xi32>
      %shift_right_arithmetic3A_790 = arith.shrsi %get3A_787, %shift_right_arithmetic3A_789 : vector<16xi32>
      %and3A_791 = arith.constant 1 : i32
      %and3A_792 = vector.broadcast %and3A_791 : i32 to vector<16xi32>
      %and3A_793 = arith.andi %shift_right_arithmetic3A_790, %and3A_792 : vector<16xi32>
      %eq3A_794 = vector.broadcast %arg0 : i32 to vector<16xi32>
      %eq3A_795 = arith.cmpi eq, %and3A_793, %eq3A_794 : vector<16xi32>
      %shift_right_arithmetic3A_796 = arith.constant 8 : i32
      %shift_right_arithmetic3A_797 = vector.broadcast %shift_right_arithmetic3A_796 : i32 to vector<16xi32>
      %shift_right_arithmetic3A_798 = arith.shrsi %get3A_787, %shift_right_arithmetic3A_797 : vector<16xi32>
      %shift_left3A_799 = arith.constant 7 : i32
      %shift_left3A_800 = vector.broadcast %shift_left3A_799 : i32 to vector<16xi32>
      %shift_left3A_801 = arith.shli %shift_right_arithmetic3A_798, %shift_left3A_800 : vector<16xi32>
      %and3A_802 = arith.constant 127 : i32
      %and3A_803 = vector.broadcast %and3A_802 : i32 to vector<16xi32>
      %and3A_804 = arith.andi %get3A_787, %and3A_803 : vector<16xi32>
      %or3A_805 = arith.ori %shift_left3A_801, %and3A_804 : vector<16xi32>
      %select_n3A_806 = arith.select %eq3A_795, %or3A_805, %add3A_35 : vector<16xi1>, vector<16xi32>
      %swap3A_807 = arith.constant 16 : index
      %swap3A_808 = tpu.vector_load %arg11[%swap3A_807] {strides = array<i32>} : memref<32xi32, #tpu.memory_space<vmem>>, vector<16xi32>,
      %swap3A_809 = vector.shape_cast %swap3A_808 : vector<16xi32> to vector<16xi32>
      %swap3A_810 = vector.shape_cast %select_n3A_806 : vector<16xi32> to vector<16xi32>
      tpu.vector_store %arg11[%swap3A_807], %swap3A_810 {strides = array<i32>} : memref<32xi32, #tpu.memory_space<vmem>>, vector<16xi32>,
      %dma_start3A_811 = arith.constant 0 : i32
      %dma_start3A_812 = arith.constant 0 : i32
      %dma_start3A_813 = tpu.memref_slice %arg6[%dma_start3A_811, %dma_start3A_812] : memref<5120x128xf32, #tpu.memory_space<vmem_shared>> -> memref<5120x128xf32, #tpu.memory_space<vmem_shared>>
      tpu.enqueue_indirect_dma source(%arg9 : memref<32x128xf32, #tpu.memory_space<vmem>>) target(%dma_start3A_813 : memref<5120x128xf32, #tpu.memory_space<vmem_shared>>) offsets(%arg11 : memref<32xi32, #tpu.memory_space<vmem>>) semaphore(%arg13 : memref<!tpu.dma_semaphore, #tpu.memory_space<semaphore_mem>>) {add = true}
      %dma_wait3A_814 = arith.constant 0 : i32
      %dma_wait3A_815 = arith.constant 0 : i32
      %dma_wait3A_816 = tpu.memref_slice %arg6[%dma_wait3A_814, %dma_wait3A_815] : memref<5120x128xf32, #tpu.memory_space<vmem_shared>> -> memref<5120x128xf32, #tpu.memory_space<vmem_shared>>
      tpu.wait_indirect_dma semaphore(%arg12 : memref<!tpu.dma_semaphore, #tpu.memory_space<semaphore_mem>>) src(%arg8 : memref<32x128xf32, #tpu.memory_space<vmem>>) dst(%dma_wait3A_816 : memref<5120x128xf32, #tpu.memory_space<vmem_shared>>)
      %dma_start3A_817 = arith.constant 2 : i32
      %dma_start3A_818 = arith.constant 64 : i32
      %dma_start3A_819 = tpu.memref_slice %arg7[%dma_start3A_817, %dma_start3A_818] : memref<8x128xi32, #tpu.memory_space<vmem>> -> memref<1x32xi32, #tpu.memory_space<vmem>>
      %dma_start3A_820 = tpu.memref_squeeze %dma_start3A_819 : memref<1x32xi32, #tpu.memory_space<vmem>> -> memref<32xi32, #tpu.memory_space<vmem>>
      %dma_start3A_821 = arith.constant 0 : i32
      %dma_start3A_822 = arith.constant 0 : i32
      %dma_start3A_823 = tpu.memref_slice %arg5[%dma_start3A_821, %dma_start3A_822] : memref<10000x128xf32, #tpu.memory_space<vmem_shared>> -> memref<10000x128xf32, #tpu.memory_space<vmem_shared>>
      tpu.enqueue_indirect_dma source(%dma_start3A_823 : memref<10000x128xf32, #tpu.memory_space<vmem_shared>>) target(%arg8 : memref<32x128xf32, #tpu.memory_space<vmem>>) offsets(%dma_start3A_820 : memref<32xi32, #tpu.memory_space<vmem>>) semaphore(%arg12 : memref<!tpu.dma_semaphore, #tpu.memory_space<semaphore_mem>>)
      %dma_wait3A_824 = arith.constant 2 : i32
      %dma_wait3A_825 = arith.constant 64 : i32
      %dma_wait3A_826 = tpu.memref_slice %arg7[%dma_wait3A_824, %dma_wait3A_825] : memref<8x128xi32, #tpu.memory_space<vmem>> -> memref<1x32xi32, #tpu.memory_space<vmem>>
      %dma_wait3A_827 = tpu.memref_squeeze %dma_wait3A_826 : memref<1x32xi32, #tpu.memory_space<vmem>> -> memref<32xi32, #tpu.memory_space<vmem>>
      %dma_wait3A_828 = arith.constant 0 : i32
      %dma_wait3A_829 = arith.constant 0 : i32
      %dma_wait3A_830 = tpu.memref_slice %arg5[%dma_wait3A_828, %dma_wait3A_829] : memref<10000x128xf32, #tpu.memory_space<vmem_shared>> -> memref<10000x128xf32, #tpu.memory_space<vmem_shared>>
      tpu.wait_indirect_dma semaphore(%arg12 : memref<!tpu.dma_semaphore, #tpu.memory_space<semaphore_mem>>) src(%dma_wait3A_830 : memref<10000x128xf32, #tpu.memory_space<vmem_shared>>) dst(%arg8 : memref<32x128xf32, #tpu.memory_space<vmem>>)
      %get3A_831 = arith.constant 6 : i32
      %get3A_832 = arith.index_cast %get3A_831 : i32 to index
      %get3A_833 = arith.constant 64 : index
      %get3A_834 = tpu.vector_load %arg7[%get3A_832, %get3A_833] {strides = array<i32>} : memref<8x128xi32, #tpu.memory_space<vmem>>, vector<1x16xi32>,
      %get3A_835 = vector.shape_cast %get3A_834 : vector<1x16xi32> to vector<16xi32>
      %shift_right_arithmetic3A_836 = arith.constant 7 : i32
      %shift_right_arithmetic3A_837 = vector.broadcast %shift_right_arithmetic3A_836 : i32 to vector<16xi32>
      %shift_right_arithmetic3A_838 = arith.shrsi %get3A_835, %shift_right_arithmetic3A_837 : vector<16xi32>
      %and3A_839 = arith.constant 1 : i32
      %and3A_840 = vector.broadcast %and3A_839 : i32 to vector<16xi32>
      %and3A_841 = arith.andi %shift_right_arithmetic3A_838, %and3A_840 : vector<16xi32>
      %eq3A_842 = vector.broadcast %arg0 : i32 to vector<16xi32>
      %eq3A_843 = arith.cmpi eq, %and3A_841, %eq3A_842 : vector<16xi32>
      %shift_right_arithmetic3A_844 = arith.constant 8 : i32
      %shift_right_arithmetic3A_845 = vector.broadcast %shift_right_arithmetic3A_844 : i32 to vector<16xi32>
      %shift_right_arithmetic3A_846 = arith.shrsi %get3A_835, %shift_right_arithmetic3A_845 : vector<16xi32>
      %shift_left3A_847 = arith.constant 7 : i32
      %shift_left3A_848 = vector.broadcast %shift_left3A_847 : i32 to vector<16xi32>
      %shift_left3A_849 = arith.shli %shift_right_arithmetic3A_846, %shift_left3A_848 : vector<16xi32>
      %and3A_850 = arith.constant 127 : i32
      %and3A_851 = vector.broadcast %and3A_850 : i32 to vector<16xi32>
      %and3A_852 = arith.andi %get3A_835, %and3A_851 : vector<16xi32>
      %or3A_853 = arith.ori %shift_left3A_849, %and3A_852 : vector<16xi32>
      %select_n3A_854 = arith.select %eq3A_843, %or3A_853, %add3A_35 : vector<16xi1>, vector<16xi32>
      %swap3A_855 = arith.constant 0 : index
      %swap3A_856 = tpu.vector_load %arg10[%swap3A_855] {strides = array<i32>} : memref<32xi32, #tpu.memory_space<vmem>>, vector<16xi32>,
      %swap3A_857 = vector.shape_cast %swap3A_856 : vector<16xi32> to vector<16xi32>
      %swap3A_858 = vector.shape_cast %select_n3A_854 : vector<16xi32> to vector<16xi32>
      tpu.vector_store %arg10[%swap3A_855], %swap3A_858 {strides = array<i32>} : memref<32xi32, #tpu.memory_space<vmem>>, vector<16xi32>,
      %get3A_859 = arith.constant 6 : i32
      %get3A_860 = arith.index_cast %get3A_859 : i32 to index
      %get3A_861 = arith.constant 80 : index
      %get3A_862 = tpu.vector_load %arg7[%get3A_860, %get3A_861] {strides = array<i32>} : memref<8x128xi32, #tpu.memory_space<vmem>>, vector<1x16xi32>,
      %get3A_863 = vector.shape_cast %get3A_862 : vector<1x16xi32> to vector<16xi32>
      %shift_right_arithmetic3A_864 = arith.constant 7 : i32
      %shift_right_arithmetic3A_865 = vector.broadcast %shift_right_arithmetic3A_864 : i32 to vector<16xi32>
      %shift_right_arithmetic3A_866 = arith.shrsi %get3A_863, %shift_right_arithmetic3A_865 : vector<16xi32>
      %and3A_867 = arith.constant 1 : i32
      %and3A_868 = vector.broadcast %and3A_867 : i32 to vector<16xi32>
      %and3A_869 = arith.andi %shift_right_arithmetic3A_866, %and3A_868 : vector<16xi32>
      %eq3A_870 = vector.broadcast %arg0 : i32 to vector<16xi32>
      %eq3A_871 = arith.cmpi eq, %and3A_869, %eq3A_870 : vector<16xi32>
      %shift_right_arithmetic3A_872 = arith.constant 8 : i32
      %shift_right_arithmetic3A_873 = vector.broadcast %shift_right_arithmetic3A_872 : i32 to vector<16xi32>
      %shift_right_arithmetic3A_874 = arith.shrsi %get3A_863, %shift_right_arithmetic3A_873 : vector<16xi32>
      %shift_left3A_875 = arith.constant 7 : i32
      %shift_left3A_876 = vector.broadcast %shift_left3A_875 : i32 to vector<16xi32>
      %shift_left3A_877 = arith.shli %shift_right_arithmetic3A_874, %shift_left3A_876 : vector<16xi32>
      %and3A_878 = arith.constant 127 : i32
      %and3A_879 = vector.broadcast %and3A_878 : i32 to vector<16xi32>
      %and3A_880 = arith.andi %get3A_863, %and3A_879 : vector<16xi32>
      %or3A_881 = arith.ori %shift_left3A_877, %and3A_880 : vector<16xi32>
      %select_n3A_882 = arith.select %eq3A_871, %or3A_881, %add3A_35 : vector<16xi1>, vector<16xi32>
      %swap3A_883 = arith.constant 16 : index
      %swap3A_884 = tpu.vector_load %arg10[%swap3A_883] {strides = array<i32>} : memref<32xi32, #tpu.memory_space<vmem>>, vector<16xi32>,
      %swap3A_885 = vector.shape_cast %swap3A_884 : vector<16xi32> to vector<16xi32>
      %swap3A_886 = vector.shape_cast %select_n3A_882 : vector<16xi32> to vector<16xi32>
      tpu.vector_store %arg10[%swap3A_883], %swap3A_886 {strides = array<i32>} : memref<32xi32, #tpu.memory_space<vmem>>, vector<16xi32>,
      %dma_start3A_887 = arith.constant 0 : i32
      %dma_start3A_888 = arith.constant 0 : i32
      %dma_start3A_889 = tpu.memref_slice %arg6[%dma_start3A_887, %dma_start3A_888] : memref<5120x128xf32, #tpu.memory_space<vmem_shared>> -> memref<5120x128xf32, #tpu.memory_space<vmem_shared>>
      tpu.enqueue_indirect_dma source(%arg8 : memref<32x128xf32, #tpu.memory_space<vmem>>) target(%dma_start3A_889 : memref<5120x128xf32, #tpu.memory_space<vmem_shared>>) offsets(%arg10 : memref<32xi32, #tpu.memory_space<vmem>>) semaphore(%arg12 : memref<!tpu.dma_semaphore, #tpu.memory_space<semaphore_mem>>) {add = true}
      %dma_wait3A_890 = arith.constant 0 : i32
      %dma_wait3A_891 = arith.constant 0 : i32
      %dma_wait3A_892 = tpu.memref_slice %arg6[%dma_wait3A_890, %dma_wait3A_891] : memref<5120x128xf32, #tpu.memory_space<vmem_shared>> -> memref<5120x128xf32, #tpu.memory_space<vmem_shared>>
      tpu.wait_indirect_dma semaphore(%arg13 : memref<!tpu.dma_semaphore, #tpu.memory_space<semaphore_mem>>) src(%arg9 : memref<32x128xf32, #tpu.memory_space<vmem>>) dst(%dma_wait3A_892 : memref<5120x128xf32, #tpu.memory_space<vmem_shared>>)
      %dma_start3A_893 = arith.constant 2 : i32
      %dma_start3A_894 = arith.constant 96 : i32
      %dma_start3A_895 = tpu.memref_slice %arg7[%dma_start3A_893, %dma_start3A_894] : memref<8x128xi32, #tpu.memory_space<vmem>> -> memref<1x32xi32, #tpu.memory_space<vmem>>
      %dma_start3A_896 = tpu.memref_squeeze %dma_start3A_895 : memref<1x32xi32, #tpu.memory_space<vmem>> -> memref<32xi32, #tpu.memory_space<vmem>>
      %dma_start3A_897 = arith.constant 0 : i32
      %dma_start3A_898 = arith.constant 0 : i32
      %dma_start3A_899 = tpu.memref_slice %arg5[%dma_start3A_897, %dma_start3A_898] : memref<10000x128xf32, #tpu.memory_space<vmem_shared>> -> memref<10000x128xf32, #tpu.memory_space<vmem_shared>>
      tpu.enqueue_indirect_dma source(%dma_start3A_899 : memref<10000x128xf32, #tpu.memory_space<vmem_shared>>) target(%arg9 : memref<32x128xf32, #tpu.memory_space<vmem>>) offsets(%dma_start3A_896 : memref<32xi32, #tpu.memory_space<vmem>>) semaphore(%arg13 : memref<!tpu.dma_semaphore, #tpu.memory_space<semaphore_mem>>)
      %dma_wait3A_900 = arith.constant 2 : i32
      %dma_wait3A_901 = arith.constant 96 : i32
      %dma_wait3A_902 = tpu.memref_slice %arg7[%dma_wait3A_900, %dma_wait3A_901] : memref<8x128xi32, #tpu.memory_space<vmem>> -> memref<1x32xi32, #tpu.memory_space<vmem>>
      %dma_wait3A_903 = tpu.memref_squeeze %dma_wait3A_902 : memref<1x32xi32, #tpu.memory_space<vmem>> -> memref<32xi32, #tpu.memory_space<vmem>>
      %dma_wait3A_904 = arith.constant 0 : i32
      %dma_wait3A_905 = arith.constant 0 : i32
      %dma_wait3A_906 = tpu.memref_slice %arg5[%dma_wait3A_904, %dma_wait3A_905] : memref<10000x128xf32, #tpu.memory_space<vmem_shared>> -> memref<10000x128xf32, #tpu.memory_space<vmem_shared>>
      tpu.wait_indirect_dma semaphore(%arg13 : memref<!tpu.dma_semaphore, #tpu.memory_space<semaphore_mem>>) src(%dma_wait3A_906 : memref<10000x128xf32, #tpu.memory_space<vmem_shared>>) dst(%arg9 : memref<32x128xf32, #tpu.memory_space<vmem>>)
      %get3A_907 = arith.constant 6 : i32
      %get3A_908 = arith.index_cast %get3A_907 : i32 to index
      %get3A_909 = arith.constant 96 : index
      %get3A_910 = tpu.vector_load %arg7[%get3A_908, %get3A_909] {strides = array<i32>} : memref<8x128xi32, #tpu.memory_space<vmem>>, vector<1x16xi32>,
      %get3A_911 = vector.shape_cast %get3A_910 : vector<1x16xi32> to vector<16xi32>
      %shift_right_arithmetic3A_912 = arith.constant 7 : i32
      %shift_right_arithmetic3A_913 = vector.broadcast %shift_right_arithmetic3A_912 : i32 to vector<16xi32>
      %shift_right_arithmetic3A_914 = arith.shrsi %get3A_911, %shift_right_arithmetic3A_913 : vector<16xi32>
      %and3A_915 = arith.constant 1 : i32
      %and3A_916 = vector.broadcast %and3A_915 : i32 to vector<16xi32>
      %and3A_917 = arith.andi %shift_right_arithmetic3A_914, %and3A_916 : vector<16xi32>
      %eq3A_918 = vector.broadcast %arg0 : i32 to vector<16xi32>
      %eq3A_919 = arith.cmpi eq, %and3A_917, %eq3A_918 : vector<16xi32>
      %shift_right_arithmetic3A_920 = arith.constant 8 : i32
      %shift_right_arithmetic3A_921 = vector.broadcast %shift_right_arithmetic3A_920 : i32 to vector<16xi32>
      %shift_right_arithmetic3A_922 = arith.shrsi %get3A_911, %shift_right_arithmetic3A_921 : vector<16xi32>
      %shift_left3A_923 = arith.constant 7 : i32
      %shift_left3A_924 = vector.broadcast %shift_left3A_923 : i32 to vector<16xi32>
      %shift_left3A_925 = arith.shli %shift_right_arithmetic3A_922, %shift_left3A_924 : vector<16xi32>
      %and3A_926 = arith.constant 127 : i32
      %and3A_927 = vector.broadcast %and3A_926 : i32 to vector<16xi32>
      %and3A_928 = arith.andi %get3A_911, %and3A_927 : vector<16xi32>
      %or3A_929 = arith.ori %shift_left3A_925, %and3A_928 : vector<16xi32>
      %select_n3A_930 = arith.select %eq3A_919, %or3A_929, %add3A_35 : vector<16xi1>, vector<16xi32>
      %swap3A_931 = arith.constant 0 : index
      %swap3A_932 = tpu.vector_load %arg11[%swap3A_931] {strides = array<i32>} : memref<32xi32, #tpu.memory_space<vmem>>, vector<16xi32>,
      %swap3A_933 = vector.shape_cast %swap3A_932 : vector<16xi32> to vector<16xi32>
      %swap3A_934 = vector.shape_cast %select_n3A_930 : vector<16xi32> to vector<16xi32>
      tpu.vector_store %arg11[%swap3A_931], %swap3A_934 {strides = array<i32>} : memref<32xi32, #tpu.memory_space<vmem>>, vector<16xi32>,
      %get3A_935 = arith.constant 6 : i32
      %get3A_936 = arith.index_cast %get3A_935 : i32 to index
      %get3A_937 = arith.constant 112 : index
      %get3A_938 = tpu.vector_load %arg7[%get3A_936, %get3A_937] {strides = array<i32>} : memref<8x128xi32, #tpu.memory_space<vmem>>, vector<1x16xi32>,
      %get3A_939 = vector.shape_cast %get3A_938 : vector<1x16xi32> to vector<16xi32>
      %shift_right_arithmetic3A_940 = arith.constant 7 : i32
      %shift_right_arithmetic3A_941 = vector.broadcast %shift_right_arithmetic3A_940 : i32 to vector<16xi32>
      %shift_right_arithmetic3A_942 = arith.shrsi %get3A_939, %shift_right_arithmetic3A_941 : vector<16xi32>
      %and3A_943 = arith.constant 1 : i32
      %and3A_944 = vector.broadcast %and3A_943 : i32 to vector<16xi32>
      %and3A_945 = arith.andi %shift_right_arithmetic3A_942, %and3A_944 : vector<16xi32>
      %eq3A_946 = vector.broadcast %arg0 : i32 to vector<16xi32>
      %eq3A_947 = arith.cmpi eq, %and3A_945, %eq3A_946 : vector<16xi32>
      %shift_right_arithmetic3A_948 = arith.constant 8 : i32
      %shift_right_arithmetic3A_949 = vector.broadcast %shift_right_arithmetic3A_948 : i32 to vector<16xi32>
      %shift_right_arithmetic3A_950 = arith.shrsi %get3A_939, %shift_right_arithmetic3A_949 : vector<16xi32>
      %shift_left3A_951 = arith.constant 7 : i32
      %shift_left3A_952 = vector.broadcast %shift_left3A_951 : i32 to vector<16xi32>
      %shift_left3A_953 = arith.shli %shift_right_arithmetic3A_950, %shift_left3A_952 : vector<16xi32>
      %and3A_954 = arith.constant 127 : i32
      %and3A_955 = vector.broadcast %and3A_954 : i32 to vector<16xi32>
      %and3A_956 = arith.andi %get3A_939, %and3A_955 : vector<16xi32>
      %or3A_957 = arith.ori %shift_left3A_953, %and3A_956 : vector<16xi32>
      %select_n3A_958 = arith.select %eq3A_947, %or3A_957, %add3A_35 : vector<16xi1>, vector<16xi32>
      %swap3A_959 = arith.constant 16 : index
      %swap3A_960 = tpu.vector_load %arg11[%swap3A_959] {strides = array<i32>} : memref<32xi32, #tpu.memory_space<vmem>>, vector<16xi32>,
      %swap3A_961 = vector.shape_cast %swap3A_960 : vector<16xi32> to vector<16xi32>
      %swap3A_962 = vector.shape_cast %select_n3A_958 : vector<16xi32> to vector<16xi32>
      tpu.vector_store %arg11[%swap3A_959], %swap3A_962 {strides = array<i32>} : memref<32xi32, #tpu.memory_space<vmem>>, vector<16xi32>,
      %dma_start3A_963 = arith.constant 0 : i32
      %dma_start3A_964 = arith.constant 0 : i32
      %dma_start3A_965 = tpu.memref_slice %arg6[%dma_start3A_963, %dma_start3A_964] : memref<5120x128xf32, #tpu.memory_space<vmem_shared>> -> memref<5120x128xf32, #tpu.memory_space<vmem_shared>>
      tpu.enqueue_indirect_dma source(%arg9 : memref<32x128xf32, #tpu.memory_space<vmem>>) target(%dma_start3A_965 : memref<5120x128xf32, #tpu.memory_space<vmem_shared>>) offsets(%arg11 : memref<32xi32, #tpu.memory_space<vmem>>) semaphore(%arg13 : memref<!tpu.dma_semaphore, #tpu.memory_space<semaphore_mem>>) {add = true}
      %dma_wait3A_966 = arith.constant 0 : i32
      %dma_wait3A_967 = arith.constant 0 : i32
      %dma_wait3A_968 = tpu.memref_slice %arg6[%dma_wait3A_966, %dma_wait3A_967] : memref<5120x128xf32, #tpu.memory_space<vmem_shared>> -> memref<5120x128xf32, #tpu.memory_space<vmem_shared>>
      tpu.wait_indirect_dma semaphore(%arg12 : memref<!tpu.dma_semaphore, #tpu.memory_space<semaphore_mem>>) src(%arg8 : memref<32x128xf32, #tpu.memory_space<vmem>>) dst(%dma_wait3A_968 : memref<5120x128xf32, #tpu.memory_space<vmem_shared>>)
      %dma_start3A_969 = arith.constant 3 : i32
      %dma_start3A_970 = arith.constant 0 : i32
      %dma_start3A_971 = tpu.memref_slice %arg7[%dma_start3A_969, %dma_start3A_970] : memref<8x128xi32, #tpu.memory_space<vmem>> -> memref<1x32xi32, #tpu.memory_space<vmem>>
      %dma_start3A_972 = tpu.memref_squeeze %dma_start3A_971 : memref<1x32xi32, #tpu.memory_space<vmem>> -> memref<32xi32, #tpu.memory_space<vmem>>
      %dma_start3A_973 = arith.constant 0 : i32
      %dma_start3A_974 = arith.constant 0 : i32
      %dma_start3A_975 = tpu.memref_slice %arg5[%dma_start3A_973, %dma_start3A_974] : memref<10000x128xf32, #tpu.memory_space<vmem_shared>> -> memref<10000x128xf32, #tpu.memory_space<vmem_shared>>
      tpu.enqueue_indirect_dma source(%dma_start3A_975 : memref<10000x128xf32, #tpu.memory_space<vmem_shared>>) target(%arg8 : memref<32x128xf32, #tpu.memory_space<vmem>>) offsets(%dma_start3A_972 : memref<32xi32, #tpu.memory_space<vmem>>) semaphore(%arg12 : memref<!tpu.dma_semaphore, #tpu.memory_space<semaphore_mem>>)
      %dma_wait3A_976 = arith.constant 3 : i32
      %dma_wait3A_977 = arith.constant 0 : i32
      %dma_wait3A_978 = tpu.memref_slice %arg7[%dma_wait3A_976, %dma_wait3A_977] : memref<8x128xi32, #tpu.memory_space<vmem>> -> memref<1x32xi32, #tpu.memory_space<vmem>>
      %dma_wait3A_979 = tpu.memref_squeeze %dma_wait3A_978 : memref<1x32xi32, #tpu.memory_space<vmem>> -> memref<32xi32, #tpu.memory_space<vmem>>
      %dma_wait3A_980 = arith.constant 0 : i32
      %dma_wait3A_981 = arith.constant 0 : i32
      %dma_wait3A_982 = tpu.memref_slice %arg5[%dma_wait3A_980, %dma_wait3A_981] : memref<10000x128xf32, #tpu.memory_space<vmem_shared>> -> memref<10000x128xf32, #tpu.memory_space<vmem_shared>>
      tpu.wait_indirect_dma semaphore(%arg12 : memref<!tpu.dma_semaphore, #tpu.memory_space<semaphore_mem>>) src(%dma_wait3A_982 : memref<10000x128xf32, #tpu.memory_space<vmem_shared>>) dst(%arg8 : memref<32x128xf32, #tpu.memory_space<vmem>>)
      %get3A_983 = arith.constant 7 : i32
      %get3A_984 = arith.index_cast %get3A_983 : i32 to index
      %get3A_985 = arith.constant 0 : index
      %get3A_986 = tpu.vector_load %arg7[%get3A_984, %get3A_985] {strides = array<i32>} : memref<8x128xi32, #tpu.memory_space<vmem>>, vector<1x16xi32>,
      %get3A_987 = vector.shape_cast %get3A_986 : vector<1x16xi32> to vector<16xi32>
      %shift_right_arithmetic3A_988 = arith.constant 7 : i32
      %shift_right_arithmetic3A_989 = vector.broadcast %shift_right_arithmetic3A_988 : i32 to vector<16xi32>
      %shift_right_arithmetic3A_990 = arith.shrsi %get3A_987, %shift_right_arithmetic3A_989 : vector<16xi32>
      %and3A_991 = arith.constant 1 : i32
      %and3A_992 = vector.broadcast %and3A_991 : i32 to vector<16xi32>
      %and3A_993 = arith.andi %shift_right_arithmetic3A_990, %and3A_992 : vector<16xi32>
      %eq3A_994 = vector.broadcast %arg0 : i32 to vector<16xi32>
      %eq3A_995 = arith.cmpi eq, %and3A_993, %eq3A_994 : vector<16xi32>
      %shift_right_arithmetic3A_996 = arith.constant 8 : i32
      %shift_right_arithmetic3A_997 = vector.broadcast %shift_right_arithmetic3A_996 : i32 to vector<16xi32>
      %shift_right_arithmetic3A_998 = arith.shrsi %get3A_987, %shift_right_arithmetic3A_997 : vector<16xi32>
      %shift_left3A_999 = arith.constant 7 : i32
      %shift_left3A_1000 = vector.broadcast %shift_left3A_999 : i32 to vector<16xi32>
      %shift_left3A_1001 = arith.shli %shift_right_arithmetic3A_998, %shift_left3A_1000 : vector<16xi32>
      %and3A_1002 = arith.constant 127 : i32
      %and3A_1003 = vector.broadcast %and3A_1002 : i32 to vector<16xi32>
      %and3A_1004 = arith.andi %get3A_987, %and3A_1003 : vector<16xi32>
      %or3A_1005 = arith.ori %shift_left3A_1001, %and3A_1004 : vector<16xi32>
      %select_n3A_1006 = arith.select %eq3A_995, %or3A_1005, %add3A_35 : vector<16xi1>, vector<16xi32>
      %swap3A_1007 = arith.constant 0 : index
      %swap3A_1008 = tpu.vector_load %arg10[%swap3A_1007] {strides = array<i32>} : memref<32xi32, #tpu.memory_space<vmem>>, vector<16xi32>,
      %swap3A_1009 = vector.shape_cast %swap3A_1008 : vector<16xi32> to vector<16xi32>
      %swap3A_1010 = vector.shape_cast %select_n3A_1006 : vector<16xi32> to vector<16xi32>
      tpu.vector_store %arg10[%swap3A_1007], %swap3A_1010 {strides = array<i32>} : memref<32xi32, #tpu.memory_space<vmem>>, vector<16xi32>,
      %get3A_1011 = arith.constant 7 : i32
      %get3A_1012 = arith.index_cast %get3A_1011 : i32 to index
      %get3A_1013 = arith.constant 16 : index
      %get3A_1014 = tpu.vector_load %arg7[%get3A_1012, %get3A_1013] {strides = array<i32>} : memref<8x128xi32, #tpu.memory_space<vmem>>, vector<1x16xi32>,
      %get3A_1015 = vector.shape_cast %get3A_1014 : vector<1x16xi32> to vector<16xi32>
      %shift_right_arithmetic3A_1016 = arith.constant 7 : i32
      %shift_right_arithmetic3A_1017 = vector.broadcast %shift_right_arithmetic3A_1016 : i32 to vector<16xi32>
      %shift_right_arithmetic3A_1018 = arith.shrsi %get3A_1015, %shift_right_arithmetic3A_1017 : vector<16xi32>
      %and3A_1019 = arith.constant 1 : i32
      %and3A_1020 = vector.broadcast %and3A_1019 : i32 to vector<16xi32>
      %and3A_1021 = arith.andi %shift_right_arithmetic3A_1018, %and3A_1020 : vector<16xi32>
      %eq3A_1022 = vector.broadcast %arg0 : i32 to vector<16xi32>
      %eq3A_1023 = arith.cmpi eq, %and3A_1021, %eq3A_1022 : vector<16xi32>
      %shift_right_arithmetic3A_1024 = arith.constant 8 : i32
      %shift_right_arithmetic3A_1025 = vector.broadcast %shift_right_arithmetic3A_1024 : i32 to vector<16xi32>
      %shift_right_arithmetic3A_1026 = arith.shrsi %get3A_1015, %shift_right_arithmetic3A_1025 : vector<16xi32>
      %shift_left3A_1027 = arith.constant 7 : i32
      %shift_left3A_1028 = vector.broadcast %shift_left3A_1027 : i32 to vector<16xi32>
      %shift_left3A_1029 = arith.shli %shift_right_arithmetic3A_1026, %shift_left3A_1028 : vector<16xi32>
      %and3A_1030 = arith.constant 127 : i32
      %and3A_1031 = vector.broadcast %and3A_1030 : i32 to vector<16xi32>
      %and3A_1032 = arith.andi %get3A_1015, %and3A_1031 : vector<16xi32>
      %or3A_1033 = arith.ori %shift_left3A_1029, %and3A_1032 : vector<16xi32>
      %select_n3A_1034 = arith.select %eq3A_1023, %or3A_1033, %add3A_35 : vector<16xi1>, vector<16xi32>
      %swap3A_1035 = arith.constant 16 : index
      %swap3A_1036 = tpu.vector_load %arg10[%swap3A_1035] {strides = array<i32>} : memref<32xi32, #tpu.memory_space<vmem>>, vector<16xi32>,
      %swap3A_1037 = vector.shape_cast %swap3A_1036 : vector<16xi32> to vector<16xi32>
      %swap3A_1038 = vector.shape_cast %select_n3A_1034 : vector<16xi32> to vector<16xi32>
      tpu.vector_store %arg10[%swap3A_1035], %swap3A_1038 {strides = array<i32>} : memref<32xi32, #tpu.memory_space<vmem>>, vector<16xi32>,
      %dma_start3A_1039 = arith.constant 0 : i32
      %dma_start3A_1040 = arith.constant 0 : i32
      %dma_start3A_1041 = tpu.memref_slice %arg6[%dma_start3A_1039, %dma_start3A_1040] : memref<5120x128xf32, #tpu.memory_space<vmem_shared>> -> memref<5120x128xf32, #tpu.memory_space<vmem_shared>>
      tpu.enqueue_indirect_dma source(%arg8 : memref<32x128xf32, #tpu.memory_space<vmem>>) target(%dma_start3A_1041 : memref<5120x128xf32, #tpu.memory_space<vmem_shared>>) offsets(%arg10 : memref<32xi32, #tpu.memory_space<vmem>>) semaphore(%arg12 : memref<!tpu.dma_semaphore, #tpu.memory_space<semaphore_mem>>) {add = true}
      %dma_wait3A_1042 = arith.constant 0 : i32
      %dma_wait3A_1043 = arith.constant 0 : i32
      %dma_wait3A_1044 = tpu.memref_slice %arg6[%dma_wait3A_1042, %dma_wait3A_1043] : memref<5120x128xf32, #tpu.memory_space<vmem_shared>> -> memref<5120x128xf32, #tpu.memory_space<vmem_shared>>
      tpu.wait_indirect_dma semaphore(%arg13 : memref<!tpu.dma_semaphore, #tpu.memory_space<semaphore_mem>>) src(%arg9 : memref<32x128xf32, #tpu.memory_space<vmem>>) dst(%dma_wait3A_1044 : memref<5120x128xf32, #tpu.memory_space<vmem_shared>>)
      %dma_start3A_1045 = arith.constant 3 : i32
      %dma_start3A_1046 = arith.constant 32 : i32
      %dma_start3A_1047 = tpu.memref_slice %arg7[%dma_start3A_1045, %dma_start3A_1046] : memref<8x128xi32, #tpu.memory_space<vmem>> -> memref<1x32xi32, #tpu.memory_space<vmem>>
      %dma_start3A_1048 = tpu.memref_squeeze %dma_start3A_1047 : memref<1x32xi32, #tpu.memory_space<vmem>> -> memref<32xi32, #tpu.memory_space<vmem>>
      %dma_start3A_1049 = arith.constant 0 : i32
      %dma_start3A_1050 = arith.constant 0 : i32
      %dma_start3A_1051 = tpu.memref_slice %arg5[%dma_start3A_1049, %dma_start3A_1050] : memref<10000x128xf32, #tpu.memory_space<vmem_shared>> -> memref<10000x128xf32, #tpu.memory_space<vmem_shared>>
      tpu.enqueue_indirect_dma source(%dma_start3A_1051 : memref<10000x128xf32, #tpu.memory_space<vmem_shared>>) target(%arg9 : memref<32x128xf32, #tpu.memory_space<vmem>>) offsets(%dma_start3A_1048 : memref<32xi32, #tpu.memory_space<vmem>>) semaphore(%arg13 : memref<!tpu.dma_semaphore, #tpu.memory_space<semaphore_mem>>)
      %dma_wait3A_1052 = arith.constant 3 : i32
      %dma_wait3A_1053 = arith.constant 32 : i32
      %dma_wait3A_1054 = tpu.memref_slice %arg7[%dma_wait3A_1052, %dma_wait3A_1053] : memref<8x128xi32, #tpu.memory_space<vmem>> -> memref<1x32xi32, #tpu.memory_space<vmem>>
      %dma_wait3A_1055 = tpu.memref_squeeze %dma_wait3A_1054 : memref<1x32xi32, #tpu.memory_space<vmem>> -> memref<32xi32, #tpu.memory_space<vmem>>
      %dma_wait3A_1056 = arith.constant 0 : i32
      %dma_wait3A_1057 = arith.constant 0 : i32
      %dma_wait3A_1058 = tpu.memref_slice %arg5[%dma_wait3A_1056, %dma_wait3A_1057] : memref<10000x128xf32, #tpu.memory_space<vmem_shared>> -> memref<10000x128xf32, #tpu.memory_space<vmem_shared>>
      tpu.wait_indirect_dma semaphore(%arg13 : memref<!tpu.dma_semaphore, #tpu.memory_space<semaphore_mem>>) src(%dma_wait3A_1058 : memref<10000x128xf32, #tpu.memory_space<vmem_shared>>) dst(%arg9 : memref<32x128xf32, #tpu.memory_space<vmem>>)
      %get3A_1059 = arith.constant 7 : i32
      %get3A_1060 = arith.index_cast %get3A_1059 : i32 to index
      %get3A_1061 = arith.constant 32 : index
      %get3A_1062 = tpu.vector_load %arg7[%get3A_1060, %get3A_1061] {strides = array<i32>} : memref<8x128xi32, #tpu.memory_space<vmem>>, vector<1x16xi32>,
      %get3A_1063 = vector.shape_cast %get3A_1062 : vector<1x16xi32> to vector<16xi32>
      %shift_right_arithmetic3A_1064 = arith.constant 7 : i32
      %shift_right_arithmetic3A_1065 = vector.broadcast %shift_right_arithmetic3A_1064 : i32 to vector<16xi32>
      %shift_right_arithmetic3A_1066 = arith.shrsi %get3A_1063, %shift_right_arithmetic3A_1065 : vector<16xi32>
      %and3A_1067 = arith.constant 1 : i32
      %and3A_1068 = vector.broadcast %and3A_1067 : i32 to vector<16xi32>
      %and3A_1069 = arith.andi %shift_right_arithmetic3A_1066, %and3A_1068 : vector<16xi32>
      %eq3A_1070 = vector.broadcast %arg0 : i32 to vector<16xi32>
      %eq3A_1071 = arith.cmpi eq, %and3A_1069, %eq3A_1070 : vector<16xi32>
      %shift_right_arithmetic3A_1072 = arith.constant 8 : i32
      %shift_right_arithmetic3A_1073 = vector.broadcast %shift_right_arithmetic3A_1072 : i32 to vector<16xi32>
      %shift_right_arithmetic3A_1074 = arith.shrsi %get3A_1063, %shift_right_arithmetic3A_1073 : vector<16xi32>
      %shift_left3A_1075 = arith.constant 7 : i32
      %shift_left3A_1076 = vector.broadcast %shift_left3A_1075 : i32 to vector<16xi32>
      %shift_left3A_1077 = arith.shli %shift_right_arithmetic3A_1074, %shift_left3A_1076 : vector<16xi32>
      %and3A_1078 = arith.constant 127 : i32
      %and3A_1079 = vector.broadcast %and3A_1078 : i32 to vector<16xi32>
      %and3A_1080 = arith.andi %get3A_1063, %and3A_1079 : vector<16xi32>
      %or3A_1081 = arith.ori %shift_left3A_1077, %and3A_1080 : vector<16xi32>
      %select_n3A_1082 = arith.select %eq3A_1071, %or3A_1081, %add3A_35 : vector<16xi1>, vector<16xi32>
      %swap3A_1083 = arith.constant 0 : index
      %swap3A_1084 = tpu.vector_load %arg11[%swap3A_1083] {strides = array<i32>} : memref<32xi32, #tpu.memory_space<vmem>>, vector<16xi32>,
      %swap3A_1085 = vector.shape_cast %swap3A_1084 : vector<16xi32> to vector<16xi32>
      %swap3A_1086 = vector.shape_cast %select_n3A_1082 : vector<16xi32> to vector<16xi32>
      tpu.vector_store %arg11[%swap3A_1083], %swap3A_1086 {strides = array<i32>} : memref<32xi32, #tpu.memory_space<vmem>>, vector<16xi32>,
      %get3A_1087 = arith.constant 7 : i32
      %get3A_1088 = arith.index_cast %get3A_1087 : i32 to index
      %get3A_1089 = arith.constant 48 : index
      %get3A_1090 = tpu.vector_load %arg7[%get3A_1088, %get3A_1089] {strides = array<i32>} : memref<8x128xi32, #tpu.memory_space<vmem>>, vector<1x16xi32>,
      %get3A_1091 = vector.shape_cast %get3A_1090 : vector<1x16xi32> to vector<16xi32>
      %shift_right_arithmetic3A_1092 = arith.constant 7 : i32
      %shift_right_arithmetic3A_1093 = vector.broadcast %shift_right_arithmetic3A_1092 : i32 to vector<16xi32>
      %shift_right_arithmetic3A_1094 = arith.shrsi %get3A_1091, %shift_right_arithmetic3A_1093 : vector<16xi32>
      %and3A_1095 = arith.constant 1 : i32
      %and3A_1096 = vector.broadcast %and3A_1095 : i32 to vector<16xi32>
      %and3A_1097 = arith.andi %shift_right_arithmetic3A_1094, %and3A_1096 : vector<16xi32>
      %eq3A_1098 = vector.broadcast %arg0 : i32 to vector<16xi32>
      %eq3A_1099 = arith.cmpi eq, %and3A_1097, %eq3A_1098 : vector<16xi32>
      %shift_right_arithmetic3A_1100 = arith.constant 8 : i32
      %shift_right_arithmetic3A_1101 = vector.broadcast %shift_right_arithmetic3A_1100 : i32 to vector<16xi32>
      %shift_right_arithmetic3A_1102 = arith.shrsi %get3A_1091, %shift_right_arithmetic3A_1101 : vector<16xi32>
      %shift_left3A_1103 = arith.constant 7 : i32
      %shift_left3A_1104 = vector.broadcast %shift_left3A_1103 : i32 to vector<16xi32>
      %shift_left3A_1105 = arith.shli %shift_right_arithmetic3A_1102, %shift_left3A_1104 : vector<16xi32>
      %and3A_1106 = arith.constant 127 : i32
      %and3A_1107 = vector.broadcast %and3A_1106 : i32 to vector<16xi32>
      %and3A_1108 = arith.andi %get3A_1091, %and3A_1107 : vector<16xi32>
      %or3A_1109 = arith.ori %shift_left3A_1105, %and3A_1108 : vector<16xi32>
      %select_n3A_1110 = arith.select %eq3A_1099, %or3A_1109, %add3A_35 : vector<16xi1>, vector<16xi32>
      %swap3A_1111 = arith.constant 16 : index
      %swap3A_1112 = tpu.vector_load %arg11[%swap3A_1111] {strides = array<i32>} : memref<32xi32, #tpu.memory_space<vmem>>, vector<16xi32>,
      %swap3A_1113 = vector.shape_cast %swap3A_1112 : vector<16xi32> to vector<16xi32>
      %swap3A_1114 = vector.shape_cast %select_n3A_1110 : vector<16xi32> to vector<16xi32>
      tpu.vector_store %arg11[%swap3A_1111], %swap3A_1114 {strides = array<i32>} : memref<32xi32, #tpu.memory_space<vmem>>, vector<16xi32>,
      %dma_start3A_1115 = arith.constant 0 : i32
      %dma_start3A_1116 = arith.constant 0 : i32
      %dma_start3A_1117 = tpu.memref_slice %arg6[%dma_start3A_1115, %dma_start3A_1116] : memref<5120x128xf32, #tpu.memory_space<vmem_shared>> -> memref<5120x128xf32, #tpu.memory_space<vmem_shared>>
      tpu.enqueue_indirect_dma source(%arg9 : memref<32x128xf32, #tpu.memory_space<vmem>>) target(%dma_start3A_1117 : memref<5120x128xf32, #tpu.memory_space<vmem_shared>>) offsets(%arg11 : memref<32xi32, #tpu.memory_space<vmem>>) semaphore(%arg13 : memref<!tpu.dma_semaphore, #tpu.memory_space<semaphore_mem>>) {add = true}
      %dma_wait3A_1118 = arith.constant 0 : i32
      %dma_wait3A_1119 = arith.constant 0 : i32
      %dma_wait3A_1120 = tpu.memref_slice %arg6[%dma_wait3A_1118, %dma_wait3A_1119] : memref<5120x128xf32, #tpu.memory_space<vmem_shared>> -> memref<5120x128xf32, #tpu.memory_space<vmem_shared>>
      tpu.wait_indirect_dma semaphore(%arg12 : memref<!tpu.dma_semaphore, #tpu.memory_space<semaphore_mem>>) src(%arg8 : memref<32x128xf32, #tpu.memory_space<vmem>>) dst(%dma_wait3A_1120 : memref<5120x128xf32, #tpu.memory_space<vmem_shared>>)
      %dma_start3A_1121 = arith.constant 3 : i32
      %dma_start3A_1122 = arith.constant 64 : i32
      %dma_start3A_1123 = tpu.memref_slice %arg7[%dma_start3A_1121, %dma_start3A_1122] : memref<8x128xi32, #tpu.memory_space<vmem>> -> memref<1x32xi32, #tpu.memory_space<vmem>>
      %dma_start3A_1124 = tpu.memref_squeeze %dma_start3A_1123 : memref<1x32xi32, #tpu.memory_space<vmem>> -> memref<32xi32, #tpu.memory_space<vmem>>
      %dma_start3A_1125 = arith.constant 0 : i32
      %dma_start3A_1126 = arith.constant 0 : i32
      %dma_start3A_1127 = tpu.memref_slice %arg5[%dma_start3A_1125, %dma_start3A_1126] : memref<10000x128xf32, #tpu.memory_space<vmem_shared>> -> memref<10000x128xf32, #tpu.memory_space<vmem_shared>>
      tpu.enqueue_indirect_dma source(%dma_start3A_1127 : memref<10000x128xf32, #tpu.memory_space<vmem_shared>>) target(%arg8 : memref<32x128xf32, #tpu.memory_space<vmem>>) offsets(%dma_start3A_1124 : memref<32xi32, #tpu.memory_space<vmem>>) semaphore(%arg12 : memref<!tpu.dma_semaphore, #tpu.memory_space<semaphore_mem>>)
      %dma_wait3A_1128 = arith.constant 3 : i32
      %dma_wait3A_1129 = arith.constant 64 : i32
      %dma_wait3A_1130 = tpu.memref_slice %arg7[%dma_wait3A_1128, %dma_wait3A_1129] : memref<8x128xi32, #tpu.memory_space<vmem>> -> memref<1x32xi32, #tpu.memory_space<vmem>>
      %dma_wait3A_1131 = tpu.memref_squeeze %dma_wait3A_1130 : memref<1x32xi32, #tpu.memory_space<vmem>> -> memref<32xi32, #tpu.memory_space<vmem>>
      %dma_wait3A_1132 = arith.constant 0 : i32
      %dma_wait3A_1133 = arith.constant 0 : i32
      %dma_wait3A_1134 = tpu.memref_slice %arg5[%dma_wait3A_1132, %dma_wait3A_1133] : memref<10000x128xf32, #tpu.memory_space<vmem_shared>> -> memref<10000x128xf32, #tpu.memory_space<vmem_shared>>
      tpu.wait_indirect_dma semaphore(%arg12 : memref<!tpu.dma_semaphore, #tpu.memory_space<semaphore_mem>>) src(%dma_wait3A_1134 : memref<10000x128xf32, #tpu.memory_space<vmem_shared>>) dst(%arg8 : memref<32x128xf32, #tpu.memory_space<vmem>>)
      %get3A_1135 = arith.constant 7 : i32
      %get3A_1136 = arith.index_cast %get3A_1135 : i32 to index
      %get3A_1137 = arith.constant 64 : index
      %get3A_1138 = tpu.vector_load %arg7[%get3A_1136, %get3A_1137] {strides = array<i32>} : memref<8x128xi32, #tpu.memory_space<vmem>>, vector<1x16xi32>,
      %get3A_1139 = vector.shape_cast %get3A_1138 : vector<1x16xi32> to vector<16xi32>
      %shift_right_arithmetic3A_1140 = arith.constant 7 : i32
      %shift_right_arithmetic3A_1141 = vector.broadcast %shift_right_arithmetic3A_1140 : i32 to vector<16xi32>
      %shift_right_arithmetic3A_1142 = arith.shrsi %get3A_1139, %shift_right_arithmetic3A_1141 : vector<16xi32>
      %and3A_1143 = arith.constant 1 : i32
      %and3A_1144 = vector.broadcast %and3A_1143 : i32 to vector<16xi32>
      %and3A_1145 = arith.andi %shift_right_arithmetic3A_1142, %and3A_1144 : vector<16xi32>
      %eq3A_1146 = vector.broadcast %arg0 : i32 to vector<16xi32>
      %eq3A_1147 = arith.cmpi eq, %and3A_1145, %eq3A_1146 : vector<16xi32>
      %shift_right_arithmetic3A_1148 = arith.constant 8 : i32
      %shift_right_arithmetic3A_1149 = vector.broadcast %shift_right_arithmetic3A_1148 : i32 to vector<16xi32>
      %shift_right_arithmetic3A_1150 = arith.shrsi %get3A_1139, %shift_right_arithmetic3A_1149 : vector<16xi32>
      %shift_left3A_1151 = arith.constant 7 : i32
      %shift_left3A_1152 = vector.broadcast %shift_left3A_1151 : i32 to vector<16xi32>
      %shift_left3A_1153 = arith.shli %shift_right_arithmetic3A_1150, %shift_left3A_1152 : vector<16xi32>
      %and3A_1154 = arith.constant 127 : i32
      %and3A_1155 = vector.broadcast %and3A_1154 : i32 to vector<16xi32>
      %and3A_1156 = arith.andi %get3A_1139, %and3A_1155 : vector<16xi32>
      %or3A_1157 = arith.ori %shift_left3A_1153, %and3A_1156 : vector<16xi32>
      %select_n3A_1158 = arith.select %eq3A_1147, %or3A_1157, %add3A_35 : vector<16xi1>, vector<16xi32>
      %swap3A_1159 = arith.constant 0 : index
      %swap3A_1160 = tpu.vector_load %arg10[%swap3A_1159] {strides = array<i32>} : memref<32xi32, #tpu.memory_space<vmem>>, vector<16xi32>,
      %swap3A_1161 = vector.shape_cast %swap3A_1160 : vector<16xi32> to vector<16xi32>
      %swap3A_1162 = vector.shape_cast %select_n3A_1158 : vector<16xi32> to vector<16xi32>
      tpu.vector_store %arg10[%swap3A_1159], %swap3A_1162 {strides = array<i32>} : memref<32xi32, #tpu.memory_space<vmem>>, vector<16xi32>,
      %get3A_1163 = arith.constant 7 : i32
      %get3A_1164 = arith.index_cast %get3A_1163 : i32 to index
      %get3A_1165 = arith.constant 80 : index
      %get3A_1166 = tpu.vector_load %arg7[%get3A_1164, %get3A_1165] {strides = array<i32>} : memref<8x128xi32, #tpu.memory_space<vmem>>, vector<1x16xi32>,
      %get3A_1167 = vector.shape_cast %get3A_1166 : vector<1x16xi32> to vector<16xi32>
      %shift_right_arithmetic3A_1168 = arith.constant 7 : i32
      %shift_right_arithmetic3A_1169 = vector.broadcast %shift_right_arithmetic3A_1168 : i32 to vector<16xi32>
      %shift_right_arithmetic3A_1170 = arith.shrsi %get3A_1167, %shift_right_arithmetic3A_1169 : vector<16xi32>
      %and3A_1171 = arith.constant 1 : i32
      %and3A_1172 = vector.broadcast %and3A_1171 : i32 to vector<16xi32>
      %and3A_1173 = arith.andi %shift_right_arithmetic3A_1170, %and3A_1172 : vector<16xi32>
      %eq3A_1174 = vector.broadcast %arg0 : i32 to vector<16xi32>
      %eq3A_1175 = arith.cmpi eq, %and3A_1173, %eq3A_1174 : vector<16xi32>
      %shift_right_arithmetic3A_1176 = arith.constant 8 : i32
      %shift_right_arithmetic3A_1177 = vector.broadcast %shift_right_arithmetic3A_1176 : i32 to vector<16xi32>
      %shift_right_arithmetic3A_1178 = arith.shrsi %get3A_1167, %shift_right_arithmetic3A_1177 : vector<16xi32>
      %shift_left3A_1179 = arith.constant 7 : i32
      %shift_left3A_1180 = vector.broadcast %shift_left3A_1179 : i32 to vector<16xi32>
      %shift_left3A_1181 = arith.shli %shift_right_arithmetic3A_1178, %shift_left3A_1180 : vector<16xi32>
      %and3A_1182 = arith.constant 127 : i32
      %and3A_1183 = vector.broadcast %and3A_1182 : i32 to vector<16xi32>
      %and3A_1184 = arith.andi %get3A_1167, %and3A_1183 : vector<16xi32>
      %or3A_1185 = arith.ori %shift_left3A_1181, %and3A_1184 : vector<16xi32>
      %select_n3A_1186 = arith.select %eq3A_1175, %or3A_1185, %add3A_35 : vector<16xi1>, vector<16xi32>
      %swap3A_1187 = arith.constant 16 : index
      %swap3A_1188 = tpu.vector_load %arg10[%swap3A_1187] {strides = array<i32>} : memref<32xi32, #tpu.memory_space<vmem>>, vector<16xi32>,
      %swap3A_1189 = vector.shape_cast %swap3A_1188 : vector<16xi32> to vector<16xi32>
      %swap3A_1190 = vector.shape_cast %select_n3A_1186 : vector<16xi32> to vector<16xi32>
      tpu.vector_store %arg10[%swap3A_1187], %swap3A_1190 {strides = array<i32>} : memref<32xi32, #tpu.memory_space<vmem>>, vector<16xi32>,
      %dma_start3A_1191 = arith.constant 0 : i32
      %dma_start3A_1192 = arith.constant 0 : i32
      %dma_start3A_1193 = tpu.memref_slice %arg6[%dma_start3A_1191, %dma_start3A_1192] : memref<5120x128xf32, #tpu.memory_space<vmem_shared>> -> memref<5120x128xf32, #tpu.memory_space<vmem_shared>>
      tpu.enqueue_indirect_dma source(%arg8 : memref<32x128xf32, #tpu.memory_space<vmem>>) target(%dma_start3A_1193 : memref<5120x128xf32, #tpu.memory_space<vmem_shared>>) offsets(%arg10 : memref<32xi32, #tpu.memory_space<vmem>>) semaphore(%arg12 : memref<!tpu.dma_semaphore, #tpu.memory_space<semaphore_mem>>) {add = true}
      %dma_wait3A_1194 = arith.constant 0 : i32
      %dma_wait3A_1195 = arith.constant 0 : i32
      %dma_wait3A_1196 = tpu.memref_slice %arg6[%dma_wait3A_1194, %dma_wait3A_1195] : memref<5120x128xf32, #tpu.memory_space<vmem_shared>> -> memref<5120x128xf32, #tpu.memory_space<vmem_shared>>
      tpu.wait_indirect_dma semaphore(%arg13 : memref<!tpu.dma_semaphore, #tpu.memory_space<semaphore_mem>>) src(%arg9 : memref<32x128xf32, #tpu.memory_space<vmem>>) dst(%dma_wait3A_1196 : memref<5120x128xf32, #tpu.memory_space<vmem_shared>>)
      %dma_start3A_1197 = arith.constant 3 : i32
      %dma_start3A_1198 = arith.constant 96 : i32
      %dma_start3A_1199 = tpu.memref_slice %arg7[%dma_start3A_1197, %dma_start3A_1198] : memref<8x128xi32, #tpu.memory_space<vmem>> -> memref<1x32xi32, #tpu.memory_space<vmem>>
      %dma_start3A_1200 = tpu.memref_squeeze %dma_start3A_1199 : memref<1x32xi32, #tpu.memory_space<vmem>> -> memref<32xi32, #tpu.memory_space<vmem>>
      %dma_start3A_1201 = arith.constant 0 : i32
      %dma_start3A_1202 = arith.constant 0 : i32
      %dma_start3A_1203 = tpu.memref_slice %arg5[%dma_start3A_1201, %dma_start3A_1202] : memref<10000x128xf32, #tpu.memory_space<vmem_shared>> -> memref<10000x128xf32, #tpu.memory_space<vmem_shared>>
      tpu.enqueue_indirect_dma source(%dma_start3A_1203 : memref<10000x128xf32, #tpu.memory_space<vmem_shared>>) target(%arg9 : memref<32x128xf32, #tpu.memory_space<vmem>>) offsets(%dma_start3A_1200 : memref<32xi32, #tpu.memory_space<vmem>>) semaphore(%arg13 : memref<!tpu.dma_semaphore, #tpu.memory_space<semaphore_mem>>)
      %dma_wait3A_1204 = arith.constant 3 : i32
      %dma_wait3A_1205 = arith.constant 96 : i32
      %dma_wait3A_1206 = tpu.memref_slice %arg7[%dma_wait3A_1204, %dma_wait3A_1205] : memref<8x128xi32, #tpu.memory_space<vmem>> -> memref<1x32xi32, #tpu.memory_space<vmem>>
      %dma_wait3A_1207 = tpu.memref_squeeze %dma_wait3A_1206 : memref<1x32xi32, #tpu.memory_space<vmem>> -> memref<32xi32, #tpu.memory_space<vmem>>
      %dma_wait3A_1208 = arith.constant 0 : i32
      %dma_wait3A_1209 = arith.constant 0 : i32
      %dma_wait3A_1210 = tpu.memref_slice %arg5[%dma_wait3A_1208, %dma_wait3A_1209] : memref<10000x128xf32, #tpu.memory_space<vmem_shared>> -> memref<10000x128xf32, #tpu.memory_space<vmem_shared>>
      tpu.wait_indirect_dma semaphore(%arg13 : memref<!tpu.dma_semaphore, #tpu.memory_space<semaphore_mem>>) src(%dma_wait3A_1210 : memref<10000x128xf32, #tpu.memory_space<vmem_shared>>) dst(%arg9 : memref<32x128xf32, #tpu.memory_space<vmem>>)
      %get3A_1211 = arith.constant 7 : i32
      %get3A_1212 = arith.index_cast %get3A_1211 : i32 to index
      %get3A_1213 = arith.constant 96 : index
      %get3A_1214 = tpu.vector_load %arg7[%get3A_1212, %get3A_1213] {strides = array<i32>} : memref<8x128xi32, #tpu.memory_space<vmem>>, vector<1x16xi32>,
      %get3A_1215 = vector.shape_cast %get3A_1214 : vector<1x16xi32> to vector<16xi32>
      %shift_right_arithmetic3A_1216 = arith.constant 7 : i32
      %shift_right_arithmetic3A_1217 = vector.broadcast %shift_right_arithmetic3A_1216 : i32 to vector<16xi32>
      %shift_right_arithmetic3A_1218 = arith.shrsi %get3A_1215, %shift_right_arithmetic3A_1217 : vector<16xi32>
      %and3A_1219 = arith.constant 1 : i32
      %and3A_1220 = vector.broadcast %and3A_1219 : i32 to vector<16xi32>
      %and3A_1221 = arith.andi %shift_right_arithmetic3A_1218, %and3A_1220 : vector<16xi32>
      %eq3A_1222 = vector.broadcast %arg0 : i32 to vector<16xi32>
      %eq3A_1223 = arith.cmpi eq, %and3A_1221, %eq3A_1222 : vector<16xi32>
      %shift_right_arithmetic3A_1224 = arith.constant 8 : i32
      %shift_right_arithmetic3A_1225 = vector.broadcast %shift_right_arithmetic3A_1224 : i32 to vector<16xi32>
      %shift_right_arithmetic3A_1226 = arith.shrsi %get3A_1215, %shift_right_arithmetic3A_1225 : vector<16xi32>
      %shift_left3A_1227 = arith.constant 7 : i32
      %shift_left3A_1228 = vector.broadcast %shift_left3A_1227 : i32 to vector<16xi32>
      %shift_left3A_1229 = arith.shli %shift_right_arithmetic3A_1226, %shift_left3A_1228 : vector<16xi32>
      %and3A_1230 = arith.constant 127 : i32
      %and3A_1231 = vector.broadcast %and3A_1230 : i32 to vector<16xi32>
      %and3A_1232 = arith.andi %get3A_1215, %and3A_1231 : vector<16xi32>
      %or3A_1233 = arith.ori %shift_left3A_1229, %and3A_1232 : vector<16xi32>
      %select_n3A_1234 = arith.select %eq3A_1223, %or3A_1233, %add3A_35 : vector<16xi1>, vector<16xi32>
      %swap3A_1235 = arith.constant 0 : index
      %swap3A_1236 = tpu.vector_load %arg11[%swap3A_1235] {strides = array<i32>} : memref<32xi32, #tpu.memory_space<vmem>>, vector<16xi32>,
      %swap3A_1237 = vector.shape_cast %swap3A_1236 : vector<16xi32> to vector<16xi32>
      %swap3A_1238 = vector.shape_cast %select_n3A_1234 : vector<16xi32> to vector<16xi32>
      tpu.vector_store %arg11[%swap3A_1235], %swap3A_1238 {strides = array<i32>} : memref<32xi32, #tpu.memory_space<vmem>>, vector<16xi32>,
      %get3A_1239 = arith.constant 7 : i32
      %get3A_1240 = arith.index_cast %get3A_1239 : i32 to index
      %get3A_1241 = arith.constant 112 : index
      %get3A_1242 = tpu.vector_load %arg7[%get3A_1240, %get3A_1241] {strides = array<i32>} : memref<8x128xi32, #tpu.memory_space<vmem>>, vector<1x16xi32>,
      %get3A_1243 = vector.shape_cast %get3A_1242 : vector<1x16xi32> to vector<16xi32>
      %shift_right_arithmetic3A_1244 = arith.constant 7 : i32
      %shift_right_arithmetic3A_1245 = vector.broadcast %shift_right_arithmetic3A_1244 : i32 to vector<16xi32>
      %shift_right_arithmetic3A_1246 = arith.shrsi %get3A_1243, %shift_right_arithmetic3A_1245 : vector<16xi32>
      %and3A_1247 = arith.constant 1 : i32
      %and3A_1248 = vector.broadcast %and3A_1247 : i32 to vector<16xi32>
      %and3A_1249 = arith.andi %shift_right_arithmetic3A_1246, %and3A_1248 : vector<16xi32>
      %eq3A_1250 = vector.broadcast %arg0 : i32 to vector<16xi32>
      %eq3A_1251 = arith.cmpi eq, %and3A_1249, %eq3A_1250 : vector<16xi32>
      %shift_right_arithmetic3A_1252 = arith.constant 8 : i32
      %shift_right_arithmetic3A_1253 = vector.broadcast %shift_right_arithmetic3A_1252 : i32 to vector<16xi32>
      %shift_right_arithmetic3A_1254 = arith.shrsi %get3A_1243, %shift_right_arithmetic3A_1253 : vector<16xi32>
      %shift_left3A_1255 = arith.constant 7 : i32
      %shift_left3A_1256 = vector.broadcast %shift_left3A_1255 : i32 to vector<16xi32>
      %shift_left3A_1257 = arith.shli %shift_right_arithmetic3A_1254, %shift_left3A_1256 : vector<16xi32>
      %and3A_1258 = arith.constant 127 : i32
      %and3A_1259 = vector.broadcast %and3A_1258 : i32 to vector<16xi32>
      %and3A_1260 = arith.andi %get3A_1243, %and3A_1259 : vector<16xi32>
      %or3A_1261 = arith.ori %shift_left3A_1257, %and3A_1260 : vector<16xi32>
      %select_n3A_1262 = arith.select %eq3A_1251, %or3A_1261, %add3A_35 : vector<16xi1>, vector<16xi32>
      %swap3A_1263 = arith.constant 16 : index
      %swap3A_1264 = tpu.vector_load %arg11[%swap3A_1263] {strides = array<i32>} : memref<32xi32, #tpu.memory_space<vmem>>, vector<16xi32>,
      %swap3A_1265 = vector.shape_cast %swap3A_1264 : vector<16xi32> to vector<16xi32>
      %swap3A_1266 = vector.shape_cast %select_n3A_1262 : vector<16xi32> to vector<16xi32>
      tpu.vector_store %arg11[%swap3A_1263], %swap3A_1266 {strides = array<i32>} : memref<32xi32, #tpu.memory_space<vmem>>, vector<16xi32>,
      %dma_start3A_1267 = arith.constant 0 : i32
      %dma_start3A_1268 = arith.constant 0 : i32
      %dma_start3A_1269 = tpu.memref_slice %arg6[%dma_start3A_1267, %dma_start3A_1268] : memref<5120x128xf32, #tpu.memory_space<vmem_shared>> -> memref<5120x128xf32, #tpu.memory_space<vmem_shared>>
      tpu.enqueue_indirect_dma source(%arg9 : memref<32x128xf32, #tpu.memory_space<vmem>>) target(%dma_start3A_1269 : memref<5120x128xf32, #tpu.memory_space<vmem_shared>>) offsets(%arg11 : memref<32xi32, #tpu.memory_space<vmem>>) semaphore(%arg13 : memref<!tpu.dma_semaphore, #tpu.memory_space<semaphore_mem>>) {add = true}
      %lt3A_1270 = arith.constant 39 : i32
      %lt3A_1271 = arith.cmpi slt, %scan3A_59, %lt3A_1270 : i32
      %convert_element_type3A_1272 = arith.extui %lt3A_1271 : i1 to i32
      %cond3A_1273 = arith.constant 0 : i32
      %cond3A_1274 = arith.cmpi ne, %convert_element_type3A_1272, %cond3A_1273 : i32
      scf.if %cond3A_1274 {
        %mul3A_1281 = arith.constant 40 : i32
        %mul3A_1282 = arith.muli %arg1, %mul3A_1281 : i32
        %add3A_1283 = arith.addi %mul3A_1282, %scan3A_59 : i32
        %add3A_1284 = arith.constant 1 : i32
        %add3A_1285 = arith.addi %add3A_1283, %add3A_1284 : i32
        %mul3A_1286 = arith.constant 8 : i32
        %mul3A_1287 = arith.muli %add3A_1285, %mul3A_1286 : i32
        %dma_start3A_1288 = arith.constant 0 : i32
        %dma_start3A_1289 = tpu.memref_slice %arg3[%mul3A_1287, %dma_start3A_1288] : memref<5120x128xi32, #tpu.memory_space<hbm>> -> memref<8x128xi32, #tpu.memory_space<hbm>>
        %dma_start3A_1290 = arith.constant 0 : i32
        %dma_start3A_1291 = tpu.memref_slice %arg3[%mul3A_1287, %dma_start3A_1290] : memref<5120x128xi32, #tpu.memory_space<hbm>> -> memref<8x128xi32, #tpu.memory_space<hbm>>
        tpu.enqueue_dma source(%dma_start3A_1291 : memref<8x128xi32, #tpu.memory_space<hbm>>) target(%arg7 : memref<8x128xi32, #tpu.memory_space<vmem>>) target_semaphore(%arg14 : memref<!tpu.dma_semaphore, #tpu.memory_space<semaphore_mem>>)
      } else {
      }
      %dma_wait3A_1275 = arith.constant 0 : i32
      %dma_wait3A_1276 = arith.constant 0 : i32
      %dma_wait3A_1277 = tpu.memref_slice %arg6[%dma_wait3A_1275, %dma_wait3A_1276] : memref<5120x128xf32, #tpu.memory_space<vmem_shared>> -> memref<5120x128xf32, #tpu.memory_space<vmem_shared>>
      tpu.wait_indirect_dma semaphore(%arg12 : memref<!tpu.dma_semaphore, #tpu.memory_space<semaphore_mem>>) src(%arg8 : memref<32x128xf32, #tpu.memory_space<vmem>>) dst(%dma_wait3A_1277 : memref<5120x128xf32, #tpu.memory_space<vmem_shared>>)
      %dma_wait3A_1278 = arith.constant 0 : i32
      %dma_wait3A_1279 = arith.constant 0 : i32
      %dma_wait3A_1280 = tpu.memref_slice %arg6[%dma_wait3A_1278, %dma_wait3A_1279] : memref<5120x128xf32, #tpu.memory_space<vmem_shared>> -> memref<5120x128xf32, #tpu.memory_space<vmem_shared>>
      tpu.wait_indirect_dma semaphore(%arg13 : memref<!tpu.dma_semaphore, #tpu.memory_space<semaphore_mem>>) src(%arg9 : memref<32x128xf32, #tpu.memory_space<vmem>>) dst(%dma_wait3A_1280 : memref<5120x128xf32, #tpu.memory_space<vmem_shared>>)
    }
    %scan3A_47 = arith.constant 40 : i32
    %barrier3A_48 = arith.constant 0 : index
    tpu.barrier barrier_id(%barrier3A_48)
    %lt3A_49 = arith.constant 8 : i32
    %lt3A_50 = arith.cmpi slt, %arg1, %lt3A_49 : i32
    %convert_element_type3A_51 = arith.extui %lt3A_50 : i1 to i32
    %cond3A_52 = arith.constant 0 : i32
    %cond3A_53 = arith.cmpi ne, %convert_element_type3A_51, %cond3A_52 : i32
    scf.if %cond3A_53 {
      %mul3A_59 = arith.constant 3 : i32
      %mul3A_60 = arith.muli %arg1, %mul3A_59 : i32
      %add3A_61 = arith.constant 0 : i32
      %add3A_62 = arith.addi %mul3A_60, %add3A_61 : i32
      %mul3A_63 = arith.constant 128 : i32
      %mul3A_64 = arith.muli %add3A_62, %mul3A_63 : i32
      %mul3A_65 = arith.constant 2 : i32
      %mul3A_66 = arith.muli %mul3A_65, %add3A_62 : i32
      %add3A_67 = arith.addi %mul3A_66, %arg0 : i32
      %mul3A_68 = arith.constant 128 : i32
      %mul3A_69 = arith.muli %add3A_67, %mul3A_68 : i32
      "tpu.region"() ({
        %run_scoped3A = tpu.sem_alloc : memref<!tpu.dma_semaphore, #tpu.memory_space<semaphore_mem>>
        %dma_start3A_92 = arith.constant 0 : i32
        %dma_start3A_93 = tpu.memref_slice %arg4[%mul3A_69, %dma_start3A_92] : memref<10240x128xf32, #tpu.memory_space<hbm>> -> memref<128x128xf32, #tpu.memory_space<hbm>>
        %dma_start3A_94 = arith.constant 0 : i32
        %dma_start3A_95 = tpu.memref_slice %arg6[%mul3A_64, %dma_start3A_94] : memref<5120x128xf32, #tpu.memory_space<vmem_shared>> -> memref<128x128xf32, #tpu.memory_space<vmem_shared>>
        tpu.enqueue_dma source(%dma_start3A_95 : memref<128x128xf32, #tpu.memory_space<vmem_shared>>) target(%dma_start3A_93 : memref<128x128xf32, #tpu.memory_space<hbm>>) target_semaphore(%run_scoped3A : memref<!tpu.dma_semaphore, #tpu.memory_space<semaphore_mem>>)
        %dma_wait3A = arith.constant 0 : i32
        %dma_wait3A_96 = tpu.memref_slice %arg4[%mul3A_69, %dma_wait3A] : memref<10240x128xf32, #tpu.memory_space<hbm>> -> memref<128x128xf32, #tpu.memory_space<hbm>>
        %dma_wait3A_97 = arith.constant 0 : i32
        %dma_wait3A_98 = tpu.memref_slice %arg6[%mul3A_64, %dma_wait3A_97] : memref<5120x128xf32, #tpu.memory_space<vmem_shared>> -> memref<128x128xf32, #tpu.memory_space<vmem_shared>>
        tpu.wait_dma2 semaphore(%run_scoped3A : memref<!tpu.dma_semaphore, #tpu.memory_space<semaphore_mem>>) src(%dma_wait3A_98 : memref<128x128xf32, #tpu.memory_space<vmem_shared>>) dst(%dma_wait3A_96 : memref<128x128xf32, #tpu.memory_space<hbm>>)
        tpu.yield
      }) : () -> ()
      %mul3A_70 = arith.constant 3 : i32
      %mul3A_71 = arith.muli %arg1, %mul3A_70 : i32
      %add3A_72 = arith.constant 1 : i32
      %add3A_73 = arith.addi %mul3A_71, %add3A_72 : i32
      %mul3A_74 = arith.constant 128 : i32
      %mul3A_75 = arith.muli %add3A_73, %mul3A_74 : i32
      %mul3A_76 = arith.constant 2 : i32
      %mul3A_77 = arith.muli %mul3A_76, %add3A_73 : i32
      %add3A_78 = arith.addi %mul3A_77, %arg0 : i32
      %mul3A_79 = arith.constant 128 : i32
      %mul3A_80 = arith.muli %add3A_78, %mul3A_79 : i32
      "tpu.region"() ({
        %run_scoped3A = tpu.sem_alloc : memref<!tpu.dma_semaphore, #tpu.memory_space<semaphore_mem>>
        %dma_start3A_92 = arith.constant 0 : i32
        %dma_start3A_93 = tpu.memref_slice %arg4[%mul3A_80, %dma_start3A_92] : memref<10240x128xf32, #tpu.memory_space<hbm>> -> memref<128x128xf32, #tpu.memory_space<hbm>>
        %dma_start3A_94 = arith.constant 0 : i32
        %dma_start3A_95 = tpu.memref_slice %arg6[%mul3A_75, %dma_start3A_94] : memref<5120x128xf32, #tpu.memory_space<vmem_shared>> -> memref<128x128xf32, #tpu.memory_space<vmem_shared>>
        tpu.enqueue_dma source(%dma_start3A_95 : memref<128x128xf32, #tpu.memory_space<vmem_shared>>) target(%dma_start3A_93 : memref<128x128xf32, #tpu.memory_space<hbm>>) target_semaphore(%run_scoped3A : memref<!tpu.dma_semaphore, #tpu.memory_space<semaphore_mem>>)
        %dma_wait3A = arith.constant 0 : i32
        %dma_wait3A_96 = tpu.memref_slice %arg4[%mul3A_80, %dma_wait3A] : memref<10240x128xf32, #tpu.memory_space<hbm>> -> memref<128x128xf32, #tpu.memory_space<hbm>>
        %dma_wait3A_97 = arith.constant 0 : i32
        %dma_wait3A_98 = tpu.memref_slice %arg6[%mul3A_75, %dma_wait3A_97] : memref<5120x128xf32, #tpu.memory_space<vmem_shared>> -> memref<128x128xf32, #tpu.memory_space<vmem_shared>>
        tpu.wait_dma2 semaphore(%run_scoped3A : memref<!tpu.dma_semaphore, #tpu.memory_space<semaphore_mem>>) src(%dma_wait3A_98 : memref<128x128xf32, #tpu.memory_space<vmem_shared>>) dst(%dma_wait3A_96 : memref<128x128xf32, #tpu.memory_space<hbm>>)
        tpu.yield
      }) : () -> ()
      %mul3A_81 = arith.constant 3 : i32
      %mul3A_82 = arith.muli %arg1, %mul3A_81 : i32
      %add3A_83 = arith.constant 2 : i32
      %add3A_84 = arith.addi %mul3A_82, %add3A_83 : i32
      %mul3A_85 = arith.constant 128 : i32
      %mul3A_86 = arith.muli %add3A_84, %mul3A_85 : i32
      %mul3A_87 = arith.constant 2 : i32
      %mul3A_88 = arith.muli %mul3A_87, %add3A_84 : i32
      %add3A_89 = arith.addi %mul3A_88, %arg0 : i32
      %mul3A_90 = arith.constant 128 : i32
      %mul3A_91 = arith.muli %add3A_89, %mul3A_90 : i32
      "tpu.region"() ({
        %run_scoped3A = tpu.sem_alloc : memref<!tpu.dma_semaphore, #tpu.memory_space<semaphore_mem>>
        %dma_start3A_92 = arith.constant 0 : i32
        %dma_start3A_93 = tpu.memref_slice %arg4[%mul3A_91, %dma_start3A_92] : memref<10240x128xf32, #tpu.memory_space<hbm>> -> memref<128x128xf32, #tpu.memory_space<hbm>>
        %dma_start3A_94 = arith.constant 0 : i32
        %dma_start3A_95 = tpu.memref_slice %arg6[%mul3A_86, %dma_start3A_94] : memref<5120x128xf32, #tpu.memory_space<vmem_shared>> -> memref<128x128xf32, #tpu.memory_space<vmem_shared>>
        tpu.enqueue_dma source(%dma_start3A_95 : memref<128x128xf32, #tpu.memory_space<vmem_shared>>) target(%dma_start3A_93 : memref<128x128xf32, #tpu.memory_space<hbm>>) target_semaphore(%run_scoped3A : memref<!tpu.dma_semaphore, #tpu.memory_space<semaphore_mem>>)
        %dma_wait3A = arith.constant 0 : i32
        %dma_wait3A_96 = tpu.memref_slice %arg4[%mul3A_91, %dma_wait3A] : memref<10240x128xf32, #tpu.memory_space<hbm>> -> memref<128x128xf32, #tpu.memory_space<hbm>>
        %dma_wait3A_97 = arith.constant 0 : i32
        %dma_wait3A_98 = tpu.memref_slice %arg6[%mul3A_86, %dma_wait3A_97] : memref<5120x128xf32, #tpu.memory_space<vmem_shared>> -> memref<128x128xf32, #tpu.memory_space<vmem_shared>>
        tpu.wait_dma2 semaphore(%run_scoped3A : memref<!tpu.dma_semaphore, #tpu.memory_space<semaphore_mem>>) src(%dma_wait3A_98 : memref<128x128xf32, #tpu.memory_space<vmem_shared>>) dst(%dma_wait3A_96 : memref<128x128xf32, #tpu.memory_space<hbm>>)
        tpu.yield
      }) : () -> ()
    } else {
    }
    %ge3A_54 = arith.constant 8 : i32
    %ge3A_55 = arith.cmpi sge, %arg1, %ge3A_54 : i32
    %convert_element_type3A_56 = arith.extui %ge3A_55 : i1 to i32
    %cond3A_57 = arith.constant 0 : i32
    %cond3A_58 = arith.cmpi ne, %convert_element_type3A_56, %cond3A_57 : i32
    scf.if %cond3A_58 {
      %sub3A_59 = arith.constant 8 : i32
      %sub3A_60 = arith.subi %arg1, %sub3A_59 : i32
      %mul3A_61 = arith.constant 2 : i32
      %mul3A_62 = arith.muli %sub3A_60, %mul3A_61 : i32
      %add3A_63 = arith.constant 24 : i32
      %add3A_64 = arith.addi %add3A_63, %mul3A_62 : i32
      %add3A_65 = arith.constant 0 : i32
      %add3A_66 = arith.addi %add3A_64, %add3A_65 : i32
      %mul3A_67 = arith.constant 128 : i32
      %mul3A_68 = arith.muli %add3A_66, %mul3A_67 : i32
      %mul3A_69 = arith.constant 2 : i32
      %mul3A_70 = arith.muli %mul3A_69, %add3A_66 : i32
      %add3A_71 = arith.addi %mul3A_70, %arg0 : i32
      %mul3A_72 = arith.constant 128 : i32
      %mul3A_73 = arith.muli %add3A_71, %mul3A_72 : i32
      "tpu.region"() ({
        %run_scoped3A = tpu.sem_alloc : memref<!tpu.dma_semaphore, #tpu.memory_space<semaphore_mem>>
        %dma_start3A_89 = arith.constant 0 : i32
        %dma_start3A_90 = tpu.memref_slice %arg4[%mul3A_73, %dma_start3A_89] : memref<10240x128xf32, #tpu.memory_space<hbm>> -> memref<128x128xf32, #tpu.memory_space<hbm>>
        %dma_start3A_91 = arith.constant 0 : i32
        %dma_start3A_92 = tpu.memref_slice %arg6[%mul3A_68, %dma_start3A_91] : memref<5120x128xf32, #tpu.memory_space<vmem_shared>> -> memref<128x128xf32, #tpu.memory_space<vmem_shared>>
        tpu.enqueue_dma source(%dma_start3A_92 : memref<128x128xf32, #tpu.memory_space<vmem_shared>>) target(%dma_start3A_90 : memref<128x128xf32, #tpu.memory_space<hbm>>) target_semaphore(%run_scoped3A : memref<!tpu.dma_semaphore, #tpu.memory_space<semaphore_mem>>)
        %dma_wait3A = arith.constant 0 : i32
        %dma_wait3A_93 = tpu.memref_slice %arg4[%mul3A_73, %dma_wait3A] : memref<10240x128xf32, #tpu.memory_space<hbm>> -> memref<128x128xf32, #tpu.memory_space<hbm>>
        %dma_wait3A_94 = arith.constant 0 : i32
        %dma_wait3A_95 = tpu.memref_slice %arg6[%mul3A_68, %dma_wait3A_94] : memref<5120x128xf32, #tpu.memory_space<vmem_shared>> -> memref<128x128xf32, #tpu.memory_space<vmem_shared>>
        tpu.wait_dma2 semaphore(%run_scoped3A : memref<!tpu.dma_semaphore, #tpu.memory_space<semaphore_mem>>) src(%dma_wait3A_95 : memref<128x128xf32, #tpu.memory_space<vmem_shared>>) dst(%dma_wait3A_93 : memref<128x128xf32, #tpu.memory_space<hbm>>)
        tpu.yield
      }) : () -> ()
      %sub3A_74 = arith.constant 8 : i32
      %sub3A_75 = arith.subi %arg1, %sub3A_74 : i32
      %mul3A_76 = arith.constant 2 : i32
      %mul3A_77 = arith.muli %sub3A_75, %mul3A_76 : i32
      %add3A_78 = arith.constant 24 : i32
      %add3A_79 = arith.addi %add3A_78, %mul3A_77 : i32
      %add3A_80 = arith.constant 1 : i32
      %add3A_81 = arith.addi %add3A_79, %add3A_80 : i32
      %mul3A_82 = arith.constant 128 : i32
      %mul3A_83 = arith.muli %add3A_81, %mul3A_82 : i32
      %mul3A_84 = arith.constant 2 : i32
      %mul3A_85 = arith.muli %mul3A_84, %add3A_81 : i32
      %add3A_86 = arith.addi %mul3A_85, %arg0 : i32
      %mul3A_87 = arith.constant 128 : i32
      %mul3A_88 = arith.muli %add3A_86, %mul3A_87 : i32
      "tpu.region"() ({
        %run_scoped3A = tpu.sem_alloc : memref<!tpu.dma_semaphore, #tpu.memory_space<semaphore_mem>>
        %dma_start3A_89 = arith.constant 0 : i32
        %dma_start3A_90 = tpu.memref_slice %arg4[%mul3A_88, %dma_start3A_89] : memref<10240x128xf32, #tpu.memory_space<hbm>> -> memref<128x128xf32, #tpu.memory_space<hbm>>
        %dma_start3A_91 = arith.constant 0 : i32
        %dma_start3A_92 = tpu.memref_slice %arg6[%mul3A_83, %dma_start3A_91] : memref<5120x128xf32, #tpu.memory_space<vmem_shared>> -> memref<128x128xf32, #tpu.memory_space<vmem_shared>>
        tpu.enqueue_dma source(%dma_start3A_92 : memref<128x128xf32, #tpu.memory_space<vmem_shared>>) target(%dma_start3A_90 : memref<128x128xf32, #tpu.memory_space<hbm>>) target_semaphore(%run_scoped3A : memref<!tpu.dma_semaphore, #tpu.memory_space<semaphore_mem>>)
        %dma_wait3A = arith.constant 0 : i32
        %dma_wait3A_93 = tpu.memref_slice %arg4[%mul3A_88, %dma_wait3A] : memref<10240x128xf32, #tpu.memory_space<hbm>> -> memref<128x128xf32, #tpu.memory_space<hbm>>
        %dma_wait3A_94 = arith.constant 0 : i32
        %dma_wait3A_95 = tpu.memref_slice %arg6[%mul3A_83, %dma_wait3A_94] : memref<5120x128xf32, #tpu.memory_space<vmem_shared>> -> memref<128x128xf32, #tpu.memory_space<vmem_shared>>
        tpu.wait_dma2 semaphore(%run_scoped3A : memref<!tpu.dma_semaphore, #tpu.memory_space<semaphore_mem>>) src(%dma_wait3A_95 : memref<128x128xf32, #tpu.memory_space<vmem_shared>>) dst(%dma_wait3A_93 : memref<128x128xf32, #tpu.memory_space<hbm>>)
        tpu.yield
      }) : () -> ()
    } else {
    }
    return
  }
}

module attributes {stable_mosaic.version = 14 : i64} {
  func.func @_mlp_body(%arg0: i32, %arg1: memref<1000x128xf32, #tpu.memory_space<vmem>>, %arg2: memref<128x128xf32, #tpu.memory_space<vmem>>, %arg3: memref<1x128xf32, #tpu.memory_space<vmem>>, %arg4: memref<128x128xf32, #tpu.memory_space<vmem>>, %arg5: memref<1x128xf32, #tpu.memory_space<vmem>>, %arg6: memref<1000x128xf32, #tpu.memory_space<vmem>>) attributes {dimension_semantics = [#tpu.dimension_semantics<arbitrary>], iteration_bounds = array<i64: 10>, scalar_prefetch = 0 : i64, scratch_operands = 0 : i64, tpu.core_type = #tpu.core_type<tc>, window_params = [{transform_indices = @transform_0, window_bounds = array<i64: 1000, 128>}, {pipeline_mode = #tpu.pipeline_mode<synchronous>, transform_indices = @transform_1, window_bounds = array<i64: 128, 128>}, {pipeline_mode = #tpu.pipeline_mode<synchronous>, transform_indices = @transform_2, window_bounds = array<i64: 1, 128>}, {pipeline_mode = #tpu.pipeline_mode<synchronous>, transform_indices = @transform_3, window_bounds = array<i64: 128, 128>}, {pipeline_mode = #tpu.pipeline_mode<synchronous>, transform_indices = @transform_4, window_bounds = array<i64: 1, 128>}, {transform_indices = @transform_5, window_bounds = array<i64: 1000, 128>}]} {
    %get3A = arith.constant 0 : index
    %get3A_0 = arith.constant 0 : index
    %get3A_1 = vector.load %arg1[%get3A, %get3A_0] : memref<1000x128xf32, #tpu.memory_space<vmem>>, vector<1000x128xf32>
    %get3A_2 = arith.constant 0 : index
    %get3A_3 = arith.constant 0 : index
    %get3A_4 = vector.load %arg2[%get3A_2, %get3A_3] : memref<128x128xf32, #tpu.memory_space<vmem>>, vector<128x128xf32>
    %dot_general3A = arith.constant dense<0.000000e+00> : vector<1000x128xf32>
    %dot_general3A_5 = tpu.matmul %get3A_1, %get3A_4, %dot_general3A {dimension_numbers = #tpu.dot_dimension_numbers<[1], [0], [0], [1], [0, 0, 1, 1], [], []>, transpose_lhs_hint = false} : vector<1000x128xf32>, vector<128x128xf32>, vector<1000x128xf32> -> vector<1000x128xf32>
    %get3A_6 = arith.constant 0 : index
    %get3A_7 = arith.constant 0 : index
    %get3A_8 = vector.load %arg3[%get3A_6, %get3A_7] : memref<1x128xf32, #tpu.memory_space<vmem>>, vector<1x128xf32>
    %add3A = vector.broadcast %get3A_8 : vector<1x128xf32> to vector<1000x128xf32>
    %add3A_9 = arith.addf %dot_general3A_5, %add3A : vector<1000x128xf32>
    %max3A = arith.constant 0.000000e+00 : f32
    %max3A_10 = vector.broadcast %max3A : f32 to vector<1000x128xf32>
    %max3A_11 = arith.maximumf %add3A_9, %max3A_10 : vector<1000x128xf32>
    %get3A_12 = arith.constant 0 : index
    %get3A_13 = arith.constant 0 : index
    %get3A_14 = vector.load %arg4[%get3A_12, %get3A_13] : memref<128x128xf32, #tpu.memory_space<vmem>>, vector<128x128xf32>
    %dot_general3A_15 = arith.constant dense<0.000000e+00> : vector<1000x128xf32>
    %dot_general3A_16 = tpu.matmul %max3A_11, %get3A_14, %dot_general3A_15 {dimension_numbers = #tpu.dot_dimension_numbers<[1], [0], [0], [1], [0, 0, 1, 1], [], []>, transpose_lhs_hint = false} : vector<1000x128xf32>, vector<128x128xf32>, vector<1000x128xf32> -> vector<1000x128xf32>
    %get3A_17 = arith.constant 0 : index
    %get3A_18 = arith.constant 0 : index
    %get3A_19 = vector.load %arg5[%get3A_17, %get3A_18] : memref<1x128xf32, #tpu.memory_space<vmem>>, vector<1x128xf32>
    %add3A_20 = vector.broadcast %get3A_19 : vector<1x128xf32> to vector<1000x128xf32>
    %add3A_21 = arith.addf %dot_general3A_16, %add3A_20 : vector<1000x128xf32>
    %max3A_22 = arith.constant 0.000000e+00 : f32
    %max3A_23 = vector.broadcast %max3A_22 : f32 to vector<1000x128xf32>
    %max3A_24 = arith.maximumf %add3A_21, %max3A_23 : vector<1000x128xf32>
    %swap3A = arith.constant 0 : index
    %swap3A_25 = arith.constant 0 : index
    %swap3A_26 = vector.load %arg6[%swap3A, %swap3A_25] : memref<1000x128xf32, #tpu.memory_space<vmem>>, vector<1000x128xf32>
    tpu.vector_store %arg6[%swap3A, %swap3A_25], %max3A_24 {strides = array<i32>} : memref<1000x128xf32, #tpu.memory_space<vmem>>, vector<1000x128xf32>,
    return
  }
  func.func @transform_0(%arg0: i32) -> (i32, i32) {
    %c0_i32 = arith.constant 0 : i32
    %c0_i32_0 = arith.constant 0 : i32
    return %arg0, %c0_i32 : i32, i32
  }
  func.func @transform_1(%arg0: i32) -> (i32, i32) {
    %c0_i32 = arith.constant 0 : i32
    %c0_i32_0 = arith.constant 0 : i32
    %c0_i32_1 = arith.constant 0 : i32
    return %c0_i32, %c0_i32_0 : i32, i32
  }
  func.func @transform_2(%arg0: i32) -> (i32, i32) {
    %c0_i32 = arith.constant 0 : i32
    %c0_i32_0 = arith.constant 0 : i32
    %c0_i32_1 = arith.constant 0 : i32
    return %c0_i32, %c0_i32_0 : i32, i32
  }
  func.func @transform_3(%arg0: i32) -> (i32, i32) {
    %c0_i32 = arith.constant 0 : i32
    %c0_i32_0 = arith.constant 0 : i32
    %c0_i32_1 = arith.constant 0 : i32
    return %c0_i32, %c0_i32_0 : i32, i32
  }
  func.func @transform_4(%arg0: i32) -> (i32, i32) {
    %c0_i32 = arith.constant 0 : i32
    %c0_i32_0 = arith.constant 0 : i32
    %c0_i32_1 = arith.constant 0 : i32
    return %c0_i32, %c0_i32_0 : i32, i32
  }
  func.func @transform_5(%arg0: i32) -> (i32, i32) {
    %c0_i32 = arith.constant 0 : i32
    %c0_i32_0 = arith.constant 0 : i32
    return %arg0, %c0_i32 : i32, i32
  }
}

module attributes {stable_mosaic.version = 14 : i64} {
  func.func @_tail_body(%arg0: i32, %arg1: memref<1000x128xf32, #tpu.memory_space<vmem>>, %arg2: memref<128x128xf32, #tpu.memory_space<vmem>>, %arg3: memref<1x128xf32, #tpu.memory_space<vmem>>, %arg4: memref<128x128xf32, #tpu.memory_space<vmem>>, %arg5: memref<1x128xf32, #tpu.memory_space<vmem>>, %arg6: memref<1x128xf32, #tpu.memory_space<vmem>>, %arg7: memref<1x128xf32, #tpu.memory_space<vmem>>, %arg8: memref<128x128xf32, #tpu.memory_space<vmem>>, %arg9: memref<1x128xf32, #tpu.memory_space<vmem>>, %arg10: memref<1x1xf32, #tpu.memory_space<vmem>>, %arg11: memref<1000x128xf32, #tpu.memory_space<vmem>>, %arg12: memref<1000x128xf32, #tpu.memory_space<vmem>>, %arg13: memref<10000x128xf32, #tpu.memory_space<vmem>>, %arg14: memref<1x128xf32, #tpu.memory_space<vmem>>, %arg15: memref<1x128xf32, #tpu.memory_space<vmem>>) attributes {dimension_semantics = [#tpu.dimension_semantics<arbitrary>], iteration_bounds = array<i64: 20>, scalar_prefetch = 0 : i64, scratch_operands = 3 : i64, tpu.core_type = #tpu.core_type<tc>, window_params = [{transform_indices = @transform_0, window_bounds = array<i64: 1000, 128>}, {pipeline_mode = #tpu.pipeline_mode<synchronous>, transform_indices = @transform_1, window_bounds = array<i64: 128, 128>}, {pipeline_mode = #tpu.pipeline_mode<synchronous>, transform_indices = @transform_2, window_bounds = array<i64: 1, 128>}, {pipeline_mode = #tpu.pipeline_mode<synchronous>, transform_indices = @transform_3, window_bounds = array<i64: 128, 128>}, {pipeline_mode = #tpu.pipeline_mode<synchronous>, transform_indices = @transform_4, window_bounds = array<i64: 1, 128>}, {pipeline_mode = #tpu.pipeline_mode<synchronous>, transform_indices = @transform_5, window_bounds = array<i64: 1, 128>}, {pipeline_mode = #tpu.pipeline_mode<synchronous>, transform_indices = @transform_6, window_bounds = array<i64: 1, 128>}, {pipeline_mode = #tpu.pipeline_mode<synchronous>, transform_indices = @transform_7, window_bounds = array<i64: 128, 128>}, {pipeline_mode = #tpu.pipeline_mode<synchronous>, transform_indices = @transform_8, window_bounds = array<i64: 1, 128>}, {pipeline_mode = #tpu.pipeline_mode<synchronous>, transform_indices = @transform_9, window_bounds = array<i64: 1, 1>}, {transform_indices = @transform_10, window_bounds = array<i64: 1000, 128>}, {transform_indices = @transform_11, window_bounds = array<i64: 1000, 128>}]} {
    %lt3A = arith.constant 10 : i32
    %lt3A_0 = arith.cmpi slt, %arg0, %lt3A : i32
    %convert_element_type3A = arith.extui %lt3A_0 : i1 to i32
    %cond3A = arith.constant 0 : i32
    %cond3A_1 = arith.cmpi ne, %convert_element_type3A, %cond3A : i32
    scf.if %cond3A_1 {
      %get3A = arith.constant 0 : index
      %get3A_6 = arith.constant 0 : index
      %get3A_7 = vector.load %arg1[%get3A, %get3A_6] : memref<1000x128xf32, #tpu.memory_space<vmem>>, vector<1000x128xf32>
      %get3A_8 = arith.constant 0 : index
      %get3A_9 = arith.constant 0 : index
      %get3A_10 = vector.load %arg2[%get3A_8, %get3A_9] : memref<128x128xf32, #tpu.memory_space<vmem>>, vector<128x128xf32>
      %dot_general3A = arith.constant dense<0.000000e+00> : vector<1000x128xf32>
      %dot_general3A_11 = tpu.matmul %get3A_7, %get3A_10, %dot_general3A {dimension_numbers = #tpu.dot_dimension_numbers<[1], [0], [0], [1], [0, 0, 1, 1], [], []>, transpose_lhs_hint = false} : vector<1000x128xf32>, vector<128x128xf32>, vector<1000x128xf32> -> vector<1000x128xf32>
      %get3A_12 = arith.constant 0 : index
      %get3A_13 = arith.constant 0 : index
      %get3A_14 = vector.load %arg3[%get3A_12, %get3A_13] : memref<1x128xf32, #tpu.memory_space<vmem>>, vector<1x128xf32>
      %add3A = vector.broadcast %get3A_14 : vector<1x128xf32> to vector<1000x128xf32>
      %add3A_15 = arith.addf %dot_general3A_11, %add3A : vector<1000x128xf32>
      %max3A = arith.constant 0.000000e+00 : f32
      %max3A_16 = vector.broadcast %max3A : f32 to vector<1000x128xf32>
      %max3A_17 = arith.maximumf %add3A_15, %max3A_16 : vector<1000x128xf32>
      %get3A_18 = arith.constant 0 : index
      %get3A_19 = arith.constant 0 : index
      %get3A_20 = vector.load %arg4[%get3A_18, %get3A_19] : memref<128x128xf32, #tpu.memory_space<vmem>>, vector<128x128xf32>
      %dot_general3A_21 = arith.constant dense<0.000000e+00> : vector<1000x128xf32>
      %dot_general3A_22 = tpu.matmul %max3A_17, %get3A_20, %dot_general3A_21 {dimension_numbers = #tpu.dot_dimension_numbers<[1], [0], [0], [1], [0, 0, 1, 1], [], []>, transpose_lhs_hint = false} : vector<1000x128xf32>, vector<128x128xf32>, vector<1000x128xf32> -> vector<1000x128xf32>
      %get3A_23 = arith.constant 0 : index
      %get3A_24 = arith.constant 0 : index
      %get3A_25 = vector.load %arg5[%get3A_23, %get3A_24] : memref<1x128xf32, #tpu.memory_space<vmem>>, vector<1x128xf32>
      %add3A_26 = vector.broadcast %get3A_25 : vector<1x128xf32> to vector<1000x128xf32>
      %add3A_27 = arith.addf %dot_general3A_22, %add3A_26 : vector<1000x128xf32>
      %max3A_28 = arith.constant 0.000000e+00 : f32
      %max3A_29 = vector.broadcast %max3A_28 : f32 to vector<1000x128xf32>
      %max3A_30 = arith.maximumf %add3A_27, %max3A_29 : vector<1000x128xf32>
      %mul3A = arith.constant 1000 : i32
      %mul3A_31 = arith.muli %arg0, %mul3A : i32
      %swap3A = arith.index_cast %mul3A_31 : i32 to index
      %swap3A_32 = arith.constant 0 : index
      %swap3A_33 = vector.load %arg13[%swap3A, %swap3A_32] : memref<10000x128xf32, #tpu.memory_space<vmem>>, vector<1000x128xf32>
      tpu.vector_store %arg13[%swap3A, %swap3A_32], %max3A_30 {strides = array<i32>} : memref<10000x128xf32, #tpu.memory_space<vmem>>, vector<1000x128xf32>,
      %reduce_sum3A = arith.constant dense<0.000000e+00> : vector<128xf32>
      %reduce_sum3A_34 = vector.multi_reduction <add>, %max3A_30, %reduce_sum3A [0] : vector<1000x128xf32> to vector<128xf32>
      %broadcast_in_dim3A = vector.shape_cast %reduce_sum3A_34 : vector<128xf32> to vector<1x128xf32>
      %mul3A_35 = arith.mulf %max3A_30, %max3A_30 : vector<1000x128xf32>
      %reduce_sum3A_36 = arith.constant dense<0.000000e+00> : vector<128xf32>
      %reduce_sum3A_37 = vector.multi_reduction <add>, %mul3A_35, %reduce_sum3A_36 [0] : vector<1000x128xf32> to vector<128xf32>
      %broadcast_in_dim3A_38 = vector.shape_cast %reduce_sum3A_37 : vector<128xf32> to vector<1x128xf32>
      %eq3A = arith.constant 0 : i32
      %eq3A_39 = arith.cmpi eq, %arg0, %eq3A : i32
      %convert_element_type3A_40 = arith.extui %eq3A_39 : i1 to i32
      %cond3A_41 = arith.constant 0 : i32
      %cond3A_42 = arith.cmpi ne, %convert_element_type3A_40, %cond3A_41 : i32
      scf.if %cond3A_42 {
        %swap3A_47 = arith.constant 0 : index
        %swap3A_48 = arith.constant 0 : index
        %swap3A_49 = vector.load %arg14[%swap3A_47, %swap3A_48] : memref<1x128xf32, #tpu.memory_space<vmem>>, vector<1x128xf32>
        tpu.vector_store %arg14[%swap3A_47, %swap3A_48], %broadcast_in_dim3A {strides = array<i32>} : memref<1x128xf32, #tpu.memory_space<vmem>>, vector<1x128xf32>,
        %swap3A_50 = arith.constant 0 : index
        %swap3A_51 = arith.constant 0 : index
        %swap3A_52 = vector.load %arg15[%swap3A_50, %swap3A_51] : memref<1x128xf32, #tpu.memory_space<vmem>>, vector<1x128xf32>
        tpu.vector_store %arg15[%swap3A_50, %swap3A_51], %broadcast_in_dim3A_38 {strides = array<i32>} : memref<1x128xf32, #tpu.memory_space<vmem>>, vector<1x128xf32>,
      } else {
      }
      %ne3A = arith.constant 0 : i32
      %ne3A_43 = arith.cmpi ne, %arg0, %ne3A : i32
      %convert_element_type3A_44 = arith.extui %ne3A_43 : i1 to i32
      %cond3A_45 = arith.constant 0 : i32
      %cond3A_46 = arith.cmpi ne, %convert_element_type3A_44, %cond3A_45 : i32
      scf.if %cond3A_46 {
        %get3A_47 = arith.constant 0 : index
        %get3A_48 = arith.constant 0 : index
        %get3A_49 = vector.load %arg14[%get3A_47, %get3A_48] : memref<1x128xf32, #tpu.memory_space<vmem>>, vector<1x128xf32>
        %add3A_50 = arith.addf %get3A_49, %broadcast_in_dim3A : vector<1x128xf32>
        %swap3A_51 = arith.constant 0 : index
        %swap3A_52 = arith.constant 0 : index
        %swap3A_53 = vector.load %arg14[%swap3A_51, %swap3A_52] : memref<1x128xf32, #tpu.memory_space<vmem>>, vector<1x128xf32>
        tpu.vector_store %arg14[%swap3A_51, %swap3A_52], %add3A_50 {strides = array<i32>} : memref<1x128xf32, #tpu.memory_space<vmem>>, vector<1x128xf32>,
        %get3A_54 = arith.constant 0 : index
        %get3A_55 = arith.constant 0 : index
        %get3A_56 = vector.load %arg15[%get3A_54, %get3A_55] : memref<1x128xf32, #tpu.memory_space<vmem>>, vector<1x128xf32>
        %add3A_57 = arith.addf %get3A_56, %broadcast_in_dim3A_38 : vector<1x128xf32>
        %swap3A_58 = arith.constant 0 : index
        %swap3A_59 = arith.constant 0 : index
        %swap3A_60 = vector.load %arg15[%swap3A_58, %swap3A_59] : memref<1x128xf32, #tpu.memory_space<vmem>>, vector<1x128xf32>
        tpu.vector_store %arg15[%swap3A_58, %swap3A_59], %add3A_57 {strides = array<i32>} : memref<1x128xf32, #tpu.memory_space<vmem>>, vector<1x128xf32>,
      } else {
      }
    } else {
    }
    %ge3A = arith.constant 10 : i32
    %ge3A_2 = arith.cmpi sge, %arg0, %ge3A : i32
    %convert_element_type3A_3 = arith.extui %ge3A_2 : i1 to i32
    %cond3A_4 = arith.constant 0 : i32
    %cond3A_5 = arith.cmpi ne, %convert_element_type3A_3, %cond3A_4 : i32
    scf.if %cond3A_5 {
      %sub3A = arith.constant 10 : i32
      %sub3A_6 = arith.subi %arg0, %sub3A : i32
      %get3A = arith.constant 0 : index
      %get3A_7 = arith.constant 0 : index
      %get3A_8 = vector.load %arg14[%get3A, %get3A_7] : memref<1x128xf32, #tpu.memory_space<vmem>>, vector<1x128xf32>
      %div3A = arith.constant 1.000000e+04 : f32
      %div3A_9 = vector.broadcast %div3A : f32 to vector<1x128xf32>
      %div3A_10 = arith.divf %get3A_8, %div3A_9 : vector<1x128xf32>
      %get3A_11 = arith.constant 0 : index
      %get3A_12 = arith.constant 0 : index
      %get3A_13 = vector.load %arg15[%get3A_11, %get3A_12] : memref<1x128xf32, #tpu.memory_space<vmem>>, vector<1x128xf32>
      %div3A_14 = arith.constant 1.000000e+04 : f32
      %div3A_15 = vector.broadcast %div3A_14 : f32 to vector<1x128xf32>
      %div3A_16 = arith.divf %get3A_13, %div3A_15 : vector<1x128xf32>
      %mul3A = arith.mulf %div3A_10, %div3A_10 : vector<1x128xf32>
      %sub3A_17 = arith.subf %div3A_16, %mul3A : vector<1x128xf32>
      %add3A = arith.constant 9.99999974E-6 : f32
      %add3A_18 = vector.broadcast %add3A : f32 to vector<1x128xf32>
      %add3A_19 = arith.addf %sub3A_17, %add3A_18 : vector<1x128xf32>
      %rsqrt3A = math.rsqrt %add3A_19 : vector<1x128xf32>
      %mul3A_20 = arith.constant 1000 : i32
      %mul3A_21 = arith.muli %sub3A_6, %mul3A_20 : i32
      %get3A_22 = arith.index_cast %mul3A_21 : i32 to index
      %get3A_23 = arith.constant 0 : index
      %get3A_24 = vector.load %arg13[%get3A_22, %get3A_23] : memref<10000x128xf32, #tpu.memory_space<vmem>>, vector<1000x128xf32>
      %sub3A_25 = vector.broadcast %div3A_10 : vector<1x128xf32> to vector<1000x128xf32>
      %sub3A_26 = arith.subf %get3A_24, %sub3A_25 : vector<1000x128xf32>
      %get3A_27 = arith.constant 0 : index
      %get3A_28 = arith.constant 0 : index
      %get3A_29 = vector.load %arg6[%get3A_27, %get3A_28] : memref<1x128xf32, #tpu.memory_space<vmem>>, vector<1x128xf32>
      %mul3A_30 = arith.mulf %rsqrt3A, %get3A_29 : vector<1x128xf32>
      %mul3A_31 = vector.broadcast %mul3A_30 : vector<1x128xf32> to vector<1000x128xf32>
      %mul3A_32 = arith.mulf %sub3A_26, %mul3A_31 : vector<1000x128xf32>
      %get3A_33 = arith.constant 0 : index
      %get3A_34 = arith.constant 0 : index
      %get3A_35 = vector.load %arg7[%get3A_33, %get3A_34] : memref<1x128xf32, #tpu.memory_space<vmem>>, vector<1x128xf32>
      %add3A_36 = vector.broadcast %get3A_35 : vector<1x128xf32> to vector<1000x128xf32>
      %add3A_37 = arith.addf %mul3A_32, %add3A_36 : vector<1000x128xf32>
      %swap3A = arith.constant 0 : index
      %swap3A_38 = arith.constant 0 : index
      %swap3A_39 = vector.load %arg11[%swap3A, %swap3A_38] : memref<1000x128xf32, #tpu.memory_space<vmem>>, vector<1000x128xf32>
      tpu.vector_store %arg11[%swap3A, %swap3A_38], %add3A_37 {strides = array<i32>} : memref<1000x128xf32, #tpu.memory_space<vmem>>, vector<1000x128xf32>,
      %get3A_40 = arith.constant 0 : index
      %get3A_41 = arith.constant 0 : index
      %get3A_42 = vector.load %arg8[%get3A_40, %get3A_41] : memref<128x128xf32, #tpu.memory_space<vmem>>, vector<128x128xf32>
      %dot_general3A = arith.constant dense<0.000000e+00> : vector<1000x128xf32>
      %dot_general3A_43 = tpu.matmul %add3A_37, %get3A_42, %dot_general3A {dimension_numbers = #tpu.dot_dimension_numbers<[1], [0], [0], [1], [0, 0, 1, 1], [], []>, transpose_lhs_hint = false} : vector<1000x128xf32>, vector<128x128xf32>, vector<1000x128xf32> -> vector<1000x128xf32>
      %get3A_44 = arith.constant 0 : index
      %get3A_45 = arith.constant 0 : index
      %get3A_46 = vector.load %arg9[%get3A_44, %get3A_45] : memref<1x128xf32, #tpu.memory_space<vmem>>, vector<1x128xf32>
      %add3A_47 = vector.broadcast %get3A_46 : vector<1x128xf32> to vector<1000x128xf32>
      %add3A_48 = arith.addf %dot_general3A_43, %add3A_47 : vector<1000x128xf32>
      %ge3A_49 = arith.constant 0.000000e+00 : f32
      %ge3A_50 = vector.broadcast %ge3A_49 : f32 to vector<1000x128xf32>
      %ge3A_51 = arith.cmpf oge, %add3A_48, %ge3A_50 : vector<1000x128xf32>
      %get3A_52 = arith.constant 0 : index
      %get3A_53 = arith.constant 0 : index
      %get3A_54 = vector.load %arg10[%get3A_52, %get3A_53] : memref<1x1xf32, #tpu.memory_space<vmem>>, vector<1x1xf32>
      %get3A_55 = vector.extract %get3A_54[0, 0] : f32 from vector<1x1xf32>
      %mul3A_56 = vector.broadcast %get3A_55 : f32 to vector<1000x128xf32>
      %mul3A_57 = arith.mulf %mul3A_56, %add3A_48 : vector<1000x128xf32>
      %select_n3A = arith.select %ge3A_51, %add3A_48, %mul3A_57 : vector<1000x128xi1>, vector<1000x128xf32>
      %swap3A_58 = arith.constant 0 : index
      %swap3A_59 = arith.constant 0 : index
      %swap3A_60 = vector.load %arg12[%swap3A_58, %swap3A_59] : memref<1000x128xf32, #tpu.memory_space<vmem>>, vector<1000x128xf32>
      tpu.vector_store %arg12[%swap3A_58, %swap3A_59], %select_n3A {strides = array<i32>} : memref<1000x128xf32, #tpu.memory_space<vmem>>, vector<1000x128xf32>,
    } else {
    }
    return
  }
  func.func @transform_0(%arg0: i32) -> (i32, i32) {
    %jit3A = arith.constant 10 : i32
    %eq3A = arith.constant 0 : i32
    %eq3A_0 = arith.cmpi eq, %jit3A, %eq3A : i32
    %jit3A_1 = arith.constant 1 : i32
    %select_n3A = arith.select %eq3A_0, %jit3A_1, %jit3A : i32
    %rem3A = arith.remsi %arg0, %select_n3A : i32
    %ne3A = arith.constant 0 : i32
    %ne3A_2 = arith.cmpi ne, %rem3A, %ne3A : i32
    %lt3A = arith.constant 0 : i32
    %lt3A_3 = arith.cmpi slt, %rem3A, %lt3A : i32
    %lt3A_4 = arith.constant 0 : i32
    %lt3A_5 = arith.cmpi slt, %select_n3A, %lt3A_4 : i32
    %ne3A_6 = arith.xori %lt3A_3, %lt3A_5 : i1
    %and3A = arith.andi %ne3A_6, %ne3A_2 : i1
    %add3A = arith.addi %rem3A, %select_n3A : i32
    %select_n3A_7 = arith.select %and3A, %add3A, %rem3A : i32
    %c0_i32 = arith.constant 0 : i32
    %c0_i32_8 = arith.constant 0 : i32
    return %select_n3A_7, %c0_i32 : i32, i32
  }
  func.func @transform_1(%arg0: i32) -> (i32, i32) {
    %c0_i32 = arith.constant 0 : i32
    %c0_i32_0 = arith.constant 0 : i32
    %c0_i32_1 = arith.constant 0 : i32
    return %c0_i32, %c0_i32_0 : i32, i32
  }
  func.func @transform_2(%arg0: i32) -> (i32, i32) {
    %c0_i32 = arith.constant 0 : i32
    %c0_i32_0 = arith.constant 0 : i32
    %c0_i32_1 = arith.constant 0 : i32
    return %c0_i32, %c0_i32_0 : i32, i32
  }
  func.func @transform_3(%arg0: i32) -> (i32, i32) {
    %c0_i32 = arith.constant 0 : i32
    %c0_i32_0 = arith.constant 0 : i32
    %c0_i32_1 = arith.constant 0 : i32
    return %c0_i32, %c0_i32_0 : i32, i32
  }
  func.func @transform_4(%arg0: i32) -> (i32, i32) {
    %c0_i32 = arith.constant 0 : i32
    %c0_i32_0 = arith.constant 0 : i32
    %c0_i32_1 = arith.constant 0 : i32
    return %c0_i32, %c0_i32_0 : i32, i32
  }
  func.func @transform_5(%arg0: i32) -> (i32, i32) {
    %c0_i32 = arith.constant 0 : i32
    %c0_i32_0 = arith.constant 0 : i32
    %c0_i32_1 = arith.constant 0 : i32
    return %c0_i32, %c0_i32_0 : i32, i32
  }
  func.func @transform_6(%arg0: i32) -> (i32, i32) {
    %c0_i32 = arith.constant 0 : i32
    %c0_i32_0 = arith.constant 0 : i32
    %c0_i32_1 = arith.constant 0 : i32
    return %c0_i32, %c0_i32_0 : i32, i32
  }
  func.func @transform_7(%arg0: i32) -> (i32, i32) {
    %c0_i32 = arith.constant 0 : i32
    %c0_i32_0 = arith.constant 0 : i32
    %c0_i32_1 = arith.constant 0 : i32
    return %c0_i32, %c0_i32_0 : i32, i32
  }
  func.func @transform_8(%arg0: i32) -> (i32, i32) {
    %c0_i32 = arith.constant 0 : i32
    %c0_i32_0 = arith.constant 0 : i32
    %c0_i32_1 = arith.constant 0 : i32
    return %c0_i32, %c0_i32_0 : i32, i32
  }
  func.func @transform_9(%arg0: i32) -> (i32, i32) {
    %c0_i32 = arith.constant 0 : i32
    %c0_i32_0 = arith.constant 0 : i32
    %c0_i32_1 = arith.constant 0 : i32
    return %c0_i32, %c0_i32_0 : i32, i32
  }
  func.func @transform_10(%arg0: i32) -> (i32, i32) {
    %jit3A = arith.constant 10 : i32
    %eq3A = arith.constant 0 : i32
    %eq3A_0 = arith.cmpi eq, %jit3A, %eq3A : i32
    %jit3A_1 = arith.constant 1 : i32
    %select_n3A = arith.select %eq3A_0, %jit3A_1, %jit3A : i32
    %rem3A = arith.remsi %arg0, %select_n3A : i32
    %ne3A = arith.constant 0 : i32
    %ne3A_2 = arith.cmpi ne, %rem3A, %ne3A : i32
    %lt3A = arith.constant 0 : i32
    %lt3A_3 = arith.cmpi slt, %rem3A, %lt3A : i32
    %lt3A_4 = arith.constant 0 : i32
    %lt3A_5 = arith.cmpi slt, %select_n3A, %lt3A_4 : i32
    %ne3A_6 = arith.xori %lt3A_3, %lt3A_5 : i1
    %and3A = arith.andi %ne3A_6, %ne3A_2 : i1
    %add3A = arith.addi %rem3A, %select_n3A : i32
    %select_n3A_7 = arith.select %and3A, %add3A, %rem3A : i32
    %c0_i32 = arith.constant 0 : i32
    %c0_i32_8 = arith.constant 0 : i32
    return %select_n3A_7, %c0_i32 : i32, i32
  }
  func.func @transform_11(%arg0: i32) -> (i32, i32) {
    %jit3A = arith.constant 10 : i32
    %eq3A = arith.constant 0 : i32
    %eq3A_0 = arith.cmpi eq, %jit3A, %eq3A : i32
    %jit3A_1 = arith.constant 1 : i32
    %select_n3A = arith.select %eq3A_0, %jit3A_1, %jit3A : i32
    %rem3A = arith.remsi %arg0, %select_n3A : i32
    %ne3A = arith.constant 0 : i32
    %ne3A_2 = arith.cmpi ne, %rem3A, %ne3A : i32
    %lt3A = arith.constant 0 : i32
    %lt3A_3 = arith.cmpi slt, %rem3A, %lt3A : i32
    %lt3A_4 = arith.constant 0 : i32
    %lt3A_5 = arith.cmpi slt, %select_n3A, %lt3A_4 : i32
    %ne3A_6 = arith.xori %lt3A_3, %lt3A_5 : i1
    %and3A = arith.andi %ne3A_6, %ne3A_2 : i1
    %add3A = arith.addi %rem3A, %select_n3A : i32
    %select_n3A_7 = arith.select %and3A, %add3A, %rem3A : i32
    %c0_i32 = arith.constant 0 : i32
    %c0_i32_8 = arith.constant 0 : i32
    return %select_n3A_7, %c0_i32 : i32, i32
  }
}

</mosaic_0001>

<sc_bundles>
// kernel: kernel.6.cloned.1.call-start
scs
__scs_entry_jumppad:
0x0: {  	(pc) =	sbr.rel $0x88, $3  }
0x1: {  	(tag) =	ssettag $0x0;
	lr =	simm.s32 $0x1  }
0x2: {  	[smem:$0x3F92] =	sst lr;
	_ =	strace $0xD0000000  }
0x3: {  	_ = 	snop  }
0x4: {  	_ = 	snop  }
0x5: {  	_ = 	snop  }
0x6: {  	_ = 	snop  }
0x7: {  	_ = 	snop  }
__scs_overlays_trampoline_lowered:
0x8: {  	[smem:$0x3FA1] =	sst s0  }
0x9: {  	[smem:$0x3FA2] =	sst s1  }
0xa: {  	[smem:$0x3FA3] =	sst s2  }
0xb: {  	[smem:$0x3FA4] =	sst s3  }
0xc: {  	[smem:$0x3FA5] =	sst s4  }
0xd: {  	[smem:$0x3FA6] =	sst s5  }
0xe: {  	[smem:$0x3FA7] =	sst s6  }
0xf: {  	[smem:$0x3FA8] =	sst s7  }
0x10: {  	[smem:$0x3FA9] =	sst s8  }
0x11: {  	[smem:$0x3FAA] =	sst s9;
	s0 =	simm.s32 @!p0 $0x0  }
0x12: {  	s1 =	sld [smem:$0x3F90];
	s0 =	simm.s32 @p0 $0x1  }
0x13: {  	[smem:$0x3FAB] =	sst s0;
	s0 =	simm.s32 @!p1 $0x0  }
0x14: {  	s2 =	sld [smem:$0x3F8F];
	s0 =	simm.s32 @p1 $0x1  }
0x15: {  	[smem:$0x3FAC] =	sst s0;
	s0 =	simm.s32 @!p2 $0x0  }
0x16: {  	s3 =	sld [smem:$0x3FDB];
	s0 =	simm.s32 @p2 $0x1  }
0x17: {  	s4 =	simm.s32 $0x1BF5;
	[smem:$0x3FAE] =	sst s0  }
0x18: {  	s0 =	sld [smem:$0x3F91];
	_ =	swait.ge [sflag:s4], $0x0  }
0x19: {  	s7 =	sld [smem:$0x3F92]  }
0x1a: {  	s8 =	sadd.s32 $0xFFFFE003, lr  }
0x1b: {  	s9 =	sadd.s32 $0xFFFFFEF7, lr;
	s5 =	simm.s32 $0xFFFFFFFF;
	p2 =	slt.u32 s8, $0xFFFFF086  }
0x1c: {  	p1 =	slt.u32 s9, $0xF7A;
	s5 =	simm.s32 @!p2 $0x0  }
0x1d: {  	s5 =	simm.s32 @p1 $0x1;
	p0 =	seq.s32 s7, s2  }
0x1e: {  	s7 =	smul.u32 @!p0 $0xF7A, s2;
	p2 =	seq.s32 @!p0 s5, $0x0  }
0x1f: {  	s9 =	smul.u32 $0xF7A, s1;
	s8 =	simm.s32 @!p0 $0x1BF5;
	p2 =	por !p2, p0  }
0x20: {  	[sflag:s8] =	ssyncset.s32 @!p0 $0xFFFFF086;
	s6 =	sadd.s32 @!p0 s3, s7;
	s7 =	simm.s32 @!p0 $0x108  }
0x21: {  	s3 =	sadd.s32 s3, s9;
	s6 =	sadd.s32 @!p0 $0x88, s6;
	s7 =	simm.s32 @p2 $0x1082  }
0x22: {  	[simem:s7], [sflag:s8] =	dma.local @!p0 [hbm:s6], $0xF7A  }
0x23: {  	s9 =	sor.u32 $0xD0000000, s2;
	s6 =	simm.s32 $0x108;
	_ =	swait.ge @!p0 [sflag:s8], $0x0  }
0x24: {  	s3 =	sadd.s32 $0x88, s3;
	s6 =	simm.s32 @!p1 $0x1082;
	[sflag:s4] =	ssyncset.s32 $0xFFFFF086  }
0x25: {  	[simem:s6], [sflag:s4] =	dma.local [hbm:s3], $0xF7A  }
0x26: {  	[smem:$0x3F92] =	sst s1;
	(tag) =	ssettag s2;
	_ =	strace s9  }
0x27: {  	s1 =	sld [smem:$0x3FA2]  }
0x28: {  	s2 =	sld [smem:$0x3FA3]  }
0x29: {  	s4 =	sld [smem:$0x3FA5]  }
0x2a: {  	p0 =	seq.s32 s5, $0x0;
	s5 =	sld [smem:$0x3FA6]  }
0x2b: {  	s6 =	sld [smem:$0x3FA7]  }
0x2c: {  	s7 =	sld [smem:$0x3FA8]  }
0x2d: {  	s3 =	simm.s32 $0x108;
	s8 =	sld [smem:$0x3FA9]  }
0x2e: {  	s3 =	simm.s32 @!p0 $0x1082;
	s9 =	sld [smem:$0x3FAA]  }
0x2f: {  	lr =	sadd.s32 s0, s3;
	s0 =	sld [smem:$0x3FA1]  }
0x30: {  	s3 =	sld [smem:$0x3FA4]  }
0x31: {  	[smem:$0x3FAD] =	sst s10  }
0x32: {  	s10 =	sld [smem:$0x3FAB];
	_ =	sdelay $0x3  }
0x33: {  	p0 =	seq.s32 s10, $0x1;
	s10 =	sld [smem:$0x3FAD];
	_ =	sdelay $0x3  }
0x34: {  	[smem:$0x3FAD] =	sst s10  }
0x35: {  	s10 =	sld [smem:$0x3FAC];
	_ =	sdelay $0x3  }
0x36: {  	p1 =	seq.s32 s10, $0x1;
	s10 =	sld [smem:$0x3FAD];
	_ =	sdelay $0x3  }
0x37: {  	[smem:$0x3FAD] =	sst s10  }
0x38: {  	s10 =	sld [smem:$0x3FAE]  }
0x39: {  	_ = 	snop;
	(pc) =	sbr.ind lr, $3  }
0x3a: {  	_ = 	snop  }
0x3b: {  	_ = 	snop  }
0x3c: {  	p2 =	seq.s32 s10, $0x1;
	s10 =	sld [smem:$0x3FAD]  }
0x3d: {  	_ =	shalt  }
0x3e: {  	_ =	shalt  }
0x3f: {  	_ =	shalt  }
0x40: {  	_ =	shalt  }
0x41: {  	_ =	shalt  }
0x42: {  	_ =	shalt  }
0x43: {  	_ =	shalt  }
0x44: {  	_ =	shalt  }
0x45: {  	_ =	shalt  }
0x46: {  	_ =	shalt  }
0x47: {  	_ =	shalt  }
0x48: {  	_ =	shalt  }
0x49: {  	_ =	shalt  }
0x4a: {  	_ =	shalt  }
0x4b: {  	_ =	shalt  }
0x4c: {  	_ =	shalt  }
0x4d: {  	_ =	shalt  }
0x4e: {  	_ =	shalt  }
0x4f: {  	_ =	shalt  }
0x50: {  	_ =	shalt  }
0x51: {  	_ =	shalt  }
0x52: {  	_ =	shalt  }
0x53: {  	_ =	shalt  }
0x54: {  	_ =	shalt  }
0x55: {  	_ =	shalt  }
0x56: {  	_ =	shalt  }
0x57: {  	_ =	shalt  }
0x58: {  	_ =	shalt  }
0x59: {  	_ =	shalt  }
0x5a: {  	_ =	shalt  }
0x5b: {  	_ =	shalt  }
0x5c: {  	_ =	shalt  }
0x5d: {  	_ =	shalt  }
0x5e: {  	_ =	shalt  }
0x5f: {  	_ =	shalt  }
0x60: {  	_ =	shalt  }
0x61: {  	_ =	shalt  }
0x62: {  	_ =	shalt  }
0x63: {  	_ =	shalt  }
0x64: {  	_ =	shalt  }
0x65: {  	_ =	shalt  }
0x66: {  	_ =	shalt  }
0x67: {  	_ =	shalt  }
0x68: {  	_ =	shalt  }
0x69: {  	_ =	shalt  }
0x6a: {  	_ =	shalt  }
0x6b: {  	_ =	shalt  }
0x6c: {  	_ =	shalt  }
0x6d: {  	_ =	shalt  }
0x6e: {  	_ =	shalt  }
0x6f: {  	_ =	shalt  }
0x70: {  	_ =	shalt  }
0x71: {  	_ =	shalt  }
0x72: {  	_ =	shalt  }
0x73: {  	_ =	shalt  }
0x74: {  	_ =	shalt  }
0x75: {  	_ =	shalt  }
0x76: {  	_ =	shalt  }
0x77: {  	_ =	shalt  }
0x78: {  	_ =	shalt  }
0x79: {  	_ =	shalt  }
0x7a: {  	_ =	shalt  }
0x7b: {  	_ =	shalt  }
0x7c: {  	_ =	shalt  }
0x7d: {  	_ =	shalt  }
0x7e: {  	_ =	shalt  }
0x7f: {  	_ =	shalt  }
0x80: {  	_ =	shalt  }
0x81: {  	_ =	shalt  }
0x82: {  	_ =	shalt  }
0x83: {  	_ =	shalt  }
0x84: {  	_ =	shalt  }
0x85: {  	_ =	shalt  }
0x86: {  	_ =	shalt  }
0x87: {  	_ =	shalt  }
.Lfunc_end0:
.L_simem_size_0:
called_computation_lowered:
.L_overlay_start_0:
0x88: {  	s2 =	sld [smem:$0x3FD9]  }
0x89: {  	s3 =	sld [smem:$0x3FFE];
	_ =	sdelay $0x1  }
0x8a: {  	s1 =	srdreg.scid  }
0x8b: {  	s0 =	sand.u32 $0x1, s1  }
0x8c: {  	s14 =	sshll.u32 s0, $0xA;
	s2 =	sadd.s32 s3, s2  }
0x8d: {  	s2 =	sadd.s32 s2, s14  }
0x8e: {  	[smem:$0x3FB9] =	sst s2  }
0x8f: {  	_ = 	snop  }
0x90: {  	s2 =	sld [smem:$0x3FD0];
	_ =	sdelay $0x2  }
0x91: {  	s4 =	simm.s32 $0xA;
	s5 =	simm.s32 $0x10;
	s15 =	sld [smem:$0x3FC9]  }
0x92: {  	[smem:s5], [sflag:s4] =	dma.local [hbm:s2], $0x1  }
0x93: {  	_ =	swait.eq [sflag:s4], $0x1  }
0x94: {  	[sflag:s4] =	ssyncset.done $0x0  }
0x95: {  	[sflag:s4] =	ssyncadd.s32 $0xFFFFFFFF  }
0x96: {  	s16 =	sld [smem:$0x10];
	(tm) =	ssettm $0x1  }
0x97: {  	s17 =	sld [smem:$0x3FFB];
	_ =	sdelay $0x3  }
0x98: {  	_ =	strace s17  }
0x99: {  	s4 =	sld [smem:$0x3FFC];
	_ =	sdelay $0x3  }
0x9a: {  	_ =	strace s4  }
0x9b: {  	s4 =	sld [smem:$0x3FFD];
	_ =	sdelay $0x3  }
0x9c: {  	_ =	strace s4  }
0x9d: {  	_ =	strace $0x8FFFFFFF  }
0x9e: {  	s18 =	sld [smem:$0x3FDB];
	_ =	sdelay $0x1  }
0x9f: {  	s19 =	simm.s32 $_scs_section_size  }
0xa0: {  	s6 =	simm.s32 $_size__tile_overlayer_lowered;
	s7 =	simm.s32 $_tile_overlayer_lowered  }
0xa1: {  	s22 =	simm.s32 $0x1BFF;
	s21 =	sshll.u32 s7, $0x1;
	s4 =	sadd.s32 s19, s18  }
0xa2: {  	s8 =	simm.s32 $0x0;
	s20 =	sshll.u32 s6, $0x1;
	s6 =	sadd.s32 s21, s4  }
0xa3: {  	[timem:s8], [sflag:s22] =	dma.local [hbm:s6], s20  }
0xa4: {  	_ =	swait.ge [sflag:s22], s20  }
0xa5: {  	s5 =	ssub.s32 $0x0, s20;
	[sflag:s22] =	ssyncset.done $0x0  }
0xa6: {  	[sflag:s22] =	ssyncadd.s32 s5;
	_ =	sdelay $0x1  }
0xa7: {  	s23 =	simm.s32 $0x1B8B  }
0xa8: {  	_ =	swait.ge [sflag:s23], $0x1  }
0xa9: {  	[sflag:s23] =	ssyncset.done $0x0  }
0xaa: {  	s25 =	simm.s32 $0x1B8E;
	s24 =	sld [smem:$0x3FFE];
	[sflag:s23] =	ssyncadd.s32 $0xFFFFFFFF  }
0xab: {  	s26 =	simm.s32 $execute0_lowered;
	[smem:$0x3FD2] =	sst s25  }
0xac: {  	s6 =	sshll.u32 s26, $0x1;
	_ =	strace $0x80000046;
	[dreg:$0x1] =	wrdreg $0xFFFFFFFF  }
0xad: {  	s28 =	simm.s32 $_size_execute0_lowered;
	s4 =	sadd.s32 s4, s6;
	[dreg:$0x0] =	wrdreg $0x0  }
0xae: {  	s6 =	sshll.u32 s28, $0x1;
	[dreg:$0x2] =	wrdreg s4  }
0xaf: {  	[dreg:$0x3] =	wrdreg s6  }
0xb0: {  	[dreg:$0x4] =	wrdreg $0xC0  }
0xb1: {  	_ =	task [dreg:s8], $0x5FFFF  }
0xb2: {  	[dreg:$0x1] =	wrdreg $0xFFFFFFFF  }
0xb3: {  	[dreg:$0x0] =	wrdreg $0x60  }
0xb4: {  	[dreg:$0x2] =	wrdreg s15  }
0xb5: {  	[dreg:$0x3] =	wrdreg s16  }
0xb6: {  	[dreg:$0x4] =	wrdreg s24  }
0xb7: {  	[dreg:$0x5] =	wrdreg $0x0  }
0xb8: {  	[dreg:$0x6] =	wrdreg $0x138800  }
0xb9: {  	[dreg:$0x7] =	wrdreg $0x9  }
0xba: {  	_ =	task.clear_ibuf [dreg:s8], $0x8FFFF;
	_ =	strace $0x90000046  }
0xbb: {  	s29 =	simm.s32 $0x9;
	_ =	strace $0x80000048  }
0xbc: {  	_ =	swait.ge [sflag:s29], $0x1  }
0xbd: {  	[sflag:s29] =	ssyncadd.s32 $0xFFFFFFFF  }
0xbe: {  	_ =	strace $0x90000048  }
0xbf: {  	_ =	sfence  }
0xc0: {  	s30 =	sld [smem:$0x0];
	_ =	sdelay $0x2  }
0xc1: {  	s31 =	sshll.u32 s1, $0xD;
	s1 =	sshrl.u32 s1, $0x2  }
0xc2: {  	s3 =	sand.u32 $0x4000, s31;
	s1 =	sadd.s32 s1, s30  }
0xc3: {  	s0 =	sor.u32 s3, s0;
	s1 =	sshll.u32 s1, $0x11  }
0xc4: {  	s0 =	sor.u32 s1, s0  }
0xc5: {  	s0 =	sadd.s32 $0x8F2B, s0  }
0xc6: {  	[sflag:s0] =	ssyncadd.remote.s32 $0x1  }
0xc7: {  	_ =	sfence.sel $0xFFFF  }
0xc8: {  	[dreg:$0x0] =	wrdreg $0xFFFFFFFF;
	(pc) =	sbr.abs _section_cstart, $3  }
0xc9: {  	[dreg:$0x1] =	wrdreg $0xFFFFFFFF  }
0xca: {  	_ =	task.clear_ibuf [dreg:s8], $0x2FFFF;
	_ =	strace $0x9FFFFFFF  }
0xcb: {  	(tm) =	ssettm $0x7FFFFFFF  }
tec
execute0_lowered:
.L_overlay_start_1:
0x0: {  	(tag) =	ssettag $0x1  }
0x1: {  	s0 =	rddreg [dreg:$0x0]  }
0x2: {  	s6 =	rddreg [dreg:$0x1]  }
0x3: {  	s4 =	rddreg [dreg:$0x2]  }
0x4: {  	s1 =	rddreg [dreg:$0x3]  }
0x5: {  	s3 =	rddreg [dreg:$0x4];
	s30 =	stileid.u32  }
0x6: {  	s2 =	simm.s32 $0x0;
	s17 =	srdreg.scid;
	s5 =	smul.u32 $0x4F000, s30  }
0x7: {  	s31 =	simm.s32 $0x1D880;
	s29 =	simm.s32 $0x20;
	s7 =	smul.u32 $0x2780, s30  }
0x8: {  	s28 =	simm.s32 $0x1D8E0;
	[smem:$0x7FF] =	sst s2;
	s9 =	smul.u32 $0x30000, s30  }
0x9: {  	s2 =	sand.u32 $0x1, s17;
	s8 =	sadd.s32 $0x1E00, s4;
	s12 =	smul.u32 $0x3, s30  }
0xa: {  	p1 =	seq.s32 s30, $0xF;
	s13 =	sshll.u32 s30, $0x1;
	s22 =	sshll.u32 s30, $0x2  }
0xb: {  	s24 =	smul.u32 $0x1400, s30;
	p3 =	sgt.u32 s30, $0x7;
	_ =	strace $0x80000047  }
0xc: {  	s18 =	ssub.s32 $0x2, s2;
	s21 =	sshll.u32 s2, $0xE;
	s14 =	sadd.s32 $0x8, s13  }
0xd: {  	s15 =	sshll.u32 s2, $0xB;
	s13 =	sadd.s32 $0x9, s13;
	s23 =	sshll.u32 s2, $0x4  }
0xe: {  	p2 =	seq.s32 s2, $0x0;
	s10 =	sshrl.u32 s18, $0x1;
	s11 =	sshrl.u32 s5, $0x2  }
0xf: {  	s7 =	sadd.s32 s0, s7;
	s19 =	sshrl.u32 s9, $0x2;
	s16 =	sshll.u32 s14, $0xC  }
0x10: {  	s15 =	sadd.s32 s0, s15;
	s17 =	sshll.u32 s13, $0xC;
	s9 =	sadd.s32 s6, s24  }
0x11: {  	s25 =	sshll.u32 s14, $0xF;
	s26 =	sshll.u32 s13, $0xF;
	p1 =	por !p1, !p2  }
0x12: {  	s5 =	ssub.s32 s18, s10;
	s4 =	sadd.s32 s11, s1;
	[dreg:$0x7] =	wrdreg s7  }
0x13: {  	s10 =	sadd.s32 $0x1, s12;
	s7 =	sadd.s32 s19, s3;
	s12 =	sadd.s32 $0x2, s12  }
0x14: {  	s16 =	sadd.s32 s16, s15;
	s15 =	sadd.s32 s17, s15;
	s6 =	sor.u32 s21, s25  }
0x15: {  	s11 =	sor.u32 s21, s26;
	s17 =	sadd.s32 $0xFFFFFFF8, s30;
	p2 =	por !p1, !p1  }
0x16: {  	p1 =	sne.s32 s30, $0xF;
	[dreg:$0x8] =	wrdreg s7;
	s7 =	smul.u32 $0x6, s30  }
0x17: {  	s20 =	sshll.u32 s10, $0xF;
	s18 =	sshll.u32 s12, $0xF;
	[dreg:$0x9] =	wrdreg s16  }
0x18: {  	[dreg:$0xa] =	wrdreg s15;
	s15 =	ssub.s32 s22, s23;
	p0 =	sgt.u32 s17, $0x6  }
0x19: {  	s10 =	sshll.u32 s10, $0xE;
	s22 =	sshll.u32 s12, $0xE;
	s6 =	sshrl.u32 s6, $0x3  }
0x1a: {  	s12 =	sshrl.u32 s11, $0x3;
	s11 =	simm.s32 $0x1DA60;
	s19 =	sor.u32 s21, s20  }
0x1b: {  	s18 =	sor.u32 s21, s18;
	s20 =	simm.s32 $0x1D8A0;
	s10 =	sadd.s32 s10, s3  }
0x1c: {  	s6 =	sadd.s32 s8, s6;
	s16 =	sadd.s32 s8, s12;
	[dreg:$0x6] =	wrdreg s20  }
0x1d: {  	p2 =	por !p2, !p0;
	s12 =	simm.s32 $0x0;
	[dreg:$0xc] =	wrdreg s10  }
0x1e: {  	s7 =	sor.u32 s2, s7;
	s23 =	sshrl.u32 s19, $0x3;
	[dreg:$0x11] =	wrdreg s6  }
0x1f: {  	s10 =	sadd.s32 s22, s3;
	s24 =	sshrl.u32 s18, $0x3;
	[dreg:$0x12] =	wrdreg s16  }
0x20: {  	s19 =	sshll.u32 s14, $0xE;
	s20 =	sshll.u32 s13, $0xE;
	s14 =	simm.s32 $0x1EC80  }
0x21: {  	s13 =	simm.s32 $0x1D980;
	s16 =	simm.s32 $0x1D9C0;
	s7 =	sshll.u32 s7, $0xB  }
0x22: {  	[dreg:$0xd] =	wrdreg s10;
	s25 =	sadd.s32 s0, s23;
	s26 =	sadd.s32 s8, s23  }
0x23: {  	s17 =	sadd.s32 s8, s24;
	s18 =	sadd.s32 s0, s24;
	[dreg:$0xf] =	wrdreg s25  }
0x24: {  	s6 =	sadd.s32 s19, s3;
	s22 =	sadd.s32 s20, s3;
	[dreg:$0x10] =	wrdreg s26  }
0x25: {  	s23 =	sadd.s32 $0x1390, s15;
	s24 =	smax.u32 s5, $0x1;
	[dreg:$0x13] =	wrdreg s17  }
0x26: {  	s5 =	sadd.s32 $0x9C000, s3;
	s10 =	simm.s32 $0x1DC80;
	[dreg:$0x14] =	wrdreg s18  }
0x27: {  	s19 =	simm.s32 $0x1;
	s15 =	simm.s32 $0x1D9A0;
	[dreg:$0x15] =	wrdreg s6  }
0x28: {  	s21 =	sadd.s32 s0, s7;
	s7 =	sadd.s32 s8, s7;
	[dreg:$0x18] =	wrdreg s22  }
0x29: {  	[dreg:$0x19] =	wrdreg s24;
	s25 =	sadd.s32 $0x128400, s1;
	s26 =	sshrl.u32 s4, $0x3  }
0x2a: {  	s4 =	simm.s32 $0x1FC80;
	s8 =	simm.s32 $0x1D920;
	[dreg:$0xb] =	wrdreg s21  }
0x2b: {  	s22 =	simm.s32 $0x1D940;
	s17 =	simm.s32 $0x1D9E0;
	[dreg:$0xe] =	wrdreg s7  }
0x2c: {  	s18 =	simm.s32 $0x1DA00;
	s21 =	sadd.s32 $0x25080, s0;
	[dreg:$0x1c] =	wrdreg s26  }
0x2d: {  	s24 =	simm.s32 $0x1DA20;
	s0 =	sadd.s32 $0x27000, s0;
	[dreg:$0x16] =	wrdreg s21  }
0x2e: {  	s6 =	simm.s32 $0x1DA40;
	[dreg:$0x17] =	wrdreg s0;
	s0 =	sshrl.u32 s25, $0x3  }
0x2f: {  	s7 =	simm.s32 $0x1D900;
	[dreg:$0x1a] =	wrdreg s0;
	s0 =	sshrl.u32 @!p2 s5, $0x3  }
0x30: {  	v0 =	vlaneseq.u32;
	s26 =	simm.s32 $0x1D960;
	[dreg:$0x1b] =	wrdreg s0;
	s0 =	simm.s32 @!p3 $0x0  }
0x31: {  	v0 =	vand.u32 $0x3, v0;
	s21 =	simm.s32 $0x1FD00;
	s25 =	simm.s32 $0x1D8C0;
	s0 =	simm.s32 @p3 $0x1  }
0x32: {  	v1 =	vmov s2;
	v0 =	vor.u32 s23, v0;
	s5 =	simm.s32 $0x2;
	[smem:$0x7FD] =	sst s0;
	s0 =	simm.s32 $0x3  }
.LBB2_1:
.Ltmp0:
0x33: {  	(pc) =	sbr.rel @p1 .LBB2_4-.Ltmp0, $2  }
0x34: {  	_ =	sdelay $0x2  }
0x35: {  	[dreg:$0x1d] =	wrdreg s12  }
0x36: {  	s2 =	rddreg [dreg:$0x16]  }
0x37: {  	s12 =	rddreg [dreg:$0x1a]  }
.Ltmp1:
0x38: {  	s20 =	simm.s32 $0x1FC4;
	s23 =	simm.s32 $0x4;
	(pc) =	sbr.rel .LBB2_3-.Ltmp1, $4  }
0x39: {  	[spmem:s12], [sflag:s20] =	dma.local [hbm:s2], $0x2080  }
0x3a: {  	_ =	swait.ge [sflag:s23], $0x2080  }
0x3b: {  	[sflag:s23] =	ssyncset.done $0x0  }
0x3c: {  	[sflag:s23] =	ssyncadd.s32 $0xFFFFDF80  }
.LBB2_4:
0x3d: {  	s2 =	sshll.u32 s30, $0x6;
	s20 =	rddreg [dreg:$0x7]  }
0x3e: {  	s12 =	rddreg [dreg:$0x1c];
	s2 =	sor.u32 $0x1C04, s2  }
0x3f: {  	[spmem:s12], [sflag:s2] =	dma.local [hbm:s20], $0x2780  }
0x40: {  	s12 =	simm.s32 $0x4  }
0x41: {  	_ =	swait.ge [sflag:s12], $0x2780  }
0x42: {  	s23 =	sld [smem:$0x7FD];
	_ =	sdelay $0x2  }
0x43: {  	p3 =	seq.s32 s23, $0x1  }
.Ltmp2:
0x44: {  	_ = 	snop;
	(pc) =	sbr.rel @p3 .LBB2_3-.Ltmp2, $3  }
0x45: {  	_ =	sdelay $0x1  }
0x46: {  	[sflag:s12] =	ssyncset.done $0x0  }
0x47: {  	[sflag:s12] =	ssyncadd.s32 $0xFFFFD880  }
0x48: {  	s20 =	rddreg [dreg:$0x8]  }
0x49: {  	s23 =	rddreg [dreg:$0xb];
	s20 =	sshrl.u32 s20, $0x3  }
0x4a: {  	[spmem:s20], [sflag:s2] =	dma.local [hbm:s23], $0x800  }
0x4b: {  	_ =	swait.ge [sflag:s12], $0x800  }
0x4c: {  	[sflag:s12] =	ssyncset.done $0x0;
	s23 =	rddreg [dreg:$0xc]  }
0x4d: {  	s30 =	rddreg [dreg:$0xf];
	[sflag:s12] =	ssyncadd.s32 $0xFFFFF800;
	s20 =	sshrl.u32 s23, $0x3  }
0x4e: {  	[spmem:s20], [sflag:s2] =	dma.local [hbm:s30], $0x800  }
0x4f: {  	_ =	swait.ge [sflag:s12], $0x800  }
0x50: {  	[sflag:s12] =	ssyncset.done $0x0;
	s23 =	rddreg [dreg:$0xd]  }
0x51: {  	s30 =	rddreg [dreg:$0x14];
	[sflag:s12] =	ssyncadd.s32 $0xFFFFF800  }
.Ltmp3:
0x52: {  	s20 =	sshrl.u32 s23, $0x3;
	s23 =	simm.s32 $0x4;
	(pc) =	sbr.rel .LBB2_6-.Ltmp3, $4  }
0x53: {  	[spmem:s20], [sflag:s2] =	dma.local [hbm:s30], $0x800  }
0x54: {  	_ =	swait.ge [sflag:s23], $0x800  }
0x55: {  	[sflag:s23] =	ssyncset.done $0x0  }
0x56: {  	p5 =	por $0x1, $0x1;
	p4 =	por $0x0, $0x0;
	[sflag:s23] =	ssyncadd.s32 $0xFFFFF800  }
.LBB2_3:
0x57: {  	s2 =	sshll.u32 s30, $0x6;
	s30 =	simm.s32 $0x4;
	s12 =	rddreg [dreg:$0x15]  }
0x58: {  	s23 =	rddreg [dreg:$0x9];
	s2 =	sor.u32 $0x1C04, s2;
	s20 =	sshrl.u32 s12, $0x3  }
0x59: {  	[spmem:s20], [sflag:s2] =	dma.local [hbm:s23], $0x800  }
0x5a: {  	_ =	swait.ge [sflag:s30], $0x800  }
0x5b: {  	[sflag:s30] =	ssyncset.done $0x0;
	s12 =	rddreg [dreg:$0x17]  }
0x5c: {  	s20 =	simm.s32 @!p2 $0x1FC4;
	s23 =	rddreg [dreg:$0x1b];
	[sflag:s30] =	ssyncadd.s32 $0xFFFFF800  }
0x5d: {  	[spmem:s23], [sflag:s20] =	dma.local @!p2 [hbm:s12], $0x100  }
0x5e: {  	s20 =	simm.s32 @!p2 $0x4  }
0x5f: {  	p5 =	por @p0 $0x0, $0x0;
	_ =	swait.ge @!p2 [sflag:s20], $0x100  }
0x60: {  	p4 =	por @p0 $0x1, $0x1;
	[sflag:s20] =	ssyncset.done @!p2 $0x0;
	s12 =	rddreg [dreg:$0x18]  }
0x61: {  	s23 =	rddreg [dreg:$0xa];
	[sflag:s20] =	ssyncadd.s32 @!p2 $0xFFFFFF00;
	s20 =	sshrl.u32 @!p0 s12, $0x3  }
0x62: {  	[spmem:s20], [sflag:s2] =	dma.local @!p0 [hbm:s23], $0x800  }
0x63: {  	p6 =	por @!p2 $0x0, $0x0;
	p3 =	por @!p2 $0x1, $0x1;
	s2 =	simm.s32 @!p0 $0x4  }
0x64: {  	p4 =	por @!p2 p3, p3;
	p5 =	por @!p2 p6, p6;
	_ =	swait.ge @!p0 [sflag:s2], $0x800  }
0x65: {  	p3 =	por @!p0 $0x0, $0x0;
	p6 =	por @!p0 $0x1, $0x1;
	[sflag:s2] =	ssyncset.done @!p0 $0x0  }
0x66: {  	p4 =	por @!p0 p6, p6;
	p5 =	por @!p0 p3, p3;
	[sflag:s2] =	ssyncadd.s32 @!p0 $0xFFFFF800  }
.LBB2_6:
0x67: {  	[bflag:$0x0] =	sbarrier.arrive $0xFFFF;
	s2 =	simm.s32 $0x0  }
0x68: {  	[tilespmem:s31], [sflag:$0x3] =	stream.linear.gather [hbm4b:s9+s2], $0x400, $0x38;
	[tilespmem:$0x1FD80] =	vst v63  }
0x69: {  	s2 =	simm.s32 $0x80  }
.LBB2_7:
0x6a: {  	_ =	swait.ge [sflag:s0], $0x400  }
0x6b: {  	[sflag:s0] =	ssyncset.done $0x0  }
0x6c: {  	[sflag:s0] =	ssyncadd.s32 $0xFFFFFC00  }
0x6d: {  	[tilespmem:s10], [sflag:$0x1] =	stream.indirect.gather [spmem:s1], $0x80, s31, s29, $0xb8;
	[tilespmem:$0x1FD80] =	vst v63  }
0x6e: {  	s20 =	rddreg [dreg:$0x6]  }
0x6f: {  	[tilespmem:s14], [sflag:$0x2] =	stream.indirect.gather [spmem:s1], $0x80, s20, s29, $0xb8;
	[tilespmem:$0x1FD80] =	vst v63  }
0x70: {  	_ =	swait.ge [sflag:s19], $0x1000  }
0x71: {  	[sflag:s19] =	ssyncset.done $0x0  }
0x72: {  	[sflag:s19] =	ssyncadd.s32 $0xFFFFF000  }
0x73: {  	v2 =	vld [tilespmem:$0x1DA80]  }
0x74: {  	v3 =	vld [tilespmem:$0x1DA90];
	_ =	sdelay $0x3  }
0x75: {  	v4 =	vshrl.u32 v2, $0x7;
	v5 =	vshra.s32 v2, $0x1;
	v2 =	vand.u32 $0x7F, v2  }
0x76: {  	v43 =	vshrl.u32 v3, $0x7;
	v44 =	vshra.s32 v3, $0x1;
	v3 =	vand.u32 $0x7F, v3  }
0x77: {  	v4 =	vand.u32 $0x1, v4;
	v42 =	vand.u32 $0xFFFFFF80, v5;
	v5 =	vand.u32 $0xFFFFFF80, v44  }
0x78: {  	vm0 =	veq.s32 v4, v1;
	v2 =	vor.u32 v2, v42;
	v4 =	vand.u32 $0x1, v43  }
0x79: {  	v3 =	vor.u32 v3, v5;
	v2 =	vsel vm0, v2, v0;
	vm9 =	veq.s32 v4, v1  }
0x7a: {  	[tilespmem:$0x1FC80] =	vst v2;
	v2 =	vsel vm9, v3, v0  }
0x7b: {  	[tilespmem:$0x1FC90] =	vst v2  }
0x7c: {  	[spmem:s3] =	stream.indirect.scatter.add.f32 [tilespmem:s10], [sflag:$0x1], $0x80, s4, s29, $0xb8;
	[tilespmem:$0x1FD80] =	vst v63  }
0x7d: {  	_ =	swait.ge [sflag:s5], $0x1000  }
0x7e: {  	[sflag:s5] =	ssyncset.done $0x0  }
0x7f: {  	[sflag:s5] =	ssyncadd.s32 $0xFFFFF000  }
0x80: {  	v2 =	vld [tilespmem:$0x1DAA0]  }
0x81: {  	v3 =	vld [tilespmem:$0x1DAB0];
	_ =	sdelay $0x3  }
0x82: {  	v45 =	vshrl.u32 v2, $0x7;
	v46 =	vshra.s32 v2, $0x1;
	v2 =	vand.u32 $0x7F, v2  }
0x83: {  	v48 =	vshrl.u32 v3, $0x7;
	v49 =	vshra.s32 v3, $0x1;
	v3 =	vand.u32 $0x7F, v3  }
0x84: {  	v4 =	vand.u32 $0x1, v45;
	v47 =	vand.u32 $0xFFFFFF80, v46;
	v5 =	vand.u32 $0xFFFFFF80, v49  }
0x85: {  	vm10 =	veq.s32 v4, v1;
	v2 =	vor.u32 v2, v47;
	v4 =	vand.u32 $0x1, v48  }
0x86: {  	v3 =	vor.u32 v3, v5;
	v2 =	vsel vm10, v2, v0;
	vm11 =	veq.s32 v4, v1  }
0x87: {  	[tilespmem:$0x1FD00] =	vst v2;
	v2 =	vsel vm11, v3, v0  }
0x88: {  	[tilespmem:$0x1FD10] =	vst v2  }
0x89: {  	[spmem:s3] =	stream.indirect.scatter.add.f32 [tilespmem:s14], [sflag:$0x2], $0x80, s21, s29, $0xb8;
	[tilespmem:$0x1FD80] =	vst v63  }
0x8a: {  	_ =	swait.ge [sflag:s19], $0x1000  }
0x8b: {  	[sflag:s19] =	ssyncset.done $0x0  }
0x8c: {  	[sflag:s19] =	ssyncadd.s32 $0xFFFFF000  }
0x8d: {  	[tilespmem:s10], [sflag:$0x1] =	stream.indirect.gather [spmem:s1], $0x80, s25, s29, $0xb8;
	[tilespmem:$0x1FD80] =	vst v63  }
0x8e: {  	_ =	swait.ge [sflag:s19], $0x1000  }
0x8f: {  	[sflag:s19] =	ssyncset.done $0x0  }
0x90: {  	[sflag:s19] =	ssyncadd.s32 $0xFFFFF000  }
0x91: {  	v2 =	vld [tilespmem:$0x1DAC0]  }
0x92: {  	v3 =	vld [tilespmem:$0x1DAD0];
	_ =	sdelay $0x3  }
0x93: {  	v50 =	vshrl.u32 v2, $0x7;
	v51 =	vshra.s32 v2, $0x1;
	v2 =	vand.u32 $0x7F, v2  }
0x94: {  	v53 =	vshrl.u32 v3, $0x7;
	v54 =	vshra.s32 v3, $0x1;
	v3 =	vand.u32 $0x7F, v3  }
0x95: {  	v4 =	vand.u32 $0x1, v50;
	v52 =	vand.u32 $0xFFFFFF80, v51;
	v5 =	vand.u32 $0xFFFFFF80, v54  }
0x96: {  	vm12 =	veq.s32 v4, v1;
	v2 =	vor.u32 v2, v52;
	v4 =	vand.u32 $0x1, v53  }
0x97: {  	v3 =	vor.u32 v3, v5;
	v2 =	vsel vm12, v2, v0;
	vm13 =	veq.s32 v4, v1  }
0x98: {  	[tilespmem:$0x1FC80] =	vst v2;
	v2 =	vsel vm13, v3, v0  }
0x99: {  	[tilespmem:$0x1FC90] =	vst v2  }
0x9a: {  	[spmem:s3] =	stream.indirect.scatter.add.f32 [tilespmem:s10], [sflag:$0x1], $0x80, s4, s29, $0xb8;
	[tilespmem:$0x1FD80] =	vst v63  }
0x9b: {  	_ =	swait.ge [sflag:s5], $0x1000  }
0x9c: {  	[sflag:s5] =	ssyncset.done $0x0  }
0x9d: {  	[sflag:s5] =	ssyncadd.s32 $0xFFFFF000  }
0x9e: {  	[tilespmem:s14], [sflag:$0x2] =	stream.indirect.gather [spmem:s1], $0x80, s28, s29, $0xb8;
	[tilespmem:$0x1FD80] =	vst v63  }
0x9f: {  	_ =	swait.ge [sflag:s5], $0x1000  }
0xa0: {  	[sflag:s5] =	ssyncset.done $0x0  }
0xa1: {  	[sflag:s5] =	ssyncadd.s32 $0xFFFFF000  }
0xa2: {  	v2 =	vld [tilespmem:$0x1DAE0]  }
0xa3: {  	v3 =	vld [tilespmem:$0x1DAF0];
	_ =	sdelay $0x3  }
0xa4: {  	v55 =	vshrl.u32 v2, $0x7;
	v56 =	vshra.s32 v2, $0x1;
	v2 =	vand.u32 $0x7F, v2  }
0xa5: {  	v58 =	vshrl.u32 v3, $0x7;
	v59 =	vshra.s32 v3, $0x1;
	v3 =	vand.u32 $0x7F, v3  }
0xa6: {  	v4 =	vand.u32 $0x1, v55;
	v57 =	vand.u32 $0xFFFFFF80, v56;
	v5 =	vand.u32 $0xFFFFFF80, v59  }
0xa7: {  	vm14 =	veq.s32 v4, v1;
	v2 =	vor.u32 v2, v57;
	v4 =	vand.u32 $0x1, v58  }
0xa8: {  	v3 =	vor.u32 v3, v5;
	v2 =	vsel vm14, v2, v0;
	vm15 =	veq.s32 v4, v1  }
0xa9: {  	[tilespmem:$0x1FD00] =	vst v2;
	v2 =	vsel vm15, v3, v0  }
0xaa: {  	[tilespmem:$0x1FD10] =	vst v2  }
0xab: {  	[spmem:s3] =	stream.indirect.scatter.add.f32 [tilespmem:s14], [sflag:$0x2], $0x80, s21, s29, $0xb8;
	[tilespmem:$0x1FD80] =	vst v63  }
0xac: {  	_ =	swait.ge [sflag:s19], $0x1000  }
0xad: {  	[sflag:s19] =	ssyncset.done $0x0  }
0xae: {  	[sflag:s19] =	ssyncadd.s32 $0xFFFFF000  }
0xaf: {  	[tilespmem:s10], [sflag:$0x1] =	stream.indirect.gather [spmem:s1], $0x80, s7, s29, $0xb8;
	[tilespmem:$0x1FD80] =	vst v63  }
0xb0: {  	_ =	swait.ge [sflag:s19], $0x1000  }
0xb1: {  	[sflag:s19] =	ssyncset.done $0x0  }
0xb2: {  	[sflag:s19] =	ssyncadd.s32 $0xFFFFF000  }
0xb3: {  	v2 =	vld [tilespmem:$0x1DB00]  }
0xb4: {  	v3 =	vld [tilespmem:$0x1DB10];
	_ =	sdelay $0x3  }
0xb5: {  	v60 =	vshrl.u32 v2, $0x7;
	v61 =	vshra.s32 v2, $0x1;
	v2 =	vand.u32 $0x7F, v2  }
0xb6: {  	v63 =	vshrl.u32 v3, $0x7;
	v8 =	vshra.s32 v3, $0x1;
	v3 =	vand.u32 $0x7F, v3  }
0xb7: {  	v4 =	vand.u32 $0x1, v60;
	v62 =	vand.u32 $0xFFFFFF80, v61;
	v5 =	vand.u32 $0xFFFFFF80, v8  }
0xb8: {  	vm4 =	veq.s32 v4, v1;
	v2 =	vor.u32 v2, v62;
	v4 =	vand.u32 $0x1, v63  }
0xb9: {  	v3 =	vor.u32 v3, v5;
	v2 =	vsel vm4, v2, v0;
	vm5 =	veq.s32 v4, v1  }
0xba: {  	[tilespmem:$0x1FC80] =	vst v2;
	v2 =	vsel vm5, v3, v0  }
0xbb: {  	[tilespmem:$0x1FC90] =	vst v2  }
0xbc: {  	[spmem:s3] =	stream.indirect.scatter.add.f32 [tilespmem:s10], [sflag:$0x1], $0x80, s4, s29, $0xb8;
	[tilespmem:$0x1FD80] =	vst v63  }
0xbd: {  	_ =	swait.ge [sflag:s5], $0x1000  }
0xbe: {  	[sflag:s5] =	ssyncset.done $0x0  }
0xbf: {  	[sflag:s5] =	ssyncadd.s32 $0xFFFFF000  }
0xc0: {  	[tilespmem:s14], [sflag:$0x2] =	stream.indirect.gather [spmem:s1], $0x80, s8, s29, $0xb8;
	[tilespmem:$0x1FD80] =	vst v63  }
0xc1: {  	_ =	swait.ge [sflag:s5], $0x1000  }
0xc2: {  	[sflag:s5] =	ssyncset.done $0x0  }
0xc3: {  	[sflag:s5] =	ssyncadd.s32 $0xFFFFF000  }
0xc4: {  	v2 =	vld [tilespmem:$0x1DB20]  }
0xc5: {  	v3 =	vld [tilespmem:$0x1DB30];
	_ =	sdelay $0x3  }
0xc6: {  	v9 =	vshrl.u32 v2, $0x7;
	v10 =	vshra.s32 v2, $0x1;
	v2 =	vand.u32 $0x7F, v2  }
0xc7: {  	v12 =	vshrl.u32 v3, $0x7;
	v13 =	vshra.s32 v3, $0x1;
	v3 =	vand.u32 $0x7F, v3  }
0xc8: {  	v4 =	vand.u32 $0x1, v9;
	v11 =	vand.u32 $0xFFFFFF80, v10;
	v5 =	vand.u32 $0xFFFFFF80, v13  }
0xc9: {  	vm6 =	veq.s32 v4, v1;
	v2 =	vor.u32 v2, v11;
	v4 =	vand.u32 $0x1, v12  }
0xca: {  	v3 =	vor.u32 v3, v5;
	v2 =	vsel vm6, v2, v0;
	vm7 =	veq.s32 v4, v1  }
0xcb: {  	[tilespmem:$0x1FD00] =	vst v2;
	v2 =	vsel vm7, v3, v0  }
0xcc: {  	[tilespmem:$0x1FD10] =	vst v2  }
0xcd: {  	[spmem:s3] =	stream.indirect.scatter.add.f32 [tilespmem:s14], [sflag:$0x2], $0x80, s21, s29, $0xb8;
	[tilespmem:$0x1FD80] =	vst v63  }
0xce: {  	_ =	swait.ge [sflag:s19], $0x1000  }
0xcf: {  	[sflag:s19] =	ssyncset.done $0x0  }
0xd0: {  	[sflag:s19] =	ssyncadd.s32 $0xFFFFF000  }
0xd1: {  	[tilespmem:s10], [sflag:$0x1] =	stream.indirect.gather [spmem:s1], $0x80, s22, s29, $0xb8;
	[tilespmem:$0x1FD80] =	vst v63  }
0xd2: {  	_ =	swait.ge [sflag:s19], $0x1000  }
0xd3: {  	[sflag:s19] =	ssyncset.done $0x0  }
0xd4: {  	[sflag:s19] =	ssyncadd.s32 $0xFFFFF000  }
0xd5: {  	v2 =	vld [tilespmem:$0x1DB40]  }
0xd6: {  	v3 =	vld [tilespmem:$0x1DB50];
	_ =	sdelay $0x3  }
0xd7: {  	v14 =	vshrl.u32 v2, $0x7;
	v15 =	vshra.s32 v2, $0x1;
	v2 =	vand.u32 $0x7F, v2  }
0xd8: {  	v17 =	vshrl.u32 v3, $0x7;
	v18 =	vshra.s32 v3, $0x1;
	v3 =	vand.u32 $0x7F, v3  }
0xd9: {  	v4 =	vand.u32 $0x1, v14;
	v16 =	vand.u32 $0xFFFFFF80, v15;
	v5 =	vand.u32 $0xFFFFFF80, v18  }
0xda: {  	vm8 =	veq.s32 v4, v1;
	v2 =	vor.u32 v2, v16;
	v4 =	vand.u32 $0x1, v17  }
0xdb: {  	v3 =	vor.u32 v3, v5;
	v2 =	vsel vm8, v2, v0;
	vm9 =	veq.s32 v4, v1  }
0xdc: {  	[tilespmem:$0x1FC80] =	vst v2;
	v2 =	vsel vm9, v3, v0  }
0xdd: {  	[tilespmem:$0x1FC90] =	vst v2  }
0xde: {  	[spmem:s3] =	stream.indirect.scatter.add.f32 [tilespmem:s10], [sflag:$0x1], $0x80, s4, s29, $0xb8;
	[tilespmem:$0x1FD80] =	vst v63  }
0xdf: {  	_ =	swait.ge [sflag:s5], $0x1000  }
0xe0: {  	[sflag:s5] =	ssyncset.done $0x0  }
0xe1: {  	[sflag:s5] =	ssyncadd.s32 $0xFFFFF000  }
0xe2: {  	[tilespmem:s14], [sflag:$0x2] =	stream.indirect.gather [spmem:s1], $0x80, s26, s29, $0xb8;
	[tilespmem:$0x1FD80] =	vst v63  }
0xe3: {  	_ =	swait.ge [sflag:s5], $0x1000  }
0xe4: {  	[sflag:s5] =	ssyncset.done $0x0  }
0xe5: {  	[sflag:s5] =	ssyncadd.s32 $0xFFFFF000  }
0xe6: {  	v2 =	vld [tilespmem:$0x1DB60]  }
0xe7: {  	v3 =	vld [tilespmem:$0x1DB70];
	_ =	sdelay $0x3  }
0xe8: {  	v19 =	vshrl.u32 v2, $0x7;
	v20 =	vshra.s32 v2, $0x1;
	v2 =	vand.u32 $0x7F, v2  }
0xe9: {  	v22 =	vshrl.u32 v3, $0x7;
	v23 =	vshra.s32 v3, $0x1;
	v3 =	vand.u32 $0x7F, v3  }
0xea: {  	v4 =	vand.u32 $0x1, v19;
	v21 =	vand.u32 $0xFFFFFF80, v20;
	v5 =	vand.u32 $0xFFFFFF80, v23  }
0xeb: {  	vm10 =	veq.s32 v4, v1;
	v2 =	vor.u32 v2, v21;
	v4 =	vand.u32 $0x1, v22  }
0xec: {  	v3 =	vor.u32 v3, v5;
	v2 =	vsel vm10, v2, v0;
	vm11 =	veq.s32 v4, v1  }
0xed: {  	[tilespmem:$0x1FD00] =	vst v2;
	v2 =	vsel vm11, v3, v0  }
0xee: {  	[tilespmem:$0x1FD10] =	vst v2  }
0xef: {  	[spmem:s3] =	stream.indirect.scatter.add.f32 [tilespmem:s14], [sflag:$0x2], $0x80, s21, s29, $0xb8;
	[tilespmem:$0x1FD80] =	vst v63  }
0xf0: {  	_ =	swait.ge [sflag:s19], $0x1000  }
0xf1: {  	[sflag:s19] =	ssyncset.done $0x0  }
0xf2: {  	[sflag:s19] =	ssyncadd.s32 $0xFFFFF000  }
0xf3: {  	[tilespmem:s10], [sflag:$0x1] =	stream.indirect.gather [spmem:s1], $0x80, s13, s29, $0xb8;
	[tilespmem:$0x1FD80] =	vst v63  }
0xf4: {  	_ =	swait.ge [sflag:s19], $0x1000  }
0xf5: {  	[sflag:s19] =	ssyncset.done $0x0  }
0xf6: {  	[sflag:s19] =	ssyncadd.s32 $0xFFFFF000  }
0xf7: {  	v2 =	vld [tilespmem:$0x1DB80]  }
0xf8: {  	v3 =	vld [tilespmem:$0x1DB90];
	_ =	sdelay $0x3  }
0xf9: {  	v24 =	vshrl.u32 v2, $0x7;
	v25 =	vshra.s32 v2, $0x1;
	v2 =	vand.u32 $0x7F, v2  }
0xfa: {  	v27 =	vshrl.u32 v3, $0x7;
	v28 =	vshra.s32 v3, $0x1;
	v3 =	vand.u32 $0x7F, v3  }
0xfb: {  	v4 =	vand.u32 $0x1, v24;
	v26 =	vand.u32 $0xFFFFFF80, v25;
	v5 =	vand.u32 $0xFFFFFF80, v28  }
0xfc: {  	vm12 =	veq.s32 v4, v1;
	v2 =	vor.u32 v2, v26;
	v4 =	vand.u32 $0x1, v27  }
0xfd: {  	v3 =	vor.u32 v3, v5;
	v2 =	vsel vm12, v2, v0;
	vm13 =	veq.s32 v4, v1  }
0xfe: {  	[tilespmem:$0x1FC80] =	vst v2;
	v2 =	vsel vm13, v3, v0  }
0xff: {  	[tilespmem:$0x1FC90] =	vst v2  }
0x100: {  	[spmem:s3] =	stream.indirect.scatter.add.f32 [tilespmem:s10], [sflag:$0x1], $0x80, s4, s29, $0xb8;
	[tilespmem:$0x1FD80] =	vst v63  }
0x101: {  	_ =	swait.ge [sflag:s5], $0x1000  }
0x102: {  	[sflag:s5] =	ssyncset.done $0x0  }
0x103: {  	[sflag:s5] =	ssyncadd.s32 $0xFFFFF000  }
0x104: {  	[tilespmem:s14], [sflag:$0x2] =	stream.indirect.gather [spmem:s1], $0x80, s15, s29, $0xb8;
	[tilespmem:$0x1FD80] =	vst v63  }
0x105: {  	_ =	swait.ge [sflag:s5], $0x1000  }
0x106: {  	[sflag:s5] =	ssyncset.done $0x0  }
0x107: {  	[sflag:s5] =	ssyncadd.s32 $0xFFFFF000  }
0x108: {  	v2 =	vld [tilespmem:$0x1DBA0]  }
0x109: {  	v3 =	vld [tilespmem:$0x1DBB0];
	_ =	sdelay $0x3  }
0x10a: {  	v29 =	vshrl.u32 v2, $0x7;
	v30 =	vshra.s32 v2, $0x1;
	v2 =	vand.u32 $0x7F, v2  }
0x10b: {  	v32 =	vshrl.u32 v3, $0x7;
	v33 =	vshra.s32 v3, $0x1;
	v3 =	vand.u32 $0x7F, v3  }
0x10c: {  	v4 =	vand.u32 $0x1, v29;
	v31 =	vand.u32 $0xFFFFFF80, v30;
	v5 =	vand.u32 $0xFFFFFF80, v33  }
0x10d: {  	vm14 =	veq.s32 v4, v1;
	v2 =	vor.u32 v2, v31;
	v4 =	vand.u32 $0x1, v32  }
0x10e: {  	v3 =	vor.u32 v3, v5;
	v2 =	vsel vm14, v2, v0;
	vm15 =	veq.s32 v4, v1  }
0x10f: {  	[tilespmem:$0x1FD00] =	vst v2;
	v2 =	vsel vm15, v3, v0  }
0x110: {  	[tilespmem:$0x1FD10] =	vst v2  }
0x111: {  	[spmem:s3] =	stream.indirect.scatter.add.f32 [tilespmem:s14], [sflag:$0x2], $0x80, s21, s29, $0xb8;
	[tilespmem:$0x1FD80] =	vst v63  }
0x112: {  	_ =	swait.ge [sflag:s19], $0x1000  }
0x113: {  	[sflag:s19] =	ssyncset.done $0x0  }
0x114: {  	[sflag:s19] =	ssyncadd.s32 $0xFFFFF000  }
0x115: {  	[tilespmem:s10], [sflag:$0x1] =	stream.indirect.gather [spmem:s1], $0x80, s16, s29, $0xb8;
	[tilespmem:$0x1FD80] =	vst v63  }
0x116: {  	_ =	swait.ge [sflag:s19], $0x1000  }
0x117: {  	[sflag:s19] =	ssyncset.done $0x0  }
0x118: {  	[sflag:s19] =	ssyncadd.s32 $0xFFFFF000  }
0x119: {  	v2 =	vld [tilespmem:$0x1DBC0]  }
0x11a: {  	v3 =	vld [tilespmem:$0x1DBD0];
	_ =	sdelay $0x3  }
0x11b: {  	v34 =	vshrl.u32 v2, $0x7;
	v35 =	vshra.s32 v2, $0x1;
	v2 =	vand.u32 $0x7F, v2  }
0x11c: {  	v37 =	vshrl.u32 v3, $0x7;
	v38 =	vshra.s32 v3, $0x1;
	v3 =	vand.u32 $0x7F, v3  }
0x11d: {  	v4 =	vand.u32 $0x1, v34;
	v36 =	vand.u32 $0xFFFFFF80, v35;
	v5 =	vand.u32 $0xFFFFFF80, v38  }
0x11e: {  	vm4 =	veq.s32 v4, v1;
	v2 =	vor.u32 v2, v36;
	v4 =	vand.u32 $0x1, v37  }
0x11f: {  	v3 =	vor.u32 v3, v5;
	v2 =	vsel vm4, v2, v0;
	vm5 =	veq.s32 v4, v1  }
0x120: {  	[tilespmem:$0x1FC80] =	vst v2;
	v2 =	vsel vm5, v3, v0  }
0x121: {  	[tilespmem:$0x1FC90] =	vst v2  }
0x122: {  	[spmem:s3] =	stream.indirect.scatter.add.f32 [tilespmem:s10], [sflag:$0x1], $0x80, s4, s29, $0xb8;
	[tilespmem:$0x1FD80] =	vst v63  }
0x123: {  	_ =	swait.ge [sflag:s5], $0x1000  }
0x124: {  	[sflag:s5] =	ssyncset.done $0x0  }
0x125: {  	[sflag:s5] =	ssyncadd.s32 $0xFFFFF000  }
0x126: {  	[tilespmem:s14], [sflag:$0x2] =	stream.indirect.gather [spmem:s1], $0x80, s17, s29, $0xb8;
	[tilespmem:$0x1FD80] =	vst v63  }
0x127: {  	_ =	swait.ge [sflag:s5], $0x1000  }
0x128: {  	[sflag:s5] =	ssyncset.done $0x0  }
0x129: {  	[sflag:s5] =	ssyncadd.s32 $0xFFFFF000  }
0x12a: {  	v2 =	vld [tilespmem:$0x1DBE0]  }
0x12b: {  	v3 =	vld [tilespmem:$0x1DBF0];
	_ =	sdelay $0x3  }
0x12c: {  	v39 =	vshrl.u32 v2, $0x7;
	v40 =	vshra.s32 v2, $0x1;
	v2 =	vand.u32 $0x7F, v2  }
0x12d: {  	v42 =	vshrl.u32 v3, $0x7;
	v43 =	vshra.s32 v3, $0x1;
	v3 =	vand.u32 $0x7F, v3  }
0x12e: {  	v4 =	vand.u32 $0x1, v39;
	v41 =	vand.u32 $0xFFFFFF80, v40;
	v5 =	vand.u32 $0xFFFFFF80, v43  }
0x12f: {  	vm6 =	veq.s32 v4, v1;
	v2 =	vor.u32 v2, v41;
	v4 =	vand.u32 $0x1, v42  }
0x130: {  	v3 =	vor.u32 v3, v5;
	v2 =	vsel vm6, v2, v0;
	vm7 =	veq.s32 v4, v1  }
0x131: {  	[tilespmem:$0x1FD00] =	vst v2;
	v2 =	vsel vm7, v3, v0  }
0x132: {  	[tilespmem:$0x1FD10] =	vst v2  }
0x133: {  	[spmem:s3] =	stream.indirect.scatter.add.f32 [tilespmem:s14], [sflag:$0x2], $0x80, s21, s29, $0xb8;
	[tilespmem:$0x1FD80] =	vst v63  }
0x134: {  	_ =	swait.ge [sflag:s19], $0x1000  }
0x135: {  	[sflag:s19] =	ssyncset.done $0x0  }
0x136: {  	[sflag:s19] =	ssyncadd.s32 $0xFFFFF000  }
0x137: {  	[tilespmem:s10], [sflag:$0x1] =	stream.indirect.gather [spmem:s1], $0x80, s18, s29, $0xb8;
	[tilespmem:$0x1FD80] =	vst v63  }
0x138: {  	_ =	swait.ge [sflag:s19], $0x1000  }
0x139: {  	[sflag:s19] =	ssyncset.done $0x0  }
0x13a: {  	[sflag:s19] =	ssyncadd.s32 $0xFFFFF000  }
0x13b: {  	v2 =	vld [tilespmem:$0x1DC00]  }
0x13c: {  	v3 =	vld [tilespmem:$0x1DC10];
	_ =	sdelay $0x3  }
0x13d: {  	v44 =	vshrl.u32 v2, $0x7;
	v45 =	vshra.s32 v2, $0x1;
	v2 =	vand.u32 $0x7F, v2  }
0x13e: {  	v47 =	vshrl.u32 v3, $0x7;
	v48 =	vshra.s32 v3, $0x1;
	v3 =	vand.u32 $0x7F, v3  }
0x13f: {  	v4 =	vand.u32 $0x1, v44;
	v46 =	vand.u32 $0xFFFFFF80, v45;
	v5 =	vand.u32 $0xFFFFFF80, v48  }
0x140: {  	vm8 =	veq.s32 v4, v1;
	v2 =	vor.u32 v2, v46;
	v4 =	vand.u32 $0x1, v47  }
0x141: {  	v3 =	vor.u32 v3, v5;
	v2 =	vsel vm8, v2, v0;
	vm9 =	veq.s32 v4, v1  }
0x142: {  	[tilespmem:$0x1FC80] =	vst v2;
	v2 =	vsel vm9, v3, v0  }
0x143: {  	[tilespmem:$0x1FC90] =	vst v2  }
0x144: {  	[spmem:s3] =	stream.indirect.scatter.add.f32 [tilespmem:s10], [sflag:$0x1], $0x80, s4, s29, $0xb8;
	[tilespmem:$0x1FD80] =	vst v63  }
0x145: {  	_ =	swait.ge [sflag:s5], $0x1000  }
0x146: {  	[sflag:s5] =	ssyncset.done $0x0  }
0x147: {  	[sflag:s5] =	ssyncadd.s32 $0xFFFFF000  }
0x148: {  	[tilespmem:s14], [sflag:$0x2] =	stream.indirect.gather [spmem:s1], $0x80, s24, s29, $0xb8;
	[tilespmem:$0x1FD80] =	vst v63  }
0x149: {  	_ =	swait.ge [sflag:s5], $0x1000  }
0x14a: {  	[sflag:s5] =	ssyncset.done $0x0  }
0x14b: {  	[sflag:s5] =	ssyncadd.s32 $0xFFFFF000  }
0x14c: {  	v2 =	vld [tilespmem:$0x1DC20]  }
0x14d: {  	v3 =	vld [tilespmem:$0x1DC30];
	_ =	sdelay $0x3  }
0x14e: {  	v49 =	vshrl.u32 v2, $0x7;
	v50 =	vshra.s32 v2, $0x1;
	v2 =	vand.u32 $0x7F, v2  }
0x14f: {  	v52 =	vshrl.u32 v3, $0x7;
	v53 =	vshra.s32 v3, $0x1;
	v3 =	vand.u32 $0x7F, v3  }
0x150: {  	v4 =	vand.u32 $0x1, v49;
	v51 =	vand.u32 $0xFFFFFF80, v50;
	v5 =	vand.u32 $0xFFFFFF80, v53  }
0x151: {  	vm10 =	veq.s32 v4, v1;
	v2 =	vor.u32 v2, v51;
	v4 =	vand.u32 $0x1, v52  }
0x152: {  	v3 =	vor.u32 v3, v5;
	v2 =	vsel vm10, v2, v0;
	vm11 =	veq.s32 v4, v1  }
0x153: {  	[tilespmem:$0x1FD00] =	vst v2;
	v2 =	vsel vm11, v3, v0  }
0x154: {  	[tilespmem:$0x1FD10] =	vst v2  }
0x155: {  	[spmem:s3] =	stream.indirect.scatter.add.f32 [tilespmem:s14], [sflag:$0x2], $0x80, s21, s29, $0xb8;
	[tilespmem:$0x1FD80] =	vst v63  }
0x156: {  	_ =	swait.ge [sflag:s19], $0x1000  }
0x157: {  	[sflag:s19] =	ssyncset.done $0x0  }
0x158: {  	[sflag:s19] =	ssyncadd.s32 $0xFFFFF000  }
0x159: {  	[tilespmem:s10], [sflag:$0x1] =	stream.indirect.gather [spmem:s1], $0x80, s6, s29, $0xb8;
	[tilespmem:$0x1FD80] =	vst v63  }
0x15a: {  	_ =	swait.ge [sflag:s19], $0x1000  }
0x15b: {  	[sflag:s19] =	ssyncset.done $0x0  }
0x15c: {  	[sflag:s19] =	ssyncadd.s32 $0xFFFFF000  }
0x15d: {  	v2 =	vld [tilespmem:$0x1DC40]  }
0x15e: {  	v3 =	vld [tilespmem:$0x1DC50];
	_ =	sdelay $0x3  }
0x15f: {  	v54 =	vshrl.u32 v2, $0x7;
	v55 =	vshra.s32 v2, $0x1;
	v2 =	vand.u32 $0x7F, v2  }
0x160: {  	v57 =	vshrl.u32 v3, $0x7;
	v58 =	vshra.s32 v3, $0x1;
	v3 =	vand.u32 $0x7F, v3  }
0x161: {  	v4 =	vand.u32 $0x1, v54;
	v56 =	vand.u32 $0xFFFFFF80, v55;
	v5 =	vand.u32 $0xFFFFFF80, v58  }
0x162: {  	vm12 =	veq.s32 v4, v1;
	v2 =	vor.u32 v2, v56;
	v4 =	vand.u32 $0x1, v57  }
0x163: {  	v3 =	vor.u32 v3, v5;
	v2 =	vsel vm12, v2, v0;
	vm13 =	veq.s32 v4, v1  }
0x164: {  	[tilespmem:$0x1FC80] =	vst v2;
	v2 =	vsel vm13, v3, v0  }
0x165: {  	[tilespmem:$0x1FC90] =	vst v2  }
0x166: {  	[spmem:s3] =	stream.indirect.scatter.add.f32 [tilespmem:s10], [sflag:$0x1], $0x80, s4, s29, $0xb8;
	[tilespmem:$0x1FD80] =	vst v63  }
0x167: {  	_ =	swait.ge [sflag:s5], $0x1000  }
0x168: {  	[sflag:s5] =	ssyncset.done $0x0  }
0x169: {  	[sflag:s5] =	ssyncadd.s32 $0xFFFFF000  }
0x16a: {  	[tilespmem:s14], [sflag:$0x2] =	stream.indirect.gather [spmem:s1], $0x80, s11, s29, $0xb8;
	[tilespmem:$0x1FD80] =	vst v63  }
0x16b: {  	_ =	swait.ge [sflag:s5], $0x1000  }
0x16c: {  	[sflag:s5] =	ssyncset.done $0x0  }
0x16d: {  	[sflag:s5] =	ssyncadd.s32 $0xFFFFF000  }
0x16e: {  	v2 =	vld [tilespmem:$0x1DC60]  }
0x16f: {  	v3 =	vld [tilespmem:$0x1DC70];
	_ =	sdelay $0x3  }
0x170: {  	v59 =	vshrl.u32 v2, $0x7;
	v60 =	vshra.s32 v2, $0x1;
	v2 =	vand.u32 $0x7F, v2  }
0x171: {  	v62 =	vshrl.u32 v3, $0x7;
	v63 =	vshra.s32 v3, $0x1;
	v3 =	vand.u32 $0x7F, v3  }
0x172: {  	v4 =	vand.u32 $0x1, v59;
	v61 =	vand.u32 $0xFFFFFF80, v60;
	v5 =	vand.u32 $0xFFFFFF80, v63  }
0x173: {  	vm14 =	veq.s32 v4, v1;
	v2 =	vor.u32 v2, v61;
	v4 =	vand.u32 $0x1, v62  }
0x174: {  	v3 =	vor.u32 v3, v5;
	v2 =	vsel vm14, v2, v0;
	vm15 =	veq.s32 v4, v1  }
0x175: {  	p3 =	seq.s32 s2, $0x1400;
	[tilespmem:$0x1FD00] =	vst v2;
	v2 =	vsel vm15, v3, v0  }
0x176: {  	s23 =	simm.s32 @!p3 $0x0;
	[tilespmem:$0x1FD10] =	vst v2  }
0x177: {  	[spmem:s3] =	stream.indirect.scatter.add.f32 [tilespmem:s14], [sflag:$0x2], $0x80, s21, s29, $0xb8;
	[tilespmem:$0x1FD80] =	vst v63  }
0x178: {  	s30 =	simm.s32 @!p3 $0x1D880;
	s20 =	sadd.s32 @!p3 s2, s9;
	s2 =	sadd.s32 $0x80, s2  }
0x179: {  	[tilespmem:s30], [sflag:$0x3] =	stream.linear.gather @!p3 [hbm4b:s20+s23], $0x400, $0x38;
	[tilespmem:$0x1FD80] =	vst v63  }
0x17a: {  	p3 =	sne.s32 s2, $0x1480;
	_ =	swait.ge [sflag:s19], $0x1000  }
.Ltmp4:
0x17b: {  	[sflag:s19] =	ssyncset.done $0x0;
	(pc) =	sbr.rel @p3 .LBB2_7-.Ltmp4, $4  }
0x17c: {  	[sflag:s19] =	ssyncadd.s32 $0xFFFFF000  }
0x17d: {  	_ =	swait.ge [sflag:s5], $0x1000  }
0x17e: {  	[sflag:s5] =	ssyncset.done $0x0  }
0x17f: {  	[sflag:s5] =	ssyncadd.s32 $0xFFFFF000  }
0x180: {  	s30 =	stileid.u32;
	[bflag:$0x0] =	sbarrier.arrive $0xFFFF  }
0x181: {  	s2 =	sshll.u32 @p5 s30, $0x6;
	s20 =	rddreg [dreg:$0x8]  }
0x182: {  	s23 =	rddreg [dreg:$0xe];
	s2 =	sor.u32 @p5 $0x1C04, s2;
	s20 =	sshrl.u32 @p5 s20, $0x3  }
0x183: {  	[hbm:s23], [sflag:s2] =	dma.local @p5 [spmem:s20], $0x800  }
0x184: {  	s20 =	simm.s32 @p5 $0x4  }
0x185: {  	_ =	swait.ge @p5 [sflag:s20], $0x800  }
0x186: {  	[sflag:s20] =	ssyncset.done @p5 $0x0;
	s23 =	rddreg [dreg:$0xc]  }
0x187: {  	s12 =	rddreg [dreg:$0x10];
	[sflag:s20] =	ssyncadd.s32 @p5 $0xFFFFF800;
	s23 =	sshrl.u32 @p5 s23, $0x3  }
0x188: {  	[hbm:s12], [sflag:s2] =	dma.local @p5 [spmem:s23], $0x800  }
0x189: {  	_ =	swait.ge @p5 [sflag:s20], $0x800  }
0x18a: {  	[sflag:s20] =	ssyncset.done @p5 $0x0;
	s23 =	rddreg [dreg:$0xd]  }
0x18b: {  	s12 =	rddreg [dreg:$0x13];
	[sflag:s20] =	ssyncadd.s32 @p5 $0xFFFFF800;
	s23 =	sshrl.u32 @p5 s23, $0x3  }
0x18c: {  	[hbm:s12], [sflag:s2] =	dma.local @p5 [spmem:s23], $0x800  }
0x18d: {  	s2 =	sshll.u32 @p4 s30, $0x6;
	_ =	swait.ge @p5 [sflag:s20], $0x800  }
0x18e: {  	s2 =	sor.u32 @p4 $0x1C04, s2;
	[sflag:s20] =	ssyncset.done @p5 $0x0;
	s12 =	rddreg [dreg:$0x15]  }
0x18f: {  	[sflag:s20] =	ssyncadd.s32 @p5 $0xFFFFF800;
	s20 =	sshrl.u32 @p4 s12, $0x3;
	s12 =	rddreg [dreg:$0x11]  }
0x190: {  	[hbm:s12], [sflag:s2] =	dma.local @p4 [spmem:s20], $0x800  }
0x191: {  	s20 =	simm.s32 @p4 $0x4  }
0x192: {  	_ =	swait.ge @p4 [sflag:s20], $0x800  }
0x193: {  	[sflag:s20] =	ssyncset.done @p4 $0x0;
	s12 =	rddreg [dreg:$0x18]  }
0x194: {  	[sflag:s20] =	ssyncadd.s32 @p4 $0xFFFFF800;
	s23 =	sshrl.u32 @p4 s12, $0x3;
	s12 =	rddreg [dreg:$0x12]  }
0x195: {  	[hbm:s12], [sflag:s2] =	dma.local @p4 [spmem:s23], $0x800  }
0x196: {  	_ =	swait.ge @p4 [sflag:s20], $0x800  }
0x197: {  	s2 =	rddreg [dreg:$0x1d]  }
0x198: {  	s23 =	rddreg [dreg:$0x19];
	s12 =	sadd.s32 $0x1, s2  }
0x199: {  	p3 =	sne.s32 s12, s23  }
.Ltmp5:
0x19a: {  	_ = 	snop;
	(pc) =	sbr.rel @p3 .LBB2_1-.Ltmp5, $3  }
0x19b: {  	_ =	sdelay $0x1  }
0x19c: {  	[sflag:s20] =	ssyncset.done @p4 $0x0  }
0x19d: {  	[sflag:s20] =	ssyncadd.s32 @p4 $0xFFFFF800  }
0x19e: {  	_ =	sfence.sel $0x180000  }
0x19f: {  	[bflag:$0x0] =	sbarrier.arrive $0xFFFF  }
0x1a0: {  	_ =	strace $0x90000047  }
0x1a1: {  	[bflag:$0x2] =	sbarrier.arrive $0xFFFF  }
0x1a2: {  	p0 =	sne.s32 s30, $0x0;
	s0 =	rddreg [dreg:$0x5]  }
0x1a3: {  	s0 =	sadd.s32 @!p0 $0x100000, s0  }
0x1a4: {  	[sflag:s0] =	ssyncadd.tile.s32 @!p0 $0x1;
	_ =	shalt  }
.Lfunc_end2:
_tile_overlayer_lowered:
.L_overlay_start_2:
0x1a5: {  	(tag) =	ssettag $0x2  }
0x1a6: {  	s0 =	rddreg [dreg:$0x0];
	s2 =	stileid.u32  }
0x1a7: {  	s1 =	rddreg [dreg:$0x1];
	p0 =	sne.s32 s2, $0x0  }
0x1a8: {  	s3 =	rddreg [dreg:$0x2];
	[bflag:$0x3] =	sbarrier.arrive $0xFFFF;
	s2 =	simm.s32 @!p0 $0x1C04  }
0x1a9: {  	[timem:s3], [sflag:s2] =	dma.local @!p0 [hbm:s0], s1  }
0x1aa: {  	s0 =	simm.s32 @!p0 $0x4  }
0x1ab: {  	_ =	swait.ge @!p0 [sflag:s0], s1  }
0x1ac: {  	s1 =	ssub.s32 @!p0 $0x0, s1;
	[sflag:s0] =	ssyncset.done @!p0 $0x0  }
0x1ad: {  	[sflag:s0] =	ssyncadd.s32 @!p0 s1  }
0x1ae: {  	[bflag:$0x3] =	sbarrier.arrive $0xFFFF  }
0x1af: {  	_ =	shalt  }

// kernel: kernel.9.cloned.1.call-start
scs
__scs_entry_jumppad:
0x0: {  	(pc) =	sbr.rel $0x88, $3  }
0x1: {  	(tag) =	ssettag $0x0;
	lr =	simm.s32 $0x1  }
0x2: {  	[smem:$0x3F92] =	sst lr;
	_ =	strace $0xD0000000  }
0x3: {  	_ = 	snop  }
0x4: {  	_ = 	snop  }
0x5: {  	_ = 	snop  }
0x6: {  	_ = 	snop  }
0x7: {  	_ = 	snop  }
__scs_overlays_trampoline_lowered:
0x8: {  	[smem:$0x3FA1] =	sst s0  }
0x9: {  	[smem:$0x3FA2] =	sst s1  }
0xa: {  	[smem:$0x3FA3] =	sst s2  }
0xb: {  	[smem:$0x3FA4] =	sst s3  }
0xc: {  	[smem:$0x3FA5] =	sst s4  }
0xd: {  	[smem:$0x3FA6] =	sst s5  }
0xe: {  	[smem:$0x3FA7] =	sst s6  }
0xf: {  	[smem:$0x3FA8] =	sst s7  }
0x10: {  	[smem:$0x3FA9] =	sst s8  }
0x11: {  	[smem:$0x3FAA] =	sst s9;
	s0 =	simm.s32 @!p0 $0x0  }
0x12: {  	s1 =	sld [smem:$0x3F90];
	s0 =	simm.s32 @p0 $0x1  }
0x13: {  	[smem:$0x3FAB] =	sst s0;
	s0 =	simm.s32 @!p1 $0x0  }
0x14: {  	s2 =	sld [smem:$0x3F8F];
	s0 =	simm.s32 @p1 $0x1  }
0x15: {  	[smem:$0x3FAC] =	sst s0;
	s0 =	simm.s32 @!p2 $0x0  }
0x16: {  	s3 =	sld [smem:$0x3FDB];
	s0 =	simm.s32 @p2 $0x1  }
0x17: {  	s4 =	simm.s32 $0x1BF5;
	[smem:$0x3FAE] =	sst s0  }
0x18: {  	s0 =	sld [smem:$0x3F91];
	_ =	swait.ge [sflag:s4], $0x0  }
0x19: {  	s7 =	sld [smem:$0x3F92]  }
0x1a: {  	s8 =	sadd.s32 $0xFFFFE003, lr  }
0x1b: {  	s9 =	sadd.s32 $0xFFFFFEF7, lr;
	s5 =	simm.s32 $0xFFFFFFFF;
	p2 =	slt.u32 s8, $0xFFFFF086  }
0x1c: {  	p1 =	slt.u32 s9, $0xF7A;
	s5 =	simm.s32 @!p2 $0x0  }
0x1d: {  	s5 =	simm.s32 @p1 $0x1;
	p0 =	seq.s32 s7, s2  }
0x1e: {  	s7 =	smul.u32 @!p0 $0xF7A, s2;
	p2 =	seq.s32 @!p0 s5, $0x0  }
0x1f: {  	s9 =	smul.u32 $0xF7A, s1;
	s8 =	simm.s32 @!p0 $0x1BF5;
	p2 =	por !p2, p0  }
0x20: {  	[sflag:s8] =	ssyncset.s32 @!p0 $0xFFFFF086;
	s6 =	sadd.s32 @!p0 s3, s7;
	s7 =	simm.s32 @!p0 $0x108  }
0x21: {  	s3 =	sadd.s32 s3, s9;
	s6 =	sadd.s32 @!p0 $0x88, s6;
	s7 =	simm.s32 @p2 $0x1082  }
0x22: {  	[simem:s7], [sflag:s8] =	dma.local @!p0 [hbm:s6], $0xF7A  }
0x23: {  	s9 =	sor.u32 $0xD0000000, s2;
	s6 =	simm.s32 $0x108;
	_ =	swait.ge @!p0 [sflag:s8], $0x0  }
0x24: {  	s3 =	sadd.s32 $0x88, s3;
	s6 =	simm.s32 @!p1 $0x1082;
	[sflag:s4] =	ssyncset.s32 $0xFFFFF086  }
0x25: {  	[simem:s6], [sflag:s4] =	dma.local [hbm:s3], $0xF7A  }
0x26: {  	[smem:$0x3F92] =	sst s1;
	(tag) =	ssettag s2;
	_ =	strace s9  }
0x27: {  	s1 =	sld [smem:$0x3FA2]  }
0x28: {  	s2 =	sld [smem:$0x3FA3]  }
0x29: {  	s4 =	sld [smem:$0x3FA5]  }
0x2a: {  	p0 =	seq.s32 s5, $0x0;
	s5 =	sld [smem:$0x3FA6]  }
0x2b: {  	s6 =	sld [smem:$0x3FA7]  }
0x2c: {  	s7 =	sld [smem:$0x3FA8]  }
0x2d: {  	s3 =	simm.s32 $0x108;
	s8 =	sld [smem:$0x3FA9]  }
0x2e: {  	s3 =	simm.s32 @!p0 $0x1082;
	s9 =	sld [smem:$0x3FAA]  }
0x2f: {  	lr =	sadd.s32 s0, s3;
	s0 =	sld [smem:$0x3FA1]  }
0x30: {  	s3 =	sld [smem:$0x3FA4]  }
0x31: {  	[smem:$0x3FAD] =	sst s10  }
0x32: {  	s10 =	sld [smem:$0x3FAB];
	_ =	sdelay $0x3  }
0x33: {  	p0 =	seq.s32 s10, $0x1;
	s10 =	sld [smem:$0x3FAD];
	_ =	sdelay $0x3  }
0x34: {  	[smem:$0x3FAD] =	sst s10  }
0x35: {  	s10 =	sld [smem:$0x3FAC];
	_ =	sdelay $0x3  }
0x36: {  	p1 =	seq.s32 s10, $0x1;
	s10 =	sld [smem:$0x3FAD];
	_ =	sdelay $0x3  }
0x37: {  	[smem:$0x3FAD] =	sst s10  }
0x38: {  	s10 =	sld [smem:$0x3FAE]  }
0x39: {  	_ = 	snop;
	(pc) =	sbr.ind lr, $3  }
0x3a: {  	_ = 	snop  }
0x3b: {  	_ = 	snop  }
0x3c: {  	p2 =	seq.s32 s10, $0x1;
	s10 =	sld [smem:$0x3FAD]  }
0x3d: {  	_ =	shalt  }
0x3e: {  	_ =	shalt  }
0x3f: {  	_ =	shalt  }
0x40: {  	_ =	shalt  }
0x41: {  	_ =	shalt  }
0x42: {  	_ =	shalt  }
0x43: {  	_ =	shalt  }
0x44: {  	_ =	shalt  }
0x45: {  	_ =	shalt  }
0x46: {  	_ =	shalt  }
0x47: {  	_ =	shalt  }
0x48: {  	_ =	shalt  }
0x49: {  	_ =	shalt  }
0x4a: {  	_ =	shalt  }
0x4b: {  	_ =	shalt  }
0x4c: {  	_ =	shalt  }
0x4d: {  	_ =	shalt  }
0x4e: {  	_ =	shalt  }
0x4f: {  	_ =	shalt  }
0x50: {  	_ =	shalt  }
0x51: {  	_ =	shalt  }
0x52: {  	_ =	shalt  }
0x53: {  	_ =	shalt  }
0x54: {  	_ =	shalt  }
0x55: {  	_ =	shalt  }
0x56: {  	_ =	shalt  }
0x57: {  	_ =	shalt  }
0x58: {  	_ =	shalt  }
0x59: {  	_ =	shalt  }
0x5a: {  	_ =	shalt  }
0x5b: {  	_ =	shalt  }
0x5c: {  	_ =	shalt  }
0x5d: {  	_ =	shalt  }
0x5e: {  	_ =	shalt  }
0x5f: {  	_ =	shalt  }
0x60: {  	_ =	shalt  }
0x61: {  	_ =	shalt  }
0x62: {  	_ =	shalt  }
0x63: {  	_ =	shalt  }
0x64: {  	_ =	shalt  }
0x65: {  	_ =	shalt  }
0x66: {  	_ =	shalt  }
0x67: {  	_ =	shalt  }
0x68: {  	_ =	shalt  }
0x69: {  	_ =	shalt  }
0x6a: {  	_ =	shalt  }
0x6b: {  	_ =	shalt  }
0x6c: {  	_ =	shalt  }
0x6d: {  	_ =	shalt  }
0x6e: {  	_ =	shalt  }
0x6f: {  	_ =	shalt  }
0x70: {  	_ =	shalt  }
0x71: {  	_ =	shalt  }
0x72: {  	_ =	shalt  }
0x73: {  	_ =	shalt  }
0x74: {  	_ =	shalt  }
0x75: {  	_ =	shalt  }
0x76: {  	_ =	shalt  }
0x77: {  	_ =	shalt  }
0x78: {  	_ =	shalt  }
0x79: {  	_ =	shalt  }
0x7a: {  	_ =	shalt  }
0x7b: {  	_ =	shalt  }
0x7c: {  	_ =	shalt  }
0x7d: {  	_ =	shalt  }
0x7e: {  	_ =	shalt  }
0x7f: {  	_ =	shalt  }
0x80: {  	_ =	shalt  }
0x81: {  	_ =	shalt  }
0x82: {  	_ =	shalt  }
0x83: {  	_ =	shalt  }
0x84: {  	_ =	shalt  }
0x85: {  	_ =	shalt  }
0x86: {  	_ =	shalt  }
0x87: {  	_ =	shalt  }
.Lfunc_end0:
.L_simem_size_0:
called_computation.1_lowered:
.L_overlay_start_0:
0x88: {  	s2 =	sld [smem:$0x3FD9]  }
0x89: {  	s3 =	sld [smem:$0x3FFE];
	_ =	sdelay $0x1  }
0x8a: {  	s1 =	srdreg.scid  }
0x8b: {  	s0 =	sand.u32 $0x1, s1  }
0x8c: {  	s14 =	sshll.u32 s0, $0xA;
	s2 =	sadd.s32 s3, s2  }
0x8d: {  	s2 =	sadd.s32 s2, s14  }
0x8e: {  	[smem:$0x3FB9] =	sst s2  }
0x8f: {  	_ = 	snop  }
0x90: {  	s2 =	sld [smem:$0x3FD0];
	_ =	sdelay $0x2  }
0x91: {  	s15 =	simm.s32 $0xA;
	s4 =	simm.s32 $0x10  }
0x92: {  	[smem:s4], [sflag:s15] =	dma.local [hbm:s2], $0x1  }
0x93: {  	_ =	swait.eq [sflag:s15], $0x1  }
0x94: {  	[sflag:s15] =	ssyncset.done $0x0  }
0x95: {  	s16 =	sld [smem:$0x10];
	[sflag:s15] =	ssyncadd.s32 $0xFFFFFFFF  }
0x96: {  	s17 =	sld [smem:$0x11];
	(tm) =	ssettm $0x1  }
0x97: {  	s18 =	sld [smem:$0x3FFB];
	_ =	sdelay $0x3  }
0x98: {  	_ =	strace s18  }
0x99: {  	s4 =	sld [smem:$0x3FFC];
	_ =	sdelay $0x3  }
0x9a: {  	_ =	strace s4  }
0x9b: {  	s4 =	sld [smem:$0x3FFD];
	_ =	sdelay $0x3  }
0x9c: {  	_ =	strace s4  }
0x9d: {  	_ =	strace $0x8FFFFFFF  }
0x9e: {  	s19 =	sld [smem:$0x3FDB];
	_ =	sdelay $0x1  }
0x9f: {  	s5 =	simm.s32 $_scs_section_size  }
0xa0: {  	s6 =	simm.s32 $_size__tile_overlayer_lowered;
	s7 =	simm.s32 $_tile_overlayer_lowered  }
0xa1: {  	s22 =	simm.s32 $0x1BFF;
	s21 =	sshll.u32 s7, $0x1;
	s4 =	sadd.s32 s5, s19  }
0xa2: {  	s8 =	simm.s32 $0x0;
	s20 =	sshll.u32 s6, $0x1;
	s6 =	sadd.s32 s21, s4  }
0xa3: {  	[timem:s8], [sflag:s22] =	dma.local [hbm:s6], s20  }
0xa4: {  	_ =	swait.ge [sflag:s22], s20  }
0xa5: {  	s5 =	ssub.s32 $0x0, s20;
	[sflag:s22] =	ssyncset.done $0x0  }
0xa6: {  	[sflag:s22] =	ssyncadd.s32 s5;
	_ =	sdelay $0x1  }
0xa7: {  	s23 =	simm.s32 $0x1B8B  }
0xa8: {  	_ =	swait.ge [sflag:s23], $0x1  }
0xa9: {  	[sflag:s23] =	ssyncset.done $0x0  }
0xaa: {  	s25 =	simm.s32 $0x1B8E;
	s24 =	sld [smem:$0x3FFE];
	[sflag:s23] =	ssyncadd.s32 $0xFFFFFFFF  }
0xab: {  	s26 =	simm.s32 $execute0_lowered;
	[smem:$0x3FD2] =	sst s25  }
0xac: {  	s6 =	sshll.u32 s26, $0x1;
	_ =	strace $0x80000049;
	[dreg:$0x1] =	wrdreg $0xFFFFFFFF  }
0xad: {  	s28 =	simm.s32 $_size_execute0_lowered;
	s4 =	sadd.s32 s4, s6;
	[dreg:$0x0] =	wrdreg $0x0  }
0xae: {  	s6 =	sshll.u32 s28, $0x1;
	[dreg:$0x2] =	wrdreg s4  }
0xaf: {  	[dreg:$0x3] =	wrdreg s6  }
0xb0: {  	[dreg:$0x4] =	wrdreg $0xC0  }
0xb1: {  	_ =	task [dreg:s8], $0x5FFFF  }
0xb2: {  	[dreg:$0x1] =	wrdreg $0xFFFFFFFF  }
0xb3: {  	[dreg:$0x0] =	wrdreg $0x60  }
0xb4: {  	[dreg:$0x2] =	wrdreg s17  }
0xb5: {  	[dreg:$0x3] =	wrdreg s16  }
0xb6: {  	[dreg:$0x4] =	wrdreg s24  }
0xb7: {  	[dreg:$0x5] =	wrdreg $0x0  }
0xb8: {  	[dreg:$0x6] =	wrdreg $0x138800  }
0xb9: {  	[dreg:$0x7] =	wrdreg $0x9  }
0xba: {  	_ =	task.clear_ibuf [dreg:s8], $0x8FFFF;
	_ =	strace $0x90000049  }
0xbb: {  	s29 =	simm.s32 $0x9;
	_ =	strace $0x8000004B  }
0xbc: {  	_ =	swait.ge [sflag:s29], $0x1  }
0xbd: {  	[sflag:s29] =	ssyncadd.s32 $0xFFFFFFFF  }
0xbe: {  	_ =	strace $0x9000004B  }
0xbf: {  	_ =	sfence  }
0xc0: {  	s30 =	sld [smem:$0x0];
	_ =	sdelay $0x2  }
0xc1: {  	s31 =	sshll.u32 s1, $0xD;
	s1 =	sshrl.u32 s1, $0x2  }
0xc2: {  	s3 =	sand.u32 $0x4000, s31;
	s1 =	sadd.s32 s1, s30  }
0xc3: {  	s0 =	sor.u32 s3, s0;
	s1 =	sshll.u32 s1, $0x11  }
0xc4: {  	s0 =	sor.u32 s1, s0  }
0xc5: {  	s0 =	sadd.s32 $0x8F2B, s0  }
0xc6: {  	[sflag:s0] =	ssyncadd.remote.s32 $0x1  }
0xc7: {  	_ =	sfence.sel $0xFFFF  }
0xc8: {  	[dreg:$0x0] =	wrdreg $0xFFFFFFFF;
	(pc) =	sbr.abs _section_cstart, $3  }
0xc9: {  	[dreg:$0x1] =	wrdreg $0xFFFFFFFF  }
0xca: {  	_ =	task.clear_ibuf [dreg:s8], $0x2FFFF;
	_ =	strace $0x9FFFFFFF  }
0xcb: {  	(tm) =	ssettm $0x7FFFFFFF  }
tec
execute0_lowered:
.L_overlay_start_1:
0x0: {  	(tag) =	ssettag $0x1  }
0x1: {  	s0 =	rddreg [dreg:$0x0]  }
0x2: {  	s6 =	rddreg [dreg:$0x1]  }
0x3: {  	s4 =	rddreg [dreg:$0x2]  }
0x4: {  	s1 =	rddreg [dreg:$0x3]  }
0x5: {  	s3 =	rddreg [dreg:$0x4];
	s30 =	stileid.u32  }
0x6: {  	s2 =	simm.s32 $0x0;
	s17 =	srdreg.scid;
	s5 =	smul.u32 $0x4F000, s30  }
0x7: {  	s31 =	simm.s32 $0x1D880;
	s29 =	simm.s32 $0x20;
	s7 =	smul.u32 $0x2780, s30  }
0x8: {  	s28 =	simm.s32 $0x1D8E0;
	[smem:$0x7FF] =	sst s2;
	s9 =	smul.u32 $0x30000, s30  }
0x9: {  	s2 =	sand.u32 $0x1, s17;
	s8 =	sadd.s32 $0x1E00, s4;
	s12 =	smul.u32 $0x3, s30  }
0xa: {  	p1 =	seq.s32 s30, $0xF;
	s13 =	sshll.u32 s30, $0x1;
	s22 =	sshll.u32 s30, $0x2  }
0xb: {  	s24 =	smul.u32 $0x1400, s30;
	p3 =	sgt.u32 s30, $0x7;
	_ =	strace $0x8000004A  }
0xc: {  	s18 =	ssub.s32 $0x2, s2;
	s21 =	sshll.u32 s2, $0xE;
	s14 =	sadd.s32 $0x8, s13  }
0xd: {  	s15 =	sshll.u32 s2, $0xB;
	s13 =	sadd.s32 $0x9, s13;
	s23 =	sshll.u32 s2, $0x4  }
0xe: {  	p2 =	seq.s32 s2, $0x0;
	s10 =	sshrl.u32 s18, $0x1;
	s11 =	sshrl.u32 s5, $0x2  }
0xf: {  	s7 =	sadd.s32 s0, s7;
	s19 =	sshrl.u32 s9, $0x2;
	s16 =	sshll.u32 s14, $0xC  }
0x10: {  	s15 =	sadd.s32 s0, s15;
	s17 =	sshll.u32 s13, $0xC;
	s9 =	sadd.s32 s6, s24  }
0x11: {  	s25 =	sshll.u32 s14, $0xF;
	s26 =	sshll.u32 s13, $0xF;
	p1 =	por !p1, !p2  }
0x12: {  	s5 =	ssub.s32 s18, s10;
	s4 =	sadd.s32 s11, s1;
	[dreg:$0x7] =	wrdreg s7  }
0x13: {  	s10 =	sadd.s32 $0x1, s12;
	s7 =	sadd.s32 s19, s3;
	s12 =	sadd.s32 $0x2, s12  }
0x14: {  	s16 =	sadd.s32 s16, s15;
	s15 =	sadd.s32 s17, s15;
	s6 =	sor.u32 s21, s25  }
0x15: {  	s11 =	sor.u32 s21, s26;
	s17 =	sadd.s32 $0xFFFFFFF8, s30;
	p2 =	por !p1, !p1  }
0x16: {  	p1 =	sne.s32 s30, $0xF;
	[dreg:$0x8] =	wrdreg s7;
	s7 =	smul.u32 $0x6, s30  }
0x17: {  	s20 =	sshll.u32 s10, $0xF;
	s18 =	sshll.u32 s12, $0xF;
	[dreg:$0x9] =	wrdreg s16  }
0x18: {  	[dreg:$0xa] =	wrdreg s15;
	s15 =	ssub.s32 s22, s23;
	p0 =	sgt.u32 s17, $0x6  }
0x19: {  	s10 =	sshll.u32 s10, $0xE;
	s22 =	sshll.u32 s12, $0xE;
	s6 =	sshrl.u32 s6, $0x3  }
0x1a: {  	s12 =	sshrl.u32 s11, $0x3;
	s11 =	simm.s32 $0x1DA60;
	s19 =	sor.u32 s21, s20  }
0x1b: {  	s18 =	sor.u32 s21, s18;
	s20 =	simm.s32 $0x1D8A0;
	s10 =	sadd.s32 s10, s3  }
0x1c: {  	s6 =	sadd.s32 s8, s6;
	s16 =	sadd.s32 s8, s12;
	[dreg:$0x6] =	wrdreg s20  }
0x1d: {  	p2 =	por !p2, !p0;
	s12 =	simm.s32 $0x0;
	[dreg:$0xc] =	wrdreg s10  }
0x1e: {  	s7 =	sor.u32 s2, s7;
	s23 =	sshrl.u32 s19, $0x3;
	[dreg:$0x11] =	wrdreg s6  }
0x1f: {  	s10 =	sadd.s32 s22, s3;
	s24 =	sshrl.u32 s18, $0x3;
	[dreg:$0x12] =	wrdreg s16  }
0x20: {  	s19 =	sshll.u32 s14, $0xE;
	s20 =	sshll.u32 s13, $0xE;
	s14 =	simm.s32 $0x1EC80  }
0x21: {  	s13 =	simm.s32 $0x1D980;
	s16 =	simm.s32 $0x1D9C0;
	s7 =	sshll.u32 s7, $0xB  }
0x22: {  	[dreg:$0xd] =	wrdreg s10;
	s25 =	sadd.s32 s0, s23;
	s26 =	sadd.s32 s8, s23  }
0x23: {  	s17 =	sadd.s32 s8, s24;
	s18 =	sadd.s32 s0, s24;
	[dreg:$0xf] =	wrdreg s25  }
0x24: {  	s6 =	sadd.s32 s19, s3;
	s22 =	sadd.s32 s20, s3;
	[dreg:$0x10] =	wrdreg s26  }
0x25: {  	s23 =	sadd.s32 $0x1390, s15;
	s24 =	smax.u32 s5, $0x1;
	[dreg:$0x13] =	wrdreg s17  }
0x26: {  	s5 =	sadd.s32 $0x9C000, s3;
	s10 =	simm.s32 $0x1DC80;
	[dreg:$0x14] =	wrdreg s18  }
0x27: {  	s19 =	simm.s32 $0x1;
	s15 =	simm.s32 $0x1D9A0;
	[dreg:$0x15] =	wrdreg s6  }
0x28: {  	s21 =	sadd.s32 s0, s7;
	s7 =	sadd.s32 s8, s7;
	[dreg:$0x18] =	wrdreg s22  }
0x29: {  	[dreg:$0x19] =	wrdreg s24;
	s25 =	sadd.s32 $0x128400, s1;
	s26 =	sshrl.u32 s4, $0x3  }
0x2a: {  	s4 =	simm.s32 $0x1FC80;
	s8 =	simm.s32 $0x1D920;
	[dreg:$0xb] =	wrdreg s21  }
0x2b: {  	s22 =	simm.s32 $0x1D940;
	s17 =	simm.s32 $0x1D9E0;
	[dreg:$0xe] =	wrdreg s7  }
0x2c: {  	s18 =	simm.s32 $0x1DA00;
	s21 =	sadd.s32 $0x25080, s0;
	[dreg:$0x1c] =	wrdreg s26  }
0x2d: {  	s24 =	simm.s32 $0x1DA20;
	s0 =	sadd.s32 $0x27000, s0;
	[dreg:$0x16] =	wrdreg s21  }
0x2e: {  	s6 =	simm.s32 $0x1DA40;
	[dreg:$0x17] =	wrdreg s0;
	s0 =	sshrl.u32 s25, $0x3  }
0x2f: {  	s7 =	simm.s32 $0x1D900;
	[dreg:$0x1a] =	wrdreg s0;
	s0 =	sshrl.u32 @!p2 s5, $0x3  }
0x30: {  	v0 =	vlaneseq.u32;
	s26 =	simm.s32 $0x1D960;
	[dreg:$0x1b] =	wrdreg s0;
	s0 =	simm.s32 @!p3 $0x0  }
0x31: {  	v0 =	vand.u32 $0x3, v0;
	s21 =	simm.s32 $0x1FD00;
	s25 =	simm.s32 $0x1D8C0;
	s0 =	simm.s32 @p3 $0x1  }
0x32: {  	v1 =	vmov s2;
	v0 =	vor.u32 s23, v0;
	s5 =	simm.s32 $0x2;
	[smem:$0x7FD] =	sst s0;
	s0 =	simm.s32 $0x3  }
.LBB2_1:
.Ltmp0:
0x33: {  	(pc) =	sbr.rel @p1 .LBB2_4-.Ltmp0, $2  }
0x34: {  	_ =	sdelay $0x2  }
0x35: {  	[dreg:$0x1d] =	wrdreg s12  }
0x36: {  	s2 =	rddreg [dreg:$0x16]  }
0x37: {  	s12 =	rddreg [dreg:$0x1a]  }
.Ltmp1:
0x38: {  	s20 =	simm.s32 $0x1FC4;
	s23 =	simm.s32 $0x4;
	(pc) =	sbr.rel .LBB2_3-.Ltmp1, $4  }
0x39: {  	[spmem:s12], [sflag:s20] =	dma.local [hbm:s2], $0x2080  }
0x3a: {  	_ =	swait.ge [sflag:s23], $0x2080  }
0x3b: {  	[sflag:s23] =	ssyncset.done $0x0  }
0x3c: {  	[sflag:s23] =	ssyncadd.s32 $0xFFFFDF80  }
.LBB2_4:
0x3d: {  	s2 =	sshll.u32 s30, $0x6;
	s20 =	rddreg [dreg:$0x7]  }
0x3e: {  	s12 =	rddreg [dreg:$0x1c];
	s2 =	sor.u32 $0x1C04, s2  }
0x3f: {  	[spmem:s12], [sflag:s2] =	dma.local [hbm:s20], $0x2780  }
0x40: {  	s12 =	simm.s32 $0x4  }
0x41: {  	_ =	swait.ge [sflag:s12], $0x2780  }
0x42: {  	s23 =	sld [smem:$0x7FD];
	_ =	sdelay $0x2  }
0x43: {  	p3 =	seq.s32 s23, $0x1  }
.Ltmp2:
0x44: {  	_ = 	snop;
	(pc) =	sbr.rel @p3 .LBB2_3-.Ltmp2, $3  }
0x45: {  	_ =	sdelay $0x1  }
0x46: {  	[sflag:s12] =	ssyncset.done $0x0  }
0x47: {  	[sflag:s12] =	ssyncadd.s32 $0xFFFFD880  }
0x48: {  	s20 =	rddreg [dreg:$0x8]  }
0x49: {  	s23 =	rddreg [dreg:$0xb];
	s20 =	sshrl.u32 s20, $0x3  }
0x4a: {  	[spmem:s20], [sflag:s2] =	dma.local [hbm:s23], $0x800  }
0x4b: {  	_ =	swait.ge [sflag:s12], $0x800  }
0x4c: {  	[sflag:s12] =	ssyncset.done $0x0;
	s23 =	rddreg [dreg:$0xc]  }
0x4d: {  	s30 =	rddreg [dreg:$0xf];
	[sflag:s12] =	ssyncadd.s32 $0xFFFFF800;
	s20 =	sshrl.u32 s23, $0x3  }
0x4e: {  	[spmem:s20], [sflag:s2] =	dma.local [hbm:s30], $0x800  }
0x4f: {  	_ =	swait.ge [sflag:s12], $0x800  }
0x50: {  	[sflag:s12] =	ssyncset.done $0x0;
	s23 =	rddreg [dreg:$0xd]  }
0x51: {  	s30 =	rddreg [dreg:$0x14];
	[sflag:s12] =	ssyncadd.s32 $0xFFFFF800  }
.Ltmp3:
0x52: {  	s20 =	sshrl.u32 s23, $0x3;
	s23 =	simm.s32 $0x4;
	(pc) =	sbr.rel .LBB2_6-.Ltmp3, $4  }
0x53: {  	[spmem:s20], [sflag:s2] =	dma.local [hbm:s30], $0x800  }
0x54: {  	_ =	swait.ge [sflag:s23], $0x800  }
0x55: {  	[sflag:s23] =	ssyncset.done $0x0  }
0x56: {  	p5 =	por $0x1, $0x1;
	p4 =	por $0x0, $0x0;
	[sflag:s23] =	ssyncadd.s32 $0xFFFFF800  }
.LBB2_3:
0x57: {  	s2 =	sshll.u32 s30, $0x6;
	s30 =	simm.s32 $0x4;
	s12 =	rddreg [dreg:$0x15]  }
0x58: {  	s23 =	rddreg [dreg:$0x9];
	s2 =	sor.u32 $0x1C04, s2;
	s20 =	sshrl.u32 s12, $0x3  }
0x59: {  	[spmem:s20], [sflag:s2] =	dma.local [hbm:s23], $0x800  }
0x5a: {  	_ =	swait.ge [sflag:s30], $0x800  }
0x5b: {  	[sflag:s30] =	ssyncset.done $0x0;
	s12 =	rddreg [dreg:$0x17]  }
0x5c: {  	s20 =	simm.s32 @!p2 $0x1FC4;
	s23 =	rddreg [dreg:$0x1b];
	[sflag:s30] =	ssyncadd.s32 $0xFFFFF800  }
0x5d: {  	[spmem:s23], [sflag:s20] =	dma.local @!p2 [hbm:s12], $0x100  }
0x5e: {  	s20 =	simm.s32 @!p2 $0x4  }
0x5f: {  	p5 =	por @p0 $0x0, $0x0;
	_ =	swait.ge @!p2 [sflag:s20], $0x100  }
0x60: {  	p4 =	por @p0 $0x1, $0x1;
	[sflag:s20] =	ssyncset.done @!p2 $0x0;
	s12 =	rddreg [dreg:$0x18]  }
0x61: {  	s23 =	rddreg [dreg:$0xa];
	[sflag:s20] =	ssyncadd.s32 @!p2 $0xFFFFFF00;
	s20 =	sshrl.u32 @!p0 s12, $0x3  }
0x62: {  	[spmem:s20], [sflag:s2] =	dma.local @!p0 [hbm:s23], $0x800  }
0x63: {  	p6 =	por @!p2 $0x0, $0x0;
	p3 =	por @!p2 $0x1, $0x1;
	s2 =	simm.s32 @!p0 $0x4  }
0x64: {  	p4 =	por @!p2 p3, p3;
	p5 =	por @!p2 p6, p6;
	_ =	swait.ge @!p0 [sflag:s2], $0x800  }
0x65: {  	p3 =	por @!p0 $0x0, $0x0;
	p6 =	por @!p0 $0x1, $0x1;
	[sflag:s2] =	ssyncset.done @!p0 $0x0  }
0x66: {  	p4 =	por @!p0 p6, p6;
	p5 =	por @!p0 p3, p3;
	[sflag:s2] =	ssyncadd.s32 @!p0 $0xFFFFF800  }
.LBB2_6:
0x67: {  	[bflag:$0x0] =	sbarrier.arrive $0xFFFF;
	s2 =	simm.s32 $0x0  }
0x68: {  	[tilespmem:s31], [sflag:$0x3] =	stream.linear.gather [hbm4b:s9+s2], $0x400, $0x38;
	[tilespmem:$0x1FD80] =	vst v63  }
0x69: {  	s2 =	simm.s32 $0x80  }
.LBB2_7:
0x6a: {  	_ =	swait.ge [sflag:s0], $0x400  }
0x6b: {  	[sflag:s0] =	ssyncset.done $0x0  }
0x6c: {  	[sflag:s0] =	ssyncadd.s32 $0xFFFFFC00  }
0x6d: {  	[tilespmem:s10], [sflag:$0x1] =	stream.indirect.gather [spmem:s1], $0x80, s31, s29, $0xb8;
	[tilespmem:$0x1FD80] =	vst v63  }
0x6e: {  	s20 =	rddreg [dreg:$0x6]  }
0x6f: {  	[tilespmem:s14], [sflag:$0x2] =	stream.indirect.gather [spmem:s1], $0x80, s20, s29, $0xb8;
	[tilespmem:$0x1FD80] =	vst v63  }
0x70: {  	_ =	swait.ge [sflag:s19], $0x1000  }
0x71: {  	[sflag:s19] =	ssyncset.done $0x0  }
0x72: {  	[sflag:s19] =	ssyncadd.s32 $0xFFFFF000  }
0x73: {  	v2 =	vld [tilespmem:$0x1DA80]  }
0x74: {  	v3 =	vld [tilespmem:$0x1DA90];
	_ =	sdelay $0x3  }
0x75: {  	v4 =	vshrl.u32 v2, $0x7;
	v5 =	vshra.s32 v2, $0x1;
	v2 =	vand.u32 $0x7F, v2  }
0x76: {  	v43 =	vshrl.u32 v3, $0x7;
	v44 =	vshra.s32 v3, $0x1;
	v3 =	vand.u32 $0x7F, v3  }
0x77: {  	v4 =	vand.u32 $0x1, v4;
	v42 =	vand.u32 $0xFFFFFF80, v5;
	v5 =	vand.u32 $0xFFFFFF80, v44  }
0x78: {  	vm0 =	veq.s32 v4, v1;
	v2 =	vor.u32 v2, v42;
	v4 =	vand.u32 $0x1, v43  }
0x79: {  	v3 =	vor.u32 v3, v5;
	v2 =	vsel vm0, v2, v0;
	vm9 =	veq.s32 v4, v1  }
0x7a: {  	[tilespmem:$0x1FC80] =	vst v2;
	v2 =	vsel vm9, v3, v0  }
0x7b: {  	[tilespmem:$0x1FC90] =	vst v2  }
0x7c: {  	[spmem:s3] =	stream.indirect.scatter.add.f32 [tilespmem:s10], [sflag:$0x1], $0x80, s4, s29, $0xb8;
	[tilespmem:$0x1FD80] =	vst v63  }
0x7d: {  	_ =	swait.ge [sflag:s5], $0x1000  }
0x7e: {  	[sflag:s5] =	ssyncset.done $0x0  }
0x7f: {  	[sflag:s5] =	ssyncadd.s32 $0xFFFFF000  }
0x80: {  	v2 =	vld [tilespmem:$0x1DAA0]  }
0x81: {  	v3 =	vld [tilespmem:$0x1DAB0];
	_ =	sdelay $0x3  }
0x82: {  	v45 =	vshrl.u32 v2, $0x7;
	v46 =	vshra.s32 v2, $0x1;
	v2 =	vand.u32 $0x7F, v2  }
0x83: {  	v48 =	vshrl.u32 v3, $0x7;
	v49 =	vshra.s32 v3, $0x1;
	v3 =	vand.u32 $0x7F, v3  }
0x84: {  	v4 =	vand.u32 $0x1, v45;
	v47 =	vand.u32 $0xFFFFFF80, v46;
	v5 =	vand.u32 $0xFFFFFF80, v49  }
0x85: {  	vm10 =	veq.s32 v4, v1;
	v2 =	vor.u32 v2, v47;
	v4 =	vand.u32 $0x1, v48  }
0x86: {  	v3 =	vor.u32 v3, v5;
	v2 =	vsel vm10, v2, v0;
	vm11 =	veq.s32 v4, v1  }
0x87: {  	[tilespmem:$0x1FD00] =	vst v2;
	v2 =	vsel vm11, v3, v0  }
0x88: {  	[tilespmem:$0x1FD10] =	vst v2  }
0x89: {  	[spmem:s3] =	stream.indirect.scatter.add.f32 [tilespmem:s14], [sflag:$0x2], $0x80, s21, s29, $0xb8;
	[tilespmem:$0x1FD80] =	vst v63  }
0x8a: {  	_ =	swait.ge [sflag:s19], $0x1000  }
0x8b: {  	[sflag:s19] =	ssyncset.done $0x0  }
0x8c: {  	[sflag:s19] =	ssyncadd.s32 $0xFFFFF000  }
0x8d: {  	[tilespmem:s10], [sflag:$0x1] =	stream.indirect.gather [spmem:s1], $0x80, s25, s29, $0xb8;
	[tilespmem:$0x1FD80] =	vst v63  }
0x8e: {  	_ =	swait.ge [sflag:s19], $0x1000  }
0x8f: {  	[sflag:s19] =	ssyncset.done $0x0  }
0x90: {  	[sflag:s19] =	ssyncadd.s32 $0xFFFFF000  }
0x91: {  	v2 =	vld [tilespmem:$0x1DAC0]  }
0x92: {  	v3 =	vld [tilespmem:$0x1DAD0];
	_ =	sdelay $0x3  }
0x93: {  	v50 =	vshrl.u32 v2, $0x7;
	v51 =	vshra.s32 v2, $0x1;
	v2 =	vand.u32 $0x7F, v2  }
0x94: {  	v53 =	vshrl.u32 v3, $0x7;
	v54 =	vshra.s32 v3, $0x1;
	v3 =	vand.u32 $0x7F, v3  }
0x95: {  	v4 =	vand.u32 $0x1, v50;
	v52 =	vand.u32 $0xFFFFFF80, v51;
	v5 =	vand.u32 $0xFFFFFF80, v54  }
0x96: {  	vm12 =	veq.s32 v4, v1;
	v2 =	vor.u32 v2, v52;
	v4 =	vand.u32 $0x1, v53  }
0x97: {  	v3 =	vor.u32 v3, v5;
	v2 =	vsel vm12, v2, v0;
	vm13 =	veq.s32 v4, v1  }
0x98: {  	[tilespmem:$0x1FC80] =	vst v2;
	v2 =	vsel vm13, v3, v0  }
0x99: {  	[tilespmem:$0x1FC90] =	vst v2  }
0x9a: {  	[spmem:s3] =	stream.indirect.scatter.add.f32 [tilespmem:s10], [sflag:$0x1], $0x80, s4, s29, $0xb8;
	[tilespmem:$0x1FD80] =	vst v63  }
0x9b: {  	_ =	swait.ge [sflag:s5], $0x1000  }
0x9c: {  	[sflag:s5] =	ssyncset.done $0x0  }
0x9d: {  	[sflag:s5] =	ssyncadd.s32 $0xFFFFF000  }
0x9e: {  	[tilespmem:s14], [sflag:$0x2] =	stream.indirect.gather [spmem:s1], $0x80, s28, s29, $0xb8;
	[tilespmem:$0x1FD80] =	vst v63  }
0x9f: {  	_ =	swait.ge [sflag:s5], $0x1000  }
0xa0: {  	[sflag:s5] =	ssyncset.done $0x0  }
0xa1: {  	[sflag:s5] =	ssyncadd.s32 $0xFFFFF000  }
0xa2: {  	v2 =	vld [tilespmem:$0x1DAE0]  }
0xa3: {  	v3 =	vld [tilespmem:$0x1DAF0];
	_ =	sdelay $0x3  }
0xa4: {  	v55 =	vshrl.u32 v2, $0x7;
	v56 =	vshra.s32 v2, $0x1;
	v2 =	vand.u32 $0x7F, v2  }
0xa5: {  	v58 =	vshrl.u32 v3, $0x7;
	v59 =	vshra.s32 v3, $0x1;
	v3 =	vand.u32 $0x7F, v3  }
0xa6: {  	v4 =	vand.u32 $0x1, v55;
	v57 =	vand.u32 $0xFFFFFF80, v56;
	v5 =	vand.u32 $0xFFFFFF80, v59  }
0xa7: {  	vm14 =	veq.s32 v4, v1;
	v2 =	vor.u32 v2, v57;
	v4 =	vand.u32 $0x1, v58  }
0xa8: {  	v3 =	vor.u32 v3, v5;
	v2 =	vsel vm14, v2, v0;
	vm15 =	veq.s32 v4, v1  }
0xa9: {  	[tilespmem:$0x1FD00] =	vst v2;
	v2 =	vsel vm15, v3, v0  }
0xaa: {  	[tilespmem:$0x1FD10] =	vst v2  }
0xab: {  	[spmem:s3] =	stream.indirect.scatter.add.f32 [tilespmem:s14], [sflag:$0x2], $0x80, s21, s29, $0xb8;
	[tilespmem:$0x1FD80] =	vst v63  }
0xac: {  	_ =	swait.ge [sflag:s19], $0x1000  }
0xad: {  	[sflag:s19] =	ssyncset.done $0x0  }
0xae: {  	[sflag:s19] =	ssyncadd.s32 $0xFFFFF000  }
0xaf: {  	[tilespmem:s10], [sflag:$0x1] =	stream.indirect.gather [spmem:s1], $0x80, s7, s29, $0xb8;
	[tilespmem:$0x1FD80] =	vst v63  }
0xb0: {  	_ =	swait.ge [sflag:s19], $0x1000  }
0xb1: {  	[sflag:s19] =	ssyncset.done $0x0  }
0xb2: {  	[sflag:s19] =	ssyncadd.s32 $0xFFFFF000  }
0xb3: {  	v2 =	vld [tilespmem:$0x1DB00]  }
0xb4: {  	v3 =	vld [tilespmem:$0x1DB10];
	_ =	sdelay $0x3  }
0xb5: {  	v60 =	vshrl.u32 v2, $0x7;
	v61 =	vshra.s32 v2, $0x1;
	v2 =	vand.u32 $0x7F, v2  }
0xb6: {  	v63 =	vshrl.u32 v3, $0x7;
	v8 =	vshra.s32 v3, $0x1;
	v3 =	vand.u32 $0x7F, v3  }
0xb7: {  	v4 =	vand.u32 $0x1, v60;
	v62 =	vand.u32 $0xFFFFFF80, v61;
	v5 =	vand.u32 $0xFFFFFF80, v8  }
0xb8: {  	vm4 =	veq.s32 v4, v1;
	v2 =	vor.u32 v2, v62;
	v4 =	vand.u32 $0x1, v63  }
0xb9: {  	v3 =	vor.u32 v3, v5;
	v2 =	vsel vm4, v2, v0;
	vm5 =	veq.s32 v4, v1  }
0xba: {  	[tilespmem:$0x1FC80] =	vst v2;
	v2 =	vsel vm5, v3, v0  }
0xbb: {  	[tilespmem:$0x1FC90] =	vst v2  }
0xbc: {  	[spmem:s3] =	stream.indirect.scatter.add.f32 [tilespmem:s10], [sflag:$0x1], $0x80, s4, s29, $0xb8;
	[tilespmem:$0x1FD80] =	vst v63  }
0xbd: {  	_ =	swait.ge [sflag:s5], $0x1000  }
0xbe: {  	[sflag:s5] =	ssyncset.done $0x0  }
0xbf: {  	[sflag:s5] =	ssyncadd.s32 $0xFFFFF000  }
0xc0: {  	[tilespmem:s14], [sflag:$0x2] =	stream.indirect.gather [spmem:s1], $0x80, s8, s29, $0xb8;
	[tilespmem:$0x1FD80] =	vst v63  }
0xc1: {  	_ =	swait.ge [sflag:s5], $0x1000  }
0xc2: {  	[sflag:s5] =	ssyncset.done $0x0  }
0xc3: {  	[sflag:s5] =	ssyncadd.s32 $0xFFFFF000  }
0xc4: {  	v2 =	vld [tilespmem:$0x1DB20]  }
0xc5: {  	v3 =	vld [tilespmem:$0x1DB30];
	_ =	sdelay $0x3  }
0xc6: {  	v9 =	vshrl.u32 v2, $0x7;
	v10 =	vshra.s32 v2, $0x1;
	v2 =	vand.u32 $0x7F, v2  }
0xc7: {  	v12 =	vshrl.u32 v3, $0x7;
	v13 =	vshra.s32 v3, $0x1;
	v3 =	vand.u32 $0x7F, v3  }
0xc8: {  	v4 =	vand.u32 $0x1, v9;
	v11 =	vand.u32 $0xFFFFFF80, v10;
	v5 =	vand.u32 $0xFFFFFF80, v13  }
0xc9: {  	vm6 =	veq.s32 v4, v1;
	v2 =	vor.u32 v2, v11;
	v4 =	vand.u32 $0x1, v12  }
0xca: {  	v3 =	vor.u32 v3, v5;
	v2 =	vsel vm6, v2, v0;
	vm7 =	veq.s32 v4, v1  }
0xcb: {  	[tilespmem:$0x1FD00] =	vst v2;
	v2 =	vsel vm7, v3, v0  }
0xcc: {  	[tilespmem:$0x1FD10] =	vst v2  }
0xcd: {  	[spmem:s3] =	stream.indirect.scatter.add.f32 [tilespmem:s14], [sflag:$0x2], $0x80, s21, s29, $0xb8;
	[tilespmem:$0x1FD80] =	vst v63  }
0xce: {  	_ =	swait.ge [sflag:s19], $0x1000  }
0xcf: {  	[sflag:s19] =	ssyncset.done $0x0  }
0xd0: {  	[sflag:s19] =	ssyncadd.s32 $0xFFFFF000  }
0xd1: {  	[tilespmem:s10], [sflag:$0x1] =	stream.indirect.gather [spmem:s1], $0x80, s22, s29, $0xb8;
	[tilespmem:$0x1FD80] =	vst v63  }
0xd2: {  	_ =	swait.ge [sflag:s19], $0x1000  }
0xd3: {  	[sflag:s19] =	ssyncset.done $0x0  }
0xd4: {  	[sflag:s19] =	ssyncadd.s32 $0xFFFFF000  }
0xd5: {  	v2 =	vld [tilespmem:$0x1DB40]  }
0xd6: {  	v3 =	vld [tilespmem:$0x1DB50];
	_ =	sdelay $0x3  }
0xd7: {  	v14 =	vshrl.u32 v2, $0x7;
	v15 =	vshra.s32 v2, $0x1;
	v2 =	vand.u32 $0x7F, v2  }
0xd8: {  	v17 =	vshrl.u32 v3, $0x7;
	v18 =	vshra.s32 v3, $0x1;
	v3 =	vand.u32 $0x7F, v3  }
0xd9: {  	v4 =	vand.u32 $0x1, v14;
	v16 =	vand.u32 $0xFFFFFF80, v15;
	v5 =	vand.u32 $0xFFFFFF80, v18  }
0xda: {  	vm8 =	veq.s32 v4, v1;
	v2 =	vor.u32 v2, v16;
	v4 =	vand.u32 $0x1, v17  }
0xdb: {  	v3 =	vor.u32 v3, v5;
	v2 =	vsel vm8, v2, v0;
	vm9 =	veq.s32 v4, v1  }
0xdc: {  	[tilespmem:$0x1FC80] =	vst v2;
	v2 =	vsel vm9, v3, v0  }
0xdd: {  	[tilespmem:$0x1FC90] =	vst v2  }
0xde: {  	[spmem:s3] =	stream.indirect.scatter.add.f32 [tilespmem:s10], [sflag:$0x1], $0x80, s4, s29, $0xb8;
	[tilespmem:$0x1FD80] =	vst v63  }
0xdf: {  	_ =	swait.ge [sflag:s5], $0x1000  }
0xe0: {  	[sflag:s5] =	ssyncset.done $0x0  }
0xe1: {  	[sflag:s5] =	ssyncadd.s32 $0xFFFFF000  }
0xe2: {  	[tilespmem:s14], [sflag:$0x2] =	stream.indirect.gather [spmem:s1], $0x80, s26, s29, $0xb8;
	[tilespmem:$0x1FD80] =	vst v63  }
0xe3: {  	_ =	swait.ge [sflag:s5], $0x1000  }
0xe4: {  	[sflag:s5] =	ssyncset.done $0x0  }
0xe5: {  	[sflag:s5] =	ssyncadd.s32 $0xFFFFF000  }
0xe6: {  	v2 =	vld [tilespmem:$0x1DB60]  }
0xe7: {  	v3 =	vld [tilespmem:$0x1DB70];
	_ =	sdelay $0x3  }
0xe8: {  	v19 =	vshrl.u32 v2, $0x7;
	v20 =	vshra.s32 v2, $0x1;
	v2 =	vand.u32 $0x7F, v2  }
0xe9: {  	v22 =	vshrl.u32 v3, $0x7;
	v23 =	vshra.s32 v3, $0x1;
	v3 =	vand.u32 $0x7F, v3  }
0xea: {  	v4 =	vand.u32 $0x1, v19;
	v21 =	vand.u32 $0xFFFFFF80, v20;
	v5 =	vand.u32 $0xFFFFFF80, v23  }
0xeb: {  	vm10 =	veq.s32 v4, v1;
	v2 =	vor.u32 v2, v21;
	v4 =	vand.u32 $0x1, v22  }
0xec: {  	v3 =	vor.u32 v3, v5;
	v2 =	vsel vm10, v2, v0;
	vm11 =	veq.s32 v4, v1  }
0xed: {  	[tilespmem:$0x1FD00] =	vst v2;
	v2 =	vsel vm11, v3, v0  }
0xee: {  	[tilespmem:$0x1FD10] =	vst v2  }
0xef: {  	[spmem:s3] =	stream.indirect.scatter.add.f32 [tilespmem:s14], [sflag:$0x2], $0x80, s21, s29, $0xb8;
	[tilespmem:$0x1FD80] =	vst v63  }
0xf0: {  	_ =	swait.ge [sflag:s19], $0x1000  }
0xf1: {  	[sflag:s19] =	ssyncset.done $0x0  }
0xf2: {  	[sflag:s19] =	ssyncadd.s32 $0xFFFFF000  }
0xf3: {  	[tilespmem:s10], [sflag:$0x1] =	stream.indirect.gather [spmem:s1], $0x80, s13, s29, $0xb8;
	[tilespmem:$0x1FD80] =	vst v63  }
0xf4: {  	_ =	swait.ge [sflag:s19], $0x1000  }
0xf5: {  	[sflag:s19] =	ssyncset.done $0x0  }
0xf6: {  	[sflag:s19] =	ssyncadd.s32 $0xFFFFF000  }
0xf7: {  	v2 =	vld [tilespmem:$0x1DB80]  }
0xf8: {  	v3 =	vld [tilespmem:$0x1DB90];
	_ =	sdelay $0x3  }
0xf9: {  	v24 =	vshrl.u32 v2, $0x7;
	v25 =	vshra.s32 v2, $0x1;
	v2 =	vand.u32 $0x7F, v2  }
0xfa: {  	v27 =	vshrl.u32 v3, $0x7;
	v28 =	vshra.s32 v3, $0x1;
	v3 =	vand.u32 $0x7F, v3  }
0xfb: {  	v4 =	vand.u32 $0x1, v24;
	v26 =	vand.u32 $0xFFFFFF80, v25;
	v5 =	vand.u32 $0xFFFFFF80, v28  }
0xfc: {  	vm12 =	veq.s32 v4, v1;
	v2 =	vor.u32 v2, v26;
	v4 =	vand.u32 $0x1, v27  }
0xfd: {  	v3 =	vor.u32 v3, v5;
	v2 =	vsel vm12, v2, v0;
	vm13 =	veq.s32 v4, v1  }
0xfe: {  	[tilespmem:$0x1FC80] =	vst v2;
	v2 =	vsel vm13, v3, v0  }
0xff: {  	[tilespmem:$0x1FC90] =	vst v2  }
0x100: {  	[spmem:s3] =	stream.indirect.scatter.add.f32 [tilespmem:s10], [sflag:$0x1], $0x80, s4, s29, $0xb8;
	[tilespmem:$0x1FD80] =	vst v63  }
0x101: {  	_ =	swait.ge [sflag:s5], $0x1000  }
0x102: {  	[sflag:s5] =	ssyncset.done $0x0  }
0x103: {  	[sflag:s5] =	ssyncadd.s32 $0xFFFFF000  }
0x104: {  	[tilespmem:s14], [sflag:$0x2] =	stream.indirect.gather [spmem:s1], $0x80, s15, s29, $0xb8;
	[tilespmem:$0x1FD80] =	vst v63  }
0x105: {  	_ =	swait.ge [sflag:s5], $0x1000  }
0x106: {  	[sflag:s5] =	ssyncset.done $0x0  }
0x107: {  	[sflag:s5] =	ssyncadd.s32 $0xFFFFF000  }
0x108: {  	v2 =	vld [tilespmem:$0x1DBA0]  }
0x109: {  	v3 =	vld [tilespmem:$0x1DBB0];
	_ =	sdelay $0x3  }
0x10a: {  	v29 =	vshrl.u32 v2, $0x7;
	v30 =	vshra.s32 v2, $0x1;
	v2 =	vand.u32 $0x7F, v2  }
0x10b: {  	v32 =	vshrl.u32 v3, $0x7;
	v33 =	vshra.s32 v3, $0x1;
	v3 =	vand.u32 $0x7F, v3  }
0x10c: {  	v4 =	vand.u32 $0x1, v29;
	v31 =	vand.u32 $0xFFFFFF80, v30;
	v5 =	vand.u32 $0xFFFFFF80, v33  }
0x10d: {  	vm14 =	veq.s32 v4, v1;
	v2 =	vor.u32 v2, v31;
	v4 =	vand.u32 $0x1, v32  }
0x10e: {  	v3 =	vor.u32 v3, v5;
	v2 =	vsel vm14, v2, v0;
	vm15 =	veq.s32 v4, v1  }
0x10f: {  	[tilespmem:$0x1FD00] =	vst v2;
	v2 =	vsel vm15, v3, v0  }
0x110: {  	[tilespmem:$0x1FD10] =	vst v2  }
0x111: {  	[spmem:s3] =	stream.indirect.scatter.add.f32 [tilespmem:s14], [sflag:$0x2], $0x80, s21, s29, $0xb8;
	[tilespmem:$0x1FD80] =	vst v63  }
0x112: {  	_ =	swait.ge [sflag:s19], $0x1000  }
0x113: {  	[sflag:s19] =	ssyncset.done $0x0  }
0x114: {  	[sflag:s19] =	ssyncadd.s32 $0xFFFFF000  }
0x115: {  	[tilespmem:s10], [sflag:$0x1] =	stream.indirect.gather [spmem:s1], $0x80, s16, s29, $0xb8;
	[tilespmem:$0x1FD80] =	vst v63  }
0x116: {  	_ =	swait.ge [sflag:s19], $0x1000  }
0x117: {  	[sflag:s19] =	ssyncset.done $0x0  }
0x118: {  	[sflag:s19] =	ssyncadd.s32 $0xFFFFF000  }
0x119: {  	v2 =	vld [tilespmem:$0x1DBC0]  }
0x11a: {  	v3 =	vld [tilespmem:$0x1DBD0];
	_ =	sdelay $0x3  }
0x11b: {  	v34 =	vshrl.u32 v2, $0x7;
	v35 =	vshra.s32 v2, $0x1;
	v2 =	vand.u32 $0x7F, v2  }
0x11c: {  	v37 =	vshrl.u32 v3, $0x7;
	v38 =	vshra.s32 v3, $0x1;
	v3 =	vand.u32 $0x7F, v3  }
0x11d: {  	v4 =	vand.u32 $0x1, v34;
	v36 =	vand.u32 $0xFFFFFF80, v35;
	v5 =	vand.u32 $0xFFFFFF80, v38  }
0x11e: {  	vm4 =	veq.s32 v4, v1;
	v2 =	vor.u32 v2, v36;
	v4 =	vand.u32 $0x1, v37  }
0x11f: {  	v3 =	vor.u32 v3, v5;
	v2 =	vsel vm4, v2, v0;
	vm5 =	veq.s32 v4, v1  }
0x120: {  	[tilespmem:$0x1FC80] =	vst v2;
	v2 =	vsel vm5, v3, v0  }
0x121: {  	[tilespmem:$0x1FC90] =	vst v2  }
0x122: {  	[spmem:s3] =	stream.indirect.scatter.add.f32 [tilespmem:s10], [sflag:$0x1], $0x80, s4, s29, $0xb8;
	[tilespmem:$0x1FD80] =	vst v63  }
0x123: {  	_ =	swait.ge [sflag:s5], $0x1000  }
0x124: {  	[sflag:s5] =	ssyncset.done $0x0  }
0x125: {  	[sflag:s5] =	ssyncadd.s32 $0xFFFFF000  }
0x126: {  	[tilespmem:s14], [sflag:$0x2] =	stream.indirect.gather [spmem:s1], $0x80, s17, s29, $0xb8;
	[tilespmem:$0x1FD80] =	vst v63  }
0x127: {  	_ =	swait.ge [sflag:s5], $0x1000  }
0x128: {  	[sflag:s5] =	ssyncset.done $0x0  }
0x129: {  	[sflag:s5] =	ssyncadd.s32 $0xFFFFF000  }
0x12a: {  	v2 =	vld [tilespmem:$0x1DBE0]  }
0x12b: {  	v3 =	vld [tilespmem:$0x1DBF0];
	_ =	sdelay $0x3  }
0x12c: {  	v39 =	vshrl.u32 v2, $0x7;
	v40 =	vshra.s32 v2, $0x1;
	v2 =	vand.u32 $0x7F, v2  }
0x12d: {  	v42 =	vshrl.u32 v3, $0x7;
	v43 =	vshra.s32 v3, $0x1;
	v3 =	vand.u32 $0x7F, v3  }
0x12e: {  	v4 =	vand.u32 $0x1, v39;
	v41 =	vand.u32 $0xFFFFFF80, v40;
	v5 =	vand.u32 $0xFFFFFF80, v43  }
0x12f: {  	vm6 =	veq.s32 v4, v1;
	v2 =	vor.u32 v2, v41;
	v4 =	vand.u32 $0x1, v42  }
0x130: {  	v3 =	vor.u32 v3, v5;
	v2 =	vsel vm6, v2, v0;
	vm7 =	veq.s32 v4, v1  }
0x131: {  	[tilespmem:$0x1FD00] =	vst v2;
	v2 =	vsel vm7, v3, v0  }
0x132: {  	[tilespmem:$0x1FD10] =	vst v2  }
0x133: {  	[spmem:s3] =	stream.indirect.scatter.add.f32 [tilespmem:s14], [sflag:$0x2], $0x80, s21, s29, $0xb8;
	[tilespmem:$0x1FD80] =	vst v63  }
0x134: {  	_ =	swait.ge [sflag:s19], $0x1000  }
0x135: {  	[sflag:s19] =	ssyncset.done $0x0  }
0x136: {  	[sflag:s19] =	ssyncadd.s32 $0xFFFFF000  }
0x137: {  	[tilespmem:s10], [sflag:$0x1] =	stream.indirect.gather [spmem:s1], $0x80, s18, s29, $0xb8;
	[tilespmem:$0x1FD80] =	vst v63  }
0x138: {  	_ =	swait.ge [sflag:s19], $0x1000  }
0x139: {  	[sflag:s19] =	ssyncset.done $0x0  }
0x13a: {  	[sflag:s19] =	ssyncadd.s32 $0xFFFFF000  }
0x13b: {  	v2 =	vld [tilespmem:$0x1DC00]  }
0x13c: {  	v3 =	vld [tilespmem:$0x1DC10];
	_ =	sdelay $0x3  }
0x13d: {  	v44 =	vshrl.u32 v2, $0x7;
	v45 =	vshra.s32 v2, $0x1;
	v2 =	vand.u32 $0x7F, v2  }
0x13e: {  	v47 =	vshrl.u32 v3, $0x7;
	v48 =	vshra.s32 v3, $0x1;
	v3 =	vand.u32 $0x7F, v3  }
0x13f: {  	v4 =	vand.u32 $0x1, v44;
	v46 =	vand.u32 $0xFFFFFF80, v45;
	v5 =	vand.u32 $0xFFFFFF80, v48  }
0x140: {  	vm8 =	veq.s32 v4, v1;
	v2 =	vor.u32 v2, v46;
	v4 =	vand.u32 $0x1, v47  }
0x141: {  	v3 =	vor.u32 v3, v5;
	v2 =	vsel vm8, v2, v0;
	vm9 =	veq.s32 v4, v1  }
0x142: {  	[tilespmem:$0x1FC80] =	vst v2;
	v2 =	vsel vm9, v3, v0  }
0x143: {  	[tilespmem:$0x1FC90] =	vst v2  }
0x144: {  	[spmem:s3] =	stream.indirect.scatter.add.f32 [tilespmem:s10], [sflag:$0x1], $0x80, s4, s29, $0xb8;
	[tilespmem:$0x1FD80] =	vst v63  }
0x145: {  	_ =	swait.ge [sflag:s5], $0x1000  }
0x146: {  	[sflag:s5] =	ssyncset.done $0x0  }
0x147: {  	[sflag:s5] =	ssyncadd.s32 $0xFFFFF000  }
0x148: {  	[tilespmem:s14], [sflag:$0x2] =	stream.indirect.gather [spmem:s1], $0x80, s24, s29, $0xb8;
	[tilespmem:$0x1FD80] =	vst v63  }
0x149: {  	_ =	swait.ge [sflag:s5], $0x1000  }
0x14a: {  	[sflag:s5] =	ssyncset.done $0x0  }
0x14b: {  	[sflag:s5] =	ssyncadd.s32 $0xFFFFF000  }
0x14c: {  	v2 =	vld [tilespmem:$0x1DC20]  }
0x14d: {  	v3 =	vld [tilespmem:$0x1DC30];
	_ =	sdelay $0x3  }
0x14e: {  	v49 =	vshrl.u32 v2, $0x7;
	v50 =	vshra.s32 v2, $0x1;
	v2 =	vand.u32 $0x7F, v2  }
0x14f: {  	v52 =	vshrl.u32 v3, $0x7;
	v53 =	vshra.s32 v3, $0x1;
	v3 =	vand.u32 $0x7F, v3  }
0x150: {  	v4 =	vand.u32 $0x1, v49;
	v51 =	vand.u32 $0xFFFFFF80, v50;
	v5 =	vand.u32 $0xFFFFFF80, v53  }
0x151: {  	vm10 =	veq.s32 v4, v1;
	v2 =	vor.u32 v2, v51;
	v4 =	vand.u32 $0x1, v52  }
0x152: {  	v3 =	vor.u32 v3, v5;
	v2 =	vsel vm10, v2, v0;
	vm11 =	veq.s32 v4, v1  }
0x153: {  	[tilespmem:$0x1FD00] =	vst v2;
	v2 =	vsel vm11, v3, v0  }
0x154: {  	[tilespmem:$0x1FD10] =	vst v2  }
0x155: {  	[spmem:s3] =	stream.indirect.scatter.add.f32 [tilespmem:s14], [sflag:$0x2], $0x80, s21, s29, $0xb8;
	[tilespmem:$0x1FD80] =	vst v63  }
0x156: {  	_ =	swait.ge [sflag:s19], $0x1000  }
0x157: {  	[sflag:s19] =	ssyncset.done $0x0  }
0x158: {  	[sflag:s19] =	ssyncadd.s32 $0xFFFFF000  }
0x159: {  	[tilespmem:s10], [sflag:$0x1] =	stream.indirect.gather [spmem:s1], $0x80, s6, s29, $0xb8;
	[tilespmem:$0x1FD80] =	vst v63  }
0x15a: {  	_ =	swait.ge [sflag:s19], $0x1000  }
0x15b: {  	[sflag:s19] =	ssyncset.done $0x0  }
0x15c: {  	[sflag:s19] =	ssyncadd.s32 $0xFFFFF000  }
0x15d: {  	v2 =	vld [tilespmem:$0x1DC40]  }
0x15e: {  	v3 =	vld [tilespmem:$0x1DC50];
	_ =	sdelay $0x3  }
0x15f: {  	v54 =	vshrl.u32 v2, $0x7;
	v55 =	vshra.s32 v2, $0x1;
	v2 =	vand.u32 $0x7F, v2  }
0x160: {  	v57 =	vshrl.u32 v3, $0x7;
	v58 =	vshra.s32 v3, $0x1;
	v3 =	vand.u32 $0x7F, v3  }
0x161: {  	v4 =	vand.u32 $0x1, v54;
	v56 =	vand.u32 $0xFFFFFF80, v55;
	v5 =	vand.u32 $0xFFFFFF80, v58  }
0x162: {  	vm12 =	veq.s32 v4, v1;
	v2 =	vor.u32 v2, v56;
	v4 =	vand.u32 $0x1, v57  }
0x163: {  	v3 =	vor.u32 v3, v5;
	v2 =	vsel vm12, v2, v0;
	vm13 =	veq.s32 v4, v1  }
0x164: {  	[tilespmem:$0x1FC80] =	vst v2;
	v2 =	vsel vm13, v3, v0  }
0x165: {  	[tilespmem:$0x1FC90] =	vst v2  }
0x166: {  	[spmem:s3] =	stream.indirect.scatter.add.f32 [tilespmem:s10], [sflag:$0x1], $0x80, s4, s29, $0xb8;
	[tilespmem:$0x1FD80] =	vst v63  }
0x167: {  	_ =	swait.ge [sflag:s5], $0x1000  }
0x168: {  	[sflag:s5] =	ssyncset.done $0x0  }
0x169: {  	[sflag:s5] =	ssyncadd.s32 $0xFFFFF000  }
0x16a: {  	[tilespmem:s14], [sflag:$0x2] =	stream.indirect.gather [spmem:s1], $0x80, s11, s29, $0xb8;
	[tilespmem:$0x1FD80] =	vst v63  }
0x16b: {  	_ =	swait.ge [sflag:s5], $0x1000  }
0x16c: {  	[sflag:s5] =	ssyncset.done $0x0  }
0x16d: {  	[sflag:s5] =	ssyncadd.s32 $0xFFFFF000  }
0x16e: {  	v2 =	vld [tilespmem:$0x1DC60]  }
0x16f: {  	v3 =	vld [tilespmem:$0x1DC70];
	_ =	sdelay $0x3  }
0x170: {  	v59 =	vshrl.u32 v2, $0x7;
	v60 =	vshra.s32 v2, $0x1;
	v2 =	vand.u32 $0x7F, v2  }
0x171: {  	v62 =	vshrl.u32 v3, $0x7;
	v63 =	vshra.s32 v3, $0x1;
	v3 =	vand.u32 $0x7F, v3  }
0x172: {  	v4 =	vand.u32 $0x1, v59;
	v61 =	vand.u32 $0xFFFFFF80, v60;
	v5 =	vand.u32 $0xFFFFFF80, v63  }
0x173: {  	vm14 =	veq.s32 v4, v1;
	v2 =	vor.u32 v2, v61;
	v4 =	vand.u32 $0x1, v62  }
0x174: {  	v3 =	vor.u32 v3, v5;
	v2 =	vsel vm14, v2, v0;
	vm15 =	veq.s32 v4, v1  }
0x175: {  	p3 =	seq.s32 s2, $0x1400;
	[tilespmem:$0x1FD00] =	vst v2;
	v2 =	vsel vm15, v3, v0  }
0x176: {  	s23 =	simm.s32 @!p3 $0x0;
	[tilespmem:$0x1FD10] =	vst v2  }
0x177: {  	[spmem:s3] =	stream.indirect.scatter.add.f32 [tilespmem:s14], [sflag:$0x2], $0x80, s21, s29, $0xb8;
	[tilespmem:$0x1FD80] =	vst v63  }
0x178: {  	s30 =	simm.s32 @!p3 $0x1D880;
	s20 =	sadd.s32 @!p3 s2, s9;
	s2 =	sadd.s32 $0x80, s2  }
0x179: {  	[tilespmem:s30], [sflag:$0x3] =	stream.linear.gather @!p3 [hbm4b:s20+s23], $0x400, $0x38;
	[tilespmem:$0x1FD80] =	vst v63  }
0x17a: {  	p3 =	sne.s32 s2, $0x1480;
	_ =	swait.ge [sflag:s19], $0x1000  }
.Ltmp4:
0x17b: {  	[sflag:s19] =	ssyncset.done $0x0;
	(pc) =	sbr.rel @p3 .LBB2_7-.Ltmp4, $4  }
0x17c: {  	[sflag:s19] =	ssyncadd.s32 $0xFFFFF000  }
0x17d: {  	_ =	swait.ge [sflag:s5], $0x1000  }
0x17e: {  	[sflag:s5] =	ssyncset.done $0x0  }
0x17f: {  	[sflag:s5] =	ssyncadd.s32 $0xFFFFF000  }
0x180: {  	s30 =	stileid.u32;
	[bflag:$0x0] =	sbarrier.arrive $0xFFFF  }
0x181: {  	s2 =	sshll.u32 @p5 s30, $0x6;
	s20 =	rddreg [dreg:$0x8]  }
0x182: {  	s23 =	rddreg [dreg:$0xe];
	s2 =	sor.u32 @p5 $0x1C04, s2;
	s20 =	sshrl.u32 @p5 s20, $0x3  }
0x183: {  	[hbm:s23], [sflag:s2] =	dma.local @p5 [spmem:s20], $0x800  }
0x184: {  	s20 =	simm.s32 @p5 $0x4  }
0x185: {  	_ =	swait.ge @p5 [sflag:s20], $0x800  }
0x186: {  	[sflag:s20] =	ssyncset.done @p5 $0x0;
	s23 =	rddreg [dreg:$0xc]  }
0x187: {  	s12 =	rddreg [dreg:$0x10];
	[sflag:s20] =	ssyncadd.s32 @p5 $0xFFFFF800;
	s23 =	sshrl.u32 @p5 s23, $0x3  }
0x188: {  	[hbm:s12], [sflag:s2] =	dma.local @p5 [spmem:s23], $0x800  }
0x189: {  	_ =	swait.ge @p5 [sflag:s20], $0x800  }
0x18a: {  	[sflag:s20] =	ssyncset.done @p5 $0x0;
	s23 =	rddreg [dreg:$0xd]  }
0x18b: {  	s12 =	rddreg [dreg:$0x13];
	[sflag:s20] =	ssyncadd.s32 @p5 $0xFFFFF800;
	s23 =	sshrl.u32 @p5 s23, $0x3  }
0x18c: {  	[hbm:s12], [sflag:s2] =	dma.local @p5 [spmem:s23], $0x800  }
0x18d: {  	s2 =	sshll.u32 @p4 s30, $0x6;
	_ =	swait.ge @p5 [sflag:s20], $0x800  }
0x18e: {  	s2 =	sor.u32 @p4 $0x1C04, s2;
	[sflag:s20] =	ssyncset.done @p5 $0x0;
	s12 =	rddreg [dreg:$0x15]  }
0x18f: {  	[sflag:s20] =	ssyncadd.s32 @p5 $0xFFFFF800;
	s20 =	sshrl.u32 @p4 s12, $0x3;
	s12 =	rddreg [dreg:$0x11]  }
0x190: {  	[hbm:s12], [sflag:s2] =	dma.local @p4 [spmem:s20], $0x800  }
0x191: {  	s20 =	simm.s32 @p4 $0x4  }
0x192: {  	_ =	swait.ge @p4 [sflag:s20], $0x800  }
0x193: {  	[sflag:s20] =	ssyncset.done @p4 $0x0;
	s12 =	rddreg [dreg:$0x18]  }
0x194: {  	[sflag:s20] =	ssyncadd.s32 @p4 $0xFFFFF800;
	s23 =	sshrl.u32 @p4 s12, $0x3;
	s12 =	rddreg [dreg:$0x12]  }
0x195: {  	[hbm:s12], [sflag:s2] =	dma.local @p4 [spmem:s23], $0x800  }
0x196: {  	_ =	swait.ge @p4 [sflag:s20], $0x800  }
0x197: {  	s2 =	rddreg [dreg:$0x1d]  }
0x198: {  	s23 =	rddreg [dreg:$0x19];
	s12 =	sadd.s32 $0x1, s2  }
0x199: {  	p3 =	sne.s32 s12, s23  }
.Ltmp5:
0x19a: {  	_ = 	snop;
	(pc) =	sbr.rel @p3 .LBB2_1-.Ltmp5, $3  }
0x19b: {  	_ =	sdelay $0x1  }
0x19c: {  	[sflag:s20] =	ssyncset.done @p4 $0x0  }
0x19d: {  	[sflag:s20] =	ssyncadd.s32 @p4 $0xFFFFF800  }
0x19e: {  	_ =	sfence.sel $0x180000  }
0x19f: {  	[bflag:$0x0] =	sbarrier.arrive $0xFFFF  }
0x1a0: {  	_ =	strace $0x9000004A  }
0x1a1: {  	[bflag:$0x2] =	sbarrier.arrive $0xFFFF  }
0x1a2: {  	p0 =	sne.s32 s30, $0x0;
	s0 =	rddreg [dreg:$0x5]  }
0x1a3: {  	s0 =	sadd.s32 @!p0 $0x100000, s0  }
0x1a4: {  	[sflag:s0] =	ssyncadd.tile.s32 @!p0 $0x1;
	_ =	shalt  }
.Lfunc_end2:
_tile_overlayer_lowered:
.L_overlay_start_2:
0x1a5: {  	(tag) =	ssettag $0x2  }
0x1a6: {  	s0 =	rddreg [dreg:$0x0];
	s2 =	stileid.u32  }
0x1a7: {  	s1 =	rddreg [dreg:$0x1];
	p0 =	sne.s32 s2, $0x0  }
0x1a8: {  	s3 =	rddreg [dreg:$0x2];
	[bflag:$0x3] =	sbarrier.arrive $0xFFFF;
	s2 =	simm.s32 @!p0 $0x1C04  }
0x1a9: {  	[timem:s3], [sflag:s2] =	dma.local @!p0 [hbm:s0], s1  }
0x1aa: {  	s0 =	simm.s32 @!p0 $0x4  }
0x1ab: {  	_ =	swait.ge @!p0 [sflag:s0], s1  }
0x1ac: {  	s1 =	ssub.s32 @!p0 $0x0, s1;
	[sflag:s0] =	ssyncset.done @!p0 $0x0  }
0x1ad: {  	[sflag:s0] =	ssyncadd.s32 @!p0 s1  }
0x1ae: {  	[bflag:$0x3] =	sbarrier.arrive $0xFFFF  }
0x1af: {  	_ =	shalt  }

</sc_bundles>
